<compile_context>
chip_gen: v7x
topology: tpu7x:2x2x1
jax: 0.10.2.dev20260603
libtpu: 0.0.44.dev20260713+nightly
codegen_flags: <defaults>
</compile_context>

<pallas_src>
import functools

import jax
import jax.numpy as jnp
from jax import lax
from jax.experimental import pallas as pl
from jax.experimental.pallas import tpu as pltpu
from jax.experimental.pallas import tpu_sc as plsc

N = 10000
E = 320000
D_IN = 128
D_HID = 256
D_OUT = 128

NC = 2
NS = 16
NW = NC * NS
EPW = E // NW
B = 80
NB = EPW // B
NPAD = 10240
RPT = NPAD // NS

_mesh = plsc.VectorSubcoreMesh(core_axis_name="c", subcore_axis_name="s")


def _zero_stage(stage_v, rows, width):
    nv = width // 16

    def body(i, _):
        for j in range(nv):
            stage_v[i, pl.ds(j * 16, 16)] = jnp.zeros((16,), jnp.float32)
        return 0

    lax.fori_loop(0, rows, body, 0)


@functools.partial(
    pl.kernel,
    out_type=jax.ShapeDtypeStruct((NC, NPAD, 128), jnp.float32),
    mesh=_mesh,
    scratch_types=[
        pltpu.VMEM((NB, B), jnp.int32),
        pltpu.VMEM((B, 128), jnp.float32),
        pltpu.VMEM_SHARED((NPAD, 128), jnp.float32),
    ],
)
def _sc_degree(dst_hbm, out_hbm, dst_v, ones_v, acc_sh):
    c = lax.axis_index("c")
    s = lax.axis_index("s")
    wid = s * NC + c

    _zero_stage(ones_v, B, 128)
    for t in range(RPT // B):
        pltpu.sync_copy(ones_v, acc_sh.at[pl.ds(s * RPT + t * B, B)])
    plsc.subcore_barrier()

    def fill_ones(i, _):
        for j in range(8):
            ones_v[i, pl.ds(j * 16, 16)] = jnp.ones((16,), jnp.float32)
        return 0

    lax.fori_loop(0, B, fill_ones, 0)

    pltpu.sync_copy(dst_hbm.at[wid], dst_v)

    def body(j, _):
        pltpu.sync_copy(ones_v, acc_sh.at[dst_v.at[j]], add=True)
        return 0

    lax.fori_loop(0, NB, body, 0)
    plsc.subcore_barrier()

    for t in range(RPT // B):
        r0 = s * RPT + t * B
        pltpu.sync_copy(acc_sh.at[pl.ds(r0, B)], ones_v)
        pltpu.sync_copy(ones_v, out_hbm.at[c, pl.ds(r0, B)])


@functools.partial(
    pl.kernel,
    out_type=jax.ShapeDtypeStruct((NC, NPAD, 128), jnp.float32),
    mesh=_mesh,
    scratch_types=[
        pltpu.VMEM((NB, B), jnp.int32),
        pltpu.VMEM((NB, B), jnp.int32),
        pltpu.VMEM((B, 128), jnp.float32),
        pltpu.VMEM_SHARED((NPAD, 128), jnp.float32),
        pltpu.SemaphoreType.DMA,
    ],
)
def _sc_spmm(xs_hbm, src_hbm, dst_hbm, out_hbm,
             src_v, dst_v, rows_v, acc_sh, sem):
    c = lax.axis_index("c")
    s = lax.axis_index("s")
    wid = s * NC + c

    _zero_stage(rows_v, B, 128)
    for t in range(RPT // B):
        pltpu.sync_copy(rows_v, acc_sh.at[pl.ds(s * RPT + t * B, B)])
    plsc.subcore_barrier()

    pltpu.sync_copy(src_hbm.at[wid], src_v)
    pltpu.sync_copy(dst_hbm.at[wid], dst_v)

    def body(j, _):
        pltpu.async_copy(xs_hbm.at[src_v.at[j]], rows_v, sem).wait()
        pltpu.sync_copy(rows_v, acc_sh.at[dst_v.at[j]], add=True)
        return 0

    lax.fori_loop(0, NB, body, 0)
    plsc.subcore_barrier()

    for t in range(RPT // B):
        r0 = s * RPT + t * B
        pltpu.sync_copy(acc_sh.at[pl.ds(r0, B)], rows_v)
        pltpu.sync_copy(rows_v, out_hbm.at[c, pl.ds(r0, B)])



_BR = 400
_GRID = N // _BR


def _tc_pre_body(degp_ref, x_ref, dis_ref, xs1_ref):
    deg = degp_ref[0, :, 0:1] + degp_ref[1, :, 0:1] + 1.0
    dis = lax.rsqrt(deg)
    dis_ref[...] = dis
    xs1_ref[...] = x_ref[...] * dis


def _tc_pre(degp, x):
    return pl.pallas_call(
        _tc_pre_body,
        grid=(_GRID,),
        in_specs=[
            pl.BlockSpec((NC, _BR, 128), lambda i: (0, i, 0)),
            pl.BlockSpec((_BR, D_IN), lambda i: (i, 0)),
        ],
        out_specs=[
            pl.BlockSpec((_BR, 1), lambda i: (i, 0)),
            pl.BlockSpec((_BR, D_IN), lambda i: (i, 0)),
        ],
        out_shape=[
            jax.ShapeDtypeStruct((N, 1), jnp.float32),
            jax.ShapeDtypeStruct((N, D_IN), jnp.float32),
        ],
    )(degp, x)


def _tc_layer1_body(s1_ref, xs1_ref, dis_ref, w1_ref, b1_ref, xs2_ref):
    dis = dis_ref[...]
    agg = dis * (s1_ref[0] + s1_ref[1] + xs1_ref[...])
    y1 = jnp.maximum(
        jnp.dot(agg, w1_ref[...], preferred_element_type=jnp.float32)
        + b1_ref[...], 0.0)
    xs2_ref[...] = dis * y1


def _tc_layer1(s1, xs1, dis, W1, b1):
    return pl.pallas_call(
        _tc_layer1_body,
        grid=(_GRID,),
        in_specs=[
            pl.BlockSpec((NC, _BR, D_IN), lambda i: (0, i, 0)),
            pl.BlockSpec((_BR, D_IN), lambda i: (i, 0)),
            pl.BlockSpec((_BR, 1), lambda i: (i, 0)),
            pl.BlockSpec((D_IN, D_HID), lambda i: (0, 0)),
            pl.BlockSpec((1, D_HID), lambda i: (0, 0)),
        ],
        out_specs=pl.BlockSpec((_BR, D_HID), lambda i: (i, 0)),
        out_shape=jax.ShapeDtypeStruct((N, D_HID), jnp.float32),
    )(s1, xs1, dis, W1, b1.reshape(1, D_HID))


def _tc_layer2_body(s2a_ref, s2b_ref, xs2_ref, dis_ref, w2_ref, b2_ref,
                    w3_ref, xs3_ref):
    dis = dis_ref[...]
    xs2 = xs2_ref[...]
    agg_a = dis * (s2a_ref[0] + s2a_ref[1] + xs2[:, :D_IN])
    agg_b = dis * (s2b_ref[0] + s2b_ref[1] + xs2[:, D_IN:])
    agg = jnp.concatenate([agg_a, agg_b], axis=1)
    y2 = jnp.maximum(
        jnp.dot(agg, w2_ref[...], preferred_element_type=jnp.float32)
        + b2_ref[...], 0.0)
    z = jnp.dot(y2, w3_ref[...], preferred_element_type=jnp.float32)
    xs3_ref[...] = dis * z


def _tc_layer2(s2a, s2b, xs2, dis, W2, b2, W3):
    return pl.pallas_call(
        _tc_layer2_body,
        grid=(_GRID,),
        in_specs=[
            pl.BlockSpec((NC, _BR, D_IN), lambda i: (0, i, 0)),
            pl.BlockSpec((NC, _BR, D_IN), lambda i: (0, i, 0)),
            pl.BlockSpec((_BR, D_HID), lambda i: (i, 0)),
            pl.BlockSpec((_BR, 1), lambda i: (i, 0)),
            pl.BlockSpec((D_HID, D_HID), lambda i: (0, 0)),
            pl.BlockSpec((1, D_HID), lambda i: (0, 0)),
            pl.BlockSpec((D_HID, D_OUT), lambda i: (0, 0)),
        ],
        out_specs=pl.BlockSpec((_BR, D_OUT), lambda i: (i, 0)),
        out_shape=jax.ShapeDtypeStruct((N, D_OUT), jnp.float32),
    )(s2a, s2b, xs2, dis, W2, b2.reshape(1, D_HID), W3)


def _tc_final_body(s3_ref, xs3_ref, dis_ref, b3_ref, out_ref):
    dis = dis_ref[...]
    out_ref[...] = dis * (s3_ref[0] + s3_ref[1] + xs3_ref[...]) + b3_ref[...]


def _tc_final(s3, xs3, dis, b3):
    return pl.pallas_call(
        _tc_final_body,
        grid=(_GRID,),
        in_specs=[
            pl.BlockSpec((NC, _BR, D_OUT), lambda i: (0, i, 0)),
            pl.BlockSpec((_BR, D_OUT), lambda i: (i, 0)),
            pl.BlockSpec((_BR, 1), lambda i: (i, 0)),
            pl.BlockSpec((1, D_OUT), lambda i: (0, 0)),
        ],
        out_specs=pl.BlockSpec((_BR, D_OUT), lambda i: (i, 0)),
        out_shape=jax.ShapeDtypeStruct((N, D_OUT), jnp.float32),
    )(s3, xs3, dis, b3.reshape(1, D_OUT))


def kernel(x, edge_index, W1, b1, W2, b2, W3, b3):
    src = edge_index[0].reshape(NW, NB, B)
    dst = edge_index[1].reshape(NW, NB, B)
    dst_deg = dst

    degp = _sc_degree(dst_deg)
    dis, xs1 = _tc_pre(degp, x)

    s1 = _sc_spmm(xs1, src, dst)
    xs2 = _tc_layer1(s1, xs1, dis, W1, b1)

    s2a = _sc_spmm(xs2[:, :D_IN], src, dst)
    s2b = _sc_spmm(xs2[:, D_IN:], src, dst)
    xs3 = _tc_layer2(s2a, s2b, xs2, dis, W2, b2, W3)

    s3 = _sc_spmm(xs3, src, dst)
    return _tc_final(s3, xs3, dis, b3)

# --- scband reference (transcript-rebuilt; emitter-appended) ---
"""Pipeline reference for scband-gcn-47004122087944 (READ-ONLY COPY).

The authoritative reference and input builder live on the scoring server;
editing this copy changes nothing except your own understanding.
"""

import jax, jax.numpy as jnp
import numpy as np

N = 10000
E = 320000
D_IN = 128
D_HID = 256
D_OUT = 128


def setup_inputs(seed: int = 0) -> dict:
    key = jax.random.key(seed)
    ks = jax.random.split(key, 9)
    x = jax.random.normal(ks[0], (N, D_IN), dtype=jnp.float32)
    edge_index = jax.random.randint(ks[1], (2, E), 0, N, dtype=jnp.int32)
    W1 = jax.random.normal(ks[2], (D_IN, D_HID), dtype=jnp.float32) * 0.05
    b1 = jnp.zeros((D_HID,), dtype=jnp.float32)
    W2 = jax.random.normal(ks[3], (D_HID, D_HID), dtype=jnp.float32) * 0.05
    b2 = jnp.zeros((D_HID,), dtype=jnp.float32)
    W3 = jax.random.normal(ks[4], (D_HID, D_OUT), dtype=jnp.float32) * 0.05
    b3 = jnp.zeros((D_OUT,), dtype=jnp.float32)
    return {"x": x, "edge_index": edge_index, "W1": W1, "b1": b1, "W2": W2, "b2": b2, "W3": W3, "b3": b3}


def _gcn_conv(x, src, dst, norm, W, b):
    # GCNConv: out = D^{-1/2} (A+I) D^{-1/2} X W + b
    h = x @ W
    msg = h[src] * norm[:, None]
    out = jax.ops.segment_sum(msg, dst, num_segments=N)
    return out + b


def reference(x, edge_index, W1, b1, W2, b2, W3, b3):
    # add_self_loops (as in the torch forward)
    loops = jnp.arange(N, dtype=edge_index.dtype)
    src = jnp.concatenate([edge_index[0], loops])
    dst = jnp.concatenate([edge_index[1], loops])
    # symmetric GCN normalization over A + I
    deg = jax.ops.segment_sum(jnp.ones_like(src, dtype=jnp.float32), dst, num_segments=N)
    dis = jnp.where(deg > 0, 1.0 / jnp.sqrt(deg), 0.0)
    norm = dis[src] * dis[dst]
    h = jax.nn.relu(_gcn_conv(x, src, dst, norm, W1, b1))
    h = jax.nn.relu(_gcn_conv(h, src, dst, norm, W2, b2))
    out = _gcn_conv(h, src, dst, norm, W3, b3)
    return out

if __name__ == "__main__":
    import jax
    _d = setup_inputs()
    print(jax.jit(kernel)(*tuple(_d.values())))

</pallas_src>

<mosaic_0001>
#map = affine_map<(d0, d1) -> (0, 0, 0)>
module attributes {stable_mosaic.version = 14 : i64} {
  func.func @_sc_degree(%arg0: i32, %arg1: i32, %arg2: memref<32x125x80xi32, #tpu.memory_space<hbm>>, %arg3: memref<2x10240x128xf32, #tpu.memory_space<hbm>>, %arg4: memref<125x80xi32, #tpu.memory_space<vmem>>, %arg5: memref<80x128xf32, #tpu.memory_space<vmem>>, %arg6: memref<10240x128xf32, #tpu.memory_space<vmem_shared>>) attributes {dimension_semantics = [#tpu.dimension_semantics<core_parallel>, #tpu.dimension_semantics<subcore_parallel>], iteration_bounds = array<i64: 2, 16>, scalar_prefetch = 0 : i64, scratch_operands = 3 : i64, tpu.core_type = #tpu.core_type<sc_vector_subcore>, window_params = [{transform_indices = #map}, {transform_indices = #map}]} {
    %mul3A = arith.constant 2 : i32
    %mul3A_0 = arith.muli %arg1, %mul3A : i32
    %add3A = arith.addi %mul3A_0, %arg0 : i32
    %scan3A = arith.constant 0 : i32
    %scan3A_1 = arith.constant 0 : i32
    %scan3A_2 = arith.constant 80 : i32
    %scan3A_3 = arith.addi %scan3A_1, %scan3A_2 : i32
    %scan3A_4 = arith.constant 1 : i32
    %scan3A_5 = scf.for %scan3A_86 = %scan3A_1 to %scan3A_3 step %scan3A_4 iter_args(%scan3A_87 = %scan3A) -> (i32)  : i32 {
      %broadcast_in_dim3A = arith.constant 0.000000e+00 : f32
      %broadcast_in_dim3A_88 = vector.broadcast %broadcast_in_dim3A : f32 to vector<16xf32>
      %swap3A = arith.index_cast %scan3A_86 : i32 to index
      %swap3A_89 = arith.constant 0 : index
      %swap3A_90 = tpu.vector_load %arg5[%swap3A, %swap3A_89] {strides = array<i32>} : memref<80x128xf32, #tpu.memory_space<vmem>>, vector<1x16xf32>,
      %swap3A_91 = vector.shape_cast %swap3A_90 : vector<1x16xf32> to vector<16xf32>
      %swap3A_92 = vector.shape_cast %broadcast_in_dim3A_88 : vector<16xf32> to vector<1x16xf32>
      tpu.vector_store %arg5[%swap3A, %swap3A_89], %swap3A_92 {strides = array<i32>} : memref<80x128xf32, #tpu.memory_space<vmem>>, vector<1x16xf32>,
      %broadcast_in_dim3A_93 = arith.constant 0.000000e+00 : f32
      %broadcast_in_dim3A_94 = vector.broadcast %broadcast_in_dim3A_93 : f32 to vector<16xf32>
      %swap3A_95 = arith.index_cast %scan3A_86 : i32 to index
      %swap3A_96 = arith.constant 16 : index
      %swap3A_97 = tpu.vector_load %arg5[%swap3A_95, %swap3A_96] {strides = array<i32>} : memref<80x128xf32, #tpu.memory_space<vmem>>, vector<1x16xf32>,
      %swap3A_98 = vector.shape_cast %swap3A_97 : vector<1x16xf32> to vector<16xf32>
      %swap3A_99 = vector.shape_cast %broadcast_in_dim3A_94 : vector<16xf32> to vector<1x16xf32>
      tpu.vector_store %arg5[%swap3A_95, %swap3A_96], %swap3A_99 {strides = array<i32>} : memref<80x128xf32, #tpu.memory_space<vmem>>, vector<1x16xf32>,
      %broadcast_in_dim3A_100 = arith.constant 0.000000e+00 : f32
      %broadcast_in_dim3A_101 = vector.broadcast %broadcast_in_dim3A_100 : f32 to vector<16xf32>
      %swap3A_102 = arith.index_cast %scan3A_86 : i32 to index
      %swap3A_103 = arith.constant 32 : index
      %swap3A_104 = tpu.vector_load %arg5[%swap3A_102, %swap3A_103] {strides = array<i32>} : memref<80x128xf32, #tpu.memory_space<vmem>>, vector<1x16xf32>,
      %swap3A_105 = vector.shape_cast %swap3A_104 : vector<1x16xf32> to vector<16xf32>
      %swap3A_106 = vector.shape_cast %broadcast_in_dim3A_101 : vector<16xf32> to vector<1x16xf32>
      tpu.vector_store %arg5[%swap3A_102, %swap3A_103], %swap3A_106 {strides = array<i32>} : memref<80x128xf32, #tpu.memory_space<vmem>>, vector<1x16xf32>,
      %broadcast_in_dim3A_107 = arith.constant 0.000000e+00 : f32
      %broadcast_in_dim3A_108 = vector.broadcast %broadcast_in_dim3A_107 : f32 to vector<16xf32>
      %swap3A_109 = arith.index_cast %scan3A_86 : i32 to index
      %swap3A_110 = arith.constant 48 : index
      %swap3A_111 = tpu.vector_load %arg5[%swap3A_109, %swap3A_110] {strides = array<i32>} : memref<80x128xf32, #tpu.memory_space<vmem>>, vector<1x16xf32>,
      %swap3A_112 = vector.shape_cast %swap3A_111 : vector<1x16xf32> to vector<16xf32>
      %swap3A_113 = vector.shape_cast %broadcast_in_dim3A_108 : vector<16xf32> to vector<1x16xf32>
      tpu.vector_store %arg5[%swap3A_109, %swap3A_110], %swap3A_113 {strides = array<i32>} : memref<80x128xf32, #tpu.memory_space<vmem>>, vector<1x16xf32>,
      %broadcast_in_dim3A_114 = arith.constant 0.000000e+00 : f32
      %broadcast_in_dim3A_115 = vector.broadcast %broadcast_in_dim3A_114 : f32 to vector<16xf32>
      %swap3A_116 = arith.index_cast %scan3A_86 : i32 to index
      %swap3A_117 = arith.constant 64 : index
      %swap3A_118 = tpu.vector_load %arg5[%swap3A_116, %swap3A_117] {strides = array<i32>} : memref<80x128xf32, #tpu.memory_space<vmem>>, vector<1x16xf32>,
      %swap3A_119 = vector.shape_cast %swap3A_118 : vector<1x16xf32> to vector<16xf32>
      %swap3A_120 = vector.shape_cast %broadcast_in_dim3A_115 : vector<16xf32> to vector<1x16xf32>
      tpu.vector_store %arg5[%swap3A_116, %swap3A_117], %swap3A_120 {strides = array<i32>} : memref<80x128xf32, #tpu.memory_space<vmem>>, vector<1x16xf32>,
      %broadcast_in_dim3A_121 = arith.constant 0.000000e+00 : f32
      %broadcast_in_dim3A_122 = vector.broadcast %broadcast_in_dim3A_121 : f32 to vector<16xf32>
      %swap3A_123 = arith.index_cast %scan3A_86 : i32 to index
      %swap3A_124 = arith.constant 80 : index
      %swap3A_125 = tpu.vector_load %arg5[%swap3A_123, %swap3A_124] {strides = array<i32>} : memref<80x128xf32, #tpu.memory_space<vmem>>, vector<1x16xf32>,
      %swap3A_126 = vector.shape_cast %swap3A_125 : vector<1x16xf32> to vector<16xf32>
      %swap3A_127 = vector.shape_cast %broadcast_in_dim3A_122 : vector<16xf32> to vector<1x16xf32>
      tpu.vector_store %arg5[%swap3A_123, %swap3A_124], %swap3A_127 {strides = array<i32>} : memref<80x128xf32, #tpu.memory_space<vmem>>, vector<1x16xf32>,
      %broadcast_in_dim3A_128 = arith.constant 0.000000e+00 : f32
      %broadcast_in_dim3A_129 = vector.broadcast %broadcast_in_dim3A_128 : f32 to vector<16xf32>
      %swap3A_130 = arith.index_cast %scan3A_86 : i32 to index
      %swap3A_131 = arith.constant 96 : index
      %swap3A_132 = tpu.vector_load %arg5[%swap3A_130, %swap3A_131] {strides = array<i32>} : memref<80x128xf32, #tpu.memory_space<vmem>>, vector<1x16xf32>,
      %swap3A_133 = vector.shape_cast %swap3A_132 : vector<1x16xf32> to vector<16xf32>
      %swap3A_134 = vector.shape_cast %broadcast_in_dim3A_129 : vector<16xf32> to vector<1x16xf32>
      tpu.vector_store %arg5[%swap3A_130, %swap3A_131], %swap3A_134 {strides = array<i32>} : memref<80x128xf32, #tpu.memory_space<vmem>>, vector<1x16xf32>,
      %broadcast_in_dim3A_135 = arith.constant 0.000000e+00 : f32
      %broadcast_in_dim3A_136 = vector.broadcast %broadcast_in_dim3A_135 : f32 to vector<16xf32>
      %swap3A_137 = arith.index_cast %scan3A_86 : i32 to index
      %swap3A_138 = arith.constant 112 : index
      %swap3A_139 = tpu.vector_load %arg5[%swap3A_137, %swap3A_138] {strides = array<i32>} : memref<80x128xf32, #tpu.memory_space<vmem>>, vector<1x16xf32>,
      %swap3A_140 = vector.shape_cast %swap3A_139 : vector<1x16xf32> to vector<16xf32>
      %swap3A_141 = vector.shape_cast %broadcast_in_dim3A_136 : vector<16xf32> to vector<1x16xf32>
      tpu.vector_store %arg5[%swap3A_137, %swap3A_138], %swap3A_141 {strides = array<i32>} : memref<80x128xf32, #tpu.memory_space<vmem>>, vector<1x16xf32>,
      %scan3A_142 = arith.constant 0 : i32
      scf.yield %scan3A_142 : i32
    }
    %scan3A_6 = arith.constant 80 : i32
    %mul3A_7 = arith.constant 640 : i32
    %mul3A_8 = arith.muli %arg1, %mul3A_7 : i32
    %add3A_9 = arith.constant 0 : i32
    %add3A_10 = arith.addi %mul3A_8, %add3A_9 : i32
    "tpu.region"() ({
      %run_scoped3A = tpu.sem_alloc : memref<!tpu.dma_semaphore, #tpu.memory_space<semaphore_mem>>
      %dma_start3A = arith.constant 0 : i32
      %dma_start3A_86 = tpu.memref_slice %arg6[%add3A_10, %dma_start3A] : memref<10240x128xf32, #tpu.memory_space<vmem_shared>> -> memref<80x128xf32, #tpu.memory_space<vmem_shared>>
      %dma_start3A_87 = arith.constant 0 : i32
      %dma_start3A_88 = tpu.memref_slice %arg6[%add3A_10, %dma_start3A_87] : memref<10240x128xf32, #tpu.memory_space<vmem_shared>> -> memref<80x128xf32, #tpu.memory_space<vmem_shared>>
      tpu.enqueue_dma source(%arg5 : memref<80x128xf32, #tpu.memory_space<vmem>>) target(%dma_start3A_88 : memref<80x128xf32, #tpu.memory_space<vmem_shared>>) target_semaphore(%run_scoped3A : memref<!tpu.dma_semaphore, #tpu.memory_space<semaphore_mem>>)
      %dma_wait3A = arith.constant 0 : i32
      %dma_wait3A_89 = tpu.memref_slice %arg6[%add3A_10, %dma_wait3A] : memref<10240x128xf32, #tpu.memory_space<vmem_shared>> -> memref<80x128xf32, #tpu.memory_space<vmem_shared>>
      %dma_wait3A_90 = arith.constant 0 : i32
      %dma_wait3A_91 = tpu.memref_slice %arg6[%add3A_10, %dma_wait3A_90] : memref<10240x128xf32, #tpu.memory_space<vmem_shared>> -> memref<80x128xf32, #tpu.memory_space<vmem_shared>>
      tpu.wait_dma2 semaphore(%run_scoped3A : memref<!tpu.dma_semaphore, #tpu.memory_space<semaphore_mem>>) src(%arg5 : memref<80x128xf32, #tpu.memory_space<vmem>>) dst(%dma_wait3A_91 : memref<80x128xf32, #tpu.memory_space<vmem_shared>>)
      tpu.yield
    }) : () -> ()
    %mul3A_11 = arith.constant 640 : i32
    %mul3A_12 = arith.muli %arg1, %mul3A_11 : i32
    %add3A_13 = arith.constant 80 : i32
    %add3A_14 = arith.addi %mul3A_12, %add3A_13 : i32
    "tpu.region"() ({
      %run_scoped3A = tpu.sem_alloc : memref<!tpu.dma_semaphore, #tpu.memory_space<semaphore_mem>>
      %dma_start3A = arith.constant 0 : i32
      %dma_start3A_86 = tpu.memref_slice %arg6[%add3A_14, %dma_start3A] : memref<10240x128xf32, #tpu.memory_space<vmem_shared>> -> memref<80x128xf32, #tpu.memory_space<vmem_shared>>
      %dma_start3A_87 = arith.constant 0 : i32
      %dma_start3A_88 = tpu.memref_slice %arg6[%add3A_14, %dma_start3A_87] : memref<10240x128xf32, #tpu.memory_space<vmem_shared>> -> memref<80x128xf32, #tpu.memory_space<vmem_shared>>
      tpu.enqueue_dma source(%arg5 : memref<80x128xf32, #tpu.memory_space<vmem>>) target(%dma_start3A_88 : memref<80x128xf32, #tpu.memory_space<vmem_shared>>) target_semaphore(%run_scoped3A : memref<!tpu.dma_semaphore, #tpu.memory_space<semaphore_mem>>)
      %dma_wait3A = arith.constant 0 : i32
      %dma_wait3A_89 = tpu.memref_slice %arg6[%add3A_14, %dma_wait3A] : memref<10240x128xf32, #tpu.memory_space<vmem_shared>> -> memref<80x128xf32, #tpu.memory_space<vmem_shared>>
      %dma_wait3A_90 = arith.constant 0 : i32
      %dma_wait3A_91 = tpu.memref_slice %arg6[%add3A_14, %dma_wait3A_90] : memref<10240x128xf32, #tpu.memory_space<vmem_shared>> -> memref<80x128xf32, #tpu.memory_space<vmem_shared>>
      tpu.wait_dma2 semaphore(%run_scoped3A : memref<!tpu.dma_semaphore, #tpu.memory_space<semaphore_mem>>) src(%arg5 : memref<80x128xf32, #tpu.memory_space<vmem>>) dst(%dma_wait3A_91 : memref<80x128xf32, #tpu.memory_space<vmem_shared>>)
      tpu.yield
    }) : () -> ()
    %mul3A_15 = arith.constant 640 : i32
    %mul3A_16 = arith.muli %arg1, %mul3A_15 : i32
    %add3A_17 = arith.constant 160 : i32
    %add3A_18 = arith.addi %mul3A_16, %add3A_17 : i32
    "tpu.region"() ({
      %run_scoped3A = tpu.sem_alloc : memref<!tpu.dma_semaphore, #tpu.memory_space<semaphore_mem>>
      %dma_start3A = arith.constant 0 : i32
      %dma_start3A_86 = tpu.memref_slice %arg6[%add3A_18, %dma_start3A] : memref<10240x128xf32, #tpu.memory_space<vmem_shared>> -> memref<80x128xf32, #tpu.memory_space<vmem_shared>>
      %dma_start3A_87 = arith.constant 0 : i32
      %dma_start3A_88 = tpu.memref_slice %arg6[%add3A_18, %dma_start3A_87] : memref<10240x128xf32, #tpu.memory_space<vmem_shared>> -> memref<80x128xf32, #tpu.memory_space<vmem_shared>>
      tpu.enqueue_dma source(%arg5 : memref<80x128xf32, #tpu.memory_space<vmem>>) target(%dma_start3A_88 : memref<80x128xf32, #tpu.memory_space<vmem_shared>>) target_semaphore(%run_scoped3A : memref<!tpu.dma_semaphore, #tpu.memory_space<semaphore_mem>>)
      %dma_wait3A = arith.constant 0 : i32
      %dma_wait3A_89 = tpu.memref_slice %arg6[%add3A_18, %dma_wait3A] : memref<10240x128xf32, #tpu.memory_space<vmem_shared>> -> memref<80x128xf32, #tpu.memory_space<vmem_shared>>
      %dma_wait3A_90 = arith.constant 0 : i32
      %dma_wait3A_91 = tpu.memref_slice %arg6[%add3A_18, %dma_wait3A_90] : memref<10240x128xf32, #tpu.memory_space<vmem_shared>> -> memref<80x128xf32, #tpu.memory_space<vmem_shared>>
      tpu.wait_dma2 semaphore(%run_scoped3A : memref<!tpu.dma_semaphore, #tpu.memory_space<semaphore_mem>>) src(%arg5 : memref<80x128xf32, #tpu.memory_space<vmem>>) dst(%dma_wait3A_91 : memref<80x128xf32, #tpu.memory_space<vmem_shared>>)
      tpu.yield
    }) : () -> ()
    %mul3A_19 = arith.constant 640 : i32
    %mul3A_20 = arith.muli %arg1, %mul3A_19 : i32
    %add3A_21 = arith.constant 240 : i32
    %add3A_22 = arith.addi %mul3A_20, %add3A_21 : i32
    "tpu.region"() ({
      %run_scoped3A = tpu.sem_alloc : memref<!tpu.dma_semaphore, #tpu.memory_space<semaphore_mem>>
      %dma_start3A = arith.constant 0 : i32
      %dma_start3A_86 = tpu.memref_slice %arg6[%add3A_22, %dma_start3A] : memref<10240x128xf32, #tpu.memory_space<vmem_shared>> -> memref<80x128xf32, #tpu.memory_space<vmem_shared>>
      %dma_start3A_87 = arith.constant 0 : i32
      %dma_start3A_88 = tpu.memref_slice %arg6[%add3A_22, %dma_start3A_87] : memref<10240x128xf32, #tpu.memory_space<vmem_shared>> -> memref<80x128xf32, #tpu.memory_space<vmem_shared>>
      tpu.enqueue_dma source(%arg5 : memref<80x128xf32, #tpu.memory_space<vmem>>) target(%dma_start3A_88 : memref<80x128xf32, #tpu.memory_space<vmem_shared>>) target_semaphore(%run_scoped3A : memref<!tpu.dma_semaphore, #tpu.memory_space<semaphore_mem>>)
      %dma_wait3A = arith.constant 0 : i32
      %dma_wait3A_89 = tpu.memref_slice %arg6[%add3A_22, %dma_wait3A] : memref<10240x128xf32, #tpu.memory_space<vmem_shared>> -> memref<80x128xf32, #tpu.memory_space<vmem_shared>>
      %dma_wait3A_90 = arith.constant 0 : i32
      %dma_wait3A_91 = tpu.memref_slice %arg6[%add3A_22, %dma_wait3A_90] : memref<10240x128xf32, #tpu.memory_space<vmem_shared>> -> memref<80x128xf32, #tpu.memory_space<vmem_shared>>
      tpu.wait_dma2 semaphore(%run_scoped3A : memref<!tpu.dma_semaphore, #tpu.memory_space<semaphore_mem>>) src(%arg5 : memref<80x128xf32, #tpu.memory_space<vmem>>) dst(%dma_wait3A_91 : memref<80x128xf32, #tpu.memory_space<vmem_shared>>)
      tpu.yield
    }) : () -> ()
    %mul3A_23 = arith.constant 640 : i32
    %mul3A_24 = arith.muli %arg1, %mul3A_23 : i32
    %add3A_25 = arith.constant 320 : i32
    %add3A_26 = arith.addi %mul3A_24, %add3A_25 : i32
    "tpu.region"() ({
      %run_scoped3A = tpu.sem_alloc : memref<!tpu.dma_semaphore, #tpu.memory_space<semaphore_mem>>
      %dma_start3A = arith.constant 0 : i32
      %dma_start3A_86 = tpu.memref_slice %arg6[%add3A_26, %dma_start3A] : memref<10240x128xf32, #tpu.memory_space<vmem_shared>> -> memref<80x128xf32, #tpu.memory_space<vmem_shared>>
      %dma_start3A_87 = arith.constant 0 : i32
      %dma_start3A_88 = tpu.memref_slice %arg6[%add3A_26, %dma_start3A_87] : memref<10240x128xf32, #tpu.memory_space<vmem_shared>> -> memref<80x128xf32, #tpu.memory_space<vmem_shared>>
      tpu.enqueue_dma source(%arg5 : memref<80x128xf32, #tpu.memory_space<vmem>>) target(%dma_start3A_88 : memref<80x128xf32, #tpu.memory_space<vmem_shared>>) target_semaphore(%run_scoped3A : memref<!tpu.dma_semaphore, #tpu.memory_space<semaphore_mem>>)
      %dma_wait3A = arith.constant 0 : i32
      %dma_wait3A_89 = tpu.memref_slice %arg6[%add3A_26, %dma_wait3A] : memref<10240x128xf32, #tpu.memory_space<vmem_shared>> -> memref<80x128xf32, #tpu.memory_space<vmem_shared>>
      %dma_wait3A_90 = arith.constant 0 : i32
      %dma_wait3A_91 = tpu.memref_slice %arg6[%add3A_26, %dma_wait3A_90] : memref<10240x128xf32, #tpu.memory_space<vmem_shared>> -> memref<80x128xf32, #tpu.memory_space<vmem_shared>>
      tpu.wait_dma2 semaphore(%run_scoped3A : memref<!tpu.dma_semaphore, #tpu.memory_space<semaphore_mem>>) src(%arg5 : memref<80x128xf32, #tpu.memory_space<vmem>>) dst(%dma_wait3A_91 : memref<80x128xf32, #tpu.memory_space<vmem_shared>>)
      tpu.yield
    }) : () -> ()
    %mul3A_27 = arith.constant 640 : i32
    %mul3A_28 = arith.muli %arg1, %mul3A_27 : i32
    %add3A_29 = arith.constant 400 : i32
    %add3A_30 = arith.addi %mul3A_28, %add3A_29 : i32
    "tpu.region"() ({
      %run_scoped3A = tpu.sem_alloc : memref<!tpu.dma_semaphore, #tpu.memory_space<semaphore_mem>>
      %dma_start3A = arith.constant 0 : i32
      %dma_start3A_86 = tpu.memref_slice %arg6[%add3A_30, %dma_start3A] : memref<10240x128xf32, #tpu.memory_space<vmem_shared>> -> memref<80x128xf32, #tpu.memory_space<vmem_shared>>
      %dma_start3A_87 = arith.constant 0 : i32
      %dma_start3A_88 = tpu.memref_slice %arg6[%add3A_30, %dma_start3A_87] : memref<10240x128xf32, #tpu.memory_space<vmem_shared>> -> memref<80x128xf32, #tpu.memory_space<vmem_shared>>
      tpu.enqueue_dma source(%arg5 : memref<80x128xf32, #tpu.memory_space<vmem>>) target(%dma_start3A_88 : memref<80x128xf32, #tpu.memory_space<vmem_shared>>) target_semaphore(%run_scoped3A : memref<!tpu.dma_semaphore, #tpu.memory_space<semaphore_mem>>)
      %dma_wait3A = arith.constant 0 : i32
      %dma_wait3A_89 = tpu.memref_slice %arg6[%add3A_30, %dma_wait3A] : memref<10240x128xf32, #tpu.memory_space<vmem_shared>> -> memref<80x128xf32, #tpu.memory_space<vmem_shared>>
      %dma_wait3A_90 = arith.constant 0 : i32
      %dma_wait3A_91 = tpu.memref_slice %arg6[%add3A_30, %dma_wait3A_90] : memref<10240x128xf32, #tpu.memory_space<vmem_shared>> -> memref<80x128xf32, #tpu.memory_space<vmem_shared>>
      tpu.wait_dma2 semaphore(%run_scoped3A : memref<!tpu.dma_semaphore, #tpu.memory_space<semaphore_mem>>) src(%arg5 : memref<80x128xf32, #tpu.memory_space<vmem>>) dst(%dma_wait3A_91 : memref<80x128xf32, #tpu.memory_space<vmem_shared>>)
      tpu.yield
    }) : () -> ()
    %mul3A_31 = arith.constant 640 : i32
    %mul3A_32 = arith.muli %arg1, %mul3A_31 : i32
    %add3A_33 = arith.constant 480 : i32
    %add3A_34 = arith.addi %mul3A_32, %add3A_33 : i32
    "tpu.region"() ({
      %run_scoped3A = tpu.sem_alloc : memref<!tpu.dma_semaphore, #tpu.memory_space<semaphore_mem>>
      %dma_start3A = arith.constant 0 : i32
      %dma_start3A_86 = tpu.memref_slice %arg6[%add3A_34, %dma_start3A] : memref<10240x128xf32, #tpu.memory_space<vmem_shared>> -> memref<80x128xf32, #tpu.memory_space<vmem_shared>>
      %dma_start3A_87 = arith.constant 0 : i32
      %dma_start3A_88 = tpu.memref_slice %arg6[%add3A_34, %dma_start3A_87] : memref<10240x128xf32, #tpu.memory_space<vmem_shared>> -> memref<80x128xf32, #tpu.memory_space<vmem_shared>>
      tpu.enqueue_dma source(%arg5 : memref<80x128xf32, #tpu.memory_space<vmem>>) target(%dma_start3A_88 : memref<80x128xf32, #tpu.memory_space<vmem_shared>>) target_semaphore(%run_scoped3A : memref<!tpu.dma_semaphore, #tpu.memory_space<semaphore_mem>>)
      %dma_wait3A = arith.constant 0 : i32
      %dma_wait3A_89 = tpu.memref_slice %arg6[%add3A_34, %dma_wait3A] : memref<10240x128xf32, #tpu.memory_space<vmem_shared>> -> memref<80x128xf32, #tpu.memory_space<vmem_shared>>
      %dma_wait3A_90 = arith.constant 0 : i32
      %dma_wait3A_91 = tpu.memref_slice %arg6[%add3A_34, %dma_wait3A_90] : memref<10240x128xf32, #tpu.memory_space<vmem_shared>> -> memref<80x128xf32, #tpu.memory_space<vmem_shared>>
      tpu.wait_dma2 semaphore(%run_scoped3A : memref<!tpu.dma_semaphore, #tpu.memory_space<semaphore_mem>>) src(%arg5 : memref<80x128xf32, #tpu.memory_space<vmem>>) dst(%dma_wait3A_91 : memref<80x128xf32, #tpu.memory_space<vmem_shared>>)
      tpu.yield
    }) : () -> ()
    %mul3A_35 = arith.constant 640 : i32
    %mul3A_36 = arith.muli %arg1, %mul3A_35 : i32
    %add3A_37 = arith.constant 560 : i32
    %add3A_38 = arith.addi %mul3A_36, %add3A_37 : i32
    "tpu.region"() ({
      %run_scoped3A = tpu.sem_alloc : memref<!tpu.dma_semaphore, #tpu.memory_space<semaphore_mem>>
      %dma_start3A = arith.constant 0 : i32
      %dma_start3A_86 = tpu.memref_slice %arg6[%add3A_38, %dma_start3A] : memref<10240x128xf32, #tpu.memory_space<vmem_shared>> -> memref<80x128xf32, #tpu.memory_space<vmem_shared>>
      %dma_start3A_87 = arith.constant 0 : i32
      %dma_start3A_88 = tpu.memref_slice %arg6[%add3A_38, %dma_start3A_87] : memref<10240x128xf32, #tpu.memory_space<vmem_shared>> -> memref<80x128xf32, #tpu.memory_space<vmem_shared>>
      tpu.enqueue_dma source(%arg5 : memref<80x128xf32, #tpu.memory_space<vmem>>) target(%dma_start3A_88 : memref<80x128xf32, #tpu.memory_space<vmem_shared>>) target_semaphore(%run_scoped3A : memref<!tpu.dma_semaphore, #tpu.memory_space<semaphore_mem>>)
      %dma_wait3A = arith.constant 0 : i32
      %dma_wait3A_89 = tpu.memref_slice %arg6[%add3A_38, %dma_wait3A] : memref<10240x128xf32, #tpu.memory_space<vmem_shared>> -> memref<80x128xf32, #tpu.memory_space<vmem_shared>>
      %dma_wait3A_90 = arith.constant 0 : i32
      %dma_wait3A_91 = tpu.memref_slice %arg6[%add3A_38, %dma_wait3A_90] : memref<10240x128xf32, #tpu.memory_space<vmem_shared>> -> memref<80x128xf32, #tpu.memory_space<vmem_shared>>
      tpu.wait_dma2 semaphore(%run_scoped3A : memref<!tpu.dma_semaphore, #tpu.memory_space<semaphore_mem>>) src(%arg5 : memref<80x128xf32, #tpu.memory_space<vmem>>) dst(%dma_wait3A_91 : memref<80x128xf32, #tpu.memory_space<vmem_shared>>)
      tpu.yield
    }) : () -> ()
    %barrier3A = arith.constant 0 : index
    tpu.barrier barrier_id(%barrier3A)
    %scan3A_39 = arith.constant 0 : i32
    %scan3A_40 = arith.constant 0 : i32
    %scan3A_41 = arith.constant 80 : i32
    %scan3A_42 = arith.addi %scan3A_40, %scan3A_41 : i32
    %scan3A_43 = arith.constant 1 : i32
    %scan3A_44 = scf.for %scan3A_86 = %scan3A_40 to %scan3A_42 step %scan3A_43 iter_args(%scan3A_87 = %scan3A_39) -> (i32)  : i32 {
      %broadcast_in_dim3A = arith.constant 1.000000e+00 : f32
      %broadcast_in_dim3A_88 = vector.broadcast %broadcast_in_dim3A : f32 to vector<16xf32>
      %swap3A = arith.index_cast %scan3A_86 : i32 to index
      %swap3A_89 = arith.constant 0 : index
      %swap3A_90 = tpu.vector_load %arg5[%swap3A, %swap3A_89] {strides = array<i32>} : memref<80x128xf32, #tpu.memory_space<vmem>>, vector<1x16xf32>,
      %swap3A_91 = vector.shape_cast %swap3A_90 : vector<1x16xf32> to vector<16xf32>
      %swap3A_92 = vector.shape_cast %broadcast_in_dim3A_88 : vector<16xf32> to vector<1x16xf32>
      tpu.vector_store %arg5[%swap3A, %swap3A_89], %swap3A_92 {strides = array<i32>} : memref<80x128xf32, #tpu.memory_space<vmem>>, vector<1x16xf32>,
      %broadcast_in_dim3A_93 = arith.constant 1.000000e+00 : f32
      %broadcast_in_dim3A_94 = vector.broadcast %broadcast_in_dim3A_93 : f32 to vector<16xf32>
      %swap3A_95 = arith.index_cast %scan3A_86 : i32 to index
      %swap3A_96 = arith.constant 16 : index
      %swap3A_97 = tpu.vector_load %arg5[%swap3A_95, %swap3A_96] {strides = array<i32>} : memref<80x128xf32, #tpu.memory_space<vmem>>, vector<1x16xf32>,
      %swap3A_98 = vector.shape_cast %swap3A_97 : vector<1x16xf32> to vector<16xf32>
      %swap3A_99 = vector.shape_cast %broadcast_in_dim3A_94 : vector<16xf32> to vector<1x16xf32>
      tpu.vector_store %arg5[%swap3A_95, %swap3A_96], %swap3A_99 {strides = array<i32>} : memref<80x128xf32, #tpu.memory_space<vmem>>, vector<1x16xf32>,
      %broadcast_in_dim3A_100 = arith.constant 1.000000e+00 : f32
      %broadcast_in_dim3A_101 = vector.broadcast %broadcast_in_dim3A_100 : f32 to vector<16xf32>
      %swap3A_102 = arith.index_cast %scan3A_86 : i32 to index
      %swap3A_103 = arith.constant 32 : index
      %swap3A_104 = tpu.vector_load %arg5[%swap3A_102, %swap3A_103] {strides = array<i32>} : memref<80x128xf32, #tpu.memory_space<vmem>>, vector<1x16xf32>,
      %swap3A_105 = vector.shape_cast %swap3A_104 : vector<1x16xf32> to vector<16xf32>
      %swap3A_106 = vector.shape_cast %broadcast_in_dim3A_101 : vector<16xf32> to vector<1x16xf32>
      tpu.vector_store %arg5[%swap3A_102, %swap3A_103], %swap3A_106 {strides = array<i32>} : memref<80x128xf32, #tpu.memory_space<vmem>>, vector<1x16xf32>,
      %broadcast_in_dim3A_107 = arith.constant 1.000000e+00 : f32
      %broadcast_in_dim3A_108 = vector.broadcast %broadcast_in_dim3A_107 : f32 to vector<16xf32>
      %swap3A_109 = arith.index_cast %scan3A_86 : i32 to index
      %swap3A_110 = arith.constant 48 : index
      %swap3A_111 = tpu.vector_load %arg5[%swap3A_109, %swap3A_110] {strides = array<i32>} : memref<80x128xf32, #tpu.memory_space<vmem>>, vector<1x16xf32>,
      %swap3A_112 = vector.shape_cast %swap3A_111 : vector<1x16xf32> to vector<16xf32>
      %swap3A_113 = vector.shape_cast %broadcast_in_dim3A_108 : vector<16xf32> to vector<1x16xf32>
      tpu.vector_store %arg5[%swap3A_109, %swap3A_110], %swap3A_113 {strides = array<i32>} : memref<80x128xf32, #tpu.memory_space<vmem>>, vector<1x16xf32>,
      %broadcast_in_dim3A_114 = arith.constant 1.000000e+00 : f32
      %broadcast_in_dim3A_115 = vector.broadcast %broadcast_in_dim3A_114 : f32 to vector<16xf32>
      %swap3A_116 = arith.index_cast %scan3A_86 : i32 to index
      %swap3A_117 = arith.constant 64 : index
      %swap3A_118 = tpu.vector_load %arg5[%swap3A_116, %swap3A_117] {strides = array<i32>} : memref<80x128xf32, #tpu.memory_space<vmem>>, vector<1x16xf32>,
      %swap3A_119 = vector.shape_cast %swap3A_118 : vector<1x16xf32> to vector<16xf32>
      %swap3A_120 = vector.shape_cast %broadcast_in_dim3A_115 : vector<16xf32> to vector<1x16xf32>
      tpu.vector_store %arg5[%swap3A_116, %swap3A_117], %swap3A_120 {strides = array<i32>} : memref<80x128xf32, #tpu.memory_space<vmem>>, vector<1x16xf32>,
      %broadcast_in_dim3A_121 = arith.constant 1.000000e+00 : f32
      %broadcast_in_dim3A_122 = vector.broadcast %broadcast_in_dim3A_121 : f32 to vector<16xf32>
      %swap3A_123 = arith.index_cast %scan3A_86 : i32 to index
      %swap3A_124 = arith.constant 80 : index
      %swap3A_125 = tpu.vector_load %arg5[%swap3A_123, %swap3A_124] {strides = array<i32>} : memref<80x128xf32, #tpu.memory_space<vmem>>, vector<1x16xf32>,
      %swap3A_126 = vector.shape_cast %swap3A_125 : vector<1x16xf32> to vector<16xf32>
      %swap3A_127 = vector.shape_cast %broadcast_in_dim3A_122 : vector<16xf32> to vector<1x16xf32>
      tpu.vector_store %arg5[%swap3A_123, %swap3A_124], %swap3A_127 {strides = array<i32>} : memref<80x128xf32, #tpu.memory_space<vmem>>, vector<1x16xf32>,
      %broadcast_in_dim3A_128 = arith.constant 1.000000e+00 : f32
      %broadcast_in_dim3A_129 = vector.broadcast %broadcast_in_dim3A_128 : f32 to vector<16xf32>
      %swap3A_130 = arith.index_cast %scan3A_86 : i32 to index
      %swap3A_131 = arith.constant 96 : index
      %swap3A_132 = tpu.vector_load %arg5[%swap3A_130, %swap3A_131] {strides = array<i32>} : memref<80x128xf32, #tpu.memory_space<vmem>>, vector<1x16xf32>,
      %swap3A_133 = vector.shape_cast %swap3A_132 : vector<1x16xf32> to vector<16xf32>
      %swap3A_134 = vector.shape_cast %broadcast_in_dim3A_129 : vector<16xf32> to vector<1x16xf32>
      tpu.vector_store %arg5[%swap3A_130, %swap3A_131], %swap3A_134 {strides = array<i32>} : memref<80x128xf32, #tpu.memory_space<vmem>>, vector<1x16xf32>,
      %broadcast_in_dim3A_135 = arith.constant 1.000000e+00 : f32
      %broadcast_in_dim3A_136 = vector.broadcast %broadcast_in_dim3A_135 : f32 to vector<16xf32>
      %swap3A_137 = arith.index_cast %scan3A_86 : i32 to index
      %swap3A_138 = arith.constant 112 : index
      %swap3A_139 = tpu.vector_load %arg5[%swap3A_137, %swap3A_138] {strides = array<i32>} : memref<80x128xf32, #tpu.memory_space<vmem>>, vector<1x16xf32>,
      %swap3A_140 = vector.shape_cast %swap3A_139 : vector<1x16xf32> to vector<16xf32>
      %swap3A_141 = vector.shape_cast %broadcast_in_dim3A_136 : vector<16xf32> to vector<1x16xf32>
      tpu.vector_store %arg5[%swap3A_137, %swap3A_138], %swap3A_141 {strides = array<i32>} : memref<80x128xf32, #tpu.memory_space<vmem>>, vector<1x16xf32>,
      %scan3A_142 = arith.constant 0 : i32
      scf.yield %scan3A_142 : i32
    }
    %scan3A_45 = arith.constant 80 : i32
    "tpu.region"() ({
      %run_scoped3A = tpu.sem_alloc : memref<!tpu.dma_semaphore, #tpu.memory_space<semaphore_mem>>
      %dma_start3A = arith.constant 0 : i32
      %dma_start3A_86 = arith.constant 0 : i32
      %dma_start3A_87 = tpu.memref_slice %arg2[%add3A, %dma_start3A, %dma_start3A_86] : memref<32x125x80xi32, #tpu.memory_space<hbm>> -> memref<1x125x80xi32, #tpu.memory_space<hbm>>
      %dma_start3A_88 = tpu.memref_squeeze %dma_start3A_87 : memref<1x125x80xi32, #tpu.memory_space<hbm>> -> memref<125x80xi32, #tpu.memory_space<hbm>>
      %dma_start3A_89 = arith.constant 0 : i32
      %dma_start3A_90 = arith.constant 0 : i32
      %dma_start3A_91 = tpu.memref_slice %arg2[%add3A, %dma_start3A_89, %dma_start3A_90] : memref<32x125x80xi32, #tpu.memory_space<hbm>> -> memref<1x125x80xi32, #tpu.memory_space<hbm>>
      %dma_start3A_92 = tpu.memref_squeeze %dma_start3A_91 : memref<1x125x80xi32, #tpu.memory_space<hbm>> -> memref<125x80xi32, #tpu.memory_space<hbm>>
      tpu.enqueue_dma source(%dma_start3A_92 : memref<125x80xi32, #tpu.memory_space<hbm>>) target(%arg4 : memref<125x80xi32, #tpu.memory_space<vmem>>) target_semaphore(%run_scoped3A : memref<!tpu.dma_semaphore, #tpu.memory_space<semaphore_mem>>)
      %dma_wait3A = arith.constant 0 : i32
      %dma_wait3A_93 = arith.constant 0 : i32
      %dma_wait3A_94 = tpu.memref_slice %arg2[%add3A, %dma_wait3A, %dma_wait3A_93] : memref<32x125x80xi32, #tpu.memory_space<hbm>> -> memref<1x125x80xi32, #tpu.memory_space<hbm>>
      %dma_wait3A_95 = tpu.memref_squeeze %dma_wait3A_94 : memref<1x125x80xi32, #tpu.memory_space<hbm>> -> memref<125x80xi32, #tpu.memory_space<hbm>>
      %dma_wait3A_96 = arith.constant 0 : i32
      %dma_wait3A_97 = arith.constant 0 : i32
      %dma_wait3A_98 = tpu.memref_slice %arg2[%add3A, %dma_wait3A_96, %dma_wait3A_97] : memref<32x125x80xi32, #tpu.memory_space<hbm>> -> memref<1x125x80xi32, #tpu.memory_space<hbm>>
      %dma_wait3A_99 = tpu.memref_squeeze %dma_wait3A_98 : memref<1x125x80xi32, #tpu.memory_space<hbm>> -> memref<125x80xi32, #tpu.memory_space<hbm>>
      tpu.wait_dma2 semaphore(%run_scoped3A : memref<!tpu.dma_semaphore, #tpu.memory_space<semaphore_mem>>) src(%dma_wait3A_99 : memref<125x80xi32, #tpu.memory_space<hbm>>) dst(%arg4 : memref<125x80xi32, #tpu.memory_space<vmem>>)
      tpu.yield
    }) : () -> ()
    %scan3A_46 = arith.constant 0 : i32
    %scan3A_47 = arith.constant 0 : i32
    %scan3A_48 = arith.constant 125 : i32
    %scan3A_49 = arith.addi %scan3A_47, %scan3A_48 : i32
    %scan3A_50 = arith.constant 1 : i32
    %scan3A_51 = scf.for %scan3A_86 = %scan3A_47 to %scan3A_49 step %scan3A_50 iter_args(%scan3A_87 = %scan3A_46) -> (i32)  : i32 {
      "tpu.region"() ({
        %run_scoped3A = tpu.sem_alloc : memref<!tpu.dma_semaphore, #tpu.memory_space<semaphore_mem>>
        %dma_start3A = arith.constant 0 : i32
        %dma_start3A_89 = tpu.memref_slice %arg4[%scan3A_86, %dma_start3A] : memref<125x80xi32, #tpu.memory_space<vmem>> -> memref<1x80xi32, #tpu.memory_space<vmem>>
        %dma_start3A_90 = tpu.memref_squeeze %dma_start3A_89 : memref<1x80xi32, #tpu.memory_space<vmem>> -> memref<80xi32, #tpu.memory_space<vmem>>
        %dma_start3A_91 = arith.constant 0 : i32
        %dma_start3A_92 = arith.constant 0 : i32
        %dma_start3A_93 = tpu.memref_slice %arg6[%dma_start3A_91, %dma_start3A_92] : memref<10240x128xf32, #tpu.memory_space<vmem_shared>> -> memref<10240x128xf32, #tpu.memory_space<vmem_shared>>
        tpu.enqueue_indirect_dma source(%arg5 : memref<80x128xf32, #tpu.memory_space<vmem>>) target(%dma_start3A_93 : memref<10240x128xf32, #tpu.memory_space<vmem_shared>>) offsets(%dma_start3A_90 : memref<80xi32, #tpu.memory_space<vmem>>) semaphore(%run_scoped3A : memref<!tpu.dma_semaphore, #tpu.memory_space<semaphore_mem>>) {add = true}
        %dma_wait3A = arith.constant 0 : i32
        %dma_wait3A_94 = tpu.memref_slice %arg4[%scan3A_86, %dma_wait3A] : memref<125x80xi32, #tpu.memory_space<vmem>> -> memref<1x80xi32, #tpu.memory_space<vmem>>
        %dma_wait3A_95 = tpu.memref_squeeze %dma_wait3A_94 : memref<1x80xi32, #tpu.memory_space<vmem>> -> memref<80xi32, #tpu.memory_space<vmem>>
        %dma_wait3A_96 = arith.constant 0 : i32
        %dma_wait3A_97 = arith.constant 0 : i32
        %dma_wait3A_98 = tpu.memref_slice %arg6[%dma_wait3A_96, %dma_wait3A_97] : memref<10240x128xf32, #tpu.memory_space<vmem_shared>> -> memref<10240x128xf32, #tpu.memory_space<vmem_shared>>
        tpu.wait_indirect_dma semaphore(%run_scoped3A : memref<!tpu.dma_semaphore, #tpu.memory_space<semaphore_mem>>) src(%arg5 : memref<80x128xf32, #tpu.memory_space<vmem>>) dst(%dma_wait3A_98 : memref<10240x128xf32, #tpu.memory_space<vmem_shared>>)
        tpu.yield
      }) : () -> ()
      %scan3A_88 = arith.constant 0 : i32
      scf.yield %scan3A_88 : i32
    }
    %scan3A_52 = arith.constant 125 : i32
    %barrier3A_53 = arith.constant 0 : index
    tpu.barrier barrier_id(%barrier3A_53)
    %mul3A_54 = arith.constant 640 : i32
    %mul3A_55 = arith.muli %arg1, %mul3A_54 : i32
    %add3A_56 = arith.constant 0 : i32
    %add3A_57 = arith.addi %mul3A_55, %add3A_56 : i32
    "tpu.region"() ({
      %run_scoped3A = tpu.sem_alloc : memref<!tpu.dma_semaphore, #tpu.memory_space<semaphore_mem>>
      %dma_start3A = arith.constant 0 : i32
      %dma_start3A_86 = tpu.memref_slice %arg6[%add3A_57, %dma_start3A] : memref<10240x128xf32, #tpu.memory_space<vmem_shared>> -> memref<80x128xf32, #tpu.memory_space<vmem_shared>>
      %dma_start3A_87 = arith.constant 0 : i32
      %dma_start3A_88 = tpu.memref_slice %arg6[%add3A_57, %dma_start3A_87] : memref<10240x128xf32, #tpu.memory_space<vmem_shared>> -> memref<80x128xf32, #tpu.memory_space<vmem_shared>>
      tpu.enqueue_dma source(%dma_start3A_88 : memref<80x128xf32, #tpu.memory_space<vmem_shared>>) target(%arg5 : memref<80x128xf32, #tpu.memory_space<vmem>>) target_semaphore(%run_scoped3A : memref<!tpu.dma_semaphore, #tpu.memory_space<semaphore_mem>>)
      %dma_wait3A = arith.constant 0 : i32
      %dma_wait3A_89 = tpu.memref_slice %arg6[%add3A_57, %dma_wait3A] : memref<10240x128xf32, #tpu.memory_space<vmem_shared>> -> memref<80x128xf32, #tpu.memory_space<vmem_shared>>
      %dma_wait3A_90 = arith.constant 0 : i32
      %dma_wait3A_91 = tpu.memref_slice %arg6[%add3A_57, %dma_wait3A_90] : memref<10240x128xf32, #tpu.memory_space<vmem_shared>> -> memref<80x128xf32, #tpu.memory_space<vmem_shared>>
      tpu.wait_dma2 semaphore(%run_scoped3A : memref<!tpu.dma_semaphore, #tpu.memory_space<semaphore_mem>>) src(%dma_wait3A_91 : memref<80x128xf32, #tpu.memory_space<vmem_shared>>) dst(%arg5 : memref<80x128xf32, #tpu.memory_space<vmem>>)
      tpu.yield
    }) : () -> ()
    "tpu.region"() ({
      %run_scoped3A = tpu.sem_alloc : memref<!tpu.dma_semaphore, #tpu.memory_space<semaphore_mem>>
      %dma_start3A = arith.constant 0 : i32
      %dma_start3A_86 = tpu.memref_slice %arg3[%arg0, %add3A_57, %dma_start3A] : memref<2x10240x128xf32, #tpu.memory_space<hbm>> -> memref<1x80x128xf32, #tpu.memory_space<hbm>>
      %dma_start3A_87 = tpu.memref_squeeze %dma_start3A_86 : memref<1x80x128xf32, #tpu.memory_space<hbm>> -> memref<80x128xf32, #tpu.memory_space<hbm>>
      %dma_start3A_88 = arith.constant 0 : i32
      %dma_start3A_89 = tpu.memref_slice %arg3[%arg0, %add3A_57, %dma_start3A_88] : memref<2x10240x128xf32, #tpu.memory_space<hbm>> -> memref<1x80x128xf32, #tpu.memory_space<hbm>>
      %dma_start3A_90 = tpu.memref_squeeze %dma_start3A_89 : memref<1x80x128xf32, #tpu.memory_space<hbm>> -> memref<80x128xf32, #tpu.memory_space<hbm>>
      tpu.enqueue_dma source(%arg5 : memref<80x128xf32, #tpu.memory_space<vmem>>) target(%dma_start3A_90 : memref<80x128xf32, #tpu.memory_space<hbm>>) target_semaphore(%run_scoped3A : memref<!tpu.dma_semaphore, #tpu.memory_space<semaphore_mem>>)
      %dma_wait3A = arith.constant 0 : i32
      %dma_wait3A_91 = tpu.memref_slice %arg3[%arg0, %add3A_57, %dma_wait3A] : memref<2x10240x128xf32, #tpu.memory_space<hbm>> -> memref<1x80x128xf32, #tpu.memory_space<hbm>>
      %dma_wait3A_92 = tpu.memref_squeeze %dma_wait3A_91 : memref<1x80x128xf32, #tpu.memory_space<hbm>> -> memref<80x128xf32, #tpu.memory_space<hbm>>
      %dma_wait3A_93 = arith.constant 0 : i32
      %dma_wait3A_94 = tpu.memref_slice %arg3[%arg0, %add3A_57, %dma_wait3A_93] : memref<2x10240x128xf32, #tpu.memory_space<hbm>> -> memref<1x80x128xf32, #tpu.memory_space<hbm>>
      %dma_wait3A_95 = tpu.memref_squeeze %dma_wait3A_94 : memref<1x80x128xf32, #tpu.memory_space<hbm>> -> memref<80x128xf32, #tpu.memory_space<hbm>>
      tpu.wait_dma2 semaphore(%run_scoped3A : memref<!tpu.dma_semaphore, #tpu.memory_space<semaphore_mem>>) src(%arg5 : memref<80x128xf32, #tpu.memory_space<vmem>>) dst(%dma_wait3A_95 : memref<80x128xf32, #tpu.memory_space<hbm>>)
      tpu.yield
    }) : () -> ()
    %mul3A_58 = arith.constant 640 : i32
    %mul3A_59 = arith.muli %arg1, %mul3A_58 : i32
    %add3A_60 = arith.constant 80 : i32
    %add3A_61 = arith.addi %mul3A_59, %add3A_60 : i32
    "tpu.region"() ({
      %run_scoped3A = tpu.sem_alloc : memref<!tpu.dma_semaphore, #tpu.memory_space<semaphore_mem>>
      %dma_start3A = arith.constant 0 : i32
      %dma_start3A_86 = tpu.memref_slice %arg6[%add3A_61, %dma_start3A] : memref<10240x128xf32, #tpu.memory_space<vmem_shared>> -> memref<80x128xf32, #tpu.memory_space<vmem_shared>>
      %dma_start3A_87 = arith.constant 0 : i32
      %dma_start3A_88 = tpu.memref_slice %arg6[%add3A_61, %dma_start3A_87] : memref<10240x128xf32, #tpu.memory_space<vmem_shared>> -> memref<80x128xf32, #tpu.memory_space<vmem_shared>>
      tpu.enqueue_dma source(%dma_start3A_88 : memref<80x128xf32, #tpu.memory_space<vmem_shared>>) target(%arg5 : memref<80x128xf32, #tpu.memory_space<vmem>>) target_semaphore(%run_scoped3A : memref<!tpu.dma_semaphore, #tpu.memory_space<semaphore_mem>>)
      %dma_wait3A = arith.constant 0 : i32
      %dma_wait3A_89 = tpu.memref_slice %arg6[%add3A_61, %dma_wait3A] : memref<10240x128xf32, #tpu.memory_space<vmem_shared>> -> memref<80x128xf32, #tpu.memory_space<vmem_shared>>
      %dma_wait3A_90 = arith.constant 0 : i32
      %dma_wait3A_91 = tpu.memref_slice %arg6[%add3A_61, %dma_wait3A_90] : memref<10240x128xf32, #tpu.memory_space<vmem_shared>> -> memref<80x128xf32, #tpu.memory_space<vmem_shared>>
      tpu.wait_dma2 semaphore(%run_scoped3A : memref<!tpu.dma_semaphore, #tpu.memory_space<semaphore_mem>>) src(%dma_wait3A_91 : memref<80x128xf32, #tpu.memory_space<vmem_shared>>) dst(%arg5 : memref<80x128xf32, #tpu.memory_space<vmem>>)
      tpu.yield
    }) : () -> ()
    "tpu.region"() ({
      %run_scoped3A = tpu.sem_alloc : memref<!tpu.dma_semaphore, #tpu.memory_space<semaphore_mem>>
      %dma_start3A = arith.constant 0 : i32
      %dma_start3A_86 = tpu.memref_slice %arg3[%arg0, %add3A_61, %dma_start3A] : memref<2x10240x128xf32, #tpu.memory_space<hbm>> -> memref<1x80x128xf32, #tpu.memory_space<hbm>>
      %dma_start3A_87 = tpu.memref_squeeze %dma_start3A_86 : memref<1x80x128xf32, #tpu.memory_space<hbm>> -> memref<80x128xf32, #tpu.memory_space<hbm>>
      %dma_start3A_88 = arith.constant 0 : i32
      %dma_start3A_89 = tpu.memref_slice %arg3[%arg0, %add3A_61, %dma_start3A_88] : memref<2x10240x128xf32, #tpu.memory_space<hbm>> -> memref<1x80x128xf32, #tpu.memory_space<hbm>>
      %dma_start3A_90 = tpu.memref_squeeze %dma_start3A_89 : memref<1x80x128xf32, #tpu.memory_space<hbm>> -> memref<80x128xf32, #tpu.memory_space<hbm>>
      tpu.enqueue_dma source(%arg5 : memref<80x128xf32, #tpu.memory_space<vmem>>) target(%dma_start3A_90 : memref<80x128xf32, #tpu.memory_space<hbm>>) target_semaphore(%run_scoped3A : memref<!tpu.dma_semaphore, #tpu.memory_space<semaphore_mem>>)
      %dma_wait3A = arith.constant 0 : i32
      %dma_wait3A_91 = tpu.memref_slice %arg3[%arg0, %add3A_61, %dma_wait3A] : memref<2x10240x128xf32, #tpu.memory_space<hbm>> -> memref<1x80x128xf32, #tpu.memory_space<hbm>>
      %dma_wait3A_92 = tpu.memref_squeeze %dma_wait3A_91 : memref<1x80x128xf32, #tpu.memory_space<hbm>> -> memref<80x128xf32, #tpu.memory_space<hbm>>
      %dma_wait3A_93 = arith.constant 0 : i32
      %dma_wait3A_94 = tpu.memref_slice %arg3[%arg0, %add3A_61, %dma_wait3A_93] : memref<2x10240x128xf32, #tpu.memory_space<hbm>> -> memref<1x80x128xf32, #tpu.memory_space<hbm>>
      %dma_wait3A_95 = tpu.memref_squeeze %dma_wait3A_94 : memref<1x80x128xf32, #tpu.memory_space<hbm>> -> memref<80x128xf32, #tpu.memory_space<hbm>>
      tpu.wait_dma2 semaphore(%run_scoped3A : memref<!tpu.dma_semaphore, #tpu.memory_space<semaphore_mem>>) src(%arg5 : memref<80x128xf32, #tpu.memory_space<vmem>>) dst(%dma_wait3A_95 : memref<80x128xf32, #tpu.memory_space<hbm>>)
      tpu.yield
    }) : () -> ()
    %mul3A_62 = arith.constant 640 : i32
    %mul3A_63 = arith.muli %arg1, %mul3A_62 : i32
    %add3A_64 = arith.constant 160 : i32
    %add3A_65 = arith.addi %mul3A_63, %add3A_64 : i32
    "tpu.region"() ({
      %run_scoped3A = tpu.sem_alloc : memref<!tpu.dma_semaphore, #tpu.memory_space<semaphore_mem>>
      %dma_start3A = arith.constant 0 : i32
      %dma_start3A_86 = tpu.memref_slice %arg6[%add3A_65, %dma_start3A] : memref<10240x128xf32, #tpu.memory_space<vmem_shared>> -> memref<80x128xf32, #tpu.memory_space<vmem_shared>>
      %dma_start3A_87 = arith.constant 0 : i32
      %dma_start3A_88 = tpu.memref_slice %arg6[%add3A_65, %dma_start3A_87] : memref<10240x128xf32, #tpu.memory_space<vmem_shared>> -> memref<80x128xf32, #tpu.memory_space<vmem_shared>>
      tpu.enqueue_dma source(%dma_start3A_88 : memref<80x128xf32, #tpu.memory_space<vmem_shared>>) target(%arg5 : memref<80x128xf32, #tpu.memory_space<vmem>>) target_semaphore(%run_scoped3A : memref<!tpu.dma_semaphore, #tpu.memory_space<semaphore_mem>>)
      %dma_wait3A = arith.constant 0 : i32
      %dma_wait3A_89 = tpu.memref_slice %arg6[%add3A_65, %dma_wait3A] : memref<10240x128xf32, #tpu.memory_space<vmem_shared>> -> memref<80x128xf32, #tpu.memory_space<vmem_shared>>
      %dma_wait3A_90 = arith.constant 0 : i32
      %dma_wait3A_91 = tpu.memref_slice %arg6[%add3A_65, %dma_wait3A_90] : memref<10240x128xf32, #tpu.memory_space<vmem_shared>> -> memref<80x128xf32, #tpu.memory_space<vmem_shared>>
      tpu.wait_dma2 semaphore(%run_scoped3A : memref<!tpu.dma_semaphore, #tpu.memory_space<semaphore_mem>>) src(%dma_wait3A_91 : memref<80x128xf32, #tpu.memory_space<vmem_shared>>) dst(%arg5 : memref<80x128xf32, #tpu.memory_space<vmem>>)
      tpu.yield
    }) : () -> ()
    "tpu.region"() ({
      %run_scoped3A = tpu.sem_alloc : memref<!tpu.dma_semaphore, #tpu.memory_space<semaphore_mem>>
      %dma_start3A = arith.constant 0 : i32
      %dma_start3A_86 = tpu.memref_slice %arg3[%arg0, %add3A_65, %dma_start3A] : memref<2x10240x128xf32, #tpu.memory_space<hbm>> -> memref<1x80x128xf32, #tpu.memory_space<hbm>>
      %dma_start3A_87 = tpu.memref_squeeze %dma_start3A_86 : memref<1x80x128xf32, #tpu.memory_space<hbm>> -> memref<80x128xf32, #tpu.memory_space<hbm>>
      %dma_start3A_88 = arith.constant 0 : i32
      %dma_start3A_89 = tpu.memref_slice %arg3[%arg0, %add3A_65, %dma_start3A_88] : memref<2x10240x128xf32, #tpu.memory_space<hbm>> -> memref<1x80x128xf32, #tpu.memory_space<hbm>>
      %dma_start3A_90 = tpu.memref_squeeze %dma_start3A_89 : memref<1x80x128xf32, #tpu.memory_space<hbm>> -> memref<80x128xf32, #tpu.memory_space<hbm>>
      tpu.enqueue_dma source(%arg5 : memref<80x128xf32, #tpu.memory_space<vmem>>) target(%dma_start3A_90 : memref<80x128xf32, #tpu.memory_space<hbm>>) target_semaphore(%run_scoped3A : memref<!tpu.dma_semaphore, #tpu.memory_space<semaphore_mem>>)
      %dma_wait3A = arith.constant 0 : i32
      %dma_wait3A_91 = tpu.memref_slice %arg3[%arg0, %add3A_65, %dma_wait3A] : memref<2x10240x128xf32, #tpu.memory_space<hbm>> -> memref<1x80x128xf32, #tpu.memory_space<hbm>>
      %dma_wait3A_92 = tpu.memref_squeeze %dma_wait3A_91 : memref<1x80x128xf32, #tpu.memory_space<hbm>> -> memref<80x128xf32, #tpu.memory_space<hbm>>
      %dma_wait3A_93 = arith.constant 0 : i32
      %dma_wait3A_94 = tpu.memref_slice %arg3[%arg0, %add3A_65, %dma_wait3A_93] : memref<2x10240x128xf32, #tpu.memory_space<hbm>> -> memref<1x80x128xf32, #tpu.memory_space<hbm>>
      %dma_wait3A_95 = tpu.memref_squeeze %dma_wait3A_94 : memref<1x80x128xf32, #tpu.memory_space<hbm>> -> memref<80x128xf32, #tpu.memory_space<hbm>>
      tpu.wait_dma2 semaphore(%run_scoped3A : memref<!tpu.dma_semaphore, #tpu.memory_space<semaphore_mem>>) src(%arg5 : memref<80x128xf32, #tpu.memory_space<vmem>>) dst(%dma_wait3A_95 : memref<80x128xf32, #tpu.memory_space<hbm>>)
      tpu.yield
    }) : () -> ()
    %mul3A_66 = arith.constant 640 : i32
    %mul3A_67 = arith.muli %arg1, %mul3A_66 : i32
    %add3A_68 = arith.constant 240 : i32
    %add3A_69 = arith.addi %mul3A_67, %add3A_68 : i32
    "tpu.region"() ({
      %run_scoped3A = tpu.sem_alloc : memref<!tpu.dma_semaphore, #tpu.memory_space<semaphore_mem>>
      %dma_start3A = arith.constant 0 : i32
      %dma_start3A_86 = tpu.memref_slice %arg6[%add3A_69, %dma_start3A] : memref<10240x128xf32, #tpu.memory_space<vmem_shared>> -> memref<80x128xf32, #tpu.memory_space<vmem_shared>>
      %dma_start3A_87 = arith.constant 0 : i32
      %dma_start3A_88 = tpu.memref_slice %arg6[%add3A_69, %dma_start3A_87] : memref<10240x128xf32, #tpu.memory_space<vmem_shared>> -> memref<80x128xf32, #tpu.memory_space<vmem_shared>>
      tpu.enqueue_dma source(%dma_start3A_88 : memref<80x128xf32, #tpu.memory_space<vmem_shared>>) target(%arg5 : memref<80x128xf32, #tpu.memory_space<vmem>>) target_semaphore(%run_scoped3A : memref<!tpu.dma_semaphore, #tpu.memory_space<semaphore_mem>>)
      %dma_wait3A = arith.constant 0 : i32
      %dma_wait3A_89 = tpu.memref_slice %arg6[%add3A_69, %dma_wait3A] : memref<10240x128xf32, #tpu.memory_space<vmem_shared>> -> memref<80x128xf32, #tpu.memory_space<vmem_shared>>
      %dma_wait3A_90 = arith.constant 0 : i32
      %dma_wait3A_91 = tpu.memref_slice %arg6[%add3A_69, %dma_wait3A_90] : memref<10240x128xf32, #tpu.memory_space<vmem_shared>> -> memref<80x128xf32, #tpu.memory_space<vmem_shared>>
      tpu.wait_dma2 semaphore(%run_scoped3A : memref<!tpu.dma_semaphore, #tpu.memory_space<semaphore_mem>>) src(%dma_wait3A_91 : memref<80x128xf32, #tpu.memory_space<vmem_shared>>) dst(%arg5 : memref<80x128xf32, #tpu.memory_space<vmem>>)
      tpu.yield
    }) : () -> ()
    "tpu.region"() ({
      %run_scoped3A = tpu.sem_alloc : memref<!tpu.dma_semaphore, #tpu.memory_space<semaphore_mem>>
      %dma_start3A = arith.constant 0 : i32
      %dma_start3A_86 = tpu.memref_slice %arg3[%arg0, %add3A_69, %dma_start3A] : memref<2x10240x128xf32, #tpu.memory_space<hbm>> -> memref<1x80x128xf32, #tpu.memory_space<hbm>>
      %dma_start3A_87 = tpu.memref_squeeze %dma_start3A_86 : memref<1x80x128xf32, #tpu.memory_space<hbm>> -> memref<80x128xf32, #tpu.memory_space<hbm>>
      %dma_start3A_88 = arith.constant 0 : i32
      %dma_start3A_89 = tpu.memref_slice %arg3[%arg0, %add3A_69, %dma_start3A_88] : memref<2x10240x128xf32, #tpu.memory_space<hbm>> -> memref<1x80x128xf32, #tpu.memory_space<hbm>>
      %dma_start3A_90 = tpu.memref_squeeze %dma_start3A_89 : memref<1x80x128xf32, #tpu.memory_space<hbm>> -> memref<80x128xf32, #tpu.memory_space<hbm>>
      tpu.enqueue_dma source(%arg5 : memref<80x128xf32, #tpu.memory_space<vmem>>) target(%dma_start3A_90 : memref<80x128xf32, #tpu.memory_space<hbm>>) target_semaphore(%run_scoped3A : memref<!tpu.dma_semaphore, #tpu.memory_space<semaphore_mem>>)
      %dma_wait3A = arith.constant 0 : i32
      %dma_wait3A_91 = tpu.memref_slice %arg3[%arg0, %add3A_69, %dma_wait3A] : memref<2x10240x128xf32, #tpu.memory_space<hbm>> -> memref<1x80x128xf32, #tpu.memory_space<hbm>>
      %dma_wait3A_92 = tpu.memref_squeeze %dma_wait3A_91 : memref<1x80x128xf32, #tpu.memory_space<hbm>> -> memref<80x128xf32, #tpu.memory_space<hbm>>
      %dma_wait3A_93 = arith.constant 0 : i32
      %dma_wait3A_94 = tpu.memref_slice %arg3[%arg0, %add3A_69, %dma_wait3A_93] : memref<2x10240x128xf32, #tpu.memory_space<hbm>> -> memref<1x80x128xf32, #tpu.memory_space<hbm>>
      %dma_wait3A_95 = tpu.memref_squeeze %dma_wait3A_94 : memref<1x80x128xf32, #tpu.memory_space<hbm>> -> memref<80x128xf32, #tpu.memory_space<hbm>>
      tpu.wait_dma2 semaphore(%run_scoped3A : memref<!tpu.dma_semaphore, #tpu.memory_space<semaphore_mem>>) src(%arg5 : memref<80x128xf32, #tpu.memory_space<vmem>>) dst(%dma_wait3A_95 : memref<80x128xf32, #tpu.memory_space<hbm>>)
      tpu.yield
    }) : () -> ()
    %mul3A_70 = arith.constant 640 : i32
    %mul3A_71 = arith.muli %arg1, %mul3A_70 : i32
    %add3A_72 = arith.constant 320 : i32
    %add3A_73 = arith.addi %mul3A_71, %add3A_72 : i32
    "tpu.region"() ({
      %run_scoped3A = tpu.sem_alloc : memref<!tpu.dma_semaphore, #tpu.memory_space<semaphore_mem>>
      %dma_start3A = arith.constant 0 : i32
      %dma_start3A_86 = tpu.memref_slice %arg6[%add3A_73, %dma_start3A] : memref<10240x128xf32, #tpu.memory_space<vmem_shared>> -> memref<80x128xf32, #tpu.memory_space<vmem_shared>>
      %dma_start3A_87 = arith.constant 0 : i32
      %dma_start3A_88 = tpu.memref_slice %arg6[%add3A_73, %dma_start3A_87] : memref<10240x128xf32, #tpu.memory_space<vmem_shared>> -> memref<80x128xf32, #tpu.memory_space<vmem_shared>>
      tpu.enqueue_dma source(%dma_start3A_88 : memref<80x128xf32, #tpu.memory_space<vmem_shared>>) target(%arg5 : memref<80x128xf32, #tpu.memory_space<vmem>>) target_semaphore(%run_scoped3A : memref<!tpu.dma_semaphore, #tpu.memory_space<semaphore_mem>>)
      %dma_wait3A = arith.constant 0 : i32
      %dma_wait3A_89 = tpu.memref_slice %arg6[%add3A_73, %dma_wait3A] : memref<10240x128xf32, #tpu.memory_space<vmem_shared>> -> memref<80x128xf32, #tpu.memory_space<vmem_shared>>
      %dma_wait3A_90 = arith.constant 0 : i32
      %dma_wait3A_91 = tpu.memref_slice %arg6[%add3A_73, %dma_wait3A_90] : memref<10240x128xf32, #tpu.memory_space<vmem_shared>> -> memref<80x128xf32, #tpu.memory_space<vmem_shared>>
      tpu.wait_dma2 semaphore(%run_scoped3A : memref<!tpu.dma_semaphore, #tpu.memory_space<semaphore_mem>>) src(%dma_wait3A_91 : memref<80x128xf32, #tpu.memory_space<vmem_shared>>) dst(%arg5 : memref<80x128xf32, #tpu.memory_space<vmem>>)
      tpu.yield
    }) : () -> ()
    "tpu.region"() ({
      %run_scoped3A = tpu.sem_alloc : memref<!tpu.dma_semaphore, #tpu.memory_space<semaphore_mem>>
      %dma_start3A = arith.constant 0 : i32
      %dma_start3A_86 = tpu.memref_slice %arg3[%arg0, %add3A_73, %dma_start3A] : memref<2x10240x128xf32, #tpu.memory_space<hbm>> -> memref<1x80x128xf32, #tpu.memory_space<hbm>>
      %dma_start3A_87 = tpu.memref_squeeze %dma_start3A_86 : memref<1x80x128xf32, #tpu.memory_space<hbm>> -> memref<80x128xf32, #tpu.memory_space<hbm>>
      %dma_start3A_88 = arith.constant 0 : i32
      %dma_start3A_89 = tpu.memref_slice %arg3[%arg0, %add3A_73, %dma_start3A_88] : memref<2x10240x128xf32, #tpu.memory_space<hbm>> -> memref<1x80x128xf32, #tpu.memory_space<hbm>>
      %dma_start3A_90 = tpu.memref_squeeze %dma_start3A_89 : memref<1x80x128xf32, #tpu.memory_space<hbm>> -> memref<80x128xf32, #tpu.memory_space<hbm>>
      tpu.enqueue_dma source(%arg5 : memref<80x128xf32, #tpu.memory_space<vmem>>) target(%dma_start3A_90 : memref<80x128xf32, #tpu.memory_space<hbm>>) target_semaphore(%run_scoped3A : memref<!tpu.dma_semaphore, #tpu.memory_space<semaphore_mem>>)
      %dma_wait3A = arith.constant 0 : i32
      %dma_wait3A_91 = tpu.memref_slice %arg3[%arg0, %add3A_73, %dma_wait3A] : memref<2x10240x128xf32, #tpu.memory_space<hbm>> -> memref<1x80x128xf32, #tpu.memory_space<hbm>>
      %dma_wait3A_92 = tpu.memref_squeeze %dma_wait3A_91 : memref<1x80x128xf32, #tpu.memory_space<hbm>> -> memref<80x128xf32, #tpu.memory_space<hbm>>
      %dma_wait3A_93 = arith.constant 0 : i32
      %dma_wait3A_94 = tpu.memref_slice %arg3[%arg0, %add3A_73, %dma_wait3A_93] : memref<2x10240x128xf32, #tpu.memory_space<hbm>> -> memref<1x80x128xf32, #tpu.memory_space<hbm>>
      %dma_wait3A_95 = tpu.memref_squeeze %dma_wait3A_94 : memref<1x80x128xf32, #tpu.memory_space<hbm>> -> memref<80x128xf32, #tpu.memory_space<hbm>>
      tpu.wait_dma2 semaphore(%run_scoped3A : memref<!tpu.dma_semaphore, #tpu.memory_space<semaphore_mem>>) src(%arg5 : memref<80x128xf32, #tpu.memory_space<vmem>>) dst(%dma_wait3A_95 : memref<80x128xf32, #tpu.memory_space<hbm>>)
      tpu.yield
    }) : () -> ()
    %mul3A_74 = arith.constant 640 : i32
    %mul3A_75 = arith.muli %arg1, %mul3A_74 : i32
    %add3A_76 = arith.constant 400 : i32
    %add3A_77 = arith.addi %mul3A_75, %add3A_76 : i32
    "tpu.region"() ({
      %run_scoped3A = tpu.sem_alloc : memref<!tpu.dma_semaphore, #tpu.memory_space<semaphore_mem>>
      %dma_start3A = arith.constant 0 : i32
      %dma_start3A_86 = tpu.memref_slice %arg6[%add3A_77, %dma_start3A] : memref<10240x128xf32, #tpu.memory_space<vmem_shared>> -> memref<80x128xf32, #tpu.memory_space<vmem_shared>>
      %dma_start3A_87 = arith.constant 0 : i32
      %dma_start3A_88 = tpu.memref_slice %arg6[%add3A_77, %dma_start3A_87] : memref<10240x128xf32, #tpu.memory_space<vmem_shared>> -> memref<80x128xf32, #tpu.memory_space<vmem_shared>>
      tpu.enqueue_dma source(%dma_start3A_88 : memref<80x128xf32, #tpu.memory_space<vmem_shared>>) target(%arg5 : memref<80x128xf32, #tpu.memory_space<vmem>>) target_semaphore(%run_scoped3A : memref<!tpu.dma_semaphore, #tpu.memory_space<semaphore_mem>>)
      %dma_wait3A = arith.constant 0 : i32
      %dma_wait3A_89 = tpu.memref_slice %arg6[%add3A_77, %dma_wait3A] : memref<10240x128xf32, #tpu.memory_space<vmem_shared>> -> memref<80x128xf32, #tpu.memory_space<vmem_shared>>
      %dma_wait3A_90 = arith.constant 0 : i32
      %dma_wait3A_91 = tpu.memref_slice %arg6[%add3A_77, %dma_wait3A_90] : memref<10240x128xf32, #tpu.memory_space<vmem_shared>> -> memref<80x128xf32, #tpu.memory_space<vmem_shared>>
      tpu.wait_dma2 semaphore(%run_scoped3A : memref<!tpu.dma_semaphore, #tpu.memory_space<semaphore_mem>>) src(%dma_wait3A_91 : memref<80x128xf32, #tpu.memory_space<vmem_shared>>) dst(%arg5 : memref<80x128xf32, #tpu.memory_space<vmem>>)
      tpu.yield
    }) : () -> ()
    "tpu.region"() ({
      %run_scoped3A = tpu.sem_alloc : memref<!tpu.dma_semaphore, #tpu.memory_space<semaphore_mem>>
      %dma_start3A = arith.constant 0 : i32
      %dma_start3A_86 = tpu.memref_slice %arg3[%arg0, %add3A_77, %dma_start3A] : memref<2x10240x128xf32, #tpu.memory_space<hbm>> -> memref<1x80x128xf32, #tpu.memory_space<hbm>>
      %dma_start3A_87 = tpu.memref_squeeze %dma_start3A_86 : memref<1x80x128xf32, #tpu.memory_space<hbm>> -> memref<80x128xf32, #tpu.memory_space<hbm>>
      %dma_start3A_88 = arith.constant 0 : i32
      %dma_start3A_89 = tpu.memref_slice %arg3[%arg0, %add3A_77, %dma_start3A_88] : memref<2x10240x128xf32, #tpu.memory_space<hbm>> -> memref<1x80x128xf32, #tpu.memory_space<hbm>>
      %dma_start3A_90 = tpu.memref_squeeze %dma_start3A_89 : memref<1x80x128xf32, #tpu.memory_space<hbm>> -> memref<80x128xf32, #tpu.memory_space<hbm>>
      tpu.enqueue_dma source(%arg5 : memref<80x128xf32, #tpu.memory_space<vmem>>) target(%dma_start3A_90 : memref<80x128xf32, #tpu.memory_space<hbm>>) target_semaphore(%run_scoped3A : memref<!tpu.dma_semaphore, #tpu.memory_space<semaphore_mem>>)
      %dma_wait3A = arith.constant 0 : i32
      %dma_wait3A_91 = tpu.memref_slice %arg3[%arg0, %add3A_77, %dma_wait3A] : memref<2x10240x128xf32, #tpu.memory_space<hbm>> -> memref<1x80x128xf32, #tpu.memory_space<hbm>>
      %dma_wait3A_92 = tpu.memref_squeeze %dma_wait3A_91 : memref<1x80x128xf32, #tpu.memory_space<hbm>> -> memref<80x128xf32, #tpu.memory_space<hbm>>
      %dma_wait3A_93 = arith.constant 0 : i32
      %dma_wait3A_94 = tpu.memref_slice %arg3[%arg0, %add3A_77, %dma_wait3A_93] : memref<2x10240x128xf32, #tpu.memory_space<hbm>> -> memref<1x80x128xf32, #tpu.memory_space<hbm>>
      %dma_wait3A_95 = tpu.memref_squeeze %dma_wait3A_94 : memref<1x80x128xf32, #tpu.memory_space<hbm>> -> memref<80x128xf32, #tpu.memory_space<hbm>>
      tpu.wait_dma2 semaphore(%run_scoped3A : memref<!tpu.dma_semaphore, #tpu.memory_space<semaphore_mem>>) src(%arg5 : memref<80x128xf32, #tpu.memory_space<vmem>>) dst(%dma_wait3A_95 : memref<80x128xf32, #tpu.memory_space<hbm>>)
      tpu.yield
    }) : () -> ()
    %mul3A_78 = arith.constant 640 : i32
    %mul3A_79 = arith.muli %arg1, %mul3A_78 : i32
    %add3A_80 = arith.constant 480 : i32
    %add3A_81 = arith.addi %mul3A_79, %add3A_80 : i32
    "tpu.region"() ({
      %run_scoped3A = tpu.sem_alloc : memref<!tpu.dma_semaphore, #tpu.memory_space<semaphore_mem>>
      %dma_start3A = arith.constant 0 : i32
      %dma_start3A_86 = tpu.memref_slice %arg6[%add3A_81, %dma_start3A] : memref<10240x128xf32, #tpu.memory_space<vmem_shared>> -> memref<80x128xf32, #tpu.memory_space<vmem_shared>>
      %dma_start3A_87 = arith.constant 0 : i32
      %dma_start3A_88 = tpu.memref_slice %arg6[%add3A_81, %dma_start3A_87] : memref<10240x128xf32, #tpu.memory_space<vmem_shared>> -> memref<80x128xf32, #tpu.memory_space<vmem_shared>>
      tpu.enqueue_dma source(%dma_start3A_88 : memref<80x128xf32, #tpu.memory_space<vmem_shared>>) target(%arg5 : memref<80x128xf32, #tpu.memory_space<vmem>>) target_semaphore(%run_scoped3A : memref<!tpu.dma_semaphore, #tpu.memory_space<semaphore_mem>>)
      %dma_wait3A = arith.constant 0 : i32
      %dma_wait3A_89 = tpu.memref_slice %arg6[%add3A_81, %dma_wait3A] : memref<10240x128xf32, #tpu.memory_space<vmem_shared>> -> memref<80x128xf32, #tpu.memory_space<vmem_shared>>
      %dma_wait3A_90 = arith.constant 0 : i32
      %dma_wait3A_91 = tpu.memref_slice %arg6[%add3A_81, %dma_wait3A_90] : memref<10240x128xf32, #tpu.memory_space<vmem_shared>> -> memref<80x128xf32, #tpu.memory_space<vmem_shared>>
      tpu.wait_dma2 semaphore(%run_scoped3A : memref<!tpu.dma_semaphore, #tpu.memory_space<semaphore_mem>>) src(%dma_wait3A_91 : memref<80x128xf32, #tpu.memory_space<vmem_shared>>) dst(%arg5 : memref<80x128xf32, #tpu.memory_space<vmem>>)
      tpu.yield
    }) : () -> ()
    "tpu.region"() ({
      %run_scoped3A = tpu.sem_alloc : memref<!tpu.dma_semaphore, #tpu.memory_space<semaphore_mem>>
      %dma_start3A = arith.constant 0 : i32
      %dma_start3A_86 = tpu.memref_slice %arg3[%arg0, %add3A_81, %dma_start3A] : memref<2x10240x128xf32, #tpu.memory_space<hbm>> -> memref<1x80x128xf32, #tpu.memory_space<hbm>>
      %dma_start3A_87 = tpu.memref_squeeze %dma_start3A_86 : memref<1x80x128xf32, #tpu.memory_space<hbm>> -> memref<80x128xf32, #tpu.memory_space<hbm>>
      %dma_start3A_88 = arith.constant 0 : i32
      %dma_start3A_89 = tpu.memref_slice %arg3[%arg0, %add3A_81, %dma_start3A_88] : memref<2x10240x128xf32, #tpu.memory_space<hbm>> -> memref<1x80x128xf32, #tpu.memory_space<hbm>>
      %dma_start3A_90 = tpu.memref_squeeze %dma_start3A_89 : memref<1x80x128xf32, #tpu.memory_space<hbm>> -> memref<80x128xf32, #tpu.memory_space<hbm>>
      tpu.enqueue_dma source(%arg5 : memref<80x128xf32, #tpu.memory_space<vmem>>) target(%dma_start3A_90 : memref<80x128xf32, #tpu.memory_space<hbm>>) target_semaphore(%run_scoped3A : memref<!tpu.dma_semaphore, #tpu.memory_space<semaphore_mem>>)
      %dma_wait3A = arith.constant 0 : i32
      %dma_wait3A_91 = tpu.memref_slice %arg3[%arg0, %add3A_81, %dma_wait3A] : memref<2x10240x128xf32, #tpu.memory_space<hbm>> -> memref<1x80x128xf32, #tpu.memory_space<hbm>>
      %dma_wait3A_92 = tpu.memref_squeeze %dma_wait3A_91 : memref<1x80x128xf32, #tpu.memory_space<hbm>> -> memref<80x128xf32, #tpu.memory_space<hbm>>
      %dma_wait3A_93 = arith.constant 0 : i32
      %dma_wait3A_94 = tpu.memref_slice %arg3[%arg0, %add3A_81, %dma_wait3A_93] : memref<2x10240x128xf32, #tpu.memory_space<hbm>> -> memref<1x80x128xf32, #tpu.memory_space<hbm>>
      %dma_wait3A_95 = tpu.memref_squeeze %dma_wait3A_94 : memref<1x80x128xf32, #tpu.memory_space<hbm>> -> memref<80x128xf32, #tpu.memory_space<hbm>>
      tpu.wait_dma2 semaphore(%run_scoped3A : memref<!tpu.dma_semaphore, #tpu.memory_space<semaphore_mem>>) src(%arg5 : memref<80x128xf32, #tpu.memory_space<vmem>>) dst(%dma_wait3A_95 : memref<80x128xf32, #tpu.memory_space<hbm>>)
      tpu.yield
    }) : () -> ()
    %mul3A_82 = arith.constant 640 : i32
    %mul3A_83 = arith.muli %arg1, %mul3A_82 : i32
    %add3A_84 = arith.constant 560 : i32
    %add3A_85 = arith.addi %mul3A_83, %add3A_84 : i32
    "tpu.region"() ({
      %run_scoped3A = tpu.sem_alloc : memref<!tpu.dma_semaphore, #tpu.memory_space<semaphore_mem>>
      %dma_start3A = arith.constant 0 : i32
      %dma_start3A_86 = tpu.memref_slice %arg6[%add3A_85, %dma_start3A] : memref<10240x128xf32, #tpu.memory_space<vmem_shared>> -> memref<80x128xf32, #tpu.memory_space<vmem_shared>>
      %dma_start3A_87 = arith.constant 0 : i32
      %dma_start3A_88 = tpu.memref_slice %arg6[%add3A_85, %dma_start3A_87] : memref<10240x128xf32, #tpu.memory_space<vmem_shared>> -> memref<80x128xf32, #tpu.memory_space<vmem_shared>>
      tpu.enqueue_dma source(%dma_start3A_88 : memref<80x128xf32, #tpu.memory_space<vmem_shared>>) target(%arg5 : memref<80x128xf32, #tpu.memory_space<vmem>>) target_semaphore(%run_scoped3A : memref<!tpu.dma_semaphore, #tpu.memory_space<semaphore_mem>>)
      %dma_wait3A = arith.constant 0 : i32
      %dma_wait3A_89 = tpu.memref_slice %arg6[%add3A_85, %dma_wait3A] : memref<10240x128xf32, #tpu.memory_space<vmem_shared>> -> memref<80x128xf32, #tpu.memory_space<vmem_shared>>
      %dma_wait3A_90 = arith.constant 0 : i32
      %dma_wait3A_91 = tpu.memref_slice %arg6[%add3A_85, %dma_wait3A_90] : memref<10240x128xf32, #tpu.memory_space<vmem_shared>> -> memref<80x128xf32, #tpu.memory_space<vmem_shared>>
      tpu.wait_dma2 semaphore(%run_scoped3A : memref<!tpu.dma_semaphore, #tpu.memory_space<semaphore_mem>>) src(%dma_wait3A_91 : memref<80x128xf32, #tpu.memory_space<vmem_shared>>) dst(%arg5 : memref<80x128xf32, #tpu.memory_space<vmem>>)
      tpu.yield
    }) : () -> ()
    "tpu.region"() ({
      %run_scoped3A = tpu.sem_alloc : memref<!tpu.dma_semaphore, #tpu.memory_space<semaphore_mem>>
      %dma_start3A = arith.constant 0 : i32
      %dma_start3A_86 = tpu.memref_slice %arg3[%arg0, %add3A_85, %dma_start3A] : memref<2x10240x128xf32, #tpu.memory_space<hbm>> -> memref<1x80x128xf32, #tpu.memory_space<hbm>>
      %dma_start3A_87 = tpu.memref_squeeze %dma_start3A_86 : memref<1x80x128xf32, #tpu.memory_space<hbm>> -> memref<80x128xf32, #tpu.memory_space<hbm>>
      %dma_start3A_88 = arith.constant 0 : i32
      %dma_start3A_89 = tpu.memref_slice %arg3[%arg0, %add3A_85, %dma_start3A_88] : memref<2x10240x128xf32, #tpu.memory_space<hbm>> -> memref<1x80x128xf32, #tpu.memory_space<hbm>>
      %dma_start3A_90 = tpu.memref_squeeze %dma_start3A_89 : memref<1x80x128xf32, #tpu.memory_space<hbm>> -> memref<80x128xf32, #tpu.memory_space<hbm>>
      tpu.enqueue_dma source(%arg5 : memref<80x128xf32, #tpu.memory_space<vmem>>) target(%dma_start3A_90 : memref<80x128xf32, #tpu.memory_space<hbm>>) target_semaphore(%run_scoped3A : memref<!tpu.dma_semaphore, #tpu.memory_space<semaphore_mem>>)
      %dma_wait3A = arith.constant 0 : i32
      %dma_wait3A_91 = tpu.memref_slice %arg3[%arg0, %add3A_85, %dma_wait3A] : memref<2x10240x128xf32, #tpu.memory_space<hbm>> -> memref<1x80x128xf32, #tpu.memory_space<hbm>>
      %dma_wait3A_92 = tpu.memref_squeeze %dma_wait3A_91 : memref<1x80x128xf32, #tpu.memory_space<hbm>> -> memref<80x128xf32, #tpu.memory_space<hbm>>
      %dma_wait3A_93 = arith.constant 0 : i32
      %dma_wait3A_94 = tpu.memref_slice %arg3[%arg0, %add3A_85, %dma_wait3A_93] : memref<2x10240x128xf32, #tpu.memory_space<hbm>> -> memref<1x80x128xf32, #tpu.memory_space<hbm>>
      %dma_wait3A_95 = tpu.memref_squeeze %dma_wait3A_94 : memref<1x80x128xf32, #tpu.memory_space<hbm>> -> memref<80x128xf32, #tpu.memory_space<hbm>>
      tpu.wait_dma2 semaphore(%run_scoped3A : memref<!tpu.dma_semaphore, #tpu.memory_space<semaphore_mem>>) src(%arg5 : memref<80x128xf32, #tpu.memory_space<vmem>>) dst(%dma_wait3A_95 : memref<80x128xf32, #tpu.memory_space<hbm>>)
      tpu.yield
    }) : () -> ()
    return
  }
}

#map = affine_map<(d0, d1) -> (0, 0)>
#map1 = affine_map<(d0, d1) -> (0, 0, 0)>
module attributes {stable_mosaic.version = 14 : i64} {
  func.func @_sc_spmm(%arg0: i32, %arg1: i32, %arg2: memref<10000x128xf32, #tpu.memory_space<hbm>>, %arg3: memref<32x125x80xi32, #tpu.memory_space<hbm>>, %arg4: memref<32x125x80xi32, #tpu.memory_space<hbm>>, %arg5: memref<2x10240x128xf32, #tpu.memory_space<hbm>>, %arg6: memref<125x80xi32, #tpu.memory_space<vmem>>, %arg7: memref<125x80xi32, #tpu.memory_space<vmem>>, %arg8: memref<80x128xf32, #tpu.memory_space<vmem>>, %arg9: memref<10240x128xf32, #tpu.memory_space<vmem_shared>>, %arg10: memref<!tpu.dma_semaphore, #tpu.memory_space<semaphore_mem>>) attributes {dimension_semantics = [#tpu.dimension_semantics<core_parallel>, #tpu.dimension_semantics<subcore_parallel>], iteration_bounds = array<i64: 2, 16>, scalar_prefetch = 0 : i64, scratch_operands = 5 : i64, tpu.core_type = #tpu.core_type<sc_vector_subcore>, window_params = [{transform_indices = #map}, {transform_indices = #map1}, {transform_indices = #map1}, {transform_indices = #map1}]} {
    %mul3A = arith.constant 2 : i32
    %mul3A_0 = arith.muli %arg1, %mul3A : i32
    %add3A = arith.addi %mul3A_0, %arg0 : i32
    %scan3A = arith.constant 0 : i32
    %scan3A_1 = arith.constant 0 : i32
    %scan3A_2 = arith.constant 80 : i32
    %scan3A_3 = arith.addi %scan3A_1, %scan3A_2 : i32
    %scan3A_4 = arith.constant 1 : i32
    %scan3A_5 = scf.for %scan3A_79 = %scan3A_1 to %scan3A_3 step %scan3A_4 iter_args(%scan3A_80 = %scan3A) -> (i32)  : i32 {
      %broadcast_in_dim3A = arith.constant 0.000000e+00 : f32
      %broadcast_in_dim3A_81 = vector.broadcast %broadcast_in_dim3A : f32 to vector<16xf32>
      %swap3A = arith.index_cast %scan3A_79 : i32 to index
      %swap3A_82 = arith.constant 0 : index
      %swap3A_83 = tpu.vector_load %arg8[%swap3A, %swap3A_82] {strides = array<i32>} : memref<80x128xf32, #tpu.memory_space<vmem>>, vector<1x16xf32>,
      %swap3A_84 = vector.shape_cast %swap3A_83 : vector<1x16xf32> to vector<16xf32>
      %swap3A_85 = vector.shape_cast %broadcast_in_dim3A_81 : vector<16xf32> to vector<1x16xf32>
      tpu.vector_store %arg8[%swap3A, %swap3A_82], %swap3A_85 {strides = array<i32>} : memref<80x128xf32, #tpu.memory_space<vmem>>, vector<1x16xf32>,
      %broadcast_in_dim3A_86 = arith.constant 0.000000e+00 : f32
      %broadcast_in_dim3A_87 = vector.broadcast %broadcast_in_dim3A_86 : f32 to vector<16xf32>
      %swap3A_88 = arith.index_cast %scan3A_79 : i32 to index
      %swap3A_89 = arith.constant 16 : index
      %swap3A_90 = tpu.vector_load %arg8[%swap3A_88, %swap3A_89] {strides = array<i32>} : memref<80x128xf32, #tpu.memory_space<vmem>>, vector<1x16xf32>,
      %swap3A_91 = vector.shape_cast %swap3A_90 : vector<1x16xf32> to vector<16xf32>
      %swap3A_92 = vector.shape_cast %broadcast_in_dim3A_87 : vector<16xf32> to vector<1x16xf32>
      tpu.vector_store %arg8[%swap3A_88, %swap3A_89], %swap3A_92 {strides = array<i32>} : memref<80x128xf32, #tpu.memory_space<vmem>>, vector<1x16xf32>,
      %broadcast_in_dim3A_93 = arith.constant 0.000000e+00 : f32
      %broadcast_in_dim3A_94 = vector.broadcast %broadcast_in_dim3A_93 : f32 to vector<16xf32>
      %swap3A_95 = arith.index_cast %scan3A_79 : i32 to index
      %swap3A_96 = arith.constant 32 : index
      %swap3A_97 = tpu.vector_load %arg8[%swap3A_95, %swap3A_96] {strides = array<i32>} : memref<80x128xf32, #tpu.memory_space<vmem>>, vector<1x16xf32>,
      %swap3A_98 = vector.shape_cast %swap3A_97 : vector<1x16xf32> to vector<16xf32>
      %swap3A_99 = vector.shape_cast %broadcast_in_dim3A_94 : vector<16xf32> to vector<1x16xf32>
      tpu.vector_store %arg8[%swap3A_95, %swap3A_96], %swap3A_99 {strides = array<i32>} : memref<80x128xf32, #tpu.memory_space<vmem>>, vector<1x16xf32>,
      %broadcast_in_dim3A_100 = arith.constant 0.000000e+00 : f32
      %broadcast_in_dim3A_101 = vector.broadcast %broadcast_in_dim3A_100 : f32 to vector<16xf32>
      %swap3A_102 = arith.index_cast %scan3A_79 : i32 to index
      %swap3A_103 = arith.constant 48 : index
      %swap3A_104 = tpu.vector_load %arg8[%swap3A_102, %swap3A_103] {strides = array<i32>} : memref<80x128xf32, #tpu.memory_space<vmem>>, vector<1x16xf32>,
      %swap3A_105 = vector.shape_cast %swap3A_104 : vector<1x16xf32> to vector<16xf32>
      %swap3A_106 = vector.shape_cast %broadcast_in_dim3A_101 : vector<16xf32> to vector<1x16xf32>
      tpu.vector_store %arg8[%swap3A_102, %swap3A_103], %swap3A_106 {strides = array<i32>} : memref<80x128xf32, #tpu.memory_space<vmem>>, vector<1x16xf32>,
      %broadcast_in_dim3A_107 = arith.constant 0.000000e+00 : f32
      %broadcast_in_dim3A_108 = vector.broadcast %broadcast_in_dim3A_107 : f32 to vector<16xf32>
      %swap3A_109 = arith.index_cast %scan3A_79 : i32 to index
      %swap3A_110 = arith.constant 64 : index
      %swap3A_111 = tpu.vector_load %arg8[%swap3A_109, %swap3A_110] {strides = array<i32>} : memref<80x128xf32, #tpu.memory_space<vmem>>, vector<1x16xf32>,
      %swap3A_112 = vector.shape_cast %swap3A_111 : vector<1x16xf32> to vector<16xf32>
      %swap3A_113 = vector.shape_cast %broadcast_in_dim3A_108 : vector<16xf32> to vector<1x16xf32>
      tpu.vector_store %arg8[%swap3A_109, %swap3A_110], %swap3A_113 {strides = array<i32>} : memref<80x128xf32, #tpu.memory_space<vmem>>, vector<1x16xf32>,
      %broadcast_in_dim3A_114 = arith.constant 0.000000e+00 : f32
      %broadcast_in_dim3A_115 = vector.broadcast %broadcast_in_dim3A_114 : f32 to vector<16xf32>
      %swap3A_116 = arith.index_cast %scan3A_79 : i32 to index
      %swap3A_117 = arith.constant 80 : index
      %swap3A_118 = tpu.vector_load %arg8[%swap3A_116, %swap3A_117] {strides = array<i32>} : memref<80x128xf32, #tpu.memory_space<vmem>>, vector<1x16xf32>,
      %swap3A_119 = vector.shape_cast %swap3A_118 : vector<1x16xf32> to vector<16xf32>
      %swap3A_120 = vector.shape_cast %broadcast_in_dim3A_115 : vector<16xf32> to vector<1x16xf32>
      tpu.vector_store %arg8[%swap3A_116, %swap3A_117], %swap3A_120 {strides = array<i32>} : memref<80x128xf32, #tpu.memory_space<vmem>>, vector<1x16xf32>,
      %broadcast_in_dim3A_121 = arith.constant 0.000000e+00 : f32
      %broadcast_in_dim3A_122 = vector.broadcast %broadcast_in_dim3A_121 : f32 to vector<16xf32>
      %swap3A_123 = arith.index_cast %scan3A_79 : i32 to index
      %swap3A_124 = arith.constant 96 : index
      %swap3A_125 = tpu.vector_load %arg8[%swap3A_123, %swap3A_124] {strides = array<i32>} : memref<80x128xf32, #tpu.memory_space<vmem>>, vector<1x16xf32>,
      %swap3A_126 = vector.shape_cast %swap3A_125 : vector<1x16xf32> to vector<16xf32>
      %swap3A_127 = vector.shape_cast %broadcast_in_dim3A_122 : vector<16xf32> to vector<1x16xf32>
      tpu.vector_store %arg8[%swap3A_123, %swap3A_124], %swap3A_127 {strides = array<i32>} : memref<80x128xf32, #tpu.memory_space<vmem>>, vector<1x16xf32>,
      %broadcast_in_dim3A_128 = arith.constant 0.000000e+00 : f32
      %broadcast_in_dim3A_129 = vector.broadcast %broadcast_in_dim3A_128 : f32 to vector<16xf32>
      %swap3A_130 = arith.index_cast %scan3A_79 : i32 to index
      %swap3A_131 = arith.constant 112 : index
      %swap3A_132 = tpu.vector_load %arg8[%swap3A_130, %swap3A_131] {strides = array<i32>} : memref<80x128xf32, #tpu.memory_space<vmem>>, vector<1x16xf32>,
      %swap3A_133 = vector.shape_cast %swap3A_132 : vector<1x16xf32> to vector<16xf32>
      %swap3A_134 = vector.shape_cast %broadcast_in_dim3A_129 : vector<16xf32> to vector<1x16xf32>
      tpu.vector_store %arg8[%swap3A_130, %swap3A_131], %swap3A_134 {strides = array<i32>} : memref<80x128xf32, #tpu.memory_space<vmem>>, vector<1x16xf32>,
      %scan3A_135 = arith.constant 0 : i32
      scf.yield %scan3A_135 : i32
    }
    %scan3A_6 = arith.constant 80 : i32
    %mul3A_7 = arith.constant 640 : i32
    %mul3A_8 = arith.muli %arg1, %mul3A_7 : i32
    %add3A_9 = arith.constant 0 : i32
    %add3A_10 = arith.addi %mul3A_8, %add3A_9 : i32
    "tpu.region"() ({
      %run_scoped3A = tpu.sem_alloc : memref<!tpu.dma_semaphore, #tpu.memory_space<semaphore_mem>>
      %dma_start3A = arith.constant 0 : i32
      %dma_start3A_79 = tpu.memref_slice %arg9[%add3A_10, %dma_start3A] : memref<10240x128xf32, #tpu.memory_space<vmem_shared>> -> memref<80x128xf32, #tpu.memory_space<vmem_shared>>
      %dma_start3A_80 = arith.constant 0 : i32
      %dma_start3A_81 = tpu.memref_slice %arg9[%add3A_10, %dma_start3A_80] : memref<10240x128xf32, #tpu.memory_space<vmem_shared>> -> memref<80x128xf32, #tpu.memory_space<vmem_shared>>
      tpu.enqueue_dma source(%arg8 : memref<80x128xf32, #tpu.memory_space<vmem>>) target(%dma_start3A_81 : memref<80x128xf32, #tpu.memory_space<vmem_shared>>) target_semaphore(%run_scoped3A : memref<!tpu.dma_semaphore, #tpu.memory_space<semaphore_mem>>)
      %dma_wait3A = arith.constant 0 : i32
      %dma_wait3A_82 = tpu.memref_slice %arg9[%add3A_10, %dma_wait3A] : memref<10240x128xf32, #tpu.memory_space<vmem_shared>> -> memref<80x128xf32, #tpu.memory_space<vmem_shared>>
      %dma_wait3A_83 = arith.constant 0 : i32
      %dma_wait3A_84 = tpu.memref_slice %arg9[%add3A_10, %dma_wait3A_83] : memref<10240x128xf32, #tpu.memory_space<vmem_shared>> -> memref<80x128xf32, #tpu.memory_space<vmem_shared>>
      tpu.wait_dma2 semaphore(%run_scoped3A : memref<!tpu.dma_semaphore, #tpu.memory_space<semaphore_mem>>) src(%arg8 : memref<80x128xf32, #tpu.memory_space<vmem>>) dst(%dma_wait3A_84 : memref<80x128xf32, #tpu.memory_space<vmem_shared>>)
      tpu.yield
    }) : () -> ()
    %mul3A_11 = arith.constant 640 : i32
    %mul3A_12 = arith.muli %arg1, %mul3A_11 : i32
    %add3A_13 = arith.constant 80 : i32
    %add3A_14 = arith.addi %mul3A_12, %add3A_13 : i32
    "tpu.region"() ({
      %run_scoped3A = tpu.sem_alloc : memref<!tpu.dma_semaphore, #tpu.memory_space<semaphore_mem>>
      %dma_start3A = arith.constant 0 : i32
      %dma_start3A_79 = tpu.memref_slice %arg9[%add3A_14, %dma_start3A] : memref<10240x128xf32, #tpu.memory_space<vmem_shared>> -> memref<80x128xf32, #tpu.memory_space<vmem_shared>>
      %dma_start3A_80 = arith.constant 0 : i32
      %dma_start3A_81 = tpu.memref_slice %arg9[%add3A_14, %dma_start3A_80] : memref<10240x128xf32, #tpu.memory_space<vmem_shared>> -> memref<80x128xf32, #tpu.memory_space<vmem_shared>>
      tpu.enqueue_dma source(%arg8 : memref<80x128xf32, #tpu.memory_space<vmem>>) target(%dma_start3A_81 : memref<80x128xf32, #tpu.memory_space<vmem_shared>>) target_semaphore(%run_scoped3A : memref<!tpu.dma_semaphore, #tpu.memory_space<semaphore_mem>>)
      %dma_wait3A = arith.constant 0 : i32
      %dma_wait3A_82 = tpu.memref_slice %arg9[%add3A_14, %dma_wait3A] : memref<10240x128xf32, #tpu.memory_space<vmem_shared>> -> memref<80x128xf32, #tpu.memory_space<vmem_shared>>
      %dma_wait3A_83 = arith.constant 0 : i32
      %dma_wait3A_84 = tpu.memref_slice %arg9[%add3A_14, %dma_wait3A_83] : memref<10240x128xf32, #tpu.memory_space<vmem_shared>> -> memref<80x128xf32, #tpu.memory_space<vmem_shared>>
      tpu.wait_dma2 semaphore(%run_scoped3A : memref<!tpu.dma_semaphore, #tpu.memory_space<semaphore_mem>>) src(%arg8 : memref<80x128xf32, #tpu.memory_space<vmem>>) dst(%dma_wait3A_84 : memref<80x128xf32, #tpu.memory_space<vmem_shared>>)
      tpu.yield
    }) : () -> ()
    %mul3A_15 = arith.constant 640 : i32
    %mul3A_16 = arith.muli %arg1, %mul3A_15 : i32
    %add3A_17 = arith.constant 160 : i32
    %add3A_18 = arith.addi %mul3A_16, %add3A_17 : i32
    "tpu.region"() ({
      %run_scoped3A = tpu.sem_alloc : memref<!tpu.dma_semaphore, #tpu.memory_space<semaphore_mem>>
      %dma_start3A = arith.constant 0 : i32
      %dma_start3A_79 = tpu.memref_slice %arg9[%add3A_18, %dma_start3A] : memref<10240x128xf32, #tpu.memory_space<vmem_shared>> -> memref<80x128xf32, #tpu.memory_space<vmem_shared>>
      %dma_start3A_80 = arith.constant 0 : i32
      %dma_start3A_81 = tpu.memref_slice %arg9[%add3A_18, %dma_start3A_80] : memref<10240x128xf32, #tpu.memory_space<vmem_shared>> -> memref<80x128xf32, #tpu.memory_space<vmem_shared>>
      tpu.enqueue_dma source(%arg8 : memref<80x128xf32, #tpu.memory_space<vmem>>) target(%dma_start3A_81 : memref<80x128xf32, #tpu.memory_space<vmem_shared>>) target_semaphore(%run_scoped3A : memref<!tpu.dma_semaphore, #tpu.memory_space<semaphore_mem>>)
      %dma_wait3A = arith.constant 0 : i32
      %dma_wait3A_82 = tpu.memref_slice %arg9[%add3A_18, %dma_wait3A] : memref<10240x128xf32, #tpu.memory_space<vmem_shared>> -> memref<80x128xf32, #tpu.memory_space<vmem_shared>>
      %dma_wait3A_83 = arith.constant 0 : i32
      %dma_wait3A_84 = tpu.memref_slice %arg9[%add3A_18, %dma_wait3A_83] : memref<10240x128xf32, #tpu.memory_space<vmem_shared>> -> memref<80x128xf32, #tpu.memory_space<vmem_shared>>
      tpu.wait_dma2 semaphore(%run_scoped3A : memref<!tpu.dma_semaphore, #tpu.memory_space<semaphore_mem>>) src(%arg8 : memref<80x128xf32, #tpu.memory_space<vmem>>) dst(%dma_wait3A_84 : memref<80x128xf32, #tpu.memory_space<vmem_shared>>)
      tpu.yield
    }) : () -> ()
    %mul3A_19 = arith.constant 640 : i32
    %mul3A_20 = arith.muli %arg1, %mul3A_19 : i32
    %add3A_21 = arith.constant 240 : i32
    %add3A_22 = arith.addi %mul3A_20, %add3A_21 : i32
    "tpu.region"() ({
      %run_scoped3A = tpu.sem_alloc : memref<!tpu.dma_semaphore, #tpu.memory_space<semaphore_mem>>
      %dma_start3A = arith.constant 0 : i32
      %dma_start3A_79 = tpu.memref_slice %arg9[%add3A_22, %dma_start3A] : memref<10240x128xf32, #tpu.memory_space<vmem_shared>> -> memref<80x128xf32, #tpu.memory_space<vmem_shared>>
      %dma_start3A_80 = arith.constant 0 : i32
      %dma_start3A_81 = tpu.memref_slice %arg9[%add3A_22, %dma_start3A_80] : memref<10240x128xf32, #tpu.memory_space<vmem_shared>> -> memref<80x128xf32, #tpu.memory_space<vmem_shared>>
      tpu.enqueue_dma source(%arg8 : memref<80x128xf32, #tpu.memory_space<vmem>>) target(%dma_start3A_81 : memref<80x128xf32, #tpu.memory_space<vmem_shared>>) target_semaphore(%run_scoped3A : memref<!tpu.dma_semaphore, #tpu.memory_space<semaphore_mem>>)
      %dma_wait3A = arith.constant 0 : i32
      %dma_wait3A_82 = tpu.memref_slice %arg9[%add3A_22, %dma_wait3A] : memref<10240x128xf32, #tpu.memory_space<vmem_shared>> -> memref<80x128xf32, #tpu.memory_space<vmem_shared>>
      %dma_wait3A_83 = arith.constant 0 : i32
      %dma_wait3A_84 = tpu.memref_slice %arg9[%add3A_22, %dma_wait3A_83] : memref<10240x128xf32, #tpu.memory_space<vmem_shared>> -> memref<80x128xf32, #tpu.memory_space<vmem_shared>>
      tpu.wait_dma2 semaphore(%run_scoped3A : memref<!tpu.dma_semaphore, #tpu.memory_space<semaphore_mem>>) src(%arg8 : memref<80x128xf32, #tpu.memory_space<vmem>>) dst(%dma_wait3A_84 : memref<80x128xf32, #tpu.memory_space<vmem_shared>>)
      tpu.yield
    }) : () -> ()
    %mul3A_23 = arith.constant 640 : i32
    %mul3A_24 = arith.muli %arg1, %mul3A_23 : i32
    %add3A_25 = arith.constant 320 : i32
    %add3A_26 = arith.addi %mul3A_24, %add3A_25 : i32
    "tpu.region"() ({
      %run_scoped3A = tpu.sem_alloc : memref<!tpu.dma_semaphore, #tpu.memory_space<semaphore_mem>>
      %dma_start3A = arith.constant 0 : i32
      %dma_start3A_79 = tpu.memref_slice %arg9[%add3A_26, %dma_start3A] : memref<10240x128xf32, #tpu.memory_space<vmem_shared>> -> memref<80x128xf32, #tpu.memory_space<vmem_shared>>
      %dma_start3A_80 = arith.constant 0 : i32
      %dma_start3A_81 = tpu.memref_slice %arg9[%add3A_26, %dma_start3A_80] : memref<10240x128xf32, #tpu.memory_space<vmem_shared>> -> memref<80x128xf32, #tpu.memory_space<vmem_shared>>
      tpu.enqueue_dma source(%arg8 : memref<80x128xf32, #tpu.memory_space<vmem>>) target(%dma_start3A_81 : memref<80x128xf32, #tpu.memory_space<vmem_shared>>) target_semaphore(%run_scoped3A : memref<!tpu.dma_semaphore, #tpu.memory_space<semaphore_mem>>)
      %dma_wait3A = arith.constant 0 : i32
      %dma_wait3A_82 = tpu.memref_slice %arg9[%add3A_26, %dma_wait3A] : memref<10240x128xf32, #tpu.memory_space<vmem_shared>> -> memref<80x128xf32, #tpu.memory_space<vmem_shared>>
      %dma_wait3A_83 = arith.constant 0 : i32
      %dma_wait3A_84 = tpu.memref_slice %arg9[%add3A_26, %dma_wait3A_83] : memref<10240x128xf32, #tpu.memory_space<vmem_shared>> -> memref<80x128xf32, #tpu.memory_space<vmem_shared>>
      tpu.wait_dma2 semaphore(%run_scoped3A : memref<!tpu.dma_semaphore, #tpu.memory_space<semaphore_mem>>) src(%arg8 : memref<80x128xf32, #tpu.memory_space<vmem>>) dst(%dma_wait3A_84 : memref<80x128xf32, #tpu.memory_space<vmem_shared>>)
      tpu.yield
    }) : () -> ()
    %mul3A_27 = arith.constant 640 : i32
    %mul3A_28 = arith.muli %arg1, %mul3A_27 : i32
    %add3A_29 = arith.constant 400 : i32
    %add3A_30 = arith.addi %mul3A_28, %add3A_29 : i32
    "tpu.region"() ({
      %run_scoped3A = tpu.sem_alloc : memref<!tpu.dma_semaphore, #tpu.memory_space<semaphore_mem>>
      %dma_start3A = arith.constant 0 : i32
      %dma_start3A_79 = tpu.memref_slice %arg9[%add3A_30, %dma_start3A] : memref<10240x128xf32, #tpu.memory_space<vmem_shared>> -> memref<80x128xf32, #tpu.memory_space<vmem_shared>>
      %dma_start3A_80 = arith.constant 0 : i32
      %dma_start3A_81 = tpu.memref_slice %arg9[%add3A_30, %dma_start3A_80] : memref<10240x128xf32, #tpu.memory_space<vmem_shared>> -> memref<80x128xf32, #tpu.memory_space<vmem_shared>>
      tpu.enqueue_dma source(%arg8 : memref<80x128xf32, #tpu.memory_space<vmem>>) target(%dma_start3A_81 : memref<80x128xf32, #tpu.memory_space<vmem_shared>>) target_semaphore(%run_scoped3A : memref<!tpu.dma_semaphore, #tpu.memory_space<semaphore_mem>>)
      %dma_wait3A = arith.constant 0 : i32
      %dma_wait3A_82 = tpu.memref_slice %arg9[%add3A_30, %dma_wait3A] : memref<10240x128xf32, #tpu.memory_space<vmem_shared>> -> memref<80x128xf32, #tpu.memory_space<vmem_shared>>
      %dma_wait3A_83 = arith.constant 0 : i32
      %dma_wait3A_84 = tpu.memref_slice %arg9[%add3A_30, %dma_wait3A_83] : memref<10240x128xf32, #tpu.memory_space<vmem_shared>> -> memref<80x128xf32, #tpu.memory_space<vmem_shared>>
      tpu.wait_dma2 semaphore(%run_scoped3A : memref<!tpu.dma_semaphore, #tpu.memory_space<semaphore_mem>>) src(%arg8 : memref<80x128xf32, #tpu.memory_space<vmem>>) dst(%dma_wait3A_84 : memref<80x128xf32, #tpu.memory_space<vmem_shared>>)
      tpu.yield
    }) : () -> ()
    %mul3A_31 = arith.constant 640 : i32
    %mul3A_32 = arith.muli %arg1, %mul3A_31 : i32
    %add3A_33 = arith.constant 480 : i32
    %add3A_34 = arith.addi %mul3A_32, %add3A_33 : i32
    "tpu.region"() ({
      %run_scoped3A = tpu.sem_alloc : memref<!tpu.dma_semaphore, #tpu.memory_space<semaphore_mem>>
      %dma_start3A = arith.constant 0 : i32
      %dma_start3A_79 = tpu.memref_slice %arg9[%add3A_34, %dma_start3A] : memref<10240x128xf32, #tpu.memory_space<vmem_shared>> -> memref<80x128xf32, #tpu.memory_space<vmem_shared>>
      %dma_start3A_80 = arith.constant 0 : i32
      %dma_start3A_81 = tpu.memref_slice %arg9[%add3A_34, %dma_start3A_80] : memref<10240x128xf32, #tpu.memory_space<vmem_shared>> -> memref<80x128xf32, #tpu.memory_space<vmem_shared>>
      tpu.enqueue_dma source(%arg8 : memref<80x128xf32, #tpu.memory_space<vmem>>) target(%dma_start3A_81 : memref<80x128xf32, #tpu.memory_space<vmem_shared>>) target_semaphore(%run_scoped3A : memref<!tpu.dma_semaphore, #tpu.memory_space<semaphore_mem>>)
      %dma_wait3A = arith.constant 0 : i32
      %dma_wait3A_82 = tpu.memref_slice %arg9[%add3A_34, %dma_wait3A] : memref<10240x128xf32, #tpu.memory_space<vmem_shared>> -> memref<80x128xf32, #tpu.memory_space<vmem_shared>>
      %dma_wait3A_83 = arith.constant 0 : i32
      %dma_wait3A_84 = tpu.memref_slice %arg9[%add3A_34, %dma_wait3A_83] : memref<10240x128xf32, #tpu.memory_space<vmem_shared>> -> memref<80x128xf32, #tpu.memory_space<vmem_shared>>
      tpu.wait_dma2 semaphore(%run_scoped3A : memref<!tpu.dma_semaphore, #tpu.memory_space<semaphore_mem>>) src(%arg8 : memref<80x128xf32, #tpu.memory_space<vmem>>) dst(%dma_wait3A_84 : memref<80x128xf32, #tpu.memory_space<vmem_shared>>)
      tpu.yield
    }) : () -> ()
    %mul3A_35 = arith.constant 640 : i32
    %mul3A_36 = arith.muli %arg1, %mul3A_35 : i32
    %add3A_37 = arith.constant 560 : i32
    %add3A_38 = arith.addi %mul3A_36, %add3A_37 : i32
    "tpu.region"() ({
      %run_scoped3A = tpu.sem_alloc : memref<!tpu.dma_semaphore, #tpu.memory_space<semaphore_mem>>
      %dma_start3A = arith.constant 0 : i32
      %dma_start3A_79 = tpu.memref_slice %arg9[%add3A_38, %dma_start3A] : memref<10240x128xf32, #tpu.memory_space<vmem_shared>> -> memref<80x128xf32, #tpu.memory_space<vmem_shared>>
      %dma_start3A_80 = arith.constant 0 : i32
      %dma_start3A_81 = tpu.memref_slice %arg9[%add3A_38, %dma_start3A_80] : memref<10240x128xf32, #tpu.memory_space<vmem_shared>> -> memref<80x128xf32, #tpu.memory_space<vmem_shared>>
      tpu.enqueue_dma source(%arg8 : memref<80x128xf32, #tpu.memory_space<vmem>>) target(%dma_start3A_81 : memref<80x128xf32, #tpu.memory_space<vmem_shared>>) target_semaphore(%run_scoped3A : memref<!tpu.dma_semaphore, #tpu.memory_space<semaphore_mem>>)
      %dma_wait3A = arith.constant 0 : i32
      %dma_wait3A_82 = tpu.memref_slice %arg9[%add3A_38, %dma_wait3A] : memref<10240x128xf32, #tpu.memory_space<vmem_shared>> -> memref<80x128xf32, #tpu.memory_space<vmem_shared>>
      %dma_wait3A_83 = arith.constant 0 : i32
      %dma_wait3A_84 = tpu.memref_slice %arg9[%add3A_38, %dma_wait3A_83] : memref<10240x128xf32, #tpu.memory_space<vmem_shared>> -> memref<80x128xf32, #tpu.memory_space<vmem_shared>>
      tpu.wait_dma2 semaphore(%run_scoped3A : memref<!tpu.dma_semaphore, #tpu.memory_space<semaphore_mem>>) src(%arg8 : memref<80x128xf32, #tpu.memory_space<vmem>>) dst(%dma_wait3A_84 : memref<80x128xf32, #tpu.memory_space<vmem_shared>>)
      tpu.yield
    }) : () -> ()
    %barrier3A = arith.constant 0 : index
    tpu.barrier barrier_id(%barrier3A)
    "tpu.region"() ({
      %run_scoped3A = tpu.sem_alloc : memref<!tpu.dma_semaphore, #tpu.memory_space<semaphore_mem>>
      %dma_start3A = arith.constant 0 : i32
      %dma_start3A_79 = arith.constant 0 : i32
      %dma_start3A_80 = tpu.memref_slice %arg3[%add3A, %dma_start3A, %dma_start3A_79] : memref<32x125x80xi32, #tpu.memory_space<hbm>> -> memref<1x125x80xi32, #tpu.memory_space<hbm>>
      %dma_start3A_81 = tpu.memref_squeeze %dma_start3A_80 : memref<1x125x80xi32, #tpu.memory_space<hbm>> -> memref<125x80xi32, #tpu.memory_space<hbm>>
      %dma_start3A_82 = arith.constant 0 : i32
      %dma_start3A_83 = arith.constant 0 : i32
      %dma_start3A_84 = tpu.memref_slice %arg3[%add3A, %dma_start3A_82, %dma_start3A_83] : memref<32x125x80xi32, #tpu.memory_space<hbm>> -> memref<1x125x80xi32, #tpu.memory_space<hbm>>
      %dma_start3A_85 = tpu.memref_squeeze %dma_start3A_84 : memref<1x125x80xi32, #tpu.memory_space<hbm>> -> memref<125x80xi32, #tpu.memory_space<hbm>>
      tpu.enqueue_dma source(%dma_start3A_85 : memref<125x80xi32, #tpu.memory_space<hbm>>) target(%arg6 : memref<125x80xi32, #tpu.memory_space<vmem>>) target_semaphore(%run_scoped3A : memref<!tpu.dma_semaphore, #tpu.memory_space<semaphore_mem>>)
      %dma_wait3A = arith.constant 0 : i32
      %dma_wait3A_86 = arith.constant 0 : i32
      %dma_wait3A_87 = tpu.memref_slice %arg3[%add3A, %dma_wait3A, %dma_wait3A_86] : memref<32x125x80xi32, #tpu.memory_space<hbm>> -> memref<1x125x80xi32, #tpu.memory_space<hbm>>
      %dma_wait3A_88 = tpu.memref_squeeze %dma_wait3A_87 : memref<1x125x80xi32, #tpu.memory_space<hbm>> -> memref<125x80xi32, #tpu.memory_space<hbm>>
      %dma_wait3A_89 = arith.constant 0 : i32
      %dma_wait3A_90 = arith.constant 0 : i32
      %dma_wait3A_91 = tpu.memref_slice %arg3[%add3A, %dma_wait3A_89, %dma_wait3A_90] : memref<32x125x80xi32, #tpu.memory_space<hbm>> -> memref<1x125x80xi32, #tpu.memory_space<hbm>>
      %dma_wait3A_92 = tpu.memref_squeeze %dma_wait3A_91 : memref<1x125x80xi32, #tpu.memory_space<hbm>> -> memref<125x80xi32, #tpu.memory_space<hbm>>
      tpu.wait_dma2 semaphore(%run_scoped3A : memref<!tpu.dma_semaphore, #tpu.memory_space<semaphore_mem>>) src(%dma_wait3A_92 : memref<125x80xi32, #tpu.memory_space<hbm>>) dst(%arg6 : memref<125x80xi32, #tpu.memory_space<vmem>>)
      tpu.yield
    }) : () -> ()
    "tpu.region"() ({
      %run_scoped3A = tpu.sem_alloc : memref<!tpu.dma_semaphore, #tpu.memory_space<semaphore_mem>>
      %dma_start3A = arith.constant 0 : i32
      %dma_start3A_79 = arith.constant 0 : i32
      %dma_start3A_80 = tpu.memref_slice %arg4[%add3A, %dma_start3A, %dma_start3A_79] : memref<32x125x80xi32, #tpu.memory_space<hbm>> -> memref<1x125x80xi32, #tpu.memory_space<hbm>>
      %dma_start3A_81 = tpu.memref_squeeze %dma_start3A_80 : memref<1x125x80xi32, #tpu.memory_space<hbm>> -> memref<125x80xi32, #tpu.memory_space<hbm>>
      %dma_start3A_82 = arith.constant 0 : i32
      %dma_start3A_83 = arith.constant 0 : i32
      %dma_start3A_84 = tpu.memref_slice %arg4[%add3A, %dma_start3A_82, %dma_start3A_83] : memref<32x125x80xi32, #tpu.memory_space<hbm>> -> memref<1x125x80xi32, #tpu.memory_space<hbm>>
      %dma_start3A_85 = tpu.memref_squeeze %dma_start3A_84 : memref<1x125x80xi32, #tpu.memory_space<hbm>> -> memref<125x80xi32, #tpu.memory_space<hbm>>
      tpu.enqueue_dma source(%dma_start3A_85 : memref<125x80xi32, #tpu.memory_space<hbm>>) target(%arg7 : memref<125x80xi32, #tpu.memory_space<vmem>>) target_semaphore(%run_scoped3A : memref<!tpu.dma_semaphore, #tpu.memory_space<semaphore_mem>>)
      %dma_wait3A = arith.constant 0 : i32
      %dma_wait3A_86 = arith.constant 0 : i32
      %dma_wait3A_87 = tpu.memref_slice %arg4[%add3A, %dma_wait3A, %dma_wait3A_86] : memref<32x125x80xi32, #tpu.memory_space<hbm>> -> memref<1x125x80xi32, #tpu.memory_space<hbm>>
      %dma_wait3A_88 = tpu.memref_squeeze %dma_wait3A_87 : memref<1x125x80xi32, #tpu.memory_space<hbm>> -> memref<125x80xi32, #tpu.memory_space<hbm>>
      %dma_wait3A_89 = arith.constant 0 : i32
      %dma_wait3A_90 = arith.constant 0 : i32
      %dma_wait3A_91 = tpu.memref_slice %arg4[%add3A, %dma_wait3A_89, %dma_wait3A_90] : memref<32x125x80xi32, #tpu.memory_space<hbm>> -> memref<1x125x80xi32, #tpu.memory_space<hbm>>
      %dma_wait3A_92 = tpu.memref_squeeze %dma_wait3A_91 : memref<1x125x80xi32, #tpu.memory_space<hbm>> -> memref<125x80xi32, #tpu.memory_space<hbm>>
      tpu.wait_dma2 semaphore(%run_scoped3A : memref<!tpu.dma_semaphore, #tpu.memory_space<semaphore_mem>>) src(%dma_wait3A_92 : memref<125x80xi32, #tpu.memory_space<hbm>>) dst(%arg7 : memref<125x80xi32, #tpu.memory_space<vmem>>)
      tpu.yield
    }) : () -> ()
    %scan3A_39 = arith.constant 0 : i32
    %scan3A_40 = arith.constant 0 : i32
    %scan3A_41 = arith.constant 125 : i32
    %scan3A_42 = arith.addi %scan3A_40, %scan3A_41 : i32
    %scan3A_43 = arith.constant 1 : i32
    %scan3A_44 = scf.for %scan3A_79 = %scan3A_40 to %scan3A_42 step %scan3A_43 iter_args(%scan3A_80 = %scan3A_39) -> (i32)  : i32 {
      %dma_start3A = arith.constant 0 : i32
      %dma_start3A_81 = tpu.memref_slice %arg6[%scan3A_79, %dma_start3A] : memref<125x80xi32, #tpu.memory_space<vmem>> -> memref<1x80xi32, #tpu.memory_space<vmem>>
      %dma_start3A_82 = tpu.memref_squeeze %dma_start3A_81 : memref<1x80xi32, #tpu.memory_space<vmem>> -> memref<80xi32, #tpu.memory_space<vmem>>
      %dma_start3A_83 = arith.constant 0 : i32
      %dma_start3A_84 = arith.constant 0 : i32
      %dma_start3A_85 = tpu.memref_slice %arg2[%dma_start3A_83, %dma_start3A_84] : memref<10000x128xf32, #tpu.memory_space<hbm>> -> memref<10000x128xf32, #tpu.memory_space<hbm>>
      tpu.enqueue_indirect_dma source(%dma_start3A_85 : memref<10000x128xf32, #tpu.memory_space<hbm>>) target(%arg8 : memref<80x128xf32, #tpu.memory_space<vmem>>) offsets(%dma_start3A_82 : memref<80xi32, #tpu.memory_space<vmem>>) semaphore(%arg10 : memref<!tpu.dma_semaphore, #tpu.memory_space<semaphore_mem>>)
      %dma_wait3A = arith.constant 0 : i32
      %dma_wait3A_86 = tpu.memref_slice %arg6[%scan3A_79, %dma_wait3A] : memref<125x80xi32, #tpu.memory_space<vmem>> -> memref<1x80xi32, #tpu.memory_space<vmem>>
      %dma_wait3A_87 = tpu.memref_squeeze %dma_wait3A_86 : memref<1x80xi32, #tpu.memory_space<vmem>> -> memref<80xi32, #tpu.memory_space<vmem>>
      %dma_wait3A_88 = arith.constant 0 : i32
      %dma_wait3A_89 = arith.constant 0 : i32
      %dma_wait3A_90 = tpu.memref_slice %arg2[%dma_wait3A_88, %dma_wait3A_89] : memref<10000x128xf32, #tpu.memory_space<hbm>> -> memref<10000x128xf32, #tpu.memory_space<hbm>>
      tpu.wait_indirect_dma semaphore(%arg10 : memref<!tpu.dma_semaphore, #tpu.memory_space<semaphore_mem>>) src(%dma_wait3A_90 : memref<10000x128xf32, #tpu.memory_space<hbm>>) dst(%arg8 : memref<80x128xf32, #tpu.memory_space<vmem>>)
      "tpu.region"() ({
        %run_scoped3A = tpu.sem_alloc : memref<!tpu.dma_semaphore, #tpu.memory_space<semaphore_mem>>
        %dma_start3A_92 = arith.constant 0 : i32
        %dma_start3A_93 = tpu.memref_slice %arg7[%scan3A_79, %dma_start3A_92] : memref<125x80xi32, #tpu.memory_space<vmem>> -> memref<1x80xi32, #tpu.memory_space<vmem>>
        %dma_start3A_94 = tpu.memref_squeeze %dma_start3A_93 : memref<1x80xi32, #tpu.memory_space<vmem>> -> memref<80xi32, #tpu.memory_space<vmem>>
        %dma_start3A_95 = arith.constant 0 : i32
        %dma_start3A_96 = arith.constant 0 : i32
        %dma_start3A_97 = tpu.memref_slice %arg9[%dma_start3A_95, %dma_start3A_96] : memref<10240x128xf32, #tpu.memory_space<vmem_shared>> -> memref<10240x128xf32, #tpu.memory_space<vmem_shared>>
        tpu.enqueue_indirect_dma source(%arg8 : memref<80x128xf32, #tpu.memory_space<vmem>>) target(%dma_start3A_97 : memref<10240x128xf32, #tpu.memory_space<vmem_shared>>) offsets(%dma_start3A_94 : memref<80xi32, #tpu.memory_space<vmem>>) semaphore(%run_scoped3A : memref<!tpu.dma_semaphore, #tpu.memory_space<semaphore_mem>>) {add = true}
        %dma_wait3A_98 = arith.constant 0 : i32
        %dma_wait3A_99 = tpu.memref_slice %arg7[%scan3A_79, %dma_wait3A_98] : memref<125x80xi32, #tpu.memory_space<vmem>> -> memref<1x80xi32, #tpu.memory_space<vmem>>
        %dma_wait3A_100 = tpu.memref_squeeze %dma_wait3A_99 : memref<1x80xi32, #tpu.memory_space<vmem>> -> memref<80xi32, #tpu.memory_space<vmem>>
        %dma_wait3A_101 = arith.constant 0 : i32
        %dma_wait3A_102 = arith.constant 0 : i32
        %dma_wait3A_103 = tpu.memref_slice %arg9[%dma_wait3A_101, %dma_wait3A_102] : memref<10240x128xf32, #tpu.memory_space<vmem_shared>> -> memref<10240x128xf32, #tpu.memory_space<vmem_shared>>
        tpu.wait_indirect_dma semaphore(%run_scoped3A : memref<!tpu.dma_semaphore, #tpu.memory_space<semaphore_mem>>) src(%arg8 : memref<80x128xf32, #tpu.memory_space<vmem>>) dst(%dma_wait3A_103 : memref<10240x128xf32, #tpu.memory_space<vmem_shared>>)
        tpu.yield
      }) : () -> ()
      %scan3A_91 = arith.constant 0 : i32
      scf.yield %scan3A_91 : i32
    }
    %scan3A_45 = arith.constant 125 : i32
    %barrier3A_46 = arith.constant 0 : index
    tpu.barrier barrier_id(%barrier3A_46)
    %mul3A_47 = arith.constant 640 : i32
    %mul3A_48 = arith.muli %arg1, %mul3A_47 : i32
    %add3A_49 = arith.constant 0 : i32
    %add3A_50 = arith.addi %mul3A_48, %add3A_49 : i32
    "tpu.region"() ({
      %run_scoped3A = tpu.sem_alloc : memref<!tpu.dma_semaphore, #tpu.memory_space<semaphore_mem>>
      %dma_start3A = arith.constant 0 : i32
      %dma_start3A_79 = tpu.memref_slice %arg9[%add3A_50, %dma_start3A] : memref<10240x128xf32, #tpu.memory_space<vmem_shared>> -> memref<80x128xf32, #tpu.memory_space<vmem_shared>>
      %dma_start3A_80 = arith.constant 0 : i32
      %dma_start3A_81 = tpu.memref_slice %arg9[%add3A_50, %dma_start3A_80] : memref<10240x128xf32, #tpu.memory_space<vmem_shared>> -> memref<80x128xf32, #tpu.memory_space<vmem_shared>>
      tpu.enqueue_dma source(%dma_start3A_81 : memref<80x128xf32, #tpu.memory_space<vmem_shared>>) target(%arg8 : memref<80x128xf32, #tpu.memory_space<vmem>>) target_semaphore(%run_scoped3A : memref<!tpu.dma_semaphore, #tpu.memory_space<semaphore_mem>>)
      %dma_wait3A = arith.constant 0 : i32
      %dma_wait3A_82 = tpu.memref_slice %arg9[%add3A_50, %dma_wait3A] : memref<10240x128xf32, #tpu.memory_space<vmem_shared>> -> memref<80x128xf32, #tpu.memory_space<vmem_shared>>
      %dma_wait3A_83 = arith.constant 0 : i32
      %dma_wait3A_84 = tpu.memref_slice %arg9[%add3A_50, %dma_wait3A_83] : memref<10240x128xf32, #tpu.memory_space<vmem_shared>> -> memref<80x128xf32, #tpu.memory_space<vmem_shared>>
      tpu.wait_dma2 semaphore(%run_scoped3A : memref<!tpu.dma_semaphore, #tpu.memory_space<semaphore_mem>>) src(%dma_wait3A_84 : memref<80x128xf32, #tpu.memory_space<vmem_shared>>) dst(%arg8 : memref<80x128xf32, #tpu.memory_space<vmem>>)
      tpu.yield
    }) : () -> ()
    "tpu.region"() ({
      %run_scoped3A = tpu.sem_alloc : memref<!tpu.dma_semaphore, #tpu.memory_space<semaphore_mem>>
      %dma_start3A = arith.constant 0 : i32
      %dma_start3A_79 = tpu.memref_slice %arg5[%arg0, %add3A_50, %dma_start3A] : memref<2x10240x128xf32, #tpu.memory_space<hbm>> -> memref<1x80x128xf32, #tpu.memory_space<hbm>>
      %dma_start3A_80 = tpu.memref_squeeze %dma_start3A_79 : memref<1x80x128xf32, #tpu.memory_space<hbm>> -> memref<80x128xf32, #tpu.memory_space<hbm>>
      %dma_start3A_81 = arith.constant 0 : i32
      %dma_start3A_82 = tpu.memref_slice %arg5[%arg0, %add3A_50, %dma_start3A_81] : memref<2x10240x128xf32, #tpu.memory_space<hbm>> -> memref<1x80x128xf32, #tpu.memory_space<hbm>>
      %dma_start3A_83 = tpu.memref_squeeze %dma_start3A_82 : memref<1x80x128xf32, #tpu.memory_space<hbm>> -> memref<80x128xf32, #tpu.memory_space<hbm>>
      tpu.enqueue_dma source(%arg8 : memref<80x128xf32, #tpu.memory_space<vmem>>) target(%dma_start3A_83 : memref<80x128xf32, #tpu.memory_space<hbm>>) target_semaphore(%run_scoped3A : memref<!tpu.dma_semaphore, #tpu.memory_space<semaphore_mem>>)
      %dma_wait3A = arith.constant 0 : i32
      %dma_wait3A_84 = tpu.memref_slice %arg5[%arg0, %add3A_50, %dma_wait3A] : memref<2x10240x128xf32, #tpu.memory_space<hbm>> -> memref<1x80x128xf32, #tpu.memory_space<hbm>>
      %dma_wait3A_85 = tpu.memref_squeeze %dma_wait3A_84 : memref<1x80x128xf32, #tpu.memory_space<hbm>> -> memref<80x128xf32, #tpu.memory_space<hbm>>
      %dma_wait3A_86 = arith.constant 0 : i32
      %dma_wait3A_87 = tpu.memref_slice %arg5[%arg0, %add3A_50, %dma_wait3A_86] : memref<2x10240x128xf32, #tpu.memory_space<hbm>> -> memref<1x80x128xf32, #tpu.memory_space<hbm>>
      %dma_wait3A_88 = tpu.memref_squeeze %dma_wait3A_87 : memref<1x80x128xf32, #tpu.memory_space<hbm>> -> memref<80x128xf32, #tpu.memory_space<hbm>>
      tpu.wait_dma2 semaphore(%run_scoped3A : memref<!tpu.dma_semaphore, #tpu.memory_space<semaphore_mem>>) src(%arg8 : memref<80x128xf32, #tpu.memory_space<vmem>>) dst(%dma_wait3A_88 : memref<80x128xf32, #tpu.memory_space<hbm>>)
      tpu.yield
    }) : () -> ()
    %mul3A_51 = arith.constant 640 : i32
    %mul3A_52 = arith.muli %arg1, %mul3A_51 : i32
    %add3A_53 = arith.constant 80 : i32
    %add3A_54 = arith.addi %mul3A_52, %add3A_53 : i32
    "tpu.region"() ({
      %run_scoped3A = tpu.sem_alloc : memref<!tpu.dma_semaphore, #tpu.memory_space<semaphore_mem>>
      %dma_start3A = arith.constant 0 : i32
      %dma_start3A_79 = tpu.memref_slice %arg9[%add3A_54, %dma_start3A] : memref<10240x128xf32, #tpu.memory_space<vmem_shared>> -> memref<80x128xf32, #tpu.memory_space<vmem_shared>>
      %dma_start3A_80 = arith.constant 0 : i32
      %dma_start3A_81 = tpu.memref_slice %arg9[%add3A_54, %dma_start3A_80] : memref<10240x128xf32, #tpu.memory_space<vmem_shared>> -> memref<80x128xf32, #tpu.memory_space<vmem_shared>>
      tpu.enqueue_dma source(%dma_start3A_81 : memref<80x128xf32, #tpu.memory_space<vmem_shared>>) target(%arg8 : memref<80x128xf32, #tpu.memory_space<vmem>>) target_semaphore(%run_scoped3A : memref<!tpu.dma_semaphore, #tpu.memory_space<semaphore_mem>>)
      %dma_wait3A = arith.constant 0 : i32
      %dma_wait3A_82 = tpu.memref_slice %arg9[%add3A_54, %dma_wait3A] : memref<10240x128xf32, #tpu.memory_space<vmem_shared>> -> memref<80x128xf32, #tpu.memory_space<vmem_shared>>
      %dma_wait3A_83 = arith.constant 0 : i32
      %dma_wait3A_84 = tpu.memref_slice %arg9[%add3A_54, %dma_wait3A_83] : memref<10240x128xf32, #tpu.memory_space<vmem_shared>> -> memref<80x128xf32, #tpu.memory_space<vmem_shared>>
      tpu.wait_dma2 semaphore(%run_scoped3A : memref<!tpu.dma_semaphore, #tpu.memory_space<semaphore_mem>>) src(%dma_wait3A_84 : memref<80x128xf32, #tpu.memory_space<vmem_shared>>) dst(%arg8 : memref<80x128xf32, #tpu.memory_space<vmem>>)
      tpu.yield
    }) : () -> ()
    "tpu.region"() ({
      %run_scoped3A = tpu.sem_alloc : memref<!tpu.dma_semaphore, #tpu.memory_space<semaphore_mem>>
      %dma_start3A = arith.constant 0 : i32
      %dma_start3A_79 = tpu.memref_slice %arg5[%arg0, %add3A_54, %dma_start3A] : memref<2x10240x128xf32, #tpu.memory_space<hbm>> -> memref<1x80x128xf32, #tpu.memory_space<hbm>>
      %dma_start3A_80 = tpu.memref_squeeze %dma_start3A_79 : memref<1x80x128xf32, #tpu.memory_space<hbm>> -> memref<80x128xf32, #tpu.memory_space<hbm>>
      %dma_start3A_81 = arith.constant 0 : i32
      %dma_start3A_82 = tpu.memref_slice %arg5[%arg0, %add3A_54, %dma_start3A_81] : memref<2x10240x128xf32, #tpu.memory_space<hbm>> -> memref<1x80x128xf32, #tpu.memory_space<hbm>>
      %dma_start3A_83 = tpu.memref_squeeze %dma_start3A_82 : memref<1x80x128xf32, #tpu.memory_space<hbm>> -> memref<80x128xf32, #tpu.memory_space<hbm>>
      tpu.enqueue_dma source(%arg8 : memref<80x128xf32, #tpu.memory_space<vmem>>) target(%dma_start3A_83 : memref<80x128xf32, #tpu.memory_space<hbm>>) target_semaphore(%run_scoped3A : memref<!tpu.dma_semaphore, #tpu.memory_space<semaphore_mem>>)
      %dma_wait3A = arith.constant 0 : i32
      %dma_wait3A_84 = tpu.memref_slice %arg5[%arg0, %add3A_54, %dma_wait3A] : memref<2x10240x128xf32, #tpu.memory_space<hbm>> -> memref<1x80x128xf32, #tpu.memory_space<hbm>>
      %dma_wait3A_85 = tpu.memref_squeeze %dma_wait3A_84 : memref<1x80x128xf32, #tpu.memory_space<hbm>> -> memref<80x128xf32, #tpu.memory_space<hbm>>
      %dma_wait3A_86 = arith.constant 0 : i32
      %dma_wait3A_87 = tpu.memref_slice %arg5[%arg0, %add3A_54, %dma_wait3A_86] : memref<2x10240x128xf32, #tpu.memory_space<hbm>> -> memref<1x80x128xf32, #tpu.memory_space<hbm>>
      %dma_wait3A_88 = tpu.memref_squeeze %dma_wait3A_87 : memref<1x80x128xf32, #tpu.memory_space<hbm>> -> memref<80x128xf32, #tpu.memory_space<hbm>>
      tpu.wait_dma2 semaphore(%run_scoped3A : memref<!tpu.dma_semaphore, #tpu.memory_space<semaphore_mem>>) src(%arg8 : memref<80x128xf32, #tpu.memory_space<vmem>>) dst(%dma_wait3A_88 : memref<80x128xf32, #tpu.memory_space<hbm>>)
      tpu.yield
    }) : () -> ()
    %mul3A_55 = arith.constant 640 : i32
    %mul3A_56 = arith.muli %arg1, %mul3A_55 : i32
    %add3A_57 = arith.constant 160 : i32
    %add3A_58 = arith.addi %mul3A_56, %add3A_57 : i32
    "tpu.region"() ({
      %run_scoped3A = tpu.sem_alloc : memref<!tpu.dma_semaphore, #tpu.memory_space<semaphore_mem>>
      %dma_start3A = arith.constant 0 : i32
      %dma_start3A_79 = tpu.memref_slice %arg9[%add3A_58, %dma_start3A] : memref<10240x128xf32, #tpu.memory_space<vmem_shared>> -> memref<80x128xf32, #tpu.memory_space<vmem_shared>>
      %dma_start3A_80 = arith.constant 0 : i32
      %dma_start3A_81 = tpu.memref_slice %arg9[%add3A_58, %dma_start3A_80] : memref<10240x128xf32, #tpu.memory_space<vmem_shared>> -> memref<80x128xf32, #tpu.memory_space<vmem_shared>>
      tpu.enqueue_dma source(%dma_start3A_81 : memref<80x128xf32, #tpu.memory_space<vmem_shared>>) target(%arg8 : memref<80x128xf32, #tpu.memory_space<vmem>>) target_semaphore(%run_scoped3A : memref<!tpu.dma_semaphore, #tpu.memory_space<semaphore_mem>>)
      %dma_wait3A = arith.constant 0 : i32
      %dma_wait3A_82 = tpu.memref_slice %arg9[%add3A_58, %dma_wait3A] : memref<10240x128xf32, #tpu.memory_space<vmem_shared>> -> memref<80x128xf32, #tpu.memory_space<vmem_shared>>
      %dma_wait3A_83 = arith.constant 0 : i32
      %dma_wait3A_84 = tpu.memref_slice %arg9[%add3A_58, %dma_wait3A_83] : memref<10240x128xf32, #tpu.memory_space<vmem_shared>> -> memref<80x128xf32, #tpu.memory_space<vmem_shared>>
      tpu.wait_dma2 semaphore(%run_scoped3A : memref<!tpu.dma_semaphore, #tpu.memory_space<semaphore_mem>>) src(%dma_wait3A_84 : memref<80x128xf32, #tpu.memory_space<vmem_shared>>) dst(%arg8 : memref<80x128xf32, #tpu.memory_space<vmem>>)
      tpu.yield
    }) : () -> ()
    "tpu.region"() ({
      %run_scoped3A = tpu.sem_alloc : memref<!tpu.dma_semaphore, #tpu.memory_space<semaphore_mem>>
      %dma_start3A = arith.constant 0 : i32
      %dma_start3A_79 = tpu.memref_slice %arg5[%arg0, %add3A_58, %dma_start3A] : memref<2x10240x128xf32, #tpu.memory_space<hbm>> -> memref<1x80x128xf32, #tpu.memory_space<hbm>>
      %dma_start3A_80 = tpu.memref_squeeze %dma_start3A_79 : memref<1x80x128xf32, #tpu.memory_space<hbm>> -> memref<80x128xf32, #tpu.memory_space<hbm>>
      %dma_start3A_81 = arith.constant 0 : i32
      %dma_start3A_82 = tpu.memref_slice %arg5[%arg0, %add3A_58, %dma_start3A_81] : memref<2x10240x128xf32, #tpu.memory_space<hbm>> -> memref<1x80x128xf32, #tpu.memory_space<hbm>>
      %dma_start3A_83 = tpu.memref_squeeze %dma_start3A_82 : memref<1x80x128xf32, #tpu.memory_space<hbm>> -> memref<80x128xf32, #tpu.memory_space<hbm>>
      tpu.enqueue_dma source(%arg8 : memref<80x128xf32, #tpu.memory_space<vmem>>) target(%dma_start3A_83 : memref<80x128xf32, #tpu.memory_space<hbm>>) target_semaphore(%run_scoped3A : memref<!tpu.dma_semaphore, #tpu.memory_space<semaphore_mem>>)
      %dma_wait3A = arith.constant 0 : i32
      %dma_wait3A_84 = tpu.memref_slice %arg5[%arg0, %add3A_58, %dma_wait3A] : memref<2x10240x128xf32, #tpu.memory_space<hbm>> -> memref<1x80x128xf32, #tpu.memory_space<hbm>>
      %dma_wait3A_85 = tpu.memref_squeeze %dma_wait3A_84 : memref<1x80x128xf32, #tpu.memory_space<hbm>> -> memref<80x128xf32, #tpu.memory_space<hbm>>
      %dma_wait3A_86 = arith.constant 0 : i32
      %dma_wait3A_87 = tpu.memref_slice %arg5[%arg0, %add3A_58, %dma_wait3A_86] : memref<2x10240x128xf32, #tpu.memory_space<hbm>> -> memref<1x80x128xf32, #tpu.memory_space<hbm>>
      %dma_wait3A_88 = tpu.memref_squeeze %dma_wait3A_87 : memref<1x80x128xf32, #tpu.memory_space<hbm>> -> memref<80x128xf32, #tpu.memory_space<hbm>>
      tpu.wait_dma2 semaphore(%run_scoped3A : memref<!tpu.dma_semaphore, #tpu.memory_space<semaphore_mem>>) src(%arg8 : memref<80x128xf32, #tpu.memory_space<vmem>>) dst(%dma_wait3A_88 : memref<80x128xf32, #tpu.memory_space<hbm>>)
      tpu.yield
    }) : () -> ()
    %mul3A_59 = arith.constant 640 : i32
    %mul3A_60 = arith.muli %arg1, %mul3A_59 : i32
    %add3A_61 = arith.constant 240 : i32
    %add3A_62 = arith.addi %mul3A_60, %add3A_61 : i32
    "tpu.region"() ({
      %run_scoped3A = tpu.sem_alloc : memref<!tpu.dma_semaphore, #tpu.memory_space<semaphore_mem>>
      %dma_start3A = arith.constant 0 : i32
      %dma_start3A_79 = tpu.memref_slice %arg9[%add3A_62, %dma_start3A] : memref<10240x128xf32, #tpu.memory_space<vmem_shared>> -> memref<80x128xf32, #tpu.memory_space<vmem_shared>>
      %dma_start3A_80 = arith.constant 0 : i32
      %dma_start3A_81 = tpu.memref_slice %arg9[%add3A_62, %dma_start3A_80] : memref<10240x128xf32, #tpu.memory_space<vmem_shared>> -> memref<80x128xf32, #tpu.memory_space<vmem_shared>>
      tpu.enqueue_dma source(%dma_start3A_81 : memref<80x128xf32, #tpu.memory_space<vmem_shared>>) target(%arg8 : memref<80x128xf32, #tpu.memory_space<vmem>>) target_semaphore(%run_scoped3A : memref<!tpu.dma_semaphore, #tpu.memory_space<semaphore_mem>>)
      %dma_wait3A = arith.constant 0 : i32
      %dma_wait3A_82 = tpu.memref_slice %arg9[%add3A_62, %dma_wait3A] : memref<10240x128xf32, #tpu.memory_space<vmem_shared>> -> memref<80x128xf32, #tpu.memory_space<vmem_shared>>
      %dma_wait3A_83 = arith.constant 0 : i32
      %dma_wait3A_84 = tpu.memref_slice %arg9[%add3A_62, %dma_wait3A_83] : memref<10240x128xf32, #tpu.memory_space<vmem_shared>> -> memref<80x128xf32, #tpu.memory_space<vmem_shared>>
      tpu.wait_dma2 semaphore(%run_scoped3A : memref<!tpu.dma_semaphore, #tpu.memory_space<semaphore_mem>>) src(%dma_wait3A_84 : memref<80x128xf32, #tpu.memory_space<vmem_shared>>) dst(%arg8 : memref<80x128xf32, #tpu.memory_space<vmem>>)
      tpu.yield
    }) : () -> ()
    "tpu.region"() ({
      %run_scoped3A = tpu.sem_alloc : memref<!tpu.dma_semaphore, #tpu.memory_space<semaphore_mem>>
      %dma_start3A = arith.constant 0 : i32
      %dma_start3A_79 = tpu.memref_slice %arg5[%arg0, %add3A_62, %dma_start3A] : memref<2x10240x128xf32, #tpu.memory_space<hbm>> -> memref<1x80x128xf32, #tpu.memory_space<hbm>>
      %dma_start3A_80 = tpu.memref_squeeze %dma_start3A_79 : memref<1x80x128xf32, #tpu.memory_space<hbm>> -> memref<80x128xf32, #tpu.memory_space<hbm>>
      %dma_start3A_81 = arith.constant 0 : i32
      %dma_start3A_82 = tpu.memref_slice %arg5[%arg0, %add3A_62, %dma_start3A_81] : memref<2x10240x128xf32, #tpu.memory_space<hbm>> -> memref<1x80x128xf32, #tpu.memory_space<hbm>>
      %dma_start3A_83 = tpu.memref_squeeze %dma_start3A_82 : memref<1x80x128xf32, #tpu.memory_space<hbm>> -> memref<80x128xf32, #tpu.memory_space<hbm>>
      tpu.enqueue_dma source(%arg8 : memref<80x128xf32, #tpu.memory_space<vmem>>) target(%dma_start3A_83 : memref<80x128xf32, #tpu.memory_space<hbm>>) target_semaphore(%run_scoped3A : memref<!tpu.dma_semaphore, #tpu.memory_space<semaphore_mem>>)
      %dma_wait3A = arith.constant 0 : i32
      %dma_wait3A_84 = tpu.memref_slice %arg5[%arg0, %add3A_62, %dma_wait3A] : memref<2x10240x128xf32, #tpu.memory_space<hbm>> -> memref<1x80x128xf32, #tpu.memory_space<hbm>>
      %dma_wait3A_85 = tpu.memref_squeeze %dma_wait3A_84 : memref<1x80x128xf32, #tpu.memory_space<hbm>> -> memref<80x128xf32, #tpu.memory_space<hbm>>
      %dma_wait3A_86 = arith.constant 0 : i32
      %dma_wait3A_87 = tpu.memref_slice %arg5[%arg0, %add3A_62, %dma_wait3A_86] : memref<2x10240x128xf32, #tpu.memory_space<hbm>> -> memref<1x80x128xf32, #tpu.memory_space<hbm>>
      %dma_wait3A_88 = tpu.memref_squeeze %dma_wait3A_87 : memref<1x80x128xf32, #tpu.memory_space<hbm>> -> memref<80x128xf32, #tpu.memory_space<hbm>>
      tpu.wait_dma2 semaphore(%run_scoped3A : memref<!tpu.dma_semaphore, #tpu.memory_space<semaphore_mem>>) src(%arg8 : memref<80x128xf32, #tpu.memory_space<vmem>>) dst(%dma_wait3A_88 : memref<80x128xf32, #tpu.memory_space<hbm>>)
      tpu.yield
    }) : () -> ()
    %mul3A_63 = arith.constant 640 : i32
    %mul3A_64 = arith.muli %arg1, %mul3A_63 : i32
    %add3A_65 = arith.constant 320 : i32
    %add3A_66 = arith.addi %mul3A_64, %add3A_65 : i32
    "tpu.region"() ({
      %run_scoped3A = tpu.sem_alloc : memref<!tpu.dma_semaphore, #tpu.memory_space<semaphore_mem>>
      %dma_start3A = arith.constant 0 : i32
      %dma_start3A_79 = tpu.memref_slice %arg9[%add3A_66, %dma_start3A] : memref<10240x128xf32, #tpu.memory_space<vmem_shared>> -> memref<80x128xf32, #tpu.memory_space<vmem_shared>>
      %dma_start3A_80 = arith.constant 0 : i32
      %dma_start3A_81 = tpu.memref_slice %arg9[%add3A_66, %dma_start3A_80] : memref<10240x128xf32, #tpu.memory_space<vmem_shared>> -> memref<80x128xf32, #tpu.memory_space<vmem_shared>>
      tpu.enqueue_dma source(%dma_start3A_81 : memref<80x128xf32, #tpu.memory_space<vmem_shared>>) target(%arg8 : memref<80x128xf32, #tpu.memory_space<vmem>>) target_semaphore(%run_scoped3A : memref<!tpu.dma_semaphore, #tpu.memory_space<semaphore_mem>>)
      %dma_wait3A = arith.constant 0 : i32
      %dma_wait3A_82 = tpu.memref_slice %arg9[%add3A_66, %dma_wait3A] : memref<10240x128xf32, #tpu.memory_space<vmem_shared>> -> memref<80x128xf32, #tpu.memory_space<vmem_shared>>
      %dma_wait3A_83 = arith.constant 0 : i32
      %dma_wait3A_84 = tpu.memref_slice %arg9[%add3A_66, %dma_wait3A_83] : memref<10240x128xf32, #tpu.memory_space<vmem_shared>> -> memref<80x128xf32, #tpu.memory_space<vmem_shared>>
      tpu.wait_dma2 semaphore(%run_scoped3A : memref<!tpu.dma_semaphore, #tpu.memory_space<semaphore_mem>>) src(%dma_wait3A_84 : memref<80x128xf32, #tpu.memory_space<vmem_shared>>) dst(%arg8 : memref<80x128xf32, #tpu.memory_space<vmem>>)
      tpu.yield
    }) : () -> ()
    "tpu.region"() ({
      %run_scoped3A = tpu.sem_alloc : memref<!tpu.dma_semaphore, #tpu.memory_space<semaphore_mem>>
      %dma_start3A = arith.constant 0 : i32
      %dma_start3A_79 = tpu.memref_slice %arg5[%arg0, %add3A_66, %dma_start3A] : memref<2x10240x128xf32, #tpu.memory_space<hbm>> -> memref<1x80x128xf32, #tpu.memory_space<hbm>>
      %dma_start3A_80 = tpu.memref_squeeze %dma_start3A_79 : memref<1x80x128xf32, #tpu.memory_space<hbm>> -> memref<80x128xf32, #tpu.memory_space<hbm>>
      %dma_start3A_81 = arith.constant 0 : i32
      %dma_start3A_82 = tpu.memref_slice %arg5[%arg0, %add3A_66, %dma_start3A_81] : memref<2x10240x128xf32, #tpu.memory_space<hbm>> -> memref<1x80x128xf32, #tpu.memory_space<hbm>>
      %dma_start3A_83 = tpu.memref_squeeze %dma_start3A_82 : memref<1x80x128xf32, #tpu.memory_space<hbm>> -> memref<80x128xf32, #tpu.memory_space<hbm>>
      tpu.enqueue_dma source(%arg8 : memref<80x128xf32, #tpu.memory_space<vmem>>) target(%dma_start3A_83 : memref<80x128xf32, #tpu.memory_space<hbm>>) target_semaphore(%run_scoped3A : memref<!tpu.dma_semaphore, #tpu.memory_space<semaphore_mem>>)
      %dma_wait3A = arith.constant 0 : i32
      %dma_wait3A_84 = tpu.memref_slice %arg5[%arg0, %add3A_66, %dma_wait3A] : memref<2x10240x128xf32, #tpu.memory_space<hbm>> -> memref<1x80x128xf32, #tpu.memory_space<hbm>>
      %dma_wait3A_85 = tpu.memref_squeeze %dma_wait3A_84 : memref<1x80x128xf32, #tpu.memory_space<hbm>> -> memref<80x128xf32, #tpu.memory_space<hbm>>
      %dma_wait3A_86 = arith.constant 0 : i32
      %dma_wait3A_87 = tpu.memref_slice %arg5[%arg0, %add3A_66, %dma_wait3A_86] : memref<2x10240x128xf32, #tpu.memory_space<hbm>> -> memref<1x80x128xf32, #tpu.memory_space<hbm>>
      %dma_wait3A_88 = tpu.memref_squeeze %dma_wait3A_87 : memref<1x80x128xf32, #tpu.memory_space<hbm>> -> memref<80x128xf32, #tpu.memory_space<hbm>>
      tpu.wait_dma2 semaphore(%run_scoped3A : memref<!tpu.dma_semaphore, #tpu.memory_space<semaphore_mem>>) src(%arg8 : memref<80x128xf32, #tpu.memory_space<vmem>>) dst(%dma_wait3A_88 : memref<80x128xf32, #tpu.memory_space<hbm>>)
      tpu.yield
    }) : () -> ()
    %mul3A_67 = arith.constant 640 : i32
    %mul3A_68 = arith.muli %arg1, %mul3A_67 : i32
    %add3A_69 = arith.constant 400 : i32
    %add3A_70 = arith.addi %mul3A_68, %add3A_69 : i32
    "tpu.region"() ({
      %run_scoped3A = tpu.sem_alloc : memref<!tpu.dma_semaphore, #tpu.memory_space<semaphore_mem>>
      %dma_start3A = arith.constant 0 : i32
      %dma_start3A_79 = tpu.memref_slice %arg9[%add3A_70, %dma_start3A] : memref<10240x128xf32, #tpu.memory_space<vmem_shared>> -> memref<80x128xf32, #tpu.memory_space<vmem_shared>>
      %dma_start3A_80 = arith.constant 0 : i32
      %dma_start3A_81 = tpu.memref_slice %arg9[%add3A_70, %dma_start3A_80] : memref<10240x128xf32, #tpu.memory_space<vmem_shared>> -> memref<80x128xf32, #tpu.memory_space<vmem_shared>>
      tpu.enqueue_dma source(%dma_start3A_81 : memref<80x128xf32, #tpu.memory_space<vmem_shared>>) target(%arg8 : memref<80x128xf32, #tpu.memory_space<vmem>>) target_semaphore(%run_scoped3A : memref<!tpu.dma_semaphore, #tpu.memory_space<semaphore_mem>>)
      %dma_wait3A = arith.constant 0 : i32
      %dma_wait3A_82 = tpu.memref_slice %arg9[%add3A_70, %dma_wait3A] : memref<10240x128xf32, #tpu.memory_space<vmem_shared>> -> memref<80x128xf32, #tpu.memory_space<vmem_shared>>
      %dma_wait3A_83 = arith.constant 0 : i32
      %dma_wait3A_84 = tpu.memref_slice %arg9[%add3A_70, %dma_wait3A_83] : memref<10240x128xf32, #tpu.memory_space<vmem_shared>> -> memref<80x128xf32, #tpu.memory_space<vmem_shared>>
      tpu.wait_dma2 semaphore(%run_scoped3A : memref<!tpu.dma_semaphore, #tpu.memory_space<semaphore_mem>>) src(%dma_wait3A_84 : memref<80x128xf32, #tpu.memory_space<vmem_shared>>) dst(%arg8 : memref<80x128xf32, #tpu.memory_space<vmem>>)
      tpu.yield
    }) : () -> ()
    "tpu.region"() ({
      %run_scoped3A = tpu.sem_alloc : memref<!tpu.dma_semaphore, #tpu.memory_space<semaphore_mem>>
      %dma_start3A = arith.constant 0 : i32
      %dma_start3A_79 = tpu.memref_slice %arg5[%arg0, %add3A_70, %dma_start3A] : memref<2x10240x128xf32, #tpu.memory_space<hbm>> -> memref<1x80x128xf32, #tpu.memory_space<hbm>>
      %dma_start3A_80 = tpu.memref_squeeze %dma_start3A_79 : memref<1x80x128xf32, #tpu.memory_space<hbm>> -> memref<80x128xf32, #tpu.memory_space<hbm>>
      %dma_start3A_81 = arith.constant 0 : i32
      %dma_start3A_82 = tpu.memref_slice %arg5[%arg0, %add3A_70, %dma_start3A_81] : memref<2x10240x128xf32, #tpu.memory_space<hbm>> -> memref<1x80x128xf32, #tpu.memory_space<hbm>>
      %dma_start3A_83 = tpu.memref_squeeze %dma_start3A_82 : memref<1x80x128xf32, #tpu.memory_space<hbm>> -> memref<80x128xf32, #tpu.memory_space<hbm>>
      tpu.enqueue_dma source(%arg8 : memref<80x128xf32, #tpu.memory_space<vmem>>) target(%dma_start3A_83 : memref<80x128xf32, #tpu.memory_space<hbm>>) target_semaphore(%run_scoped3A : memref<!tpu.dma_semaphore, #tpu.memory_space<semaphore_mem>>)
      %dma_wait3A = arith.constant 0 : i32
      %dma_wait3A_84 = tpu.memref_slice %arg5[%arg0, %add3A_70, %dma_wait3A] : memref<2x10240x128xf32, #tpu.memory_space<hbm>> -> memref<1x80x128xf32, #tpu.memory_space<hbm>>
      %dma_wait3A_85 = tpu.memref_squeeze %dma_wait3A_84 : memref<1x80x128xf32, #tpu.memory_space<hbm>> -> memref<80x128xf32, #tpu.memory_space<hbm>>
      %dma_wait3A_86 = arith.constant 0 : i32
      %dma_wait3A_87 = tpu.memref_slice %arg5[%arg0, %add3A_70, %dma_wait3A_86] : memref<2x10240x128xf32, #tpu.memory_space<hbm>> -> memref<1x80x128xf32, #tpu.memory_space<hbm>>
      %dma_wait3A_88 = tpu.memref_squeeze %dma_wait3A_87 : memref<1x80x128xf32, #tpu.memory_space<hbm>> -> memref<80x128xf32, #tpu.memory_space<hbm>>
      tpu.wait_dma2 semaphore(%run_scoped3A : memref<!tpu.dma_semaphore, #tpu.memory_space<semaphore_mem>>) src(%arg8 : memref<80x128xf32, #tpu.memory_space<vmem>>) dst(%dma_wait3A_88 : memref<80x128xf32, #tpu.memory_space<hbm>>)
      tpu.yield
    }) : () -> ()
    %mul3A_71 = arith.constant 640 : i32
    %mul3A_72 = arith.muli %arg1, %mul3A_71 : i32
    %add3A_73 = arith.constant 480 : i32
    %add3A_74 = arith.addi %mul3A_72, %add3A_73 : i32
    "tpu.region"() ({
      %run_scoped3A = tpu.sem_alloc : memref<!tpu.dma_semaphore, #tpu.memory_space<semaphore_mem>>
      %dma_start3A = arith.constant 0 : i32
      %dma_start3A_79 = tpu.memref_slice %arg9[%add3A_74, %dma_start3A] : memref<10240x128xf32, #tpu.memory_space<vmem_shared>> -> memref<80x128xf32, #tpu.memory_space<vmem_shared>>
      %dma_start3A_80 = arith.constant 0 : i32
      %dma_start3A_81 = tpu.memref_slice %arg9[%add3A_74, %dma_start3A_80] : memref<10240x128xf32, #tpu.memory_space<vmem_shared>> -> memref<80x128xf32, #tpu.memory_space<vmem_shared>>
      tpu.enqueue_dma source(%dma_start3A_81 : memref<80x128xf32, #tpu.memory_space<vmem_shared>>) target(%arg8 : memref<80x128xf32, #tpu.memory_space<vmem>>) target_semaphore(%run_scoped3A : memref<!tpu.dma_semaphore, #tpu.memory_space<semaphore_mem>>)
      %dma_wait3A = arith.constant 0 : i32
      %dma_wait3A_82 = tpu.memref_slice %arg9[%add3A_74, %dma_wait3A] : memref<10240x128xf32, #tpu.memory_space<vmem_shared>> -> memref<80x128xf32, #tpu.memory_space<vmem_shared>>
      %dma_wait3A_83 = arith.constant 0 : i32
      %dma_wait3A_84 = tpu.memref_slice %arg9[%add3A_74, %dma_wait3A_83] : memref<10240x128xf32, #tpu.memory_space<vmem_shared>> -> memref<80x128xf32, #tpu.memory_space<vmem_shared>>
      tpu.wait_dma2 semaphore(%run_scoped3A : memref<!tpu.dma_semaphore, #tpu.memory_space<semaphore_mem>>) src(%dma_wait3A_84 : memref<80x128xf32, #tpu.memory_space<vmem_shared>>) dst(%arg8 : memref<80x128xf32, #tpu.memory_space<vmem>>)
      tpu.yield
    }) : () -> ()
    "tpu.region"() ({
      %run_scoped3A = tpu.sem_alloc : memref<!tpu.dma_semaphore, #tpu.memory_space<semaphore_mem>>
      %dma_start3A = arith.constant 0 : i32
      %dma_start3A_79 = tpu.memref_slice %arg5[%arg0, %add3A_74, %dma_start3A] : memref<2x10240x128xf32, #tpu.memory_space<hbm>> -> memref<1x80x128xf32, #tpu.memory_space<hbm>>
      %dma_start3A_80 = tpu.memref_squeeze %dma_start3A_79 : memref<1x80x128xf32, #tpu.memory_space<hbm>> -> memref<80x128xf32, #tpu.memory_space<hbm>>
      %dma_start3A_81 = arith.constant 0 : i32
      %dma_start3A_82 = tpu.memref_slice %arg5[%arg0, %add3A_74, %dma_start3A_81] : memref<2x10240x128xf32, #tpu.memory_space<hbm>> -> memref<1x80x128xf32, #tpu.memory_space<hbm>>
      %dma_start3A_83 = tpu.memref_squeeze %dma_start3A_82 : memref<1x80x128xf32, #tpu.memory_space<hbm>> -> memref<80x128xf32, #tpu.memory_space<hbm>>
      tpu.enqueue_dma source(%arg8 : memref<80x128xf32, #tpu.memory_space<vmem>>) target(%dma_start3A_83 : memref<80x128xf32, #tpu.memory_space<hbm>>) target_semaphore(%run_scoped3A : memref<!tpu.dma_semaphore, #tpu.memory_space<semaphore_mem>>)
      %dma_wait3A = arith.constant 0 : i32
      %dma_wait3A_84 = tpu.memref_slice %arg5[%arg0, %add3A_74, %dma_wait3A] : memref<2x10240x128xf32, #tpu.memory_space<hbm>> -> memref<1x80x128xf32, #tpu.memory_space<hbm>>
      %dma_wait3A_85 = tpu.memref_squeeze %dma_wait3A_84 : memref<1x80x128xf32, #tpu.memory_space<hbm>> -> memref<80x128xf32, #tpu.memory_space<hbm>>
      %dma_wait3A_86 = arith.constant 0 : i32
      %dma_wait3A_87 = tpu.memref_slice %arg5[%arg0, %add3A_74, %dma_wait3A_86] : memref<2x10240x128xf32, #tpu.memory_space<hbm>> -> memref<1x80x128xf32, #tpu.memory_space<hbm>>
      %dma_wait3A_88 = tpu.memref_squeeze %dma_wait3A_87 : memref<1x80x128xf32, #tpu.memory_space<hbm>> -> memref<80x128xf32, #tpu.memory_space<hbm>>
      tpu.wait_dma2 semaphore(%run_scoped3A : memref<!tpu.dma_semaphore, #tpu.memory_space<semaphore_mem>>) src(%arg8 : memref<80x128xf32, #tpu.memory_space<vmem>>) dst(%dma_wait3A_88 : memref<80x128xf32, #tpu.memory_space<hbm>>)
      tpu.yield
    }) : () -> ()
    %mul3A_75 = arith.constant 640 : i32
    %mul3A_76 = arith.muli %arg1, %mul3A_75 : i32
    %add3A_77 = arith.constant 560 : i32
    %add3A_78 = arith.addi %mul3A_76, %add3A_77 : i32
    "tpu.region"() ({
      %run_scoped3A = tpu.sem_alloc : memref<!tpu.dma_semaphore, #tpu.memory_space<semaphore_mem>>
      %dma_start3A = arith.constant 0 : i32
      %dma_start3A_79 = tpu.memref_slice %arg9[%add3A_78, %dma_start3A] : memref<10240x128xf32, #tpu.memory_space<vmem_shared>> -> memref<80x128xf32, #tpu.memory_space<vmem_shared>>
      %dma_start3A_80 = arith.constant 0 : i32
      %dma_start3A_81 = tpu.memref_slice %arg9[%add3A_78, %dma_start3A_80] : memref<10240x128xf32, #tpu.memory_space<vmem_shared>> -> memref<80x128xf32, #tpu.memory_space<vmem_shared>>
      tpu.enqueue_dma source(%dma_start3A_81 : memref<80x128xf32, #tpu.memory_space<vmem_shared>>) target(%arg8 : memref<80x128xf32, #tpu.memory_space<vmem>>) target_semaphore(%run_scoped3A : memref<!tpu.dma_semaphore, #tpu.memory_space<semaphore_mem>>)
      %dma_wait3A = arith.constant 0 : i32
      %dma_wait3A_82 = tpu.memref_slice %arg9[%add3A_78, %dma_wait3A] : memref<10240x128xf32, #tpu.memory_space<vmem_shared>> -> memref<80x128xf32, #tpu.memory_space<vmem_shared>>
      %dma_wait3A_83 = arith.constant 0 : i32
      %dma_wait3A_84 = tpu.memref_slice %arg9[%add3A_78, %dma_wait3A_83] : memref<10240x128xf32, #tpu.memory_space<vmem_shared>> -> memref<80x128xf32, #tpu.memory_space<vmem_shared>>
      tpu.wait_dma2 semaphore(%run_scoped3A : memref<!tpu.dma_semaphore, #tpu.memory_space<semaphore_mem>>) src(%dma_wait3A_84 : memref<80x128xf32, #tpu.memory_space<vmem_shared>>) dst(%arg8 : memref<80x128xf32, #tpu.memory_space<vmem>>)
      tpu.yield
    }) : () -> ()
    "tpu.region"() ({
      %run_scoped3A = tpu.sem_alloc : memref<!tpu.dma_semaphore, #tpu.memory_space<semaphore_mem>>
      %dma_start3A = arith.constant 0 : i32
      %dma_start3A_79 = tpu.memref_slice %arg5[%arg0, %add3A_78, %dma_start3A] : memref<2x10240x128xf32, #tpu.memory_space<hbm>> -> memref<1x80x128xf32, #tpu.memory_space<hbm>>
      %dma_start3A_80 = tpu.memref_squeeze %dma_start3A_79 : memref<1x80x128xf32, #tpu.memory_space<hbm>> -> memref<80x128xf32, #tpu.memory_space<hbm>>
      %dma_start3A_81 = arith.constant 0 : i32
      %dma_start3A_82 = tpu.memref_slice %arg5[%arg0, %add3A_78, %dma_start3A_81] : memref<2x10240x128xf32, #tpu.memory_space<hbm>> -> memref<1x80x128xf32, #tpu.memory_space<hbm>>
      %dma_start3A_83 = tpu.memref_squeeze %dma_start3A_82 : memref<1x80x128xf32, #tpu.memory_space<hbm>> -> memref<80x128xf32, #tpu.memory_space<hbm>>
      tpu.enqueue_dma source(%arg8 : memref<80x128xf32, #tpu.memory_space<vmem>>) target(%dma_start3A_83 : memref<80x128xf32, #tpu.memory_space<hbm>>) target_semaphore(%run_scoped3A : memref<!tpu.dma_semaphore, #tpu.memory_space<semaphore_mem>>)
      %dma_wait3A = arith.constant 0 : i32
      %dma_wait3A_84 = tpu.memref_slice %arg5[%arg0, %add3A_78, %dma_wait3A] : memref<2x10240x128xf32, #tpu.memory_space<hbm>> -> memref<1x80x128xf32, #tpu.memory_space<hbm>>
      %dma_wait3A_85 = tpu.memref_squeeze %dma_wait3A_84 : memref<1x80x128xf32, #tpu.memory_space<hbm>> -> memref<80x128xf32, #tpu.memory_space<hbm>>
      %dma_wait3A_86 = arith.constant 0 : i32
      %dma_wait3A_87 = tpu.memref_slice %arg5[%arg0, %add3A_78, %dma_wait3A_86] : memref<2x10240x128xf32, #tpu.memory_space<hbm>> -> memref<1x80x128xf32, #tpu.memory_space<hbm>>
      %dma_wait3A_88 = tpu.memref_squeeze %dma_wait3A_87 : memref<1x80x128xf32, #tpu.memory_space<hbm>> -> memref<80x128xf32, #tpu.memory_space<hbm>>
      tpu.wait_dma2 semaphore(%run_scoped3A : memref<!tpu.dma_semaphore, #tpu.memory_space<semaphore_mem>>) src(%arg8 : memref<80x128xf32, #tpu.memory_space<vmem>>) dst(%dma_wait3A_88 : memref<80x128xf32, #tpu.memory_space<hbm>>)
      tpu.yield
    }) : () -> ()
    return
  }
}

#map = affine_map<(d0, d1) -> (0, 0)>
#map1 = affine_map<(d0, d1) -> (0, 0, 0)>
module attributes {stable_mosaic.version = 14 : i64} {
  func.func @_sc_spmm(%arg0: i32, %arg1: i32, %arg2: memref<10000x128xf32, #tpu.memory_space<hbm>>, %arg3: memref<32x125x80xi32, #tpu.memory_space<hbm>>, %arg4: memref<32x125x80xi32, #tpu.memory_space<hbm>>, %arg5: memref<2x10240x128xf32, #tpu.memory_space<hbm>>, %arg6: memref<125x80xi32, #tpu.memory_space<vmem>>, %arg7: memref<125x80xi32, #tpu.memory_space<vmem>>, %arg8: memref<80x128xf32, #tpu.memory_space<vmem>>, %arg9: memref<10240x128xf32, #tpu.memory_space<vmem_shared>>, %arg10: memref<!tpu.dma_semaphore, #tpu.memory_space<semaphore_mem>>) attributes {dimension_semantics = [#tpu.dimension_semantics<core_parallel>, #tpu.dimension_semantics<subcore_parallel>], iteration_bounds = array<i64: 2, 16>, scalar_prefetch = 0 : i64, scratch_operands = 5 : i64, tpu.core_type = #tpu.core_type<sc_vector_subcore>, window_params = [{transform_indices = #map}, {transform_indices = #map1}, {transform_indices = #map1}, {transform_indices = #map1}]} {
    %mul3A = arith.constant 2 : i32
    %mul3A_0 = arith.muli %arg1, %mul3A : i32
    %add3A = arith.addi %mul3A_0, %arg0 : i32
    %scan3A = arith.constant 0 : i32
    %scan3A_1 = arith.constant 0 : i32
    %scan3A_2 = arith.constant 80 : i32
    %scan3A_3 = arith.addi %scan3A_1, %scan3A_2 : i32
    %scan3A_4 = arith.constant 1 : i32
    %scan3A_5 = scf.for %scan3A_79 = %scan3A_1 to %scan3A_3 step %scan3A_4 iter_args(%scan3A_80 = %scan3A) -> (i32)  : i32 {
      %broadcast_in_dim3A = arith.constant 0.000000e+00 : f32
      %broadcast_in_dim3A_81 = vector.broadcast %broadcast_in_dim3A : f32 to vector<16xf32>
      %swap3A = arith.index_cast %scan3A_79 : i32 to index
      %swap3A_82 = arith.constant 0 : index
      %swap3A_83 = tpu.vector_load %arg8[%swap3A, %swap3A_82] {strides = array<i32>} : memref<80x128xf32, #tpu.memory_space<vmem>>, vector<1x16xf32>,
      %swap3A_84 = vector.shape_cast %swap3A_83 : vector<1x16xf32> to vector<16xf32>
      %swap3A_85 = vector.shape_cast %broadcast_in_dim3A_81 : vector<16xf32> to vector<1x16xf32>
      tpu.vector_store %arg8[%swap3A, %swap3A_82], %swap3A_85 {strides = array<i32>} : memref<80x128xf32, #tpu.memory_space<vmem>>, vector<1x16xf32>,
      %broadcast_in_dim3A_86 = arith.constant 0.000000e+00 : f32
      %broadcast_in_dim3A_87 = vector.broadcast %broadcast_in_dim3A_86 : f32 to vector<16xf32>
      %swap3A_88 = arith.index_cast %scan3A_79 : i32 to index
      %swap3A_89 = arith.constant 16 : index
      %swap3A_90 = tpu.vector_load %arg8[%swap3A_88, %swap3A_89] {strides = array<i32>} : memref<80x128xf32, #tpu.memory_space<vmem>>, vector<1x16xf32>,
      %swap3A_91 = vector.shape_cast %swap3A_90 : vector<1x16xf32> to vector<16xf32>
      %swap3A_92 = vector.shape_cast %broadcast_in_dim3A_87 : vector<16xf32> to vector<1x16xf32>
      tpu.vector_store %arg8[%swap3A_88, %swap3A_89], %swap3A_92 {strides = array<i32>} : memref<80x128xf32, #tpu.memory_space<vmem>>, vector<1x16xf32>,
      %broadcast_in_dim3A_93 = arith.constant 0.000000e+00 : f32
      %broadcast_in_dim3A_94 = vector.broadcast %broadcast_in_dim3A_93 : f32 to vector<16xf32>
      %swap3A_95 = arith.index_cast %scan3A_79 : i32 to index
      %swap3A_96 = arith.constant 32 : index
      %swap3A_97 = tpu.vector_load %arg8[%swap3A_95, %swap3A_96] {strides = array<i32>} : memref<80x128xf32, #tpu.memory_space<vmem>>, vector<1x16xf32>,
      %swap3A_98 = vector.shape_cast %swap3A_97 : vector<1x16xf32> to vector<16xf32>
      %swap3A_99 = vector.shape_cast %broadcast_in_dim3A_94 : vector<16xf32> to vector<1x16xf32>
      tpu.vector_store %arg8[%swap3A_95, %swap3A_96], %swap3A_99 {strides = array<i32>} : memref<80x128xf32, #tpu.memory_space<vmem>>, vector<1x16xf32>,
      %broadcast_in_dim3A_100 = arith.constant 0.000000e+00 : f32
      %broadcast_in_dim3A_101 = vector.broadcast %broadcast_in_dim3A_100 : f32 to vector<16xf32>
      %swap3A_102 = arith.index_cast %scan3A_79 : i32 to index
      %swap3A_103 = arith.constant 48 : index
      %swap3A_104 = tpu.vector_load %arg8[%swap3A_102, %swap3A_103] {strides = array<i32>} : memref<80x128xf32, #tpu.memory_space<vmem>>, vector<1x16xf32>,
      %swap3A_105 = vector.shape_cast %swap3A_104 : vector<1x16xf32> to vector<16xf32>
      %swap3A_106 = vector.shape_cast %broadcast_in_dim3A_101 : vector<16xf32> to vector<1x16xf32>
      tpu.vector_store %arg8[%swap3A_102, %swap3A_103], %swap3A_106 {strides = array<i32>} : memref<80x128xf32, #tpu.memory_space<vmem>>, vector<1x16xf32>,
      %broadcast_in_dim3A_107 = arith.constant 0.000000e+00 : f32
      %broadcast_in_dim3A_108 = vector.broadcast %broadcast_in_dim3A_107 : f32 to vector<16xf32>
      %swap3A_109 = arith.index_cast %scan3A_79 : i32 to index
      %swap3A_110 = arith.constant 64 : index
      %swap3A_111 = tpu.vector_load %arg8[%swap3A_109, %swap3A_110] {strides = array<i32>} : memref<80x128xf32, #tpu.memory_space<vmem>>, vector<1x16xf32>,
      %swap3A_112 = vector.shape_cast %swap3A_111 : vector<1x16xf32> to vector<16xf32>
      %swap3A_113 = vector.shape_cast %broadcast_in_dim3A_108 : vector<16xf32> to vector<1x16xf32>
      tpu.vector_store %arg8[%swap3A_109, %swap3A_110], %swap3A_113 {strides = array<i32>} : memref<80x128xf32, #tpu.memory_space<vmem>>, vector<1x16xf32>,
      %broadcast_in_dim3A_114 = arith.constant 0.000000e+00 : f32
      %broadcast_in_dim3A_115 = vector.broadcast %broadcast_in_dim3A_114 : f32 to vector<16xf32>
      %swap3A_116 = arith.index_cast %scan3A_79 : i32 to index
      %swap3A_117 = arith.constant 80 : index
      %swap3A_118 = tpu.vector_load %arg8[%swap3A_116, %swap3A_117] {strides = array<i32>} : memref<80x128xf32, #tpu.memory_space<vmem>>, vector<1x16xf32>,
      %swap3A_119 = vector.shape_cast %swap3A_118 : vector<1x16xf32> to vector<16xf32>
      %swap3A_120 = vector.shape_cast %broadcast_in_dim3A_115 : vector<16xf32> to vector<1x16xf32>
      tpu.vector_store %arg8[%swap3A_116, %swap3A_117], %swap3A_120 {strides = array<i32>} : memref<80x128xf32, #tpu.memory_space<vmem>>, vector<1x16xf32>,
      %broadcast_in_dim3A_121 = arith.constant 0.000000e+00 : f32
      %broadcast_in_dim3A_122 = vector.broadcast %broadcast_in_dim3A_121 : f32 to vector<16xf32>
      %swap3A_123 = arith.index_cast %scan3A_79 : i32 to index
      %swap3A_124 = arith.constant 96 : index
      %swap3A_125 = tpu.vector_load %arg8[%swap3A_123, %swap3A_124] {strides = array<i32>} : memref<80x128xf32, #tpu.memory_space<vmem>>, vector<1x16xf32>,
      %swap3A_126 = vector.shape_cast %swap3A_125 : vector<1x16xf32> to vector<16xf32>
      %swap3A_127 = vector.shape_cast %broadcast_in_dim3A_122 : vector<16xf32> to vector<1x16xf32>
      tpu.vector_store %arg8[%swap3A_123, %swap3A_124], %swap3A_127 {strides = array<i32>} : memref<80x128xf32, #tpu.memory_space<vmem>>, vector<1x16xf32>,
      %broadcast_in_dim3A_128 = arith.constant 0.000000e+00 : f32
      %broadcast_in_dim3A_129 = vector.broadcast %broadcast_in_dim3A_128 : f32 to vector<16xf32>
      %swap3A_130 = arith.index_cast %scan3A_79 : i32 to index
      %swap3A_131 = arith.constant 112 : index
      %swap3A_132 = tpu.vector_load %arg8[%swap3A_130, %swap3A_131] {strides = array<i32>} : memref<80x128xf32, #tpu.memory_space<vmem>>, vector<1x16xf32>,
      %swap3A_133 = vector.shape_cast %swap3A_132 : vector<1x16xf32> to vector<16xf32>
      %swap3A_134 = vector.shape_cast %broadcast_in_dim3A_129 : vector<16xf32> to vector<1x16xf32>
      tpu.vector_store %arg8[%swap3A_130, %swap3A_131], %swap3A_134 {strides = array<i32>} : memref<80x128xf32, #tpu.memory_space<vmem>>, vector<1x16xf32>,
      %scan3A_135 = arith.constant 0 : i32
      scf.yield %scan3A_135 : i32
    }
    %scan3A_6 = arith.constant 80 : i32
    %mul3A_7 = arith.constant 640 : i32
    %mul3A_8 = arith.muli %arg1, %mul3A_7 : i32
    %add3A_9 = arith.constant 0 : i32
    %add3A_10 = arith.addi %mul3A_8, %add3A_9 : i32
    "tpu.region"() ({
      %run_scoped3A = tpu.sem_alloc : memref<!tpu.dma_semaphore, #tpu.memory_space<semaphore_mem>>
      %dma_start3A = arith.constant 0 : i32
      %dma_start3A_79 = tpu.memref_slice %arg9[%add3A_10, %dma_start3A] : memref<10240x128xf32, #tpu.memory_space<vmem_shared>> -> memref<80x128xf32, #tpu.memory_space<vmem_shared>>
      %dma_start3A_80 = arith.constant 0 : i32
      %dma_start3A_81 = tpu.memref_slice %arg9[%add3A_10, %dma_start3A_80] : memref<10240x128xf32, #tpu.memory_space<vmem_shared>> -> memref<80x128xf32, #tpu.memory_space<vmem_shared>>
      tpu.enqueue_dma source(%arg8 : memref<80x128xf32, #tpu.memory_space<vmem>>) target(%dma_start3A_81 : memref<80x128xf32, #tpu.memory_space<vmem_shared>>) target_semaphore(%run_scoped3A : memref<!tpu.dma_semaphore, #tpu.memory_space<semaphore_mem>>)
      %dma_wait3A = arith.constant 0 : i32
      %dma_wait3A_82 = tpu.memref_slice %arg9[%add3A_10, %dma_wait3A] : memref<10240x128xf32, #tpu.memory_space<vmem_shared>> -> memref<80x128xf32, #tpu.memory_space<vmem_shared>>
      %dma_wait3A_83 = arith.constant 0 : i32
      %dma_wait3A_84 = tpu.memref_slice %arg9[%add3A_10, %dma_wait3A_83] : memref<10240x128xf32, #tpu.memory_space<vmem_shared>> -> memref<80x128xf32, #tpu.memory_space<vmem_shared>>
      tpu.wait_dma2 semaphore(%run_scoped3A : memref<!tpu.dma_semaphore, #tpu.memory_space<semaphore_mem>>) src(%arg8 : memref<80x128xf32, #tpu.memory_space<vmem>>) dst(%dma_wait3A_84 : memref<80x128xf32, #tpu.memory_space<vmem_shared>>)
      tpu.yield
    }) : () -> ()
    %mul3A_11 = arith.constant 640 : i32
    %mul3A_12 = arith.muli %arg1, %mul3A_11 : i32
    %add3A_13 = arith.constant 80 : i32
    %add3A_14 = arith.addi %mul3A_12, %add3A_13 : i32
    "tpu.region"() ({
      %run_scoped3A = tpu.sem_alloc : memref<!tpu.dma_semaphore, #tpu.memory_space<semaphore_mem>>
      %dma_start3A = arith.constant 0 : i32
      %dma_start3A_79 = tpu.memref_slice %arg9[%add3A_14, %dma_start3A] : memref<10240x128xf32, #tpu.memory_space<vmem_shared>> -> memref<80x128xf32, #tpu.memory_space<vmem_shared>>
      %dma_start3A_80 = arith.constant 0 : i32
      %dma_start3A_81 = tpu.memref_slice %arg9[%add3A_14, %dma_start3A_80] : memref<10240x128xf32, #tpu.memory_space<vmem_shared>> -> memref<80x128xf32, #tpu.memory_space<vmem_shared>>
      tpu.enqueue_dma source(%arg8 : memref<80x128xf32, #tpu.memory_space<vmem>>) target(%dma_start3A_81 : memref<80x128xf32, #tpu.memory_space<vmem_shared>>) target_semaphore(%run_scoped3A : memref<!tpu.dma_semaphore, #tpu.memory_space<semaphore_mem>>)
      %dma_wait3A = arith.constant 0 : i32
      %dma_wait3A_82 = tpu.memref_slice %arg9[%add3A_14, %dma_wait3A] : memref<10240x128xf32, #tpu.memory_space<vmem_shared>> -> memref<80x128xf32, #tpu.memory_space<vmem_shared>>
      %dma_wait3A_83 = arith.constant 0 : i32
      %dma_wait3A_84 = tpu.memref_slice %arg9[%add3A_14, %dma_wait3A_83] : memref<10240x128xf32, #tpu.memory_space<vmem_shared>> -> memref<80x128xf32, #tpu.memory_space<vmem_shared>>
      tpu.wait_dma2 semaphore(%run_scoped3A : memref<!tpu.dma_semaphore, #tpu.memory_space<semaphore_mem>>) src(%arg8 : memref<80x128xf32, #tpu.memory_space<vmem>>) dst(%dma_wait3A_84 : memref<80x128xf32, #tpu.memory_space<vmem_shared>>)
      tpu.yield
    }) : () -> ()
    %mul3A_15 = arith.constant 640 : i32
    %mul3A_16 = arith.muli %arg1, %mul3A_15 : i32
    %add3A_17 = arith.constant 160 : i32
    %add3A_18 = arith.addi %mul3A_16, %add3A_17 : i32
    "tpu.region"() ({
      %run_scoped3A = tpu.sem_alloc : memref<!tpu.dma_semaphore, #tpu.memory_space<semaphore_mem>>
      %dma_start3A = arith.constant 0 : i32
      %dma_start3A_79 = tpu.memref_slice %arg9[%add3A_18, %dma_start3A] : memref<10240x128xf32, #tpu.memory_space<vmem_shared>> -> memref<80x128xf32, #tpu.memory_space<vmem_shared>>
      %dma_start3A_80 = arith.constant 0 : i32
      %dma_start3A_81 = tpu.memref_slice %arg9[%add3A_18, %dma_start3A_80] : memref<10240x128xf32, #tpu.memory_space<vmem_shared>> -> memref<80x128xf32, #tpu.memory_space<vmem_shared>>
      tpu.enqueue_dma source(%arg8 : memref<80x128xf32, #tpu.memory_space<vmem>>) target(%dma_start3A_81 : memref<80x128xf32, #tpu.memory_space<vmem_shared>>) target_semaphore(%run_scoped3A : memref<!tpu.dma_semaphore, #tpu.memory_space<semaphore_mem>>)
      %dma_wait3A = arith.constant 0 : i32
      %dma_wait3A_82 = tpu.memref_slice %arg9[%add3A_18, %dma_wait3A] : memref<10240x128xf32, #tpu.memory_space<vmem_shared>> -> memref<80x128xf32, #tpu.memory_space<vmem_shared>>
      %dma_wait3A_83 = arith.constant 0 : i32
      %dma_wait3A_84 = tpu.memref_slice %arg9[%add3A_18, %dma_wait3A_83] : memref<10240x128xf32, #tpu.memory_space<vmem_shared>> -> memref<80x128xf32, #tpu.memory_space<vmem_shared>>
      tpu.wait_dma2 semaphore(%run_scoped3A : memref<!tpu.dma_semaphore, #tpu.memory_space<semaphore_mem>>) src(%arg8 : memref<80x128xf32, #tpu.memory_space<vmem>>) dst(%dma_wait3A_84 : memref<80x128xf32, #tpu.memory_space<vmem_shared>>)
      tpu.yield
    }) : () -> ()
    %mul3A_19 = arith.constant 640 : i32
    %mul3A_20 = arith.muli %arg1, %mul3A_19 : i32
    %add3A_21 = arith.constant 240 : i32
    %add3A_22 = arith.addi %mul3A_20, %add3A_21 : i32
    "tpu.region"() ({
      %run_scoped3A = tpu.sem_alloc : memref<!tpu.dma_semaphore, #tpu.memory_space<semaphore_mem>>
      %dma_start3A = arith.constant 0 : i32
      %dma_start3A_79 = tpu.memref_slice %arg9[%add3A_22, %dma_start3A] : memref<10240x128xf32, #tpu.memory_space<vmem_shared>> -> memref<80x128xf32, #tpu.memory_space<vmem_shared>>
      %dma_start3A_80 = arith.constant 0 : i32
      %dma_start3A_81 = tpu.memref_slice %arg9[%add3A_22, %dma_start3A_80] : memref<10240x128xf32, #tpu.memory_space<vmem_shared>> -> memref<80x128xf32, #tpu.memory_space<vmem_shared>>
      tpu.enqueue_dma source(%arg8 : memref<80x128xf32, #tpu.memory_space<vmem>>) target(%dma_start3A_81 : memref<80x128xf32, #tpu.memory_space<vmem_shared>>) target_semaphore(%run_scoped3A : memref<!tpu.dma_semaphore, #tpu.memory_space<semaphore_mem>>)
      %dma_wait3A = arith.constant 0 : i32
      %dma_wait3A_82 = tpu.memref_slice %arg9[%add3A_22, %dma_wait3A] : memref<10240x128xf32, #tpu.memory_space<vmem_shared>> -> memref<80x128xf32, #tpu.memory_space<vmem_shared>>
      %dma_wait3A_83 = arith.constant 0 : i32
      %dma_wait3A_84 = tpu.memref_slice %arg9[%add3A_22, %dma_wait3A_83] : memref<10240x128xf32, #tpu.memory_space<vmem_shared>> -> memref<80x128xf32, #tpu.memory_space<vmem_shared>>
      tpu.wait_dma2 semaphore(%run_scoped3A : memref<!tpu.dma_semaphore, #tpu.memory_space<semaphore_mem>>) src(%arg8 : memref<80x128xf32, #tpu.memory_space<vmem>>) dst(%dma_wait3A_84 : memref<80x128xf32, #tpu.memory_space<vmem_shared>>)
      tpu.yield
    }) : () -> ()
    %mul3A_23 = arith.constant 640 : i32
    %mul3A_24 = arith.muli %arg1, %mul3A_23 : i32
    %add3A_25 = arith.constant 320 : i32
    %add3A_26 = arith.addi %mul3A_24, %add3A_25 : i32
    "tpu.region"() ({
      %run_scoped3A = tpu.sem_alloc : memref<!tpu.dma_semaphore, #tpu.memory_space<semaphore_mem>>
      %dma_start3A = arith.constant 0 : i32
      %dma_start3A_79 = tpu.memref_slice %arg9[%add3A_26, %dma_start3A] : memref<10240x128xf32, #tpu.memory_space<vmem_shared>> -> memref<80x128xf32, #tpu.memory_space<vmem_shared>>
      %dma_start3A_80 = arith.constant 0 : i32
      %dma_start3A_81 = tpu.memref_slice %arg9[%add3A_26, %dma_start3A_80] : memref<10240x128xf32, #tpu.memory_space<vmem_shared>> -> memref<80x128xf32, #tpu.memory_space<vmem_shared>>
      tpu.enqueue_dma source(%arg8 : memref<80x128xf32, #tpu.memory_space<vmem>>) target(%dma_start3A_81 : memref<80x128xf32, #tpu.memory_space<vmem_shared>>) target_semaphore(%run_scoped3A : memref<!tpu.dma_semaphore, #tpu.memory_space<semaphore_mem>>)
      %dma_wait3A = arith.constant 0 : i32
      %dma_wait3A_82 = tpu.memref_slice %arg9[%add3A_26, %dma_wait3A] : memref<10240x128xf32, #tpu.memory_space<vmem_shared>> -> memref<80x128xf32, #tpu.memory_space<vmem_shared>>
      %dma_wait3A_83 = arith.constant 0 : i32
      %dma_wait3A_84 = tpu.memref_slice %arg9[%add3A_26, %dma_wait3A_83] : memref<10240x128xf32, #tpu.memory_space<vmem_shared>> -> memref<80x128xf32, #tpu.memory_space<vmem_shared>>
      tpu.wait_dma2 semaphore(%run_scoped3A : memref<!tpu.dma_semaphore, #tpu.memory_space<semaphore_mem>>) src(%arg8 : memref<80x128xf32, #tpu.memory_space<vmem>>) dst(%dma_wait3A_84 : memref<80x128xf32, #tpu.memory_space<vmem_shared>>)
      tpu.yield
    }) : () -> ()
    %mul3A_27 = arith.constant 640 : i32
    %mul3A_28 = arith.muli %arg1, %mul3A_27 : i32
    %add3A_29 = arith.constant 400 : i32
    %add3A_30 = arith.addi %mul3A_28, %add3A_29 : i32
    "tpu.region"() ({
      %run_scoped3A = tpu.sem_alloc : memref<!tpu.dma_semaphore, #tpu.memory_space<semaphore_mem>>
      %dma_start3A = arith.constant 0 : i32
      %dma_start3A_79 = tpu.memref_slice %arg9[%add3A_30, %dma_start3A] : memref<10240x128xf32, #tpu.memory_space<vmem_shared>> -> memref<80x128xf32, #tpu.memory_space<vmem_shared>>
      %dma_start3A_80 = arith.constant 0 : i32
      %dma_start3A_81 = tpu.memref_slice %arg9[%add3A_30, %dma_start3A_80] : memref<10240x128xf32, #tpu.memory_space<vmem_shared>> -> memref<80x128xf32, #tpu.memory_space<vmem_shared>>
      tpu.enqueue_dma source(%arg8 : memref<80x128xf32, #tpu.memory_space<vmem>>) target(%dma_start3A_81 : memref<80x128xf32, #tpu.memory_space<vmem_shared>>) target_semaphore(%run_scoped3A : memref<!tpu.dma_semaphore, #tpu.memory_space<semaphore_mem>>)
      %dma_wait3A = arith.constant 0 : i32
      %dma_wait3A_82 = tpu.memref_slice %arg9[%add3A_30, %dma_wait3A] : memref<10240x128xf32, #tpu.memory_space<vmem_shared>> -> memref<80x128xf32, #tpu.memory_space<vmem_shared>>
      %dma_wait3A_83 = arith.constant 0 : i32
      %dma_wait3A_84 = tpu.memref_slice %arg9[%add3A_30, %dma_wait3A_83] : memref<10240x128xf32, #tpu.memory_space<vmem_shared>> -> memref<80x128xf32, #tpu.memory_space<vmem_shared>>
      tpu.wait_dma2 semaphore(%run_scoped3A : memref<!tpu.dma_semaphore, #tpu.memory_space<semaphore_mem>>) src(%arg8 : memref<80x128xf32, #tpu.memory_space<vmem>>) dst(%dma_wait3A_84 : memref<80x128xf32, #tpu.memory_space<vmem_shared>>)
      tpu.yield
    }) : () -> ()
    %mul3A_31 = arith.constant 640 : i32
    %mul3A_32 = arith.muli %arg1, %mul3A_31 : i32
    %add3A_33 = arith.constant 480 : i32
    %add3A_34 = arith.addi %mul3A_32, %add3A_33 : i32
    "tpu.region"() ({
      %run_scoped3A = tpu.sem_alloc : memref<!tpu.dma_semaphore, #tpu.memory_space<semaphore_mem>>
      %dma_start3A = arith.constant 0 : i32
      %dma_start3A_79 = tpu.memref_slice %arg9[%add3A_34, %dma_start3A] : memref<10240x128xf32, #tpu.memory_space<vmem_shared>> -> memref<80x128xf32, #tpu.memory_space<vmem_shared>>
      %dma_start3A_80 = arith.constant 0 : i32
      %dma_start3A_81 = tpu.memref_slice %arg9[%add3A_34, %dma_start3A_80] : memref<10240x128xf32, #tpu.memory_space<vmem_shared>> -> memref<80x128xf32, #tpu.memory_space<vmem_shared>>
      tpu.enqueue_dma source(%arg8 : memref<80x128xf32, #tpu.memory_space<vmem>>) target(%dma_start3A_81 : memref<80x128xf32, #tpu.memory_space<vmem_shared>>) target_semaphore(%run_scoped3A : memref<!tpu.dma_semaphore, #tpu.memory_space<semaphore_mem>>)
      %dma_wait3A = arith.constant 0 : i32
      %dma_wait3A_82 = tpu.memref_slice %arg9[%add3A_34, %dma_wait3A] : memref<10240x128xf32, #tpu.memory_space<vmem_shared>> -> memref<80x128xf32, #tpu.memory_space<vmem_shared>>
      %dma_wait3A_83 = arith.constant 0 : i32
      %dma_wait3A_84 = tpu.memref_slice %arg9[%add3A_34, %dma_wait3A_83] : memref<10240x128xf32, #tpu.memory_space<vmem_shared>> -> memref<80x128xf32, #tpu.memory_space<vmem_shared>>
      tpu.wait_dma2 semaphore(%run_scoped3A : memref<!tpu.dma_semaphore, #tpu.memory_space<semaphore_mem>>) src(%arg8 : memref<80x128xf32, #tpu.memory_space<vmem>>) dst(%dma_wait3A_84 : memref<80x128xf32, #tpu.memory_space<vmem_shared>>)
      tpu.yield
    }) : () -> ()
    %mul3A_35 = arith.constant 640 : i32
    %mul3A_36 = arith.muli %arg1, %mul3A_35 : i32
    %add3A_37 = arith.constant 560 : i32
    %add3A_38 = arith.addi %mul3A_36, %add3A_37 : i32
    "tpu.region"() ({
      %run_scoped3A = tpu.sem_alloc : memref<!tpu.dma_semaphore, #tpu.memory_space<semaphore_mem>>
      %dma_start3A = arith.constant 0 : i32
      %dma_start3A_79 = tpu.memref_slice %arg9[%add3A_38, %dma_start3A] : memref<10240x128xf32, #tpu.memory_space<vmem_shared>> -> memref<80x128xf32, #tpu.memory_space<vmem_shared>>
      %dma_start3A_80 = arith.constant 0 : i32
      %dma_start3A_81 = tpu.memref_slice %arg9[%add3A_38, %dma_start3A_80] : memref<10240x128xf32, #tpu.memory_space<vmem_shared>> -> memref<80x128xf32, #tpu.memory_space<vmem_shared>>
      tpu.enqueue_dma source(%arg8 : memref<80x128xf32, #tpu.memory_space<vmem>>) target(%dma_start3A_81 : memref<80x128xf32, #tpu.memory_space<vmem_shared>>) target_semaphore(%run_scoped3A : memref<!tpu.dma_semaphore, #tpu.memory_space<semaphore_mem>>)
      %dma_wait3A = arith.constant 0 : i32
      %dma_wait3A_82 = tpu.memref_slice %arg9[%add3A_38, %dma_wait3A] : memref<10240x128xf32, #tpu.memory_space<vmem_shared>> -> memref<80x128xf32, #tpu.memory_space<vmem_shared>>
      %dma_wait3A_83 = arith.constant 0 : i32
      %dma_wait3A_84 = tpu.memref_slice %arg9[%add3A_38, %dma_wait3A_83] : memref<10240x128xf32, #tpu.memory_space<vmem_shared>> -> memref<80x128xf32, #tpu.memory_space<vmem_shared>>
      tpu.wait_dma2 semaphore(%run_scoped3A : memref<!tpu.dma_semaphore, #tpu.memory_space<semaphore_mem>>) src(%arg8 : memref<80x128xf32, #tpu.memory_space<vmem>>) dst(%dma_wait3A_84 : memref<80x128xf32, #tpu.memory_space<vmem_shared>>)
      tpu.yield
    }) : () -> ()
    %barrier3A = arith.constant 0 : index
    tpu.barrier barrier_id(%barrier3A)
    "tpu.region"() ({
      %run_scoped3A = tpu.sem_alloc : memref<!tpu.dma_semaphore, #tpu.memory_space<semaphore_mem>>
      %dma_start3A = arith.constant 0 : i32
      %dma_start3A_79 = arith.constant 0 : i32
      %dma_start3A_80 = tpu.memref_slice %arg3[%add3A, %dma_start3A, %dma_start3A_79] : memref<32x125x80xi32, #tpu.memory_space<hbm>> -> memref<1x125x80xi32, #tpu.memory_space<hbm>>
      %dma_start3A_81 = tpu.memref_squeeze %dma_start3A_80 : memref<1x125x80xi32, #tpu.memory_space<hbm>> -> memref<125x80xi32, #tpu.memory_space<hbm>>
      %dma_start3A_82 = arith.constant 0 : i32
      %dma_start3A_83 = arith.constant 0 : i32
      %dma_start3A_84 = tpu.memref_slice %arg3[%add3A, %dma_start3A_82, %dma_start3A_83] : memref<32x125x80xi32, #tpu.memory_space<hbm>> -> memref<1x125x80xi32, #tpu.memory_space<hbm>>
      %dma_start3A_85 = tpu.memref_squeeze %dma_start3A_84 : memref<1x125x80xi32, #tpu.memory_space<hbm>> -> memref<125x80xi32, #tpu.memory_space<hbm>>
      tpu.enqueue_dma source(%dma_start3A_85 : memref<125x80xi32, #tpu.memory_space<hbm>>) target(%arg6 : memref<125x80xi32, #tpu.memory_space<vmem>>) target_semaphore(%run_scoped3A : memref<!tpu.dma_semaphore, #tpu.memory_space<semaphore_mem>>)
      %dma_wait3A = arith.constant 0 : i32
      %dma_wait3A_86 = arith.constant 0 : i32
      %dma_wait3A_87 = tpu.memref_slice %arg3[%add3A, %dma_wait3A, %dma_wait3A_86] : memref<32x125x80xi32, #tpu.memory_space<hbm>> -> memref<1x125x80xi32, #tpu.memory_space<hbm>>
      %dma_wait3A_88 = tpu.memref_squeeze %dma_wait3A_87 : memref<1x125x80xi32, #tpu.memory_space<hbm>> -> memref<125x80xi32, #tpu.memory_space<hbm>>
      %dma_wait3A_89 = arith.constant 0 : i32
      %dma_wait3A_90 = arith.constant 0 : i32
      %dma_wait3A_91 = tpu.memref_slice %arg3[%add3A, %dma_wait3A_89, %dma_wait3A_90] : memref<32x125x80xi32, #tpu.memory_space<hbm>> -> memref<1x125x80xi32, #tpu.memory_space<hbm>>
      %dma_wait3A_92 = tpu.memref_squeeze %dma_wait3A_91 : memref<1x125x80xi32, #tpu.memory_space<hbm>> -> memref<125x80xi32, #tpu.memory_space<hbm>>
      tpu.wait_dma2 semaphore(%run_scoped3A : memref<!tpu.dma_semaphore, #tpu.memory_space<semaphore_mem>>) src(%dma_wait3A_92 : memref<125x80xi32, #tpu.memory_space<hbm>>) dst(%arg6 : memref<125x80xi32, #tpu.memory_space<vmem>>)
      tpu.yield
    }) : () -> ()
    "tpu.region"() ({
      %run_scoped3A = tpu.sem_alloc : memref<!tpu.dma_semaphore, #tpu.memory_space<semaphore_mem>>
      %dma_start3A = arith.constant 0 : i32
      %dma_start3A_79 = arith.constant 0 : i32
      %dma_start3A_80 = tpu.memref_slice %arg4[%add3A, %dma_start3A, %dma_start3A_79] : memref<32x125x80xi32, #tpu.memory_space<hbm>> -> memref<1x125x80xi32, #tpu.memory_space<hbm>>
      %dma_start3A_81 = tpu.memref_squeeze %dma_start3A_80 : memref<1x125x80xi32, #tpu.memory_space<hbm>> -> memref<125x80xi32, #tpu.memory_space<hbm>>
      %dma_start3A_82 = arith.constant 0 : i32
      %dma_start3A_83 = arith.constant 0 : i32
      %dma_start3A_84 = tpu.memref_slice %arg4[%add3A, %dma_start3A_82, %dma_start3A_83] : memref<32x125x80xi32, #tpu.memory_space<hbm>> -> memref<1x125x80xi32, #tpu.memory_space<hbm>>
      %dma_start3A_85 = tpu.memref_squeeze %dma_start3A_84 : memref<1x125x80xi32, #tpu.memory_space<hbm>> -> memref<125x80xi32, #tpu.memory_space<hbm>>
      tpu.enqueue_dma source(%dma_start3A_85 : memref<125x80xi32, #tpu.memory_space<hbm>>) target(%arg7 : memref<125x80xi32, #tpu.memory_space<vmem>>) target_semaphore(%run_scoped3A : memref<!tpu.dma_semaphore, #tpu.memory_space<semaphore_mem>>)
      %dma_wait3A = arith.constant 0 : i32
      %dma_wait3A_86 = arith.constant 0 : i32
      %dma_wait3A_87 = tpu.memref_slice %arg4[%add3A, %dma_wait3A, %dma_wait3A_86] : memref<32x125x80xi32, #tpu.memory_space<hbm>> -> memref<1x125x80xi32, #tpu.memory_space<hbm>>
      %dma_wait3A_88 = tpu.memref_squeeze %dma_wait3A_87 : memref<1x125x80xi32, #tpu.memory_space<hbm>> -> memref<125x80xi32, #tpu.memory_space<hbm>>
      %dma_wait3A_89 = arith.constant 0 : i32
      %dma_wait3A_90 = arith.constant 0 : i32
      %dma_wait3A_91 = tpu.memref_slice %arg4[%add3A, %dma_wait3A_89, %dma_wait3A_90] : memref<32x125x80xi32, #tpu.memory_space<hbm>> -> memref<1x125x80xi32, #tpu.memory_space<hbm>>
      %dma_wait3A_92 = tpu.memref_squeeze %dma_wait3A_91 : memref<1x125x80xi32, #tpu.memory_space<hbm>> -> memref<125x80xi32, #tpu.memory_space<hbm>>
      tpu.wait_dma2 semaphore(%run_scoped3A : memref<!tpu.dma_semaphore, #tpu.memory_space<semaphore_mem>>) src(%dma_wait3A_92 : memref<125x80xi32, #tpu.memory_space<hbm>>) dst(%arg7 : memref<125x80xi32, #tpu.memory_space<vmem>>)
      tpu.yield
    }) : () -> ()
    %scan3A_39 = arith.constant 0 : i32
    %scan3A_40 = arith.constant 0 : i32
    %scan3A_41 = arith.constant 125 : i32
    %scan3A_42 = arith.addi %scan3A_40, %scan3A_41 : i32
    %scan3A_43 = arith.constant 1 : i32
    %scan3A_44 = scf.for %scan3A_79 = %scan3A_40 to %scan3A_42 step %scan3A_43 iter_args(%scan3A_80 = %scan3A_39) -> (i32)  : i32 {
      %dma_start3A = arith.constant 0 : i32
      %dma_start3A_81 = tpu.memref_slice %arg6[%scan3A_79, %dma_start3A] : memref<125x80xi32, #tpu.memory_space<vmem>> -> memref<1x80xi32, #tpu.memory_space<vmem>>
      %dma_start3A_82 = tpu.memref_squeeze %dma_start3A_81 : memref<1x80xi32, #tpu.memory_space<vmem>> -> memref<80xi32, #tpu.memory_space<vmem>>
      %dma_start3A_83 = arith.constant 0 : i32
      %dma_start3A_84 = arith.constant 0 : i32
      %dma_start3A_85 = tpu.memref_slice %arg2[%dma_start3A_83, %dma_start3A_84] : memref<10000x128xf32, #tpu.memory_space<hbm>> -> memref<10000x128xf32, #tpu.memory_space<hbm>>
      tpu.enqueue_indirect_dma source(%dma_start3A_85 : memref<10000x128xf32, #tpu.memory_space<hbm>>) target(%arg8 : memref<80x128xf32, #tpu.memory_space<vmem>>) offsets(%dma_start3A_82 : memref<80xi32, #tpu.memory_space<vmem>>) semaphore(%arg10 : memref<!tpu.dma_semaphore, #tpu.memory_space<semaphore_mem>>)
      %dma_wait3A = arith.constant 0 : i32
      %dma_wait3A_86 = tpu.memref_slice %arg6[%scan3A_79, %dma_wait3A] : memref<125x80xi32, #tpu.memory_space<vmem>> -> memref<1x80xi32, #tpu.memory_space<vmem>>
      %dma_wait3A_87 = tpu.memref_squeeze %dma_wait3A_86 : memref<1x80xi32, #tpu.memory_space<vmem>> -> memref<80xi32, #tpu.memory_space<vmem>>
      %dma_wait3A_88 = arith.constant 0 : i32
      %dma_wait3A_89 = arith.constant 0 : i32
      %dma_wait3A_90 = tpu.memref_slice %arg2[%dma_wait3A_88, %dma_wait3A_89] : memref<10000x128xf32, #tpu.memory_space<hbm>> -> memref<10000x128xf32, #tpu.memory_space<hbm>>
      tpu.wait_indirect_dma semaphore(%arg10 : memref<!tpu.dma_semaphore, #tpu.memory_space<semaphore_mem>>) src(%dma_wait3A_90 : memref<10000x128xf32, #tpu.memory_space<hbm>>) dst(%arg8 : memref<80x128xf32, #tpu.memory_space<vmem>>)
      "tpu.region"() ({
        %run_scoped3A = tpu.sem_alloc : memref<!tpu.dma_semaphore, #tpu.memory_space<semaphore_mem>>
        %dma_start3A_92 = arith.constant 0 : i32
        %dma_start3A_93 = tpu.memref_slice %arg7[%scan3A_79, %dma_start3A_92] : memref<125x80xi32, #tpu.memory_space<vmem>> -> memref<1x80xi32, #tpu.memory_space<vmem>>
        %dma_start3A_94 = tpu.memref_squeeze %dma_start3A_93 : memref<1x80xi32, #tpu.memory_space<vmem>> -> memref<80xi32, #tpu.memory_space<vmem>>
        %dma_start3A_95 = arith.constant 0 : i32
        %dma_start3A_96 = arith.constant 0 : i32
        %dma_start3A_97 = tpu.memref_slice %arg9[%dma_start3A_95, %dma_start3A_96] : memref<10240x128xf32, #tpu.memory_space<vmem_shared>> -> memref<10240x128xf32, #tpu.memory_space<vmem_shared>>
        tpu.enqueue_indirect_dma source(%arg8 : memref<80x128xf32, #tpu.memory_space<vmem>>) target(%dma_start3A_97 : memref<10240x128xf32, #tpu.memory_space<vmem_shared>>) offsets(%dma_start3A_94 : memref<80xi32, #tpu.memory_space<vmem>>) semaphore(%run_scoped3A : memref<!tpu.dma_semaphore, #tpu.memory_space<semaphore_mem>>) {add = true}
        %dma_wait3A_98 = arith.constant 0 : i32
        %dma_wait3A_99 = tpu.memref_slice %arg7[%scan3A_79, %dma_wait3A_98] : memref<125x80xi32, #tpu.memory_space<vmem>> -> memref<1x80xi32, #tpu.memory_space<vmem>>
        %dma_wait3A_100 = tpu.memref_squeeze %dma_wait3A_99 : memref<1x80xi32, #tpu.memory_space<vmem>> -> memref<80xi32, #tpu.memory_space<vmem>>
        %dma_wait3A_101 = arith.constant 0 : i32
        %dma_wait3A_102 = arith.constant 0 : i32
        %dma_wait3A_103 = tpu.memref_slice %arg9[%dma_wait3A_101, %dma_wait3A_102] : memref<10240x128xf32, #tpu.memory_space<vmem_shared>> -> memref<10240x128xf32, #tpu.memory_space<vmem_shared>>
        tpu.wait_indirect_dma semaphore(%run_scoped3A : memref<!tpu.dma_semaphore, #tpu.memory_space<semaphore_mem>>) src(%arg8 : memref<80x128xf32, #tpu.memory_space<vmem>>) dst(%dma_wait3A_103 : memref<10240x128xf32, #tpu.memory_space<vmem_shared>>)
        tpu.yield
      }) : () -> ()
      %scan3A_91 = arith.constant 0 : i32
      scf.yield %scan3A_91 : i32
    }
    %scan3A_45 = arith.constant 125 : i32
    %barrier3A_46 = arith.constant 0 : index
    tpu.barrier barrier_id(%barrier3A_46)
    %mul3A_47 = arith.constant 640 : i32
    %mul3A_48 = arith.muli %arg1, %mul3A_47 : i32
    %add3A_49 = arith.constant 0 : i32
    %add3A_50 = arith.addi %mul3A_48, %add3A_49 : i32
    "tpu.region"() ({
      %run_scoped3A = tpu.sem_alloc : memref<!tpu.dma_semaphore, #tpu.memory_space<semaphore_mem>>
      %dma_start3A = arith.constant 0 : i32
      %dma_start3A_79 = tpu.memref_slice %arg9[%add3A_50, %dma_start3A] : memref<10240x128xf32, #tpu.memory_space<vmem_shared>> -> memref<80x128xf32, #tpu.memory_space<vmem_shared>>
      %dma_start3A_80 = arith.constant 0 : i32
      %dma_start3A_81 = tpu.memref_slice %arg9[%add3A_50, %dma_start3A_80] : memref<10240x128xf32, #tpu.memory_space<vmem_shared>> -> memref<80x128xf32, #tpu.memory_space<vmem_shared>>
      tpu.enqueue_dma source(%dma_start3A_81 : memref<80x128xf32, #tpu.memory_space<vmem_shared>>) target(%arg8 : memref<80x128xf32, #tpu.memory_space<vmem>>) target_semaphore(%run_scoped3A : memref<!tpu.dma_semaphore, #tpu.memory_space<semaphore_mem>>)
      %dma_wait3A = arith.constant 0 : i32
      %dma_wait3A_82 = tpu.memref_slice %arg9[%add3A_50, %dma_wait3A] : memref<10240x128xf32, #tpu.memory_space<vmem_shared>> -> memref<80x128xf32, #tpu.memory_space<vmem_shared>>
      %dma_wait3A_83 = arith.constant 0 : i32
      %dma_wait3A_84 = tpu.memref_slice %arg9[%add3A_50, %dma_wait3A_83] : memref<10240x128xf32, #tpu.memory_space<vmem_shared>> -> memref<80x128xf32, #tpu.memory_space<vmem_shared>>
      tpu.wait_dma2 semaphore(%run_scoped3A : memref<!tpu.dma_semaphore, #tpu.memory_space<semaphore_mem>>) src(%dma_wait3A_84 : memref<80x128xf32, #tpu.memory_space<vmem_shared>>) dst(%arg8 : memref<80x128xf32, #tpu.memory_space<vmem>>)
      tpu.yield
    }) : () -> ()
    "tpu.region"() ({
      %run_scoped3A = tpu.sem_alloc : memref<!tpu.dma_semaphore, #tpu.memory_space<semaphore_mem>>
      %dma_start3A = arith.constant 0 : i32
      %dma_start3A_79 = tpu.memref_slice %arg5[%arg0, %add3A_50, %dma_start3A] : memref<2x10240x128xf32, #tpu.memory_space<hbm>> -> memref<1x80x128xf32, #tpu.memory_space<hbm>>
      %dma_start3A_80 = tpu.memref_squeeze %dma_start3A_79 : memref<1x80x128xf32, #tpu.memory_space<hbm>> -> memref<80x128xf32, #tpu.memory_space<hbm>>
      %dma_start3A_81 = arith.constant 0 : i32
      %dma_start3A_82 = tpu.memref_slice %arg5[%arg0, %add3A_50, %dma_start3A_81] : memref<2x10240x128xf32, #tpu.memory_space<hbm>> -> memref<1x80x128xf32, #tpu.memory_space<hbm>>
      %dma_start3A_83 = tpu.memref_squeeze %dma_start3A_82 : memref<1x80x128xf32, #tpu.memory_space<hbm>> -> memref<80x128xf32, #tpu.memory_space<hbm>>
      tpu.enqueue_dma source(%arg8 : memref<80x128xf32, #tpu.memory_space<vmem>>) target(%dma_start3A_83 : memref<80x128xf32, #tpu.memory_space<hbm>>) target_semaphore(%run_scoped3A : memref<!tpu.dma_semaphore, #tpu.memory_space<semaphore_mem>>)
      %dma_wait3A = arith.constant 0 : i32
      %dma_wait3A_84 = tpu.memref_slice %arg5[%arg0, %add3A_50, %dma_wait3A] : memref<2x10240x128xf32, #tpu.memory_space<hbm>> -> memref<1x80x128xf32, #tpu.memory_space<hbm>>
      %dma_wait3A_85 = tpu.memref_squeeze %dma_wait3A_84 : memref<1x80x128xf32, #tpu.memory_space<hbm>> -> memref<80x128xf32, #tpu.memory_space<hbm>>
      %dma_wait3A_86 = arith.constant 0 : i32
      %dma_wait3A_87 = tpu.memref_slice %arg5[%arg0, %add3A_50, %dma_wait3A_86] : memref<2x10240x128xf32, #tpu.memory_space<hbm>> -> memref<1x80x128xf32, #tpu.memory_space<hbm>>
      %dma_wait3A_88 = tpu.memref_squeeze %dma_wait3A_87 : memref<1x80x128xf32, #tpu.memory_space<hbm>> -> memref<80x128xf32, #tpu.memory_space<hbm>>
      tpu.wait_dma2 semaphore(%run_scoped3A : memref<!tpu.dma_semaphore, #tpu.memory_space<semaphore_mem>>) src(%arg8 : memref<80x128xf32, #tpu.memory_space<vmem>>) dst(%dma_wait3A_88 : memref<80x128xf32, #tpu.memory_space<hbm>>)
      tpu.yield
    }) : () -> ()
    %mul3A_51 = arith.constant 640 : i32
    %mul3A_52 = arith.muli %arg1, %mul3A_51 : i32
    %add3A_53 = arith.constant 80 : i32
    %add3A_54 = arith.addi %mul3A_52, %add3A_53 : i32
    "tpu.region"() ({
      %run_scoped3A = tpu.sem_alloc : memref<!tpu.dma_semaphore, #tpu.memory_space<semaphore_mem>>
      %dma_start3A = arith.constant 0 : i32
      %dma_start3A_79 = tpu.memref_slice %arg9[%add3A_54, %dma_start3A] : memref<10240x128xf32, #tpu.memory_space<vmem_shared>> -> memref<80x128xf32, #tpu.memory_space<vmem_shared>>
      %dma_start3A_80 = arith.constant 0 : i32
      %dma_start3A_81 = tpu.memref_slice %arg9[%add3A_54, %dma_start3A_80] : memref<10240x128xf32, #tpu.memory_space<vmem_shared>> -> memref<80x128xf32, #tpu.memory_space<vmem_shared>>
      tpu.enqueue_dma source(%dma_start3A_81 : memref<80x128xf32, #tpu.memory_space<vmem_shared>>) target(%arg8 : memref<80x128xf32, #tpu.memory_space<vmem>>) target_semaphore(%run_scoped3A : memref<!tpu.dma_semaphore, #tpu.memory_space<semaphore_mem>>)
      %dma_wait3A = arith.constant 0 : i32
      %dma_wait3A_82 = tpu.memref_slice %arg9[%add3A_54, %dma_wait3A] : memref<10240x128xf32, #tpu.memory_space<vmem_shared>> -> memref<80x128xf32, #tpu.memory_space<vmem_shared>>
      %dma_wait3A_83 = arith.constant 0 : i32
      %dma_wait3A_84 = tpu.memref_slice %arg9[%add3A_54, %dma_wait3A_83] : memref<10240x128xf32, #tpu.memory_space<vmem_shared>> -> memref<80x128xf32, #tpu.memory_space<vmem_shared>>
      tpu.wait_dma2 semaphore(%run_scoped3A : memref<!tpu.dma_semaphore, #tpu.memory_space<semaphore_mem>>) src(%dma_wait3A_84 : memref<80x128xf32, #tpu.memory_space<vmem_shared>>) dst(%arg8 : memref<80x128xf32, #tpu.memory_space<vmem>>)
      tpu.yield
    }) : () -> ()
    "tpu.region"() ({
      %run_scoped3A = tpu.sem_alloc : memref<!tpu.dma_semaphore, #tpu.memory_space<semaphore_mem>>
      %dma_start3A = arith.constant 0 : i32
      %dma_start3A_79 = tpu.memref_slice %arg5[%arg0, %add3A_54, %dma_start3A] : memref<2x10240x128xf32, #tpu.memory_space<hbm>> -> memref<1x80x128xf32, #tpu.memory_space<hbm>>
      %dma_start3A_80 = tpu.memref_squeeze %dma_start3A_79 : memref<1x80x128xf32, #tpu.memory_space<hbm>> -> memref<80x128xf32, #tpu.memory_space<hbm>>
      %dma_start3A_81 = arith.constant 0 : i32
      %dma_start3A_82 = tpu.memref_slice %arg5[%arg0, %add3A_54, %dma_start3A_81] : memref<2x10240x128xf32, #tpu.memory_space<hbm>> -> memref<1x80x128xf32, #tpu.memory_space<hbm>>
      %dma_start3A_83 = tpu.memref_squeeze %dma_start3A_82 : memref<1x80x128xf32, #tpu.memory_space<hbm>> -> memref<80x128xf32, #tpu.memory_space<hbm>>
      tpu.enqueue_dma source(%arg8 : memref<80x128xf32, #tpu.memory_space<vmem>>) target(%dma_start3A_83 : memref<80x128xf32, #tpu.memory_space<hbm>>) target_semaphore(%run_scoped3A : memref<!tpu.dma_semaphore, #tpu.memory_space<semaphore_mem>>)
      %dma_wait3A = arith.constant 0 : i32
      %dma_wait3A_84 = tpu.memref_slice %arg5[%arg0, %add3A_54, %dma_wait3A] : memref<2x10240x128xf32, #tpu.memory_space<hbm>> -> memref<1x80x128xf32, #tpu.memory_space<hbm>>
      %dma_wait3A_85 = tpu.memref_squeeze %dma_wait3A_84 : memref<1x80x128xf32, #tpu.memory_space<hbm>> -> memref<80x128xf32, #tpu.memory_space<hbm>>
      %dma_wait3A_86 = arith.constant 0 : i32
      %dma_wait3A_87 = tpu.memref_slice %arg5[%arg0, %add3A_54, %dma_wait3A_86] : memref<2x10240x128xf32, #tpu.memory_space<hbm>> -> memref<1x80x128xf32, #tpu.memory_space<hbm>>
      %dma_wait3A_88 = tpu.memref_squeeze %dma_wait3A_87 : memref<1x80x128xf32, #tpu.memory_space<hbm>> -> memref<80x128xf32, #tpu.memory_space<hbm>>
      tpu.wait_dma2 semaphore(%run_scoped3A : memref<!tpu.dma_semaphore, #tpu.memory_space<semaphore_mem>>) src(%arg8 : memref<80x128xf32, #tpu.memory_space<vmem>>) dst(%dma_wait3A_88 : memref<80x128xf32, #tpu.memory_space<hbm>>)
      tpu.yield
    }) : () -> ()
    %mul3A_55 = arith.constant 640 : i32
    %mul3A_56 = arith.muli %arg1, %mul3A_55 : i32
    %add3A_57 = arith.constant 160 : i32
    %add3A_58 = arith.addi %mul3A_56, %add3A_57 : i32
    "tpu.region"() ({
      %run_scoped3A = tpu.sem_alloc : memref<!tpu.dma_semaphore, #tpu.memory_space<semaphore_mem>>
      %dma_start3A = arith.constant 0 : i32
      %dma_start3A_79 = tpu.memref_slice %arg9[%add3A_58, %dma_start3A] : memref<10240x128xf32, #tpu.memory_space<vmem_shared>> -> memref<80x128xf32, #tpu.memory_space<vmem_shared>>
      %dma_start3A_80 = arith.constant 0 : i32
      %dma_start3A_81 = tpu.memref_slice %arg9[%add3A_58, %dma_start3A_80] : memref<10240x128xf32, #tpu.memory_space<vmem_shared>> -> memref<80x128xf32, #tpu.memory_space<vmem_shared>>
      tpu.enqueue_dma source(%dma_start3A_81 : memref<80x128xf32, #tpu.memory_space<vmem_shared>>) target(%arg8 : memref<80x128xf32, #tpu.memory_space<vmem>>) target_semaphore(%run_scoped3A : memref<!tpu.dma_semaphore, #tpu.memory_space<semaphore_mem>>)
      %dma_wait3A = arith.constant 0 : i32
      %dma_wait3A_82 = tpu.memref_slice %arg9[%add3A_58, %dma_wait3A] : memref<10240x128xf32, #tpu.memory_space<vmem_shared>> -> memref<80x128xf32, #tpu.memory_space<vmem_shared>>
      %dma_wait3A_83 = arith.constant 0 : i32
      %dma_wait3A_84 = tpu.memref_slice %arg9[%add3A_58, %dma_wait3A_83] : memref<10240x128xf32, #tpu.memory_space<vmem_shared>> -> memref<80x128xf32, #tpu.memory_space<vmem_shared>>
      tpu.wait_dma2 semaphore(%run_scoped3A : memref<!tpu.dma_semaphore, #tpu.memory_space<semaphore_mem>>) src(%dma_wait3A_84 : memref<80x128xf32, #tpu.memory_space<vmem_shared>>) dst(%arg8 : memref<80x128xf32, #tpu.memory_space<vmem>>)
      tpu.yield
    }) : () -> ()
    "tpu.region"() ({
      %run_scoped3A = tpu.sem_alloc : memref<!tpu.dma_semaphore, #tpu.memory_space<semaphore_mem>>
      %dma_start3A = arith.constant 0 : i32
      %dma_start3A_79 = tpu.memref_slice %arg5[%arg0, %add3A_58, %dma_start3A] : memref<2x10240x128xf32, #tpu.memory_space<hbm>> -> memref<1x80x128xf32, #tpu.memory_space<hbm>>
      %dma_start3A_80 = tpu.memref_squeeze %dma_start3A_79 : memref<1x80x128xf32, #tpu.memory_space<hbm>> -> memref<80x128xf32, #tpu.memory_space<hbm>>
      %dma_start3A_81 = arith.constant 0 : i32
      %dma_start3A_82 = tpu.memref_slice %arg5[%arg0, %add3A_58, %dma_start3A_81] : memref<2x10240x128xf32, #tpu.memory_space<hbm>> -> memref<1x80x128xf32, #tpu.memory_space<hbm>>
      %dma_start3A_83 = tpu.memref_squeeze %dma_start3A_82 : memref<1x80x128xf32, #tpu.memory_space<hbm>> -> memref<80x128xf32, #tpu.memory_space<hbm>>
      tpu.enqueue_dma source(%arg8 : memref<80x128xf32, #tpu.memory_space<vmem>>) target(%dma_start3A_83 : memref<80x128xf32, #tpu.memory_space<hbm>>) target_semaphore(%run_scoped3A : memref<!tpu.dma_semaphore, #tpu.memory_space<semaphore_mem>>)
      %dma_wait3A = arith.constant 0 : i32
      %dma_wait3A_84 = tpu.memref_slice %arg5[%arg0, %add3A_58, %dma_wait3A] : memref<2x10240x128xf32, #tpu.memory_space<hbm>> -> memref<1x80x128xf32, #tpu.memory_space<hbm>>
      %dma_wait3A_85 = tpu.memref_squeeze %dma_wait3A_84 : memref<1x80x128xf32, #tpu.memory_space<hbm>> -> memref<80x128xf32, #tpu.memory_space<hbm>>
      %dma_wait3A_86 = arith.constant 0 : i32
      %dma_wait3A_87 = tpu.memref_slice %arg5[%arg0, %add3A_58, %dma_wait3A_86] : memref<2x10240x128xf32, #tpu.memory_space<hbm>> -> memref<1x80x128xf32, #tpu.memory_space<hbm>>
      %dma_wait3A_88 = tpu.memref_squeeze %dma_wait3A_87 : memref<1x80x128xf32, #tpu.memory_space<hbm>> -> memref<80x128xf32, #tpu.memory_space<hbm>>
      tpu.wait_dma2 semaphore(%run_scoped3A : memref<!tpu.dma_semaphore, #tpu.memory_space<semaphore_mem>>) src(%arg8 : memref<80x128xf32, #tpu.memory_space<vmem>>) dst(%dma_wait3A_88 : memref<80x128xf32, #tpu.memory_space<hbm>>)
      tpu.yield
    }) : () -> ()
    %mul3A_59 = arith.constant 640 : i32
    %mul3A_60 = arith.muli %arg1, %mul3A_59 : i32
    %add3A_61 = arith.constant 240 : i32
    %add3A_62 = arith.addi %mul3A_60, %add3A_61 : i32
    "tpu.region"() ({
      %run_scoped3A = tpu.sem_alloc : memref<!tpu.dma_semaphore, #tpu.memory_space<semaphore_mem>>
      %dma_start3A = arith.constant 0 : i32
      %dma_start3A_79 = tpu.memref_slice %arg9[%add3A_62, %dma_start3A] : memref<10240x128xf32, #tpu.memory_space<vmem_shared>> -> memref<80x128xf32, #tpu.memory_space<vmem_shared>>
      %dma_start3A_80 = arith.constant 0 : i32
      %dma_start3A_81 = tpu.memref_slice %arg9[%add3A_62, %dma_start3A_80] : memref<10240x128xf32, #tpu.memory_space<vmem_shared>> -> memref<80x128xf32, #tpu.memory_space<vmem_shared>>
      tpu.enqueue_dma source(%dma_start3A_81 : memref<80x128xf32, #tpu.memory_space<vmem_shared>>) target(%arg8 : memref<80x128xf32, #tpu.memory_space<vmem>>) target_semaphore(%run_scoped3A : memref<!tpu.dma_semaphore, #tpu.memory_space<semaphore_mem>>)
      %dma_wait3A = arith.constant 0 : i32
      %dma_wait3A_82 = tpu.memref_slice %arg9[%add3A_62, %dma_wait3A] : memref<10240x128xf32, #tpu.memory_space<vmem_shared>> -> memref<80x128xf32, #tpu.memory_space<vmem_shared>>
      %dma_wait3A_83 = arith.constant 0 : i32
      %dma_wait3A_84 = tpu.memref_slice %arg9[%add3A_62, %dma_wait3A_83] : memref<10240x128xf32, #tpu.memory_space<vmem_shared>> -> memref<80x128xf32, #tpu.memory_space<vmem_shared>>
      tpu.wait_dma2 semaphore(%run_scoped3A : memref<!tpu.dma_semaphore, #tpu.memory_space<semaphore_mem>>) src(%dma_wait3A_84 : memref<80x128xf32, #tpu.memory_space<vmem_shared>>) dst(%arg8 : memref<80x128xf32, #tpu.memory_space<vmem>>)
      tpu.yield
    }) : () -> ()
    "tpu.region"() ({
      %run_scoped3A = tpu.sem_alloc : memref<!tpu.dma_semaphore, #tpu.memory_space<semaphore_mem>>
      %dma_start3A = arith.constant 0 : i32
      %dma_start3A_79 = tpu.memref_slice %arg5[%arg0, %add3A_62, %dma_start3A] : memref<2x10240x128xf32, #tpu.memory_space<hbm>> -> memref<1x80x128xf32, #tpu.memory_space<hbm>>
      %dma_start3A_80 = tpu.memref_squeeze %dma_start3A_79 : memref<1x80x128xf32, #tpu.memory_space<hbm>> -> memref<80x128xf32, #tpu.memory_space<hbm>>
      %dma_start3A_81 = arith.constant 0 : i32
      %dma_start3A_82 = tpu.memref_slice %arg5[%arg0, %add3A_62, %dma_start3A_81] : memref<2x10240x128xf32, #tpu.memory_space<hbm>> -> memref<1x80x128xf32, #tpu.memory_space<hbm>>
      %dma_start3A_83 = tpu.memref_squeeze %dma_start3A_82 : memref<1x80x128xf32, #tpu.memory_space<hbm>> -> memref<80x128xf32, #tpu.memory_space<hbm>>
      tpu.enqueue_dma source(%arg8 : memref<80x128xf32, #tpu.memory_space<vmem>>) target(%dma_start3A_83 : memref<80x128xf32, #tpu.memory_space<hbm>>) target_semaphore(%run_scoped3A : memref<!tpu.dma_semaphore, #tpu.memory_space<semaphore_mem>>)
      %dma_wait3A = arith.constant 0 : i32
      %dma_wait3A_84 = tpu.memref_slice %arg5[%arg0, %add3A_62, %dma_wait3A] : memref<2x10240x128xf32, #tpu.memory_space<hbm>> -> memref<1x80x128xf32, #tpu.memory_space<hbm>>
      %dma_wait3A_85 = tpu.memref_squeeze %dma_wait3A_84 : memref<1x80x128xf32, #tpu.memory_space<hbm>> -> memref<80x128xf32, #tpu.memory_space<hbm>>
      %dma_wait3A_86 = arith.constant 0 : i32
      %dma_wait3A_87 = tpu.memref_slice %arg5[%arg0, %add3A_62, %dma_wait3A_86] : memref<2x10240x128xf32, #tpu.memory_space<hbm>> -> memref<1x80x128xf32, #tpu.memory_space<hbm>>
      %dma_wait3A_88 = tpu.memref_squeeze %dma_wait3A_87 : memref<1x80x128xf32, #tpu.memory_space<hbm>> -> memref<80x128xf32, #tpu.memory_space<hbm>>
      tpu.wait_dma2 semaphore(%run_scoped3A : memref<!tpu.dma_semaphore, #tpu.memory_space<semaphore_mem>>) src(%arg8 : memref<80x128xf32, #tpu.memory_space<vmem>>) dst(%dma_wait3A_88 : memref<80x128xf32, #tpu.memory_space<hbm>>)
      tpu.yield
    }) : () -> ()
    %mul3A_63 = arith.constant 640 : i32
    %mul3A_64 = arith.muli %arg1, %mul3A_63 : i32
    %add3A_65 = arith.constant 320 : i32
    %add3A_66 = arith.addi %mul3A_64, %add3A_65 : i32
    "tpu.region"() ({
      %run_scoped3A = tpu.sem_alloc : memref<!tpu.dma_semaphore, #tpu.memory_space<semaphore_mem>>
      %dma_start3A = arith.constant 0 : i32
      %dma_start3A_79 = tpu.memref_slice %arg9[%add3A_66, %dma_start3A] : memref<10240x128xf32, #tpu.memory_space<vmem_shared>> -> memref<80x128xf32, #tpu.memory_space<vmem_shared>>
      %dma_start3A_80 = arith.constant 0 : i32
      %dma_start3A_81 = tpu.memref_slice %arg9[%add3A_66, %dma_start3A_80] : memref<10240x128xf32, #tpu.memory_space<vmem_shared>> -> memref<80x128xf32, #tpu.memory_space<vmem_shared>>
      tpu.enqueue_dma source(%dma_start3A_81 : memref<80x128xf32, #tpu.memory_space<vmem_shared>>) target(%arg8 : memref<80x128xf32, #tpu.memory_space<vmem>>) target_semaphore(%run_scoped3A : memref<!tpu.dma_semaphore, #tpu.memory_space<semaphore_mem>>)
      %dma_wait3A = arith.constant 0 : i32
      %dma_wait3A_82 = tpu.memref_slice %arg9[%add3A_66, %dma_wait3A] : memref<10240x128xf32, #tpu.memory_space<vmem_shared>> -> memref<80x128xf32, #tpu.memory_space<vmem_shared>>
      %dma_wait3A_83 = arith.constant 0 : i32
      %dma_wait3A_84 = tpu.memref_slice %arg9[%add3A_66, %dma_wait3A_83] : memref<10240x128xf32, #tpu.memory_space<vmem_shared>> -> memref<80x128xf32, #tpu.memory_space<vmem_shared>>
      tpu.wait_dma2 semaphore(%run_scoped3A : memref<!tpu.dma_semaphore, #tpu.memory_space<semaphore_mem>>) src(%dma_wait3A_84 : memref<80x128xf32, #tpu.memory_space<vmem_shared>>) dst(%arg8 : memref<80x128xf32, #tpu.memory_space<vmem>>)
      tpu.yield
    }) : () -> ()
    "tpu.region"() ({
      %run_scoped3A = tpu.sem_alloc : memref<!tpu.dma_semaphore, #tpu.memory_space<semaphore_mem>>
      %dma_start3A = arith.constant 0 : i32
      %dma_start3A_79 = tpu.memref_slice %arg5[%arg0, %add3A_66, %dma_start3A] : memref<2x10240x128xf32, #tpu.memory_space<hbm>> -> memref<1x80x128xf32, #tpu.memory_space<hbm>>
      %dma_start3A_80 = tpu.memref_squeeze %dma_start3A_79 : memref<1x80x128xf32, #tpu.memory_space<hbm>> -> memref<80x128xf32, #tpu.memory_space<hbm>>
      %dma_start3A_81 = arith.constant 0 : i32
      %dma_start3A_82 = tpu.memref_slice %arg5[%arg0, %add3A_66, %dma_start3A_81] : memref<2x10240x128xf32, #tpu.memory_space<hbm>> -> memref<1x80x128xf32, #tpu.memory_space<hbm>>
      %dma_start3A_83 = tpu.memref_squeeze %dma_start3A_82 : memref<1x80x128xf32, #tpu.memory_space<hbm>> -> memref<80x128xf32, #tpu.memory_space<hbm>>
      tpu.enqueue_dma source(%arg8 : memref<80x128xf32, #tpu.memory_space<vmem>>) target(%dma_start3A_83 : memref<80x128xf32, #tpu.memory_space<hbm>>) target_semaphore(%run_scoped3A : memref<!tpu.dma_semaphore, #tpu.memory_space<semaphore_mem>>)
      %dma_wait3A = arith.constant 0 : i32
      %dma_wait3A_84 = tpu.memref_slice %arg5[%arg0, %add3A_66, %dma_wait3A] : memref<2x10240x128xf32, #tpu.memory_space<hbm>> -> memref<1x80x128xf32, #tpu.memory_space<hbm>>
      %dma_wait3A_85 = tpu.memref_squeeze %dma_wait3A_84 : memref<1x80x128xf32, #tpu.memory_space<hbm>> -> memref<80x128xf32, #tpu.memory_space<hbm>>
      %dma_wait3A_86 = arith.constant 0 : i32
      %dma_wait3A_87 = tpu.memref_slice %arg5[%arg0, %add3A_66, %dma_wait3A_86] : memref<2x10240x128xf32, #tpu.memory_space<hbm>> -> memref<1x80x128xf32, #tpu.memory_space<hbm>>
      %dma_wait3A_88 = tpu.memref_squeeze %dma_wait3A_87 : memref<1x80x128xf32, #tpu.memory_space<hbm>> -> memref<80x128xf32, #tpu.memory_space<hbm>>
      tpu.wait_dma2 semaphore(%run_scoped3A : memref<!tpu.dma_semaphore, #tpu.memory_space<semaphore_mem>>) src(%arg8 : memref<80x128xf32, #tpu.memory_space<vmem>>) dst(%dma_wait3A_88 : memref<80x128xf32, #tpu.memory_space<hbm>>)
      tpu.yield
    }) : () -> ()
    %mul3A_67 = arith.constant 640 : i32
    %mul3A_68 = arith.muli %arg1, %mul3A_67 : i32
    %add3A_69 = arith.constant 400 : i32
    %add3A_70 = arith.addi %mul3A_68, %add3A_69 : i32
    "tpu.region"() ({
      %run_scoped3A = tpu.sem_alloc : memref<!tpu.dma_semaphore, #tpu.memory_space<semaphore_mem>>
      %dma_start3A = arith.constant 0 : i32
      %dma_start3A_79 = tpu.memref_slice %arg9[%add3A_70, %dma_start3A] : memref<10240x128xf32, #tpu.memory_space<vmem_shared>> -> memref<80x128xf32, #tpu.memory_space<vmem_shared>>
      %dma_start3A_80 = arith.constant 0 : i32
      %dma_start3A_81 = tpu.memref_slice %arg9[%add3A_70, %dma_start3A_80] : memref<10240x128xf32, #tpu.memory_space<vmem_shared>> -> memref<80x128xf32, #tpu.memory_space<vmem_shared>>
      tpu.enqueue_dma source(%dma_start3A_81 : memref<80x128xf32, #tpu.memory_space<vmem_shared>>) target(%arg8 : memref<80x128xf32, #tpu.memory_space<vmem>>) target_semaphore(%run_scoped3A : memref<!tpu.dma_semaphore, #tpu.memory_space<semaphore_mem>>)
      %dma_wait3A = arith.constant 0 : i32
      %dma_wait3A_82 = tpu.memref_slice %arg9[%add3A_70, %dma_wait3A] : memref<10240x128xf32, #tpu.memory_space<vmem_shared>> -> memref<80x128xf32, #tpu.memory_space<vmem_shared>>
      %dma_wait3A_83 = arith.constant 0 : i32
      %dma_wait3A_84 = tpu.memref_slice %arg9[%add3A_70, %dma_wait3A_83] : memref<10240x128xf32, #tpu.memory_space<vmem_shared>> -> memref<80x128xf32, #tpu.memory_space<vmem_shared>>
      tpu.wait_dma2 semaphore(%run_scoped3A : memref<!tpu.dma_semaphore, #tpu.memory_space<semaphore_mem>>) src(%dma_wait3A_84 : memref<80x128xf32, #tpu.memory_space<vmem_shared>>) dst(%arg8 : memref<80x128xf32, #tpu.memory_space<vmem>>)
      tpu.yield
    }) : () -> ()
    "tpu.region"() ({
      %run_scoped3A = tpu.sem_alloc : memref<!tpu.dma_semaphore, #tpu.memory_space<semaphore_mem>>
      %dma_start3A = arith.constant 0 : i32
      %dma_start3A_79 = tpu.memref_slice %arg5[%arg0, %add3A_70, %dma_start3A] : memref<2x10240x128xf32, #tpu.memory_space<hbm>> -> memref<1x80x128xf32, #tpu.memory_space<hbm>>
      %dma_start3A_80 = tpu.memref_squeeze %dma_start3A_79 : memref<1x80x128xf32, #tpu.memory_space<hbm>> -> memref<80x128xf32, #tpu.memory_space<hbm>>
      %dma_start3A_81 = arith.constant 0 : i32
      %dma_start3A_82 = tpu.memref_slice %arg5[%arg0, %add3A_70, %dma_start3A_81] : memref<2x10240x128xf32, #tpu.memory_space<hbm>> -> memref<1x80x128xf32, #tpu.memory_space<hbm>>
      %dma_start3A_83 = tpu.memref_squeeze %dma_start3A_82 : memref<1x80x128xf32, #tpu.memory_space<hbm>> -> memref<80x128xf32, #tpu.memory_space<hbm>>
      tpu.enqueue_dma source(%arg8 : memref<80x128xf32, #tpu.memory_space<vmem>>) target(%dma_start3A_83 : memref<80x128xf32, #tpu.memory_space<hbm>>) target_semaphore(%run_scoped3A : memref<!tpu.dma_semaphore, #tpu.memory_space<semaphore_mem>>)
      %dma_wait3A = arith.constant 0 : i32
      %dma_wait3A_84 = tpu.memref_slice %arg5[%arg0, %add3A_70, %dma_wait3A] : memref<2x10240x128xf32, #tpu.memory_space<hbm>> -> memref<1x80x128xf32, #tpu.memory_space<hbm>>
      %dma_wait3A_85 = tpu.memref_squeeze %dma_wait3A_84 : memref<1x80x128xf32, #tpu.memory_space<hbm>> -> memref<80x128xf32, #tpu.memory_space<hbm>>
      %dma_wait3A_86 = arith.constant 0 : i32
      %dma_wait3A_87 = tpu.memref_slice %arg5[%arg0, %add3A_70, %dma_wait3A_86] : memref<2x10240x128xf32, #tpu.memory_space<hbm>> -> memref<1x80x128xf32, #tpu.memory_space<hbm>>
      %dma_wait3A_88 = tpu.memref_squeeze %dma_wait3A_87 : memref<1x80x128xf32, #tpu.memory_space<hbm>> -> memref<80x128xf32, #tpu.memory_space<hbm>>
      tpu.wait_dma2 semaphore(%run_scoped3A : memref<!tpu.dma_semaphore, #tpu.memory_space<semaphore_mem>>) src(%arg8 : memref<80x128xf32, #tpu.memory_space<vmem>>) dst(%dma_wait3A_88 : memref<80x128xf32, #tpu.memory_space<hbm>>)
      tpu.yield
    }) : () -> ()
    %mul3A_71 = arith.constant 640 : i32
    %mul3A_72 = arith.muli %arg1, %mul3A_71 : i32
    %add3A_73 = arith.constant 480 : i32
    %add3A_74 = arith.addi %mul3A_72, %add3A_73 : i32
    "tpu.region"() ({
      %run_scoped3A = tpu.sem_alloc : memref<!tpu.dma_semaphore, #tpu.memory_space<semaphore_mem>>
      %dma_start3A = arith.constant 0 : i32
      %dma_start3A_79 = tpu.memref_slice %arg9[%add3A_74, %dma_start3A] : memref<10240x128xf32, #tpu.memory_space<vmem_shared>> -> memref<80x128xf32, #tpu.memory_space<vmem_shared>>
      %dma_start3A_80 = arith.constant 0 : i32
      %dma_start3A_81 = tpu.memref_slice %arg9[%add3A_74, %dma_start3A_80] : memref<10240x128xf32, #tpu.memory_space<vmem_shared>> -> memref<80x128xf32, #tpu.memory_space<vmem_shared>>
      tpu.enqueue_dma source(%dma_start3A_81 : memref<80x128xf32, #tpu.memory_space<vmem_shared>>) target(%arg8 : memref<80x128xf32, #tpu.memory_space<vmem>>) target_semaphore(%run_scoped3A : memref<!tpu.dma_semaphore, #tpu.memory_space<semaphore_mem>>)
      %dma_wait3A = arith.constant 0 : i32
      %dma_wait3A_82 = tpu.memref_slice %arg9[%add3A_74, %dma_wait3A] : memref<10240x128xf32, #tpu.memory_space<vmem_shared>> -> memref<80x128xf32, #tpu.memory_space<vmem_shared>>
      %dma_wait3A_83 = arith.constant 0 : i32
      %dma_wait3A_84 = tpu.memref_slice %arg9[%add3A_74, %dma_wait3A_83] : memref<10240x128xf32, #tpu.memory_space<vmem_shared>> -> memref<80x128xf32, #tpu.memory_space<vmem_shared>>
      tpu.wait_dma2 semaphore(%run_scoped3A : memref<!tpu.dma_semaphore, #tpu.memory_space<semaphore_mem>>) src(%dma_wait3A_84 : memref<80x128xf32, #tpu.memory_space<vmem_shared>>) dst(%arg8 : memref<80x128xf32, #tpu.memory_space<vmem>>)
      tpu.yield
    }) : () -> ()
    "tpu.region"() ({
      %run_scoped3A = tpu.sem_alloc : memref<!tpu.dma_semaphore, #tpu.memory_space<semaphore_mem>>
      %dma_start3A = arith.constant 0 : i32
      %dma_start3A_79 = tpu.memref_slice %arg5[%arg0, %add3A_74, %dma_start3A] : memref<2x10240x128xf32, #tpu.memory_space<hbm>> -> memref<1x80x128xf32, #tpu.memory_space<hbm>>
      %dma_start3A_80 = tpu.memref_squeeze %dma_start3A_79 : memref<1x80x128xf32, #tpu.memory_space<hbm>> -> memref<80x128xf32, #tpu.memory_space<hbm>>
      %dma_start3A_81 = arith.constant 0 : i32
      %dma_start3A_82 = tpu.memref_slice %arg5[%arg0, %add3A_74, %dma_start3A_81] : memref<2x10240x128xf32, #tpu.memory_space<hbm>> -> memref<1x80x128xf32, #tpu.memory_space<hbm>>
      %dma_start3A_83 = tpu.memref_squeeze %dma_start3A_82 : memref<1x80x128xf32, #tpu.memory_space<hbm>> -> memref<80x128xf32, #tpu.memory_space<hbm>>
      tpu.enqueue_dma source(%arg8 : memref<80x128xf32, #tpu.memory_space<vmem>>) target(%dma_start3A_83 : memref<80x128xf32, #tpu.memory_space<hbm>>) target_semaphore(%run_scoped3A : memref<!tpu.dma_semaphore, #tpu.memory_space<semaphore_mem>>)
      %dma_wait3A = arith.constant 0 : i32
      %dma_wait3A_84 = tpu.memref_slice %arg5[%arg0, %add3A_74, %dma_wait3A] : memref<2x10240x128xf32, #tpu.memory_space<hbm>> -> memref<1x80x128xf32, #tpu.memory_space<hbm>>
      %dma_wait3A_85 = tpu.memref_squeeze %dma_wait3A_84 : memref<1x80x128xf32, #tpu.memory_space<hbm>> -> memref<80x128xf32, #tpu.memory_space<hbm>>
      %dma_wait3A_86 = arith.constant 0 : i32
      %dma_wait3A_87 = tpu.memref_slice %arg5[%arg0, %add3A_74, %dma_wait3A_86] : memref<2x10240x128xf32, #tpu.memory_space<hbm>> -> memref<1x80x128xf32, #tpu.memory_space<hbm>>
      %dma_wait3A_88 = tpu.memref_squeeze %dma_wait3A_87 : memref<1x80x128xf32, #tpu.memory_space<hbm>> -> memref<80x128xf32, #tpu.memory_space<hbm>>
      tpu.wait_dma2 semaphore(%run_scoped3A : memref<!tpu.dma_semaphore, #tpu.memory_space<semaphore_mem>>) src(%arg8 : memref<80x128xf32, #tpu.memory_space<vmem>>) dst(%dma_wait3A_88 : memref<80x128xf32, #tpu.memory_space<hbm>>)
      tpu.yield
    }) : () -> ()
    %mul3A_75 = arith.constant 640 : i32
    %mul3A_76 = arith.muli %arg1, %mul3A_75 : i32
    %add3A_77 = arith.constant 560 : i32
    %add3A_78 = arith.addi %mul3A_76, %add3A_77 : i32
    "tpu.region"() ({
      %run_scoped3A = tpu.sem_alloc : memref<!tpu.dma_semaphore, #tpu.memory_space<semaphore_mem>>
      %dma_start3A = arith.constant 0 : i32
      %dma_start3A_79 = tpu.memref_slice %arg9[%add3A_78, %dma_start3A] : memref<10240x128xf32, #tpu.memory_space<vmem_shared>> -> memref<80x128xf32, #tpu.memory_space<vmem_shared>>
      %dma_start3A_80 = arith.constant 0 : i32
      %dma_start3A_81 = tpu.memref_slice %arg9[%add3A_78, %dma_start3A_80] : memref<10240x128xf32, #tpu.memory_space<vmem_shared>> -> memref<80x128xf32, #tpu.memory_space<vmem_shared>>
      tpu.enqueue_dma source(%dma_start3A_81 : memref<80x128xf32, #tpu.memory_space<vmem_shared>>) target(%arg8 : memref<80x128xf32, #tpu.memory_space<vmem>>) target_semaphore(%run_scoped3A : memref<!tpu.dma_semaphore, #tpu.memory_space<semaphore_mem>>)
      %dma_wait3A = arith.constant 0 : i32
      %dma_wait3A_82 = tpu.memref_slice %arg9[%add3A_78, %dma_wait3A] : memref<10240x128xf32, #tpu.memory_space<vmem_shared>> -> memref<80x128xf32, #tpu.memory_space<vmem_shared>>
      %dma_wait3A_83 = arith.constant 0 : i32
      %dma_wait3A_84 = tpu.memref_slice %arg9[%add3A_78, %dma_wait3A_83] : memref<10240x128xf32, #tpu.memory_space<vmem_shared>> -> memref<80x128xf32, #tpu.memory_space<vmem_shared>>
      tpu.wait_dma2 semaphore(%run_scoped3A : memref<!tpu.dma_semaphore, #tpu.memory_space<semaphore_mem>>) src(%dma_wait3A_84 : memref<80x128xf32, #tpu.memory_space<vmem_shared>>) dst(%arg8 : memref<80x128xf32, #tpu.memory_space<vmem>>)
      tpu.yield
    }) : () -> ()
    "tpu.region"() ({
      %run_scoped3A = tpu.sem_alloc : memref<!tpu.dma_semaphore, #tpu.memory_space<semaphore_mem>>
      %dma_start3A = arith.constant 0 : i32
      %dma_start3A_79 = tpu.memref_slice %arg5[%arg0, %add3A_78, %dma_start3A] : memref<2x10240x128xf32, #tpu.memory_space<hbm>> -> memref<1x80x128xf32, #tpu.memory_space<hbm>>
      %dma_start3A_80 = tpu.memref_squeeze %dma_start3A_79 : memref<1x80x128xf32, #tpu.memory_space<hbm>> -> memref<80x128xf32, #tpu.memory_space<hbm>>
      %dma_start3A_81 = arith.constant 0 : i32
      %dma_start3A_82 = tpu.memref_slice %arg5[%arg0, %add3A_78, %dma_start3A_81] : memref<2x10240x128xf32, #tpu.memory_space<hbm>> -> memref<1x80x128xf32, #tpu.memory_space<hbm>>
      %dma_start3A_83 = tpu.memref_squeeze %dma_start3A_82 : memref<1x80x128xf32, #tpu.memory_space<hbm>> -> memref<80x128xf32, #tpu.memory_space<hbm>>
      tpu.enqueue_dma source(%arg8 : memref<80x128xf32, #tpu.memory_space<vmem>>) target(%dma_start3A_83 : memref<80x128xf32, #tpu.memory_space<hbm>>) target_semaphore(%run_scoped3A : memref<!tpu.dma_semaphore, #tpu.memory_space<semaphore_mem>>)
      %dma_wait3A = arith.constant 0 : i32
      %dma_wait3A_84 = tpu.memref_slice %arg5[%arg0, %add3A_78, %dma_wait3A] : memref<2x10240x128xf32, #tpu.memory_space<hbm>> -> memref<1x80x128xf32, #tpu.memory_space<hbm>>
      %dma_wait3A_85 = tpu.memref_squeeze %dma_wait3A_84 : memref<1x80x128xf32, #tpu.memory_space<hbm>> -> memref<80x128xf32, #tpu.memory_space<hbm>>
      %dma_wait3A_86 = arith.constant 0 : i32
      %dma_wait3A_87 = tpu.memref_slice %arg5[%arg0, %add3A_78, %dma_wait3A_86] : memref<2x10240x128xf32, #tpu.memory_space<hbm>> -> memref<1x80x128xf32, #tpu.memory_space<hbm>>
      %dma_wait3A_88 = tpu.memref_squeeze %dma_wait3A_87 : memref<1x80x128xf32, #tpu.memory_space<hbm>> -> memref<80x128xf32, #tpu.memory_space<hbm>>
      tpu.wait_dma2 semaphore(%run_scoped3A : memref<!tpu.dma_semaphore, #tpu.memory_space<semaphore_mem>>) src(%arg8 : memref<80x128xf32, #tpu.memory_space<vmem>>) dst(%dma_wait3A_88 : memref<80x128xf32, #tpu.memory_space<hbm>>)
      tpu.yield
    }) : () -> ()
    return
  }
}

#map = affine_map<(d0, d1) -> (0, 0)>
#map1 = affine_map<(d0, d1) -> (0, 0, 0)>
module attributes {stable_mosaic.version = 14 : i64} {
  func.func @_sc_spmm(%arg0: i32, %arg1: i32, %arg2: memref<10000x128xf32, #tpu.memory_space<hbm>>, %arg3: memref<32x125x80xi32, #tpu.memory_space<hbm>>, %arg4: memref<32x125x80xi32, #tpu.memory_space<hbm>>, %arg5: memref<2x10240x128xf32, #tpu.memory_space<hbm>>, %arg6: memref<125x80xi32, #tpu.memory_space<vmem>>, %arg7: memref<125x80xi32, #tpu.memory_space<vmem>>, %arg8: memref<80x128xf32, #tpu.memory_space<vmem>>, %arg9: memref<10240x128xf32, #tpu.memory_space<vmem_shared>>, %arg10: memref<!tpu.dma_semaphore, #tpu.memory_space<semaphore_mem>>) attributes {dimension_semantics = [#tpu.dimension_semantics<core_parallel>, #tpu.dimension_semantics<subcore_parallel>], iteration_bounds = array<i64: 2, 16>, scalar_prefetch = 0 : i64, scratch_operands = 5 : i64, tpu.core_type = #tpu.core_type<sc_vector_subcore>, window_params = [{transform_indices = #map}, {transform_indices = #map1}, {transform_indices = #map1}, {transform_indices = #map1}]} {
    %mul3A = arith.constant 2 : i32
    %mul3A_0 = arith.muli %arg1, %mul3A : i32
    %add3A = arith.addi %mul3A_0, %arg0 : i32
    %scan3A = arith.constant 0 : i32
    %scan3A_1 = arith.constant 0 : i32
    %scan3A_2 = arith.constant 80 : i32
    %scan3A_3 = arith.addi %scan3A_1, %scan3A_2 : i32
    %scan3A_4 = arith.constant 1 : i32
    %scan3A_5 = scf.for %scan3A_79 = %scan3A_1 to %scan3A_3 step %scan3A_4 iter_args(%scan3A_80 = %scan3A) -> (i32)  : i32 {
      %broadcast_in_dim3A = arith.constant 0.000000e+00 : f32
      %broadcast_in_dim3A_81 = vector.broadcast %broadcast_in_dim3A : f32 to vector<16xf32>
      %swap3A = arith.index_cast %scan3A_79 : i32 to index
      %swap3A_82 = arith.constant 0 : index
      %swap3A_83 = tpu.vector_load %arg8[%swap3A, %swap3A_82] {strides = array<i32>} : memref<80x128xf32, #tpu.memory_space<vmem>>, vector<1x16xf32>,
      %swap3A_84 = vector.shape_cast %swap3A_83 : vector<1x16xf32> to vector<16xf32>
      %swap3A_85 = vector.shape_cast %broadcast_in_dim3A_81 : vector<16xf32> to vector<1x16xf32>
      tpu.vector_store %arg8[%swap3A, %swap3A_82], %swap3A_85 {strides = array<i32>} : memref<80x128xf32, #tpu.memory_space<vmem>>, vector<1x16xf32>,
      %broadcast_in_dim3A_86 = arith.constant 0.000000e+00 : f32
      %broadcast_in_dim3A_87 = vector.broadcast %broadcast_in_dim3A_86 : f32 to vector<16xf32>
      %swap3A_88 = arith.index_cast %scan3A_79 : i32 to index
      %swap3A_89 = arith.constant 16 : index
      %swap3A_90 = tpu.vector_load %arg8[%swap3A_88, %swap3A_89] {strides = array<i32>} : memref<80x128xf32, #tpu.memory_space<vmem>>, vector<1x16xf32>,
      %swap3A_91 = vector.shape_cast %swap3A_90 : vector<1x16xf32> to vector<16xf32>
      %swap3A_92 = vector.shape_cast %broadcast_in_dim3A_87 : vector<16xf32> to vector<1x16xf32>
      tpu.vector_store %arg8[%swap3A_88, %swap3A_89], %swap3A_92 {strides = array<i32>} : memref<80x128xf32, #tpu.memory_space<vmem>>, vector<1x16xf32>,
      %broadcast_in_dim3A_93 = arith.constant 0.000000e+00 : f32
      %broadcast_in_dim3A_94 = vector.broadcast %broadcast_in_dim3A_93 : f32 to vector<16xf32>
      %swap3A_95 = arith.index_cast %scan3A_79 : i32 to index
      %swap3A_96 = arith.constant 32 : index
      %swap3A_97 = tpu.vector_load %arg8[%swap3A_95, %swap3A_96] {strides = array<i32>} : memref<80x128xf32, #tpu.memory_space<vmem>>, vector<1x16xf32>,
      %swap3A_98 = vector.shape_cast %swap3A_97 : vector<1x16xf32> to vector<16xf32>
      %swap3A_99 = vector.shape_cast %broadcast_in_dim3A_94 : vector<16xf32> to vector<1x16xf32>
      tpu.vector_store %arg8[%swap3A_95, %swap3A_96], %swap3A_99 {strides = array<i32>} : memref<80x128xf32, #tpu.memory_space<vmem>>, vector<1x16xf32>,
      %broadcast_in_dim3A_100 = arith.constant 0.000000e+00 : f32
      %broadcast_in_dim3A_101 = vector.broadcast %broadcast_in_dim3A_100 : f32 to vector<16xf32>
      %swap3A_102 = arith.index_cast %scan3A_79 : i32 to index
      %swap3A_103 = arith.constant 48 : index
      %swap3A_104 = tpu.vector_load %arg8[%swap3A_102, %swap3A_103] {strides = array<i32>} : memref<80x128xf32, #tpu.memory_space<vmem>>, vector<1x16xf32>,
      %swap3A_105 = vector.shape_cast %swap3A_104 : vector<1x16xf32> to vector<16xf32>
      %swap3A_106 = vector.shape_cast %broadcast_in_dim3A_101 : vector<16xf32> to vector<1x16xf32>
      tpu.vector_store %arg8[%swap3A_102, %swap3A_103], %swap3A_106 {strides = array<i32>} : memref<80x128xf32, #tpu.memory_space<vmem>>, vector<1x16xf32>,
      %broadcast_in_dim3A_107 = arith.constant 0.000000e+00 : f32
      %broadcast_in_dim3A_108 = vector.broadcast %broadcast_in_dim3A_107 : f32 to vector<16xf32>
      %swap3A_109 = arith.index_cast %scan3A_79 : i32 to index
      %swap3A_110 = arith.constant 64 : index
      %swap3A_111 = tpu.vector_load %arg8[%swap3A_109, %swap3A_110] {strides = array<i32>} : memref<80x128xf32, #tpu.memory_space<vmem>>, vector<1x16xf32>,
      %swap3A_112 = vector.shape_cast %swap3A_111 : vector<1x16xf32> to vector<16xf32>
      %swap3A_113 = vector.shape_cast %broadcast_in_dim3A_108 : vector<16xf32> to vector<1x16xf32>
      tpu.vector_store %arg8[%swap3A_109, %swap3A_110], %swap3A_113 {strides = array<i32>} : memref<80x128xf32, #tpu.memory_space<vmem>>, vector<1x16xf32>,
      %broadcast_in_dim3A_114 = arith.constant 0.000000e+00 : f32
      %broadcast_in_dim3A_115 = vector.broadcast %broadcast_in_dim3A_114 : f32 to vector<16xf32>
      %swap3A_116 = arith.index_cast %scan3A_79 : i32 to index
      %swap3A_117 = arith.constant 80 : index
      %swap3A_118 = tpu.vector_load %arg8[%swap3A_116, %swap3A_117] {strides = array<i32>} : memref<80x128xf32, #tpu.memory_space<vmem>>, vector<1x16xf32>,
      %swap3A_119 = vector.shape_cast %swap3A_118 : vector<1x16xf32> to vector<16xf32>
      %swap3A_120 = vector.shape_cast %broadcast_in_dim3A_115 : vector<16xf32> to vector<1x16xf32>
      tpu.vector_store %arg8[%swap3A_116, %swap3A_117], %swap3A_120 {strides = array<i32>} : memref<80x128xf32, #tpu.memory_space<vmem>>, vector<1x16xf32>,
      %broadcast_in_dim3A_121 = arith.constant 0.000000e+00 : f32
      %broadcast_in_dim3A_122 = vector.broadcast %broadcast_in_dim3A_121 : f32 to vector<16xf32>
      %swap3A_123 = arith.index_cast %scan3A_79 : i32 to index
      %swap3A_124 = arith.constant 96 : index
      %swap3A_125 = tpu.vector_load %arg8[%swap3A_123, %swap3A_124] {strides = array<i32>} : memref<80x128xf32, #tpu.memory_space<vmem>>, vector<1x16xf32>,
      %swap3A_126 = vector.shape_cast %swap3A_125 : vector<1x16xf32> to vector<16xf32>
      %swap3A_127 = vector.shape_cast %broadcast_in_dim3A_122 : vector<16xf32> to vector<1x16xf32>
      tpu.vector_store %arg8[%swap3A_123, %swap3A_124], %swap3A_127 {strides = array<i32>} : memref<80x128xf32, #tpu.memory_space<vmem>>, vector<1x16xf32>,
      %broadcast_in_dim3A_128 = arith.constant 0.000000e+00 : f32
      %broadcast_in_dim3A_129 = vector.broadcast %broadcast_in_dim3A_128 : f32 to vector<16xf32>
      %swap3A_130 = arith.index_cast %scan3A_79 : i32 to index
      %swap3A_131 = arith.constant 112 : index
      %swap3A_132 = tpu.vector_load %arg8[%swap3A_130, %swap3A_131] {strides = array<i32>} : memref<80x128xf32, #tpu.memory_space<vmem>>, vector<1x16xf32>,
      %swap3A_133 = vector.shape_cast %swap3A_132 : vector<1x16xf32> to vector<16xf32>
      %swap3A_134 = vector.shape_cast %broadcast_in_dim3A_129 : vector<16xf32> to vector<1x16xf32>
      tpu.vector_store %arg8[%swap3A_130, %swap3A_131], %swap3A_134 {strides = array<i32>} : memref<80x128xf32, #tpu.memory_space<vmem>>, vector<1x16xf32>,
      %scan3A_135 = arith.constant 0 : i32
      scf.yield %scan3A_135 : i32
    }
    %scan3A_6 = arith.constant 80 : i32
    %mul3A_7 = arith.constant 640 : i32
    %mul3A_8 = arith.muli %arg1, %mul3A_7 : i32
    %add3A_9 = arith.constant 0 : i32
    %add3A_10 = arith.addi %mul3A_8, %add3A_9 : i32
    "tpu.region"() ({
      %run_scoped3A = tpu.sem_alloc : memref<!tpu.dma_semaphore, #tpu.memory_space<semaphore_mem>>
      %dma_start3A = arith.constant 0 : i32
      %dma_start3A_79 = tpu.memref_slice %arg9[%add3A_10, %dma_start3A] : memref<10240x128xf32, #tpu.memory_space<vmem_shared>> -> memref<80x128xf32, #tpu.memory_space<vmem_shared>>
      %dma_start3A_80 = arith.constant 0 : i32
      %dma_start3A_81 = tpu.memref_slice %arg9[%add3A_10, %dma_start3A_80] : memref<10240x128xf32, #tpu.memory_space<vmem_shared>> -> memref<80x128xf32, #tpu.memory_space<vmem_shared>>
      tpu.enqueue_dma source(%arg8 : memref<80x128xf32, #tpu.memory_space<vmem>>) target(%dma_start3A_81 : memref<80x128xf32, #tpu.memory_space<vmem_shared>>) target_semaphore(%run_scoped3A : memref<!tpu.dma_semaphore, #tpu.memory_space<semaphore_mem>>)
      %dma_wait3A = arith.constant 0 : i32
      %dma_wait3A_82 = tpu.memref_slice %arg9[%add3A_10, %dma_wait3A] : memref<10240x128xf32, #tpu.memory_space<vmem_shared>> -> memref<80x128xf32, #tpu.memory_space<vmem_shared>>
      %dma_wait3A_83 = arith.constant 0 : i32
      %dma_wait3A_84 = tpu.memref_slice %arg9[%add3A_10, %dma_wait3A_83] : memref<10240x128xf32, #tpu.memory_space<vmem_shared>> -> memref<80x128xf32, #tpu.memory_space<vmem_shared>>
      tpu.wait_dma2 semaphore(%run_scoped3A : memref<!tpu.dma_semaphore, #tpu.memory_space<semaphore_mem>>) src(%arg8 : memref<80x128xf32, #tpu.memory_space<vmem>>) dst(%dma_wait3A_84 : memref<80x128xf32, #tpu.memory_space<vmem_shared>>)
      tpu.yield
    }) : () -> ()
    %mul3A_11 = arith.constant 640 : i32
    %mul3A_12 = arith.muli %arg1, %mul3A_11 : i32
    %add3A_13 = arith.constant 80 : i32
    %add3A_14 = arith.addi %mul3A_12, %add3A_13 : i32
    "tpu.region"() ({
      %run_scoped3A = tpu.sem_alloc : memref<!tpu.dma_semaphore, #tpu.memory_space<semaphore_mem>>
      %dma_start3A = arith.constant 0 : i32
      %dma_start3A_79 = tpu.memref_slice %arg9[%add3A_14, %dma_start3A] : memref<10240x128xf32, #tpu.memory_space<vmem_shared>> -> memref<80x128xf32, #tpu.memory_space<vmem_shared>>
      %dma_start3A_80 = arith.constant 0 : i32
      %dma_start3A_81 = tpu.memref_slice %arg9[%add3A_14, %dma_start3A_80] : memref<10240x128xf32, #tpu.memory_space<vmem_shared>> -> memref<80x128xf32, #tpu.memory_space<vmem_shared>>
      tpu.enqueue_dma source(%arg8 : memref<80x128xf32, #tpu.memory_space<vmem>>) target(%dma_start3A_81 : memref<80x128xf32, #tpu.memory_space<vmem_shared>>) target_semaphore(%run_scoped3A : memref<!tpu.dma_semaphore, #tpu.memory_space<semaphore_mem>>)
      %dma_wait3A = arith.constant 0 : i32
      %dma_wait3A_82 = tpu.memref_slice %arg9[%add3A_14, %dma_wait3A] : memref<10240x128xf32, #tpu.memory_space<vmem_shared>> -> memref<80x128xf32, #tpu.memory_space<vmem_shared>>
      %dma_wait3A_83 = arith.constant 0 : i32
      %dma_wait3A_84 = tpu.memref_slice %arg9[%add3A_14, %dma_wait3A_83] : memref<10240x128xf32, #tpu.memory_space<vmem_shared>> -> memref<80x128xf32, #tpu.memory_space<vmem_shared>>
      tpu.wait_dma2 semaphore(%run_scoped3A : memref<!tpu.dma_semaphore, #tpu.memory_space<semaphore_mem>>) src(%arg8 : memref<80x128xf32, #tpu.memory_space<vmem>>) dst(%dma_wait3A_84 : memref<80x128xf32, #tpu.memory_space<vmem_shared>>)
      tpu.yield
    }) : () -> ()
    %mul3A_15 = arith.constant 640 : i32
    %mul3A_16 = arith.muli %arg1, %mul3A_15 : i32
    %add3A_17 = arith.constant 160 : i32
    %add3A_18 = arith.addi %mul3A_16, %add3A_17 : i32
    "tpu.region"() ({
      %run_scoped3A = tpu.sem_alloc : memref<!tpu.dma_semaphore, #tpu.memory_space<semaphore_mem>>
      %dma_start3A = arith.constant 0 : i32
      %dma_start3A_79 = tpu.memref_slice %arg9[%add3A_18, %dma_start3A] : memref<10240x128xf32, #tpu.memory_space<vmem_shared>> -> memref<80x128xf32, #tpu.memory_space<vmem_shared>>
      %dma_start3A_80 = arith.constant 0 : i32
      %dma_start3A_81 = tpu.memref_slice %arg9[%add3A_18, %dma_start3A_80] : memref<10240x128xf32, #tpu.memory_space<vmem_shared>> -> memref<80x128xf32, #tpu.memory_space<vmem_shared>>
      tpu.enqueue_dma source(%arg8 : memref<80x128xf32, #tpu.memory_space<vmem>>) target(%dma_start3A_81 : memref<80x128xf32, #tpu.memory_space<vmem_shared>>) target_semaphore(%run_scoped3A : memref<!tpu.dma_semaphore, #tpu.memory_space<semaphore_mem>>)
      %dma_wait3A = arith.constant 0 : i32
      %dma_wait3A_82 = tpu.memref_slice %arg9[%add3A_18, %dma_wait3A] : memref<10240x128xf32, #tpu.memory_space<vmem_shared>> -> memref<80x128xf32, #tpu.memory_space<vmem_shared>>
      %dma_wait3A_83 = arith.constant 0 : i32
      %dma_wait3A_84 = tpu.memref_slice %arg9[%add3A_18, %dma_wait3A_83] : memref<10240x128xf32, #tpu.memory_space<vmem_shared>> -> memref<80x128xf32, #tpu.memory_space<vmem_shared>>
      tpu.wait_dma2 semaphore(%run_scoped3A : memref<!tpu.dma_semaphore, #tpu.memory_space<semaphore_mem>>) src(%arg8 : memref<80x128xf32, #tpu.memory_space<vmem>>) dst(%dma_wait3A_84 : memref<80x128xf32, #tpu.memory_space<vmem_shared>>)
      tpu.yield
    }) : () -> ()
    %mul3A_19 = arith.constant 640 : i32
    %mul3A_20 = arith.muli %arg1, %mul3A_19 : i32
    %add3A_21 = arith.constant 240 : i32
    %add3A_22 = arith.addi %mul3A_20, %add3A_21 : i32
    "tpu.region"() ({
      %run_scoped3A = tpu.sem_alloc : memref<!tpu.dma_semaphore, #tpu.memory_space<semaphore_mem>>
      %dma_start3A = arith.constant 0 : i32
      %dma_start3A_79 = tpu.memref_slice %arg9[%add3A_22, %dma_start3A] : memref<10240x128xf32, #tpu.memory_space<vmem_shared>> -> memref<80x128xf32, #tpu.memory_space<vmem_shared>>
      %dma_start3A_80 = arith.constant 0 : i32
      %dma_start3A_81 = tpu.memref_slice %arg9[%add3A_22, %dma_start3A_80] : memref<10240x128xf32, #tpu.memory_space<vmem_shared>> -> memref<80x128xf32, #tpu.memory_space<vmem_shared>>
      tpu.enqueue_dma source(%arg8 : memref<80x128xf32, #tpu.memory_space<vmem>>) target(%dma_start3A_81 : memref<80x128xf32, #tpu.memory_space<vmem_shared>>) target_semaphore(%run_scoped3A : memref<!tpu.dma_semaphore, #tpu.memory_space<semaphore_mem>>)
      %dma_wait3A = arith.constant 0 : i32
      %dma_wait3A_82 = tpu.memref_slice %arg9[%add3A_22, %dma_wait3A] : memref<10240x128xf32, #tpu.memory_space<vmem_shared>> -> memref<80x128xf32, #tpu.memory_space<vmem_shared>>
      %dma_wait3A_83 = arith.constant 0 : i32
      %dma_wait3A_84 = tpu.memref_slice %arg9[%add3A_22, %dma_wait3A_83] : memref<10240x128xf32, #tpu.memory_space<vmem_shared>> -> memref<80x128xf32, #tpu.memory_space<vmem_shared>>
      tpu.wait_dma2 semaphore(%run_scoped3A : memref<!tpu.dma_semaphore, #tpu.memory_space<semaphore_mem>>) src(%arg8 : memref<80x128xf32, #tpu.memory_space<vmem>>) dst(%dma_wait3A_84 : memref<80x128xf32, #tpu.memory_space<vmem_shared>>)
      tpu.yield
    }) : () -> ()
    %mul3A_23 = arith.constant 640 : i32
    %mul3A_24 = arith.muli %arg1, %mul3A_23 : i32
    %add3A_25 = arith.constant 320 : i32
    %add3A_26 = arith.addi %mul3A_24, %add3A_25 : i32
    "tpu.region"() ({
      %run_scoped3A = tpu.sem_alloc : memref<!tpu.dma_semaphore, #tpu.memory_space<semaphore_mem>>
      %dma_start3A = arith.constant 0 : i32
      %dma_start3A_79 = tpu.memref_slice %arg9[%add3A_26, %dma_start3A] : memref<10240x128xf32, #tpu.memory_space<vmem_shared>> -> memref<80x128xf32, #tpu.memory_space<vmem_shared>>
      %dma_start3A_80 = arith.constant 0 : i32
      %dma_start3A_81 = tpu.memref_slice %arg9[%add3A_26, %dma_start3A_80] : memref<10240x128xf32, #tpu.memory_space<vmem_shared>> -> memref<80x128xf32, #tpu.memory_space<vmem_shared>>
      tpu.enqueue_dma source(%arg8 : memref<80x128xf32, #tpu.memory_space<vmem>>) target(%dma_start3A_81 : memref<80x128xf32, #tpu.memory_space<vmem_shared>>) target_semaphore(%run_scoped3A : memref<!tpu.dma_semaphore, #tpu.memory_space<semaphore_mem>>)
      %dma_wait3A = arith.constant 0 : i32
      %dma_wait3A_82 = tpu.memref_slice %arg9[%add3A_26, %dma_wait3A] : memref<10240x128xf32, #tpu.memory_space<vmem_shared>> -> memref<80x128xf32, #tpu.memory_space<vmem_shared>>
      %dma_wait3A_83 = arith.constant 0 : i32
      %dma_wait3A_84 = tpu.memref_slice %arg9[%add3A_26, %dma_wait3A_83] : memref<10240x128xf32, #tpu.memory_space<vmem_shared>> -> memref<80x128xf32, #tpu.memory_space<vmem_shared>>
      tpu.wait_dma2 semaphore(%run_scoped3A : memref<!tpu.dma_semaphore, #tpu.memory_space<semaphore_mem>>) src(%arg8 : memref<80x128xf32, #tpu.memory_space<vmem>>) dst(%dma_wait3A_84 : memref<80x128xf32, #tpu.memory_space<vmem_shared>>)
      tpu.yield
    }) : () -> ()
    %mul3A_27 = arith.constant 640 : i32
    %mul3A_28 = arith.muli %arg1, %mul3A_27 : i32
    %add3A_29 = arith.constant 400 : i32
    %add3A_30 = arith.addi %mul3A_28, %add3A_29 : i32
    "tpu.region"() ({
      %run_scoped3A = tpu.sem_alloc : memref<!tpu.dma_semaphore, #tpu.memory_space<semaphore_mem>>
      %dma_start3A = arith.constant 0 : i32
      %dma_start3A_79 = tpu.memref_slice %arg9[%add3A_30, %dma_start3A] : memref<10240x128xf32, #tpu.memory_space<vmem_shared>> -> memref<80x128xf32, #tpu.memory_space<vmem_shared>>
      %dma_start3A_80 = arith.constant 0 : i32
      %dma_start3A_81 = tpu.memref_slice %arg9[%add3A_30, %dma_start3A_80] : memref<10240x128xf32, #tpu.memory_space<vmem_shared>> -> memref<80x128xf32, #tpu.memory_space<vmem_shared>>
      tpu.enqueue_dma source(%arg8 : memref<80x128xf32, #tpu.memory_space<vmem>>) target(%dma_start3A_81 : memref<80x128xf32, #tpu.memory_space<vmem_shared>>) target_semaphore(%run_scoped3A : memref<!tpu.dma_semaphore, #tpu.memory_space<semaphore_mem>>)
      %dma_wait3A = arith.constant 0 : i32
      %dma_wait3A_82 = tpu.memref_slice %arg9[%add3A_30, %dma_wait3A] : memref<10240x128xf32, #tpu.memory_space<vmem_shared>> -> memref<80x128xf32, #tpu.memory_space<vmem_shared>>
      %dma_wait3A_83 = arith.constant 0 : i32
      %dma_wait3A_84 = tpu.memref_slice %arg9[%add3A_30, %dma_wait3A_83] : memref<10240x128xf32, #tpu.memory_space<vmem_shared>> -> memref<80x128xf32, #tpu.memory_space<vmem_shared>>
      tpu.wait_dma2 semaphore(%run_scoped3A : memref<!tpu.dma_semaphore, #tpu.memory_space<semaphore_mem>>) src(%arg8 : memref<80x128xf32, #tpu.memory_space<vmem>>) dst(%dma_wait3A_84 : memref<80x128xf32, #tpu.memory_space<vmem_shared>>)
      tpu.yield
    }) : () -> ()
    %mul3A_31 = arith.constant 640 : i32
    %mul3A_32 = arith.muli %arg1, %mul3A_31 : i32
    %add3A_33 = arith.constant 480 : i32
    %add3A_34 = arith.addi %mul3A_32, %add3A_33 : i32
    "tpu.region"() ({
      %run_scoped3A = tpu.sem_alloc : memref<!tpu.dma_semaphore, #tpu.memory_space<semaphore_mem>>
      %dma_start3A = arith.constant 0 : i32
      %dma_start3A_79 = tpu.memref_slice %arg9[%add3A_34, %dma_start3A] : memref<10240x128xf32, #tpu.memory_space<vmem_shared>> -> memref<80x128xf32, #tpu.memory_space<vmem_shared>>
      %dma_start3A_80 = arith.constant 0 : i32
      %dma_start3A_81 = tpu.memref_slice %arg9[%add3A_34, %dma_start3A_80] : memref<10240x128xf32, #tpu.memory_space<vmem_shared>> -> memref<80x128xf32, #tpu.memory_space<vmem_shared>>
      tpu.enqueue_dma source(%arg8 : memref<80x128xf32, #tpu.memory_space<vmem>>) target(%dma_start3A_81 : memref<80x128xf32, #tpu.memory_space<vmem_shared>>) target_semaphore(%run_scoped3A : memref<!tpu.dma_semaphore, #tpu.memory_space<semaphore_mem>>)
      %dma_wait3A = arith.constant 0 : i32
      %dma_wait3A_82 = tpu.memref_slice %arg9[%add3A_34, %dma_wait3A] : memref<10240x128xf32, #tpu.memory_space<vmem_shared>> -> memref<80x128xf32, #tpu.memory_space<vmem_shared>>
      %dma_wait3A_83 = arith.constant 0 : i32
      %dma_wait3A_84 = tpu.memref_slice %arg9[%add3A_34, %dma_wait3A_83] : memref<10240x128xf32, #tpu.memory_space<vmem_shared>> -> memref<80x128xf32, #tpu.memory_space<vmem_shared>>
      tpu.wait_dma2 semaphore(%run_scoped3A : memref<!tpu.dma_semaphore, #tpu.memory_space<semaphore_mem>>) src(%arg8 : memref<80x128xf32, #tpu.memory_space<vmem>>) dst(%dma_wait3A_84 : memref<80x128xf32, #tpu.memory_space<vmem_shared>>)
      tpu.yield
    }) : () -> ()
    %mul3A_35 = arith.constant 640 : i32
    %mul3A_36 = arith.muli %arg1, %mul3A_35 : i32
    %add3A_37 = arith.constant 560 : i32
    %add3A_38 = arith.addi %mul3A_36, %add3A_37 : i32
    "tpu.region"() ({
      %run_scoped3A = tpu.sem_alloc : memref<!tpu.dma_semaphore, #tpu.memory_space<semaphore_mem>>
      %dma_start3A = arith.constant 0 : i32
      %dma_start3A_79 = tpu.memref_slice %arg9[%add3A_38, %dma_start3A] : memref<10240x128xf32, #tpu.memory_space<vmem_shared>> -> memref<80x128xf32, #tpu.memory_space<vmem_shared>>
      %dma_start3A_80 = arith.constant 0 : i32
      %dma_start3A_81 = tpu.memref_slice %arg9[%add3A_38, %dma_start3A_80] : memref<10240x128xf32, #tpu.memory_space<vmem_shared>> -> memref<80x128xf32, #tpu.memory_space<vmem_shared>>
      tpu.enqueue_dma source(%arg8 : memref<80x128xf32, #tpu.memory_space<vmem>>) target(%dma_start3A_81 : memref<80x128xf32, #tpu.memory_space<vmem_shared>>) target_semaphore(%run_scoped3A : memref<!tpu.dma_semaphore, #tpu.memory_space<semaphore_mem>>)
      %dma_wait3A = arith.constant 0 : i32
      %dma_wait3A_82 = tpu.memref_slice %arg9[%add3A_38, %dma_wait3A] : memref<10240x128xf32, #tpu.memory_space<vmem_shared>> -> memref<80x128xf32, #tpu.memory_space<vmem_shared>>
      %dma_wait3A_83 = arith.constant 0 : i32
      %dma_wait3A_84 = tpu.memref_slice %arg9[%add3A_38, %dma_wait3A_83] : memref<10240x128xf32, #tpu.memory_space<vmem_shared>> -> memref<80x128xf32, #tpu.memory_space<vmem_shared>>
      tpu.wait_dma2 semaphore(%run_scoped3A : memref<!tpu.dma_semaphore, #tpu.memory_space<semaphore_mem>>) src(%arg8 : memref<80x128xf32, #tpu.memory_space<vmem>>) dst(%dma_wait3A_84 : memref<80x128xf32, #tpu.memory_space<vmem_shared>>)
      tpu.yield
    }) : () -> ()
    %barrier3A = arith.constant 0 : index
    tpu.barrier barrier_id(%barrier3A)
    "tpu.region"() ({
      %run_scoped3A = tpu.sem_alloc : memref<!tpu.dma_semaphore, #tpu.memory_space<semaphore_mem>>
      %dma_start3A = arith.constant 0 : i32
      %dma_start3A_79 = arith.constant 0 : i32
      %dma_start3A_80 = tpu.memref_slice %arg3[%add3A, %dma_start3A, %dma_start3A_79] : memref<32x125x80xi32, #tpu.memory_space<hbm>> -> memref<1x125x80xi32, #tpu.memory_space<hbm>>
      %dma_start3A_81 = tpu.memref_squeeze %dma_start3A_80 : memref<1x125x80xi32, #tpu.memory_space<hbm>> -> memref<125x80xi32, #tpu.memory_space<hbm>>
      %dma_start3A_82 = arith.constant 0 : i32
      %dma_start3A_83 = arith.constant 0 : i32
      %dma_start3A_84 = tpu.memref_slice %arg3[%add3A, %dma_start3A_82, %dma_start3A_83] : memref<32x125x80xi32, #tpu.memory_space<hbm>> -> memref<1x125x80xi32, #tpu.memory_space<hbm>>
      %dma_start3A_85 = tpu.memref_squeeze %dma_start3A_84 : memref<1x125x80xi32, #tpu.memory_space<hbm>> -> memref<125x80xi32, #tpu.memory_space<hbm>>
      tpu.enqueue_dma source(%dma_start3A_85 : memref<125x80xi32, #tpu.memory_space<hbm>>) target(%arg6 : memref<125x80xi32, #tpu.memory_space<vmem>>) target_semaphore(%run_scoped3A : memref<!tpu.dma_semaphore, #tpu.memory_space<semaphore_mem>>)
      %dma_wait3A = arith.constant 0 : i32
      %dma_wait3A_86 = arith.constant 0 : i32
      %dma_wait3A_87 = tpu.memref_slice %arg3[%add3A, %dma_wait3A, %dma_wait3A_86] : memref<32x125x80xi32, #tpu.memory_space<hbm>> -> memref<1x125x80xi32, #tpu.memory_space<hbm>>
      %dma_wait3A_88 = tpu.memref_squeeze %dma_wait3A_87 : memref<1x125x80xi32, #tpu.memory_space<hbm>> -> memref<125x80xi32, #tpu.memory_space<hbm>>
      %dma_wait3A_89 = arith.constant 0 : i32
      %dma_wait3A_90 = arith.constant 0 : i32
      %dma_wait3A_91 = tpu.memref_slice %arg3[%add3A, %dma_wait3A_89, %dma_wait3A_90] : memref<32x125x80xi32, #tpu.memory_space<hbm>> -> memref<1x125x80xi32, #tpu.memory_space<hbm>>
      %dma_wait3A_92 = tpu.memref_squeeze %dma_wait3A_91 : memref<1x125x80xi32, #tpu.memory_space<hbm>> -> memref<125x80xi32, #tpu.memory_space<hbm>>
      tpu.wait_dma2 semaphore(%run_scoped3A : memref<!tpu.dma_semaphore, #tpu.memory_space<semaphore_mem>>) src(%dma_wait3A_92 : memref<125x80xi32, #tpu.memory_space<hbm>>) dst(%arg6 : memref<125x80xi32, #tpu.memory_space<vmem>>)
      tpu.yield
    }) : () -> ()
    "tpu.region"() ({
      %run_scoped3A = tpu.sem_alloc : memref<!tpu.dma_semaphore, #tpu.memory_space<semaphore_mem>>
      %dma_start3A = arith.constant 0 : i32
      %dma_start3A_79 = arith.constant 0 : i32
      %dma_start3A_80 = tpu.memref_slice %arg4[%add3A, %dma_start3A, %dma_start3A_79] : memref<32x125x80xi32, #tpu.memory_space<hbm>> -> memref<1x125x80xi32, #tpu.memory_space<hbm>>
      %dma_start3A_81 = tpu.memref_squeeze %dma_start3A_80 : memref<1x125x80xi32, #tpu.memory_space<hbm>> -> memref<125x80xi32, #tpu.memory_space<hbm>>
      %dma_start3A_82 = arith.constant 0 : i32
      %dma_start3A_83 = arith.constant 0 : i32
      %dma_start3A_84 = tpu.memref_slice %arg4[%add3A, %dma_start3A_82, %dma_start3A_83] : memref<32x125x80xi32, #tpu.memory_space<hbm>> -> memref<1x125x80xi32, #tpu.memory_space<hbm>>
      %dma_start3A_85 = tpu.memref_squeeze %dma_start3A_84 : memref<1x125x80xi32, #tpu.memory_space<hbm>> -> memref<125x80xi32, #tpu.memory_space<hbm>>
      tpu.enqueue_dma source(%dma_start3A_85 : memref<125x80xi32, #tpu.memory_space<hbm>>) target(%arg7 : memref<125x80xi32, #tpu.memory_space<vmem>>) target_semaphore(%run_scoped3A : memref<!tpu.dma_semaphore, #tpu.memory_space<semaphore_mem>>)
      %dma_wait3A = arith.constant 0 : i32
      %dma_wait3A_86 = arith.constant 0 : i32
      %dma_wait3A_87 = tpu.memref_slice %arg4[%add3A, %dma_wait3A, %dma_wait3A_86] : memref<32x125x80xi32, #tpu.memory_space<hbm>> -> memref<1x125x80xi32, #tpu.memory_space<hbm>>
      %dma_wait3A_88 = tpu.memref_squeeze %dma_wait3A_87 : memref<1x125x80xi32, #tpu.memory_space<hbm>> -> memref<125x80xi32, #tpu.memory_space<hbm>>
      %dma_wait3A_89 = arith.constant 0 : i32
      %dma_wait3A_90 = arith.constant 0 : i32
      %dma_wait3A_91 = tpu.memref_slice %arg4[%add3A, %dma_wait3A_89, %dma_wait3A_90] : memref<32x125x80xi32, #tpu.memory_space<hbm>> -> memref<1x125x80xi32, #tpu.memory_space<hbm>>
      %dma_wait3A_92 = tpu.memref_squeeze %dma_wait3A_91 : memref<1x125x80xi32, #tpu.memory_space<hbm>> -> memref<125x80xi32, #tpu.memory_space<hbm>>
      tpu.wait_dma2 semaphore(%run_scoped3A : memref<!tpu.dma_semaphore, #tpu.memory_space<semaphore_mem>>) src(%dma_wait3A_92 : memref<125x80xi32, #tpu.memory_space<hbm>>) dst(%arg7 : memref<125x80xi32, #tpu.memory_space<vmem>>)
      tpu.yield
    }) : () -> ()
    %scan3A_39 = arith.constant 0 : i32
    %scan3A_40 = arith.constant 0 : i32
    %scan3A_41 = arith.constant 125 : i32
    %scan3A_42 = arith.addi %scan3A_40, %scan3A_41 : i32
    %scan3A_43 = arith.constant 1 : i32
    %scan3A_44 = scf.for %scan3A_79 = %scan3A_40 to %scan3A_42 step %scan3A_43 iter_args(%scan3A_80 = %scan3A_39) -> (i32)  : i32 {
      %dma_start3A = arith.constant 0 : i32
      %dma_start3A_81 = tpu.memref_slice %arg6[%scan3A_79, %dma_start3A] : memref<125x80xi32, #tpu.memory_space<vmem>> -> memref<1x80xi32, #tpu.memory_space<vmem>>
      %dma_start3A_82 = tpu.memref_squeeze %dma_start3A_81 : memref<1x80xi32, #tpu.memory_space<vmem>> -> memref<80xi32, #tpu.memory_space<vmem>>
      %dma_start3A_83 = arith.constant 0 : i32
      %dma_start3A_84 = arith.constant 0 : i32
      %dma_start3A_85 = tpu.memref_slice %arg2[%dma_start3A_83, %dma_start3A_84] : memref<10000x128xf32, #tpu.memory_space<hbm>> -> memref<10000x128xf32, #tpu.memory_space<hbm>>
      tpu.enqueue_indirect_dma source(%dma_start3A_85 : memref<10000x128xf32, #tpu.memory_space<hbm>>) target(%arg8 : memref<80x128xf32, #tpu.memory_space<vmem>>) offsets(%dma_start3A_82 : memref<80xi32, #tpu.memory_space<vmem>>) semaphore(%arg10 : memref<!tpu.dma_semaphore, #tpu.memory_space<semaphore_mem>>)
      %dma_wait3A = arith.constant 0 : i32
      %dma_wait3A_86 = tpu.memref_slice %arg6[%scan3A_79, %dma_wait3A] : memref<125x80xi32, #tpu.memory_space<vmem>> -> memref<1x80xi32, #tpu.memory_space<vmem>>
      %dma_wait3A_87 = tpu.memref_squeeze %dma_wait3A_86 : memref<1x80xi32, #tpu.memory_space<vmem>> -> memref<80xi32, #tpu.memory_space<vmem>>
      %dma_wait3A_88 = arith.constant 0 : i32
      %dma_wait3A_89 = arith.constant 0 : i32
      %dma_wait3A_90 = tpu.memref_slice %arg2[%dma_wait3A_88, %dma_wait3A_89] : memref<10000x128xf32, #tpu.memory_space<hbm>> -> memref<10000x128xf32, #tpu.memory_space<hbm>>
      tpu.wait_indirect_dma semaphore(%arg10 : memref<!tpu.dma_semaphore, #tpu.memory_space<semaphore_mem>>) src(%dma_wait3A_90 : memref<10000x128xf32, #tpu.memory_space<hbm>>) dst(%arg8 : memref<80x128xf32, #tpu.memory_space<vmem>>)
      "tpu.region"() ({
        %run_scoped3A = tpu.sem_alloc : memref<!tpu.dma_semaphore, #tpu.memory_space<semaphore_mem>>
        %dma_start3A_92 = arith.constant 0 : i32
        %dma_start3A_93 = tpu.memref_slice %arg7[%scan3A_79, %dma_start3A_92] : memref<125x80xi32, #tpu.memory_space<vmem>> -> memref<1x80xi32, #tpu.memory_space<vmem>>
        %dma_start3A_94 = tpu.memref_squeeze %dma_start3A_93 : memref<1x80xi32, #tpu.memory_space<vmem>> -> memref<80xi32, #tpu.memory_space<vmem>>
        %dma_start3A_95 = arith.constant 0 : i32
        %dma_start3A_96 = arith.constant 0 : i32
        %dma_start3A_97 = tpu.memref_slice %arg9[%dma_start3A_95, %dma_start3A_96] : memref<10240x128xf32, #tpu.memory_space<vmem_shared>> -> memref<10240x128xf32, #tpu.memory_space<vmem_shared>>
        tpu.enqueue_indirect_dma source(%arg8 : memref<80x128xf32, #tpu.memory_space<vmem>>) target(%dma_start3A_97 : memref<10240x128xf32, #tpu.memory_space<vmem_shared>>) offsets(%dma_start3A_94 : memref<80xi32, #tpu.memory_space<vmem>>) semaphore(%run_scoped3A : memref<!tpu.dma_semaphore, #tpu.memory_space<semaphore_mem>>) {add = true}
        %dma_wait3A_98 = arith.constant 0 : i32
        %dma_wait3A_99 = tpu.memref_slice %arg7[%scan3A_79, %dma_wait3A_98] : memref<125x80xi32, #tpu.memory_space<vmem>> -> memref<1x80xi32, #tpu.memory_space<vmem>>
        %dma_wait3A_100 = tpu.memref_squeeze %dma_wait3A_99 : memref<1x80xi32, #tpu.memory_space<vmem>> -> memref<80xi32, #tpu.memory_space<vmem>>
        %dma_wait3A_101 = arith.constant 0 : i32
        %dma_wait3A_102 = arith.constant 0 : i32
        %dma_wait3A_103 = tpu.memref_slice %arg9[%dma_wait3A_101, %dma_wait3A_102] : memref<10240x128xf32, #tpu.memory_space<vmem_shared>> -> memref<10240x128xf32, #tpu.memory_space<vmem_shared>>
        tpu.wait_indirect_dma semaphore(%run_scoped3A : memref<!tpu.dma_semaphore, #tpu.memory_space<semaphore_mem>>) src(%arg8 : memref<80x128xf32, #tpu.memory_space<vmem>>) dst(%dma_wait3A_103 : memref<10240x128xf32, #tpu.memory_space<vmem_shared>>)
        tpu.yield
      }) : () -> ()
      %scan3A_91 = arith.constant 0 : i32
      scf.yield %scan3A_91 : i32
    }
    %scan3A_45 = arith.constant 125 : i32
    %barrier3A_46 = arith.constant 0 : index
    tpu.barrier barrier_id(%barrier3A_46)
    %mul3A_47 = arith.constant 640 : i32
    %mul3A_48 = arith.muli %arg1, %mul3A_47 : i32
    %add3A_49 = arith.constant 0 : i32
    %add3A_50 = arith.addi %mul3A_48, %add3A_49 : i32
    "tpu.region"() ({
      %run_scoped3A = tpu.sem_alloc : memref<!tpu.dma_semaphore, #tpu.memory_space<semaphore_mem>>
      %dma_start3A = arith.constant 0 : i32
      %dma_start3A_79 = tpu.memref_slice %arg9[%add3A_50, %dma_start3A] : memref<10240x128xf32, #tpu.memory_space<vmem_shared>> -> memref<80x128xf32, #tpu.memory_space<vmem_shared>>
      %dma_start3A_80 = arith.constant 0 : i32
      %dma_start3A_81 = tpu.memref_slice %arg9[%add3A_50, %dma_start3A_80] : memref<10240x128xf32, #tpu.memory_space<vmem_shared>> -> memref<80x128xf32, #tpu.memory_space<vmem_shared>>
      tpu.enqueue_dma source(%dma_start3A_81 : memref<80x128xf32, #tpu.memory_space<vmem_shared>>) target(%arg8 : memref<80x128xf32, #tpu.memory_space<vmem>>) target_semaphore(%run_scoped3A : memref<!tpu.dma_semaphore, #tpu.memory_space<semaphore_mem>>)
      %dma_wait3A = arith.constant 0 : i32
      %dma_wait3A_82 = tpu.memref_slice %arg9[%add3A_50, %dma_wait3A] : memref<10240x128xf32, #tpu.memory_space<vmem_shared>> -> memref<80x128xf32, #tpu.memory_space<vmem_shared>>
      %dma_wait3A_83 = arith.constant 0 : i32
      %dma_wait3A_84 = tpu.memref_slice %arg9[%add3A_50, %dma_wait3A_83] : memref<10240x128xf32, #tpu.memory_space<vmem_shared>> -> memref<80x128xf32, #tpu.memory_space<vmem_shared>>
      tpu.wait_dma2 semaphore(%run_scoped3A : memref<!tpu.dma_semaphore, #tpu.memory_space<semaphore_mem>>) src(%dma_wait3A_84 : memref<80x128xf32, #tpu.memory_space<vmem_shared>>) dst(%arg8 : memref<80x128xf32, #tpu.memory_space<vmem>>)
      tpu.yield
    }) : () -> ()
    "tpu.region"() ({
      %run_scoped3A = tpu.sem_alloc : memref<!tpu.dma_semaphore, #tpu.memory_space<semaphore_mem>>
      %dma_start3A = arith.constant 0 : i32
      %dma_start3A_79 = tpu.memref_slice %arg5[%arg0, %add3A_50, %dma_start3A] : memref<2x10240x128xf32, #tpu.memory_space<hbm>> -> memref<1x80x128xf32, #tpu.memory_space<hbm>>
      %dma_start3A_80 = tpu.memref_squeeze %dma_start3A_79 : memref<1x80x128xf32, #tpu.memory_space<hbm>> -> memref<80x128xf32, #tpu.memory_space<hbm>>
      %dma_start3A_81 = arith.constant 0 : i32
      %dma_start3A_82 = tpu.memref_slice %arg5[%arg0, %add3A_50, %dma_start3A_81] : memref<2x10240x128xf32, #tpu.memory_space<hbm>> -> memref<1x80x128xf32, #tpu.memory_space<hbm>>
      %dma_start3A_83 = tpu.memref_squeeze %dma_start3A_82 : memref<1x80x128xf32, #tpu.memory_space<hbm>> -> memref<80x128xf32, #tpu.memory_space<hbm>>
      tpu.enqueue_dma source(%arg8 : memref<80x128xf32, #tpu.memory_space<vmem>>) target(%dma_start3A_83 : memref<80x128xf32, #tpu.memory_space<hbm>>) target_semaphore(%run_scoped3A : memref<!tpu.dma_semaphore, #tpu.memory_space<semaphore_mem>>)
      %dma_wait3A = arith.constant 0 : i32
      %dma_wait3A_84 = tpu.memref_slice %arg5[%arg0, %add3A_50, %dma_wait3A] : memref<2x10240x128xf32, #tpu.memory_space<hbm>> -> memref<1x80x128xf32, #tpu.memory_space<hbm>>
      %dma_wait3A_85 = tpu.memref_squeeze %dma_wait3A_84 : memref<1x80x128xf32, #tpu.memory_space<hbm>> -> memref<80x128xf32, #tpu.memory_space<hbm>>
      %dma_wait3A_86 = arith.constant 0 : i32
      %dma_wait3A_87 = tpu.memref_slice %arg5[%arg0, %add3A_50, %dma_wait3A_86] : memref<2x10240x128xf32, #tpu.memory_space<hbm>> -> memref<1x80x128xf32, #tpu.memory_space<hbm>>
      %dma_wait3A_88 = tpu.memref_squeeze %dma_wait3A_87 : memref<1x80x128xf32, #tpu.memory_space<hbm>> -> memref<80x128xf32, #tpu.memory_space<hbm>>
      tpu.wait_dma2 semaphore(%run_scoped3A : memref<!tpu.dma_semaphore, #tpu.memory_space<semaphore_mem>>) src(%arg8 : memref<80x128xf32, #tpu.memory_space<vmem>>) dst(%dma_wait3A_88 : memref<80x128xf32, #tpu.memory_space<hbm>>)
      tpu.yield
    }) : () -> ()
    %mul3A_51 = arith.constant 640 : i32
    %mul3A_52 = arith.muli %arg1, %mul3A_51 : i32
    %add3A_53 = arith.constant 80 : i32
    %add3A_54 = arith.addi %mul3A_52, %add3A_53 : i32
    "tpu.region"() ({
      %run_scoped3A = tpu.sem_alloc : memref<!tpu.dma_semaphore, #tpu.memory_space<semaphore_mem>>
      %dma_start3A = arith.constant 0 : i32
      %dma_start3A_79 = tpu.memref_slice %arg9[%add3A_54, %dma_start3A] : memref<10240x128xf32, #tpu.memory_space<vmem_shared>> -> memref<80x128xf32, #tpu.memory_space<vmem_shared>>
      %dma_start3A_80 = arith.constant 0 : i32
      %dma_start3A_81 = tpu.memref_slice %arg9[%add3A_54, %dma_start3A_80] : memref<10240x128xf32, #tpu.memory_space<vmem_shared>> -> memref<80x128xf32, #tpu.memory_space<vmem_shared>>
      tpu.enqueue_dma source(%dma_start3A_81 : memref<80x128xf32, #tpu.memory_space<vmem_shared>>) target(%arg8 : memref<80x128xf32, #tpu.memory_space<vmem>>) target_semaphore(%run_scoped3A : memref<!tpu.dma_semaphore, #tpu.memory_space<semaphore_mem>>)
      %dma_wait3A = arith.constant 0 : i32
      %dma_wait3A_82 = tpu.memref_slice %arg9[%add3A_54, %dma_wait3A] : memref<10240x128xf32, #tpu.memory_space<vmem_shared>> -> memref<80x128xf32, #tpu.memory_space<vmem_shared>>
      %dma_wait3A_83 = arith.constant 0 : i32
      %dma_wait3A_84 = tpu.memref_slice %arg9[%add3A_54, %dma_wait3A_83] : memref<10240x128xf32, #tpu.memory_space<vmem_shared>> -> memref<80x128xf32, #tpu.memory_space<vmem_shared>>
      tpu.wait_dma2 semaphore(%run_scoped3A : memref<!tpu.dma_semaphore, #tpu.memory_space<semaphore_mem>>) src(%dma_wait3A_84 : memref<80x128xf32, #tpu.memory_space<vmem_shared>>) dst(%arg8 : memref<80x128xf32, #tpu.memory_space<vmem>>)
      tpu.yield
    }) : () -> ()
    "tpu.region"() ({
      %run_scoped3A = tpu.sem_alloc : memref<!tpu.dma_semaphore, #tpu.memory_space<semaphore_mem>>
      %dma_start3A = arith.constant 0 : i32
      %dma_start3A_79 = tpu.memref_slice %arg5[%arg0, %add3A_54, %dma_start3A] : memref<2x10240x128xf32, #tpu.memory_space<hbm>> -> memref<1x80x128xf32, #tpu.memory_space<hbm>>
      %dma_start3A_80 = tpu.memref_squeeze %dma_start3A_79 : memref<1x80x128xf32, #tpu.memory_space<hbm>> -> memref<80x128xf32, #tpu.memory_space<hbm>>
      %dma_start3A_81 = arith.constant 0 : i32
      %dma_start3A_82 = tpu.memref_slice %arg5[%arg0, %add3A_54, %dma_start3A_81] : memref<2x10240x128xf32, #tpu.memory_space<hbm>> -> memref<1x80x128xf32, #tpu.memory_space<hbm>>
      %dma_start3A_83 = tpu.memref_squeeze %dma_start3A_82 : memref<1x80x128xf32, #tpu.memory_space<hbm>> -> memref<80x128xf32, #tpu.memory_space<hbm>>
      tpu.enqueue_dma source(%arg8 : memref<80x128xf32, #tpu.memory_space<vmem>>) target(%dma_start3A_83 : memref<80x128xf32, #tpu.memory_space<hbm>>) target_semaphore(%run_scoped3A : memref<!tpu.dma_semaphore, #tpu.memory_space<semaphore_mem>>)
      %dma_wait3A = arith.constant 0 : i32
      %dma_wait3A_84 = tpu.memref_slice %arg5[%arg0, %add3A_54, %dma_wait3A] : memref<2x10240x128xf32, #tpu.memory_space<hbm>> -> memref<1x80x128xf32, #tpu.memory_space<hbm>>
      %dma_wait3A_85 = tpu.memref_squeeze %dma_wait3A_84 : memref<1x80x128xf32, #tpu.memory_space<hbm>> -> memref<80x128xf32, #tpu.memory_space<hbm>>
      %dma_wait3A_86 = arith.constant 0 : i32
      %dma_wait3A_87 = tpu.memref_slice %arg5[%arg0, %add3A_54, %dma_wait3A_86] : memref<2x10240x128xf32, #tpu.memory_space<hbm>> -> memref<1x80x128xf32, #tpu.memory_space<hbm>>
      %dma_wait3A_88 = tpu.memref_squeeze %dma_wait3A_87 : memref<1x80x128xf32, #tpu.memory_space<hbm>> -> memref<80x128xf32, #tpu.memory_space<hbm>>
      tpu.wait_dma2 semaphore(%run_scoped3A : memref<!tpu.dma_semaphore, #tpu.memory_space<semaphore_mem>>) src(%arg8 : memref<80x128xf32, #tpu.memory_space<vmem>>) dst(%dma_wait3A_88 : memref<80x128xf32, #tpu.memory_space<hbm>>)
      tpu.yield
    }) : () -> ()
    %mul3A_55 = arith.constant 640 : i32
    %mul3A_56 = arith.muli %arg1, %mul3A_55 : i32
    %add3A_57 = arith.constant 160 : i32
    %add3A_58 = arith.addi %mul3A_56, %add3A_57 : i32
    "tpu.region"() ({
      %run_scoped3A = tpu.sem_alloc : memref<!tpu.dma_semaphore, #tpu.memory_space<semaphore_mem>>
      %dma_start3A = arith.constant 0 : i32
      %dma_start3A_79 = tpu.memref_slice %arg9[%add3A_58, %dma_start3A] : memref<10240x128xf32, #tpu.memory_space<vmem_shared>> -> memref<80x128xf32, #tpu.memory_space<vmem_shared>>
      %dma_start3A_80 = arith.constant 0 : i32
      %dma_start3A_81 = tpu.memref_slice %arg9[%add3A_58, %dma_start3A_80] : memref<10240x128xf32, #tpu.memory_space<vmem_shared>> -> memref<80x128xf32, #tpu.memory_space<vmem_shared>>
      tpu.enqueue_dma source(%dma_start3A_81 : memref<80x128xf32, #tpu.memory_space<vmem_shared>>) target(%arg8 : memref<80x128xf32, #tpu.memory_space<vmem>>) target_semaphore(%run_scoped3A : memref<!tpu.dma_semaphore, #tpu.memory_space<semaphore_mem>>)
      %dma_wait3A = arith.constant 0 : i32
      %dma_wait3A_82 = tpu.memref_slice %arg9[%add3A_58, %dma_wait3A] : memref<10240x128xf32, #tpu.memory_space<vmem_shared>> -> memref<80x128xf32, #tpu.memory_space<vmem_shared>>
      %dma_wait3A_83 = arith.constant 0 : i32
      %dma_wait3A_84 = tpu.memref_slice %arg9[%add3A_58, %dma_wait3A_83] : memref<10240x128xf32, #tpu.memory_space<vmem_shared>> -> memref<80x128xf32, #tpu.memory_space<vmem_shared>>
      tpu.wait_dma2 semaphore(%run_scoped3A : memref<!tpu.dma_semaphore, #tpu.memory_space<semaphore_mem>>) src(%dma_wait3A_84 : memref<80x128xf32, #tpu.memory_space<vmem_shared>>) dst(%arg8 : memref<80x128xf32, #tpu.memory_space<vmem>>)
      tpu.yield
    }) : () -> ()
    "tpu.region"() ({
      %run_scoped3A = tpu.sem_alloc : memref<!tpu.dma_semaphore, #tpu.memory_space<semaphore_mem>>
      %dma_start3A = arith.constant 0 : i32
      %dma_start3A_79 = tpu.memref_slice %arg5[%arg0, %add3A_58, %dma_start3A] : memref<2x10240x128xf32, #tpu.memory_space<hbm>> -> memref<1x80x128xf32, #tpu.memory_space<hbm>>
      %dma_start3A_80 = tpu.memref_squeeze %dma_start3A_79 : memref<1x80x128xf32, #tpu.memory_space<hbm>> -> memref<80x128xf32, #tpu.memory_space<hbm>>
      %dma_start3A_81 = arith.constant 0 : i32
      %dma_start3A_82 = tpu.memref_slice %arg5[%arg0, %add3A_58, %dma_start3A_81] : memref<2x10240x128xf32, #tpu.memory_space<hbm>> -> memref<1x80x128xf32, #tpu.memory_space<hbm>>
      %dma_start3A_83 = tpu.memref_squeeze %dma_start3A_82 : memref<1x80x128xf32, #tpu.memory_space<hbm>> -> memref<80x128xf32, #tpu.memory_space<hbm>>
      tpu.enqueue_dma source(%arg8 : memref<80x128xf32, #tpu.memory_space<vmem>>) target(%dma_start3A_83 : memref<80x128xf32, #tpu.memory_space<hbm>>) target_semaphore(%run_scoped3A : memref<!tpu.dma_semaphore, #tpu.memory_space<semaphore_mem>>)
      %dma_wait3A = arith.constant 0 : i32
      %dma_wait3A_84 = tpu.memref_slice %arg5[%arg0, %add3A_58, %dma_wait3A] : memref<2x10240x128xf32, #tpu.memory_space<hbm>> -> memref<1x80x128xf32, #tpu.memory_space<hbm>>
      %dma_wait3A_85 = tpu.memref_squeeze %dma_wait3A_84 : memref<1x80x128xf32, #tpu.memory_space<hbm>> -> memref<80x128xf32, #tpu.memory_space<hbm>>
      %dma_wait3A_86 = arith.constant 0 : i32
      %dma_wait3A_87 = tpu.memref_slice %arg5[%arg0, %add3A_58, %dma_wait3A_86] : memref<2x10240x128xf32, #tpu.memory_space<hbm>> -> memref<1x80x128xf32, #tpu.memory_space<hbm>>
      %dma_wait3A_88 = tpu.memref_squeeze %dma_wait3A_87 : memref<1x80x128xf32, #tpu.memory_space<hbm>> -> memref<80x128xf32, #tpu.memory_space<hbm>>
      tpu.wait_dma2 semaphore(%run_scoped3A : memref<!tpu.dma_semaphore, #tpu.memory_space<semaphore_mem>>) src(%arg8 : memref<80x128xf32, #tpu.memory_space<vmem>>) dst(%dma_wait3A_88 : memref<80x128xf32, #tpu.memory_space<hbm>>)
      tpu.yield
    }) : () -> ()
    %mul3A_59 = arith.constant 640 : i32
    %mul3A_60 = arith.muli %arg1, %mul3A_59 : i32
    %add3A_61 = arith.constant 240 : i32
    %add3A_62 = arith.addi %mul3A_60, %add3A_61 : i32
    "tpu.region"() ({
      %run_scoped3A = tpu.sem_alloc : memref<!tpu.dma_semaphore, #tpu.memory_space<semaphore_mem>>
      %dma_start3A = arith.constant 0 : i32
      %dma_start3A_79 = tpu.memref_slice %arg9[%add3A_62, %dma_start3A] : memref<10240x128xf32, #tpu.memory_space<vmem_shared>> -> memref<80x128xf32, #tpu.memory_space<vmem_shared>>
      %dma_start3A_80 = arith.constant 0 : i32
      %dma_start3A_81 = tpu.memref_slice %arg9[%add3A_62, %dma_start3A_80] : memref<10240x128xf32, #tpu.memory_space<vmem_shared>> -> memref<80x128xf32, #tpu.memory_space<vmem_shared>>
      tpu.enqueue_dma source(%dma_start3A_81 : memref<80x128xf32, #tpu.memory_space<vmem_shared>>) target(%arg8 : memref<80x128xf32, #tpu.memory_space<vmem>>) target_semaphore(%run_scoped3A : memref<!tpu.dma_semaphore, #tpu.memory_space<semaphore_mem>>)
      %dma_wait3A = arith.constant 0 : i32
      %dma_wait3A_82 = tpu.memref_slice %arg9[%add3A_62, %dma_wait3A] : memref<10240x128xf32, #tpu.memory_space<vmem_shared>> -> memref<80x128xf32, #tpu.memory_space<vmem_shared>>
      %dma_wait3A_83 = arith.constant 0 : i32
      %dma_wait3A_84 = tpu.memref_slice %arg9[%add3A_62, %dma_wait3A_83] : memref<10240x128xf32, #tpu.memory_space<vmem_shared>> -> memref<80x128xf32, #tpu.memory_space<vmem_shared>>
      tpu.wait_dma2 semaphore(%run_scoped3A : memref<!tpu.dma_semaphore, #tpu.memory_space<semaphore_mem>>) src(%dma_wait3A_84 : memref<80x128xf32, #tpu.memory_space<vmem_shared>>) dst(%arg8 : memref<80x128xf32, #tpu.memory_space<vmem>>)
      tpu.yield
    }) : () -> ()
    "tpu.region"() ({
      %run_scoped3A = tpu.sem_alloc : memref<!tpu.dma_semaphore, #tpu.memory_space<semaphore_mem>>
      %dma_start3A = arith.constant 0 : i32
      %dma_start3A_79 = tpu.memref_slice %arg5[%arg0, %add3A_62, %dma_start3A] : memref<2x10240x128xf32, #tpu.memory_space<hbm>> -> memref<1x80x128xf32, #tpu.memory_space<hbm>>
      %dma_start3A_80 = tpu.memref_squeeze %dma_start3A_79 : memref<1x80x128xf32, #tpu.memory_space<hbm>> -> memref<80x128xf32, #tpu.memory_space<hbm>>
      %dma_start3A_81 = arith.constant 0 : i32
      %dma_start3A_82 = tpu.memref_slice %arg5[%arg0, %add3A_62, %dma_start3A_81] : memref<2x10240x128xf32, #tpu.memory_space<hbm>> -> memref<1x80x128xf32, #tpu.memory_space<hbm>>
      %dma_start3A_83 = tpu.memref_squeeze %dma_start3A_82 : memref<1x80x128xf32, #tpu.memory_space<hbm>> -> memref<80x128xf32, #tpu.memory_space<hbm>>
      tpu.enqueue_dma source(%arg8 : memref<80x128xf32, #tpu.memory_space<vmem>>) target(%dma_start3A_83 : memref<80x128xf32, #tpu.memory_space<hbm>>) target_semaphore(%run_scoped3A : memref<!tpu.dma_semaphore, #tpu.memory_space<semaphore_mem>>)
      %dma_wait3A = arith.constant 0 : i32
      %dma_wait3A_84 = tpu.memref_slice %arg5[%arg0, %add3A_62, %dma_wait3A] : memref<2x10240x128xf32, #tpu.memory_space<hbm>> -> memref<1x80x128xf32, #tpu.memory_space<hbm>>
      %dma_wait3A_85 = tpu.memref_squeeze %dma_wait3A_84 : memref<1x80x128xf32, #tpu.memory_space<hbm>> -> memref<80x128xf32, #tpu.memory_space<hbm>>
      %dma_wait3A_86 = arith.constant 0 : i32
      %dma_wait3A_87 = tpu.memref_slice %arg5[%arg0, %add3A_62, %dma_wait3A_86] : memref<2x10240x128xf32, #tpu.memory_space<hbm>> -> memref<1x80x128xf32, #tpu.memory_space<hbm>>
      %dma_wait3A_88 = tpu.memref_squeeze %dma_wait3A_87 : memref<1x80x128xf32, #tpu.memory_space<hbm>> -> memref<80x128xf32, #tpu.memory_space<hbm>>
      tpu.wait_dma2 semaphore(%run_scoped3A : memref<!tpu.dma_semaphore, #tpu.memory_space<semaphore_mem>>) src(%arg8 : memref<80x128xf32, #tpu.memory_space<vmem>>) dst(%dma_wait3A_88 : memref<80x128xf32, #tpu.memory_space<hbm>>)
      tpu.yield
    }) : () -> ()
    %mul3A_63 = arith.constant 640 : i32
    %mul3A_64 = arith.muli %arg1, %mul3A_63 : i32
    %add3A_65 = arith.constant 320 : i32
    %add3A_66 = arith.addi %mul3A_64, %add3A_65 : i32
    "tpu.region"() ({
      %run_scoped3A = tpu.sem_alloc : memref<!tpu.dma_semaphore, #tpu.memory_space<semaphore_mem>>
      %dma_start3A = arith.constant 0 : i32
      %dma_start3A_79 = tpu.memref_slice %arg9[%add3A_66, %dma_start3A] : memref<10240x128xf32, #tpu.memory_space<vmem_shared>> -> memref<80x128xf32, #tpu.memory_space<vmem_shared>>
      %dma_start3A_80 = arith.constant 0 : i32
      %dma_start3A_81 = tpu.memref_slice %arg9[%add3A_66, %dma_start3A_80] : memref<10240x128xf32, #tpu.memory_space<vmem_shared>> -> memref<80x128xf32, #tpu.memory_space<vmem_shared>>
      tpu.enqueue_dma source(%dma_start3A_81 : memref<80x128xf32, #tpu.memory_space<vmem_shared>>) target(%arg8 : memref<80x128xf32, #tpu.memory_space<vmem>>) target_semaphore(%run_scoped3A : memref<!tpu.dma_semaphore, #tpu.memory_space<semaphore_mem>>)
      %dma_wait3A = arith.constant 0 : i32
      %dma_wait3A_82 = tpu.memref_slice %arg9[%add3A_66, %dma_wait3A] : memref<10240x128xf32, #tpu.memory_space<vmem_shared>> -> memref<80x128xf32, #tpu.memory_space<vmem_shared>>
      %dma_wait3A_83 = arith.constant 0 : i32
      %dma_wait3A_84 = tpu.memref_slice %arg9[%add3A_66, %dma_wait3A_83] : memref<10240x128xf32, #tpu.memory_space<vmem_shared>> -> memref<80x128xf32, #tpu.memory_space<vmem_shared>>
      tpu.wait_dma2 semaphore(%run_scoped3A : memref<!tpu.dma_semaphore, #tpu.memory_space<semaphore_mem>>) src(%dma_wait3A_84 : memref<80x128xf32, #tpu.memory_space<vmem_shared>>) dst(%arg8 : memref<80x128xf32, #tpu.memory_space<vmem>>)
      tpu.yield
    }) : () -> ()
    "tpu.region"() ({
      %run_scoped3A = tpu.sem_alloc : memref<!tpu.dma_semaphore, #tpu.memory_space<semaphore_mem>>
      %dma_start3A = arith.constant 0 : i32
      %dma_start3A_79 = tpu.memref_slice %arg5[%arg0, %add3A_66, %dma_start3A] : memref<2x10240x128xf32, #tpu.memory_space<hbm>> -> memref<1x80x128xf32, #tpu.memory_space<hbm>>
      %dma_start3A_80 = tpu.memref_squeeze %dma_start3A_79 : memref<1x80x128xf32, #tpu.memory_space<hbm>> -> memref<80x128xf32, #tpu.memory_space<hbm>>
      %dma_start3A_81 = arith.constant 0 : i32
      %dma_start3A_82 = tpu.memref_slice %arg5[%arg0, %add3A_66, %dma_start3A_81] : memref<2x10240x128xf32, #tpu.memory_space<hbm>> -> memref<1x80x128xf32, #tpu.memory_space<hbm>>
      %dma_start3A_83 = tpu.memref_squeeze %dma_start3A_82 : memref<1x80x128xf32, #tpu.memory_space<hbm>> -> memref<80x128xf32, #tpu.memory_space<hbm>>
      tpu.enqueue_dma source(%arg8 : memref<80x128xf32, #tpu.memory_space<vmem>>) target(%dma_start3A_83 : memref<80x128xf32, #tpu.memory_space<hbm>>) target_semaphore(%run_scoped3A : memref<!tpu.dma_semaphore, #tpu.memory_space<semaphore_mem>>)
      %dma_wait3A = arith.constant 0 : i32
      %dma_wait3A_84 = tpu.memref_slice %arg5[%arg0, %add3A_66, %dma_wait3A] : memref<2x10240x128xf32, #tpu.memory_space<hbm>> -> memref<1x80x128xf32, #tpu.memory_space<hbm>>
      %dma_wait3A_85 = tpu.memref_squeeze %dma_wait3A_84 : memref<1x80x128xf32, #tpu.memory_space<hbm>> -> memref<80x128xf32, #tpu.memory_space<hbm>>
      %dma_wait3A_86 = arith.constant 0 : i32
      %dma_wait3A_87 = tpu.memref_slice %arg5[%arg0, %add3A_66, %dma_wait3A_86] : memref<2x10240x128xf32, #tpu.memory_space<hbm>> -> memref<1x80x128xf32, #tpu.memory_space<hbm>>
      %dma_wait3A_88 = tpu.memref_squeeze %dma_wait3A_87 : memref<1x80x128xf32, #tpu.memory_space<hbm>> -> memref<80x128xf32, #tpu.memory_space<hbm>>
      tpu.wait_dma2 semaphore(%run_scoped3A : memref<!tpu.dma_semaphore, #tpu.memory_space<semaphore_mem>>) src(%arg8 : memref<80x128xf32, #tpu.memory_space<vmem>>) dst(%dma_wait3A_88 : memref<80x128xf32, #tpu.memory_space<hbm>>)
      tpu.yield
    }) : () -> ()
    %mul3A_67 = arith.constant 640 : i32
    %mul3A_68 = arith.muli %arg1, %mul3A_67 : i32
    %add3A_69 = arith.constant 400 : i32
    %add3A_70 = arith.addi %mul3A_68, %add3A_69 : i32
    "tpu.region"() ({
      %run_scoped3A = tpu.sem_alloc : memref<!tpu.dma_semaphore, #tpu.memory_space<semaphore_mem>>
      %dma_start3A = arith.constant 0 : i32
      %dma_start3A_79 = tpu.memref_slice %arg9[%add3A_70, %dma_start3A] : memref<10240x128xf32, #tpu.memory_space<vmem_shared>> -> memref<80x128xf32, #tpu.memory_space<vmem_shared>>
      %dma_start3A_80 = arith.constant 0 : i32
      %dma_start3A_81 = tpu.memref_slice %arg9[%add3A_70, %dma_start3A_80] : memref<10240x128xf32, #tpu.memory_space<vmem_shared>> -> memref<80x128xf32, #tpu.memory_space<vmem_shared>>
      tpu.enqueue_dma source(%dma_start3A_81 : memref<80x128xf32, #tpu.memory_space<vmem_shared>>) target(%arg8 : memref<80x128xf32, #tpu.memory_space<vmem>>) target_semaphore(%run_scoped3A : memref<!tpu.dma_semaphore, #tpu.memory_space<semaphore_mem>>)
      %dma_wait3A = arith.constant 0 : i32
      %dma_wait3A_82 = tpu.memref_slice %arg9[%add3A_70, %dma_wait3A] : memref<10240x128xf32, #tpu.memory_space<vmem_shared>> -> memref<80x128xf32, #tpu.memory_space<vmem_shared>>
      %dma_wait3A_83 = arith.constant 0 : i32
      %dma_wait3A_84 = tpu.memref_slice %arg9[%add3A_70, %dma_wait3A_83] : memref<10240x128xf32, #tpu.memory_space<vmem_shared>> -> memref<80x128xf32, #tpu.memory_space<vmem_shared>>
      tpu.wait_dma2 semaphore(%run_scoped3A : memref<!tpu.dma_semaphore, #tpu.memory_space<semaphore_mem>>) src(%dma_wait3A_84 : memref<80x128xf32, #tpu.memory_space<vmem_shared>>) dst(%arg8 : memref<80x128xf32, #tpu.memory_space<vmem>>)
      tpu.yield
    }) : () -> ()
    "tpu.region"() ({
      %run_scoped3A = tpu.sem_alloc : memref<!tpu.dma_semaphore, #tpu.memory_space<semaphore_mem>>
      %dma_start3A = arith.constant 0 : i32
      %dma_start3A_79 = tpu.memref_slice %arg5[%arg0, %add3A_70, %dma_start3A] : memref<2x10240x128xf32, #tpu.memory_space<hbm>> -> memref<1x80x128xf32, #tpu.memory_space<hbm>>
      %dma_start3A_80 = tpu.memref_squeeze %dma_start3A_79 : memref<1x80x128xf32, #tpu.memory_space<hbm>> -> memref<80x128xf32, #tpu.memory_space<hbm>>
      %dma_start3A_81 = arith.constant 0 : i32
      %dma_start3A_82 = tpu.memref_slice %arg5[%arg0, %add3A_70, %dma_start3A_81] : memref<2x10240x128xf32, #tpu.memory_space<hbm>> -> memref<1x80x128xf32, #tpu.memory_space<hbm>>
      %dma_start3A_83 = tpu.memref_squeeze %dma_start3A_82 : memref<1x80x128xf32, #tpu.memory_space<hbm>> -> memref<80x128xf32, #tpu.memory_space<hbm>>
      tpu.enqueue_dma source(%arg8 : memref<80x128xf32, #tpu.memory_space<vmem>>) target(%dma_start3A_83 : memref<80x128xf32, #tpu.memory_space<hbm>>) target_semaphore(%run_scoped3A : memref<!tpu.dma_semaphore, #tpu.memory_space<semaphore_mem>>)
      %dma_wait3A = arith.constant 0 : i32
      %dma_wait3A_84 = tpu.memref_slice %arg5[%arg0, %add3A_70, %dma_wait3A] : memref<2x10240x128xf32, #tpu.memory_space<hbm>> -> memref<1x80x128xf32, #tpu.memory_space<hbm>>
      %dma_wait3A_85 = tpu.memref_squeeze %dma_wait3A_84 : memref<1x80x128xf32, #tpu.memory_space<hbm>> -> memref<80x128xf32, #tpu.memory_space<hbm>>
      %dma_wait3A_86 = arith.constant 0 : i32
      %dma_wait3A_87 = tpu.memref_slice %arg5[%arg0, %add3A_70, %dma_wait3A_86] : memref<2x10240x128xf32, #tpu.memory_space<hbm>> -> memref<1x80x128xf32, #tpu.memory_space<hbm>>
      %dma_wait3A_88 = tpu.memref_squeeze %dma_wait3A_87 : memref<1x80x128xf32, #tpu.memory_space<hbm>> -> memref<80x128xf32, #tpu.memory_space<hbm>>
      tpu.wait_dma2 semaphore(%run_scoped3A : memref<!tpu.dma_semaphore, #tpu.memory_space<semaphore_mem>>) src(%arg8 : memref<80x128xf32, #tpu.memory_space<vmem>>) dst(%dma_wait3A_88 : memref<80x128xf32, #tpu.memory_space<hbm>>)
      tpu.yield
    }) : () -> ()
    %mul3A_71 = arith.constant 640 : i32
    %mul3A_72 = arith.muli %arg1, %mul3A_71 : i32
    %add3A_73 = arith.constant 480 : i32
    %add3A_74 = arith.addi %mul3A_72, %add3A_73 : i32
    "tpu.region"() ({
      %run_scoped3A = tpu.sem_alloc : memref<!tpu.dma_semaphore, #tpu.memory_space<semaphore_mem>>
      %dma_start3A = arith.constant 0 : i32
      %dma_start3A_79 = tpu.memref_slice %arg9[%add3A_74, %dma_start3A] : memref<10240x128xf32, #tpu.memory_space<vmem_shared>> -> memref<80x128xf32, #tpu.memory_space<vmem_shared>>
      %dma_start3A_80 = arith.constant 0 : i32
      %dma_start3A_81 = tpu.memref_slice %arg9[%add3A_74, %dma_start3A_80] : memref<10240x128xf32, #tpu.memory_space<vmem_shared>> -> memref<80x128xf32, #tpu.memory_space<vmem_shared>>
      tpu.enqueue_dma source(%dma_start3A_81 : memref<80x128xf32, #tpu.memory_space<vmem_shared>>) target(%arg8 : memref<80x128xf32, #tpu.memory_space<vmem>>) target_semaphore(%run_scoped3A : memref<!tpu.dma_semaphore, #tpu.memory_space<semaphore_mem>>)
      %dma_wait3A = arith.constant 0 : i32
      %dma_wait3A_82 = tpu.memref_slice %arg9[%add3A_74, %dma_wait3A] : memref<10240x128xf32, #tpu.memory_space<vmem_shared>> -> memref<80x128xf32, #tpu.memory_space<vmem_shared>>
      %dma_wait3A_83 = arith.constant 0 : i32
      %dma_wait3A_84 = tpu.memref_slice %arg9[%add3A_74, %dma_wait3A_83] : memref<10240x128xf32, #tpu.memory_space<vmem_shared>> -> memref<80x128xf32, #tpu.memory_space<vmem_shared>>
      tpu.wait_dma2 semaphore(%run_scoped3A : memref<!tpu.dma_semaphore, #tpu.memory_space<semaphore_mem>>) src(%dma_wait3A_84 : memref<80x128xf32, #tpu.memory_space<vmem_shared>>) dst(%arg8 : memref<80x128xf32, #tpu.memory_space<vmem>>)
      tpu.yield
    }) : () -> ()
    "tpu.region"() ({
      %run_scoped3A = tpu.sem_alloc : memref<!tpu.dma_semaphore, #tpu.memory_space<semaphore_mem>>
      %dma_start3A = arith.constant 0 : i32
      %dma_start3A_79 = tpu.memref_slice %arg5[%arg0, %add3A_74, %dma_start3A] : memref<2x10240x128xf32, #tpu.memory_space<hbm>> -> memref<1x80x128xf32, #tpu.memory_space<hbm>>
      %dma_start3A_80 = tpu.memref_squeeze %dma_start3A_79 : memref<1x80x128xf32, #tpu.memory_space<hbm>> -> memref<80x128xf32, #tpu.memory_space<hbm>>
      %dma_start3A_81 = arith.constant 0 : i32
      %dma_start3A_82 = tpu.memref_slice %arg5[%arg0, %add3A_74, %dma_start3A_81] : memref<2x10240x128xf32, #tpu.memory_space<hbm>> -> memref<1x80x128xf32, #tpu.memory_space<hbm>>
      %dma_start3A_83 = tpu.memref_squeeze %dma_start3A_82 : memref<1x80x128xf32, #tpu.memory_space<hbm>> -> memref<80x128xf32, #tpu.memory_space<hbm>>
      tpu.enqueue_dma source(%arg8 : memref<80x128xf32, #tpu.memory_space<vmem>>) target(%dma_start3A_83 : memref<80x128xf32, #tpu.memory_space<hbm>>) target_semaphore(%run_scoped3A : memref<!tpu.dma_semaphore, #tpu.memory_space<semaphore_mem>>)
      %dma_wait3A = arith.constant 0 : i32
      %dma_wait3A_84 = tpu.memref_slice %arg5[%arg0, %add3A_74, %dma_wait3A] : memref<2x10240x128xf32, #tpu.memory_space<hbm>> -> memref<1x80x128xf32, #tpu.memory_space<hbm>>
      %dma_wait3A_85 = tpu.memref_squeeze %dma_wait3A_84 : memref<1x80x128xf32, #tpu.memory_space<hbm>> -> memref<80x128xf32, #tpu.memory_space<hbm>>
      %dma_wait3A_86 = arith.constant 0 : i32
      %dma_wait3A_87 = tpu.memref_slice %arg5[%arg0, %add3A_74, %dma_wait3A_86] : memref<2x10240x128xf32, #tpu.memory_space<hbm>> -> memref<1x80x128xf32, #tpu.memory_space<hbm>>
      %dma_wait3A_88 = tpu.memref_squeeze %dma_wait3A_87 : memref<1x80x128xf32, #tpu.memory_space<hbm>> -> memref<80x128xf32, #tpu.memory_space<hbm>>
      tpu.wait_dma2 semaphore(%run_scoped3A : memref<!tpu.dma_semaphore, #tpu.memory_space<semaphore_mem>>) src(%arg8 : memref<80x128xf32, #tpu.memory_space<vmem>>) dst(%dma_wait3A_88 : memref<80x128xf32, #tpu.memory_space<hbm>>)
      tpu.yield
    }) : () -> ()
    %mul3A_75 = arith.constant 640 : i32
    %mul3A_76 = arith.muli %arg1, %mul3A_75 : i32
    %add3A_77 = arith.constant 560 : i32
    %add3A_78 = arith.addi %mul3A_76, %add3A_77 : i32
    "tpu.region"() ({
      %run_scoped3A = tpu.sem_alloc : memref<!tpu.dma_semaphore, #tpu.memory_space<semaphore_mem>>
      %dma_start3A = arith.constant 0 : i32
      %dma_start3A_79 = tpu.memref_slice %arg9[%add3A_78, %dma_start3A] : memref<10240x128xf32, #tpu.memory_space<vmem_shared>> -> memref<80x128xf32, #tpu.memory_space<vmem_shared>>
      %dma_start3A_80 = arith.constant 0 : i32
      %dma_start3A_81 = tpu.memref_slice %arg9[%add3A_78, %dma_start3A_80] : memref<10240x128xf32, #tpu.memory_space<vmem_shared>> -> memref<80x128xf32, #tpu.memory_space<vmem_shared>>
      tpu.enqueue_dma source(%dma_start3A_81 : memref<80x128xf32, #tpu.memory_space<vmem_shared>>) target(%arg8 : memref<80x128xf32, #tpu.memory_space<vmem>>) target_semaphore(%run_scoped3A : memref<!tpu.dma_semaphore, #tpu.memory_space<semaphore_mem>>)
      %dma_wait3A = arith.constant 0 : i32
      %dma_wait3A_82 = tpu.memref_slice %arg9[%add3A_78, %dma_wait3A] : memref<10240x128xf32, #tpu.memory_space<vmem_shared>> -> memref<80x128xf32, #tpu.memory_space<vmem_shared>>
      %dma_wait3A_83 = arith.constant 0 : i32
      %dma_wait3A_84 = tpu.memref_slice %arg9[%add3A_78, %dma_wait3A_83] : memref<10240x128xf32, #tpu.memory_space<vmem_shared>> -> memref<80x128xf32, #tpu.memory_space<vmem_shared>>
      tpu.wait_dma2 semaphore(%run_scoped3A : memref<!tpu.dma_semaphore, #tpu.memory_space<semaphore_mem>>) src(%dma_wait3A_84 : memref<80x128xf32, #tpu.memory_space<vmem_shared>>) dst(%arg8 : memref<80x128xf32, #tpu.memory_space<vmem>>)
      tpu.yield
    }) : () -> ()
    "tpu.region"() ({
      %run_scoped3A = tpu.sem_alloc : memref<!tpu.dma_semaphore, #tpu.memory_space<semaphore_mem>>
      %dma_start3A = arith.constant 0 : i32
      %dma_start3A_79 = tpu.memref_slice %arg5[%arg0, %add3A_78, %dma_start3A] : memref<2x10240x128xf32, #tpu.memory_space<hbm>> -> memref<1x80x128xf32, #tpu.memory_space<hbm>>
      %dma_start3A_80 = tpu.memref_squeeze %dma_start3A_79 : memref<1x80x128xf32, #tpu.memory_space<hbm>> -> memref<80x128xf32, #tpu.memory_space<hbm>>
      %dma_start3A_81 = arith.constant 0 : i32
      %dma_start3A_82 = tpu.memref_slice %arg5[%arg0, %add3A_78, %dma_start3A_81] : memref<2x10240x128xf32, #tpu.memory_space<hbm>> -> memref<1x80x128xf32, #tpu.memory_space<hbm>>
      %dma_start3A_83 = tpu.memref_squeeze %dma_start3A_82 : memref<1x80x128xf32, #tpu.memory_space<hbm>> -> memref<80x128xf32, #tpu.memory_space<hbm>>
      tpu.enqueue_dma source(%arg8 : memref<80x128xf32, #tpu.memory_space<vmem>>) target(%dma_start3A_83 : memref<80x128xf32, #tpu.memory_space<hbm>>) target_semaphore(%run_scoped3A : memref<!tpu.dma_semaphore, #tpu.memory_space<semaphore_mem>>)
      %dma_wait3A = arith.constant 0 : i32
      %dma_wait3A_84 = tpu.memref_slice %arg5[%arg0, %add3A_78, %dma_wait3A] : memref<2x10240x128xf32, #tpu.memory_space<hbm>> -> memref<1x80x128xf32, #tpu.memory_space<hbm>>
      %dma_wait3A_85 = tpu.memref_squeeze %dma_wait3A_84 : memref<1x80x128xf32, #tpu.memory_space<hbm>> -> memref<80x128xf32, #tpu.memory_space<hbm>>
      %dma_wait3A_86 = arith.constant 0 : i32
      %dma_wait3A_87 = tpu.memref_slice %arg5[%arg0, %add3A_78, %dma_wait3A_86] : memref<2x10240x128xf32, #tpu.memory_space<hbm>> -> memref<1x80x128xf32, #tpu.memory_space<hbm>>
      %dma_wait3A_88 = tpu.memref_squeeze %dma_wait3A_87 : memref<1x80x128xf32, #tpu.memory_space<hbm>> -> memref<80x128xf32, #tpu.memory_space<hbm>>
      tpu.wait_dma2 semaphore(%run_scoped3A : memref<!tpu.dma_semaphore, #tpu.memory_space<semaphore_mem>>) src(%arg8 : memref<80x128xf32, #tpu.memory_space<vmem>>) dst(%dma_wait3A_88 : memref<80x128xf32, #tpu.memory_space<hbm>>)
      tpu.yield
    }) : () -> ()
    return
  }
}

#map = affine_map<(d0, d1) -> (0, 0)>
#map1 = affine_map<(d0, d1) -> (0, 0, 0)>
module attributes {stable_mosaic.version = 14 : i64} {
  func.func @_sc_spmm(%arg0: i32, %arg1: i32, %arg2: memref<10000x128xf32, #tpu.memory_space<hbm>>, %arg3: memref<32x125x80xi32, #tpu.memory_space<hbm>>, %arg4: memref<32x125x80xi32, #tpu.memory_space<hbm>>, %arg5: memref<2x10240x128xf32, #tpu.memory_space<hbm>>, %arg6: memref<125x80xi32, #tpu.memory_space<vmem>>, %arg7: memref<125x80xi32, #tpu.memory_space<vmem>>, %arg8: memref<80x128xf32, #tpu.memory_space<vmem>>, %arg9: memref<10240x128xf32, #tpu.memory_space<vmem_shared>>, %arg10: memref<!tpu.dma_semaphore, #tpu.memory_space<semaphore_mem>>) attributes {dimension_semantics = [#tpu.dimension_semantics<core_parallel>, #tpu.dimension_semantics<subcore_parallel>], iteration_bounds = array<i64: 2, 16>, scalar_prefetch = 0 : i64, scratch_operands = 5 : i64, tpu.core_type = #tpu.core_type<sc_vector_subcore>, window_params = [{transform_indices = #map}, {transform_indices = #map1}, {transform_indices = #map1}, {transform_indices = #map1}]} {
    %mul3A = arith.constant 2 : i32
    %mul3A_0 = arith.muli %arg1, %mul3A : i32
    %add3A = arith.addi %mul3A_0, %arg0 : i32
    %scan3A = arith.constant 0 : i32
    %scan3A_1 = arith.constant 0 : i32
    %scan3A_2 = arith.constant 80 : i32
    %scan3A_3 = arith.addi %scan3A_1, %scan3A_2 : i32
    %scan3A_4 = arith.constant 1 : i32
    %scan3A_5 = scf.for %scan3A_79 = %scan3A_1 to %scan3A_3 step %scan3A_4 iter_args(%scan3A_80 = %scan3A) -> (i32)  : i32 {
      %broadcast_in_dim3A = arith.constant 0.000000e+00 : f32
      %broadcast_in_dim3A_81 = vector.broadcast %broadcast_in_dim3A : f32 to vector<16xf32>
      %swap3A = arith.index_cast %scan3A_79 : i32 to index
      %swap3A_82 = arith.constant 0 : index
      %swap3A_83 = tpu.vector_load %arg8[%swap3A, %swap3A_82] {strides = array<i32>} : memref<80x128xf32, #tpu.memory_space<vmem>>, vector<1x16xf32>,
      %swap3A_84 = vector.shape_cast %swap3A_83 : vector<1x16xf32> to vector<16xf32>
      %swap3A_85 = vector.shape_cast %broadcast_in_dim3A_81 : vector<16xf32> to vector<1x16xf32>
      tpu.vector_store %arg8[%swap3A, %swap3A_82], %swap3A_85 {strides = array<i32>} : memref<80x128xf32, #tpu.memory_space<vmem>>, vector<1x16xf32>,
      %broadcast_in_dim3A_86 = arith.constant 0.000000e+00 : f32
      %broadcast_in_dim3A_87 = vector.broadcast %broadcast_in_dim3A_86 : f32 to vector<16xf32>
      %swap3A_88 = arith.index_cast %scan3A_79 : i32 to index
      %swap3A_89 = arith.constant 16 : index
      %swap3A_90 = tpu.vector_load %arg8[%swap3A_88, %swap3A_89] {strides = array<i32>} : memref<80x128xf32, #tpu.memory_space<vmem>>, vector<1x16xf32>,
      %swap3A_91 = vector.shape_cast %swap3A_90 : vector<1x16xf32> to vector<16xf32>
      %swap3A_92 = vector.shape_cast %broadcast_in_dim3A_87 : vector<16xf32> to vector<1x16xf32>
      tpu.vector_store %arg8[%swap3A_88, %swap3A_89], %swap3A_92 {strides = array<i32>} : memref<80x128xf32, #tpu.memory_space<vmem>>, vector<1x16xf32>,
      %broadcast_in_dim3A_93 = arith.constant 0.000000e+00 : f32
      %broadcast_in_dim3A_94 = vector.broadcast %broadcast_in_dim3A_93 : f32 to vector<16xf32>
      %swap3A_95 = arith.index_cast %scan3A_79 : i32 to index
      %swap3A_96 = arith.constant 32 : index
      %swap3A_97 = tpu.vector_load %arg8[%swap3A_95, %swap3A_96] {strides = array<i32>} : memref<80x128xf32, #tpu.memory_space<vmem>>, vector<1x16xf32>,
      %swap3A_98 = vector.shape_cast %swap3A_97 : vector<1x16xf32> to vector<16xf32>
      %swap3A_99 = vector.shape_cast %broadcast_in_dim3A_94 : vector<16xf32> to vector<1x16xf32>
      tpu.vector_store %arg8[%swap3A_95, %swap3A_96], %swap3A_99 {strides = array<i32>} : memref<80x128xf32, #tpu.memory_space<vmem>>, vector<1x16xf32>,
      %broadcast_in_dim3A_100 = arith.constant 0.000000e+00 : f32
      %broadcast_in_dim3A_101 = vector.broadcast %broadcast_in_dim3A_100 : f32 to vector<16xf32>
      %swap3A_102 = arith.index_cast %scan3A_79 : i32 to index
      %swap3A_103 = arith.constant 48 : index
      %swap3A_104 = tpu.vector_load %arg8[%swap3A_102, %swap3A_103] {strides = array<i32>} : memref<80x128xf32, #tpu.memory_space<vmem>>, vector<1x16xf32>,
      %swap3A_105 = vector.shape_cast %swap3A_104 : vector<1x16xf32> to vector<16xf32>
      %swap3A_106 = vector.shape_cast %broadcast_in_dim3A_101 : vector<16xf32> to vector<1x16xf32>
      tpu.vector_store %arg8[%swap3A_102, %swap3A_103], %swap3A_106 {strides = array<i32>} : memref<80x128xf32, #tpu.memory_space<vmem>>, vector<1x16xf32>,
      %broadcast_in_dim3A_107 = arith.constant 0.000000e+00 : f32
      %broadcast_in_dim3A_108 = vector.broadcast %broadcast_in_dim3A_107 : f32 to vector<16xf32>
      %swap3A_109 = arith.index_cast %scan3A_79 : i32 to index
      %swap3A_110 = arith.constant 64 : index
      %swap3A_111 = tpu.vector_load %arg8[%swap3A_109, %swap3A_110] {strides = array<i32>} : memref<80x128xf32, #tpu.memory_space<vmem>>, vector<1x16xf32>,
      %swap3A_112 = vector.shape_cast %swap3A_111 : vector<1x16xf32> to vector<16xf32>
      %swap3A_113 = vector.shape_cast %broadcast_in_dim3A_108 : vector<16xf32> to vector<1x16xf32>
      tpu.vector_store %arg8[%swap3A_109, %swap3A_110], %swap3A_113 {strides = array<i32>} : memref<80x128xf32, #tpu.memory_space<vmem>>, vector<1x16xf32>,
      %broadcast_in_dim3A_114 = arith.constant 0.000000e+00 : f32
      %broadcast_in_dim3A_115 = vector.broadcast %broadcast_in_dim3A_114 : f32 to vector<16xf32>
      %swap3A_116 = arith.index_cast %scan3A_79 : i32 to index
      %swap3A_117 = arith.constant 80 : index
      %swap3A_118 = tpu.vector_load %arg8[%swap3A_116, %swap3A_117] {strides = array<i32>} : memref<80x128xf32, #tpu.memory_space<vmem>>, vector<1x16xf32>,
      %swap3A_119 = vector.shape_cast %swap3A_118 : vector<1x16xf32> to vector<16xf32>
      %swap3A_120 = vector.shape_cast %broadcast_in_dim3A_115 : vector<16xf32> to vector<1x16xf32>
      tpu.vector_store %arg8[%swap3A_116, %swap3A_117], %swap3A_120 {strides = array<i32>} : memref<80x128xf32, #tpu.memory_space<vmem>>, vector<1x16xf32>,
      %broadcast_in_dim3A_121 = arith.constant 0.000000e+00 : f32
      %broadcast_in_dim3A_122 = vector.broadcast %broadcast_in_dim3A_121 : f32 to vector<16xf32>
      %swap3A_123 = arith.index_cast %scan3A_79 : i32 to index
      %swap3A_124 = arith.constant 96 : index
      %swap3A_125 = tpu.vector_load %arg8[%swap3A_123, %swap3A_124] {strides = array<i32>} : memref<80x128xf32, #tpu.memory_space<vmem>>, vector<1x16xf32>,
      %swap3A_126 = vector.shape_cast %swap3A_125 : vector<1x16xf32> to vector<16xf32>
      %swap3A_127 = vector.shape_cast %broadcast_in_dim3A_122 : vector<16xf32> to vector<1x16xf32>
      tpu.vector_store %arg8[%swap3A_123, %swap3A_124], %swap3A_127 {strides = array<i32>} : memref<80x128xf32, #tpu.memory_space<vmem>>, vector<1x16xf32>,
      %broadcast_in_dim3A_128 = arith.constant 0.000000e+00 : f32
      %broadcast_in_dim3A_129 = vector.broadcast %broadcast_in_dim3A_128 : f32 to vector<16xf32>
      %swap3A_130 = arith.index_cast %scan3A_79 : i32 to index
      %swap3A_131 = arith.constant 112 : index
      %swap3A_132 = tpu.vector_load %arg8[%swap3A_130, %swap3A_131] {strides = array<i32>} : memref<80x128xf32, #tpu.memory_space<vmem>>, vector<1x16xf32>,
      %swap3A_133 = vector.shape_cast %swap3A_132 : vector<1x16xf32> to vector<16xf32>
      %swap3A_134 = vector.shape_cast %broadcast_in_dim3A_129 : vector<16xf32> to vector<1x16xf32>
      tpu.vector_store %arg8[%swap3A_130, %swap3A_131], %swap3A_134 {strides = array<i32>} : memref<80x128xf32, #tpu.memory_space<vmem>>, vector<1x16xf32>,
      %scan3A_135 = arith.constant 0 : i32
      scf.yield %scan3A_135 : i32
    }
    %scan3A_6 = arith.constant 80 : i32
    %mul3A_7 = arith.constant 640 : i32
    %mul3A_8 = arith.muli %arg1, %mul3A_7 : i32
    %add3A_9 = arith.constant 0 : i32
    %add3A_10 = arith.addi %mul3A_8, %add3A_9 : i32
    "tpu.region"() ({
      %run_scoped3A = tpu.sem_alloc : memref<!tpu.dma_semaphore, #tpu.memory_space<semaphore_mem>>
      %dma_start3A = arith.constant 0 : i32
      %dma_start3A_79 = tpu.memref_slice %arg9[%add3A_10, %dma_start3A] : memref<10240x128xf32, #tpu.memory_space<vmem_shared>> -> memref<80x128xf32, #tpu.memory_space<vmem_shared>>
      %dma_start3A_80 = arith.constant 0 : i32
      %dma_start3A_81 = tpu.memref_slice %arg9[%add3A_10, %dma_start3A_80] : memref<10240x128xf32, #tpu.memory_space<vmem_shared>> -> memref<80x128xf32, #tpu.memory_space<vmem_shared>>
      tpu.enqueue_dma source(%arg8 : memref<80x128xf32, #tpu.memory_space<vmem>>) target(%dma_start3A_81 : memref<80x128xf32, #tpu.memory_space<vmem_shared>>) target_semaphore(%run_scoped3A : memref<!tpu.dma_semaphore, #tpu.memory_space<semaphore_mem>>)
      %dma_wait3A = arith.constant 0 : i32
      %dma_wait3A_82 = tpu.memref_slice %arg9[%add3A_10, %dma_wait3A] : memref<10240x128xf32, #tpu.memory_space<vmem_shared>> -> memref<80x128xf32, #tpu.memory_space<vmem_shared>>
      %dma_wait3A_83 = arith.constant 0 : i32
      %dma_wait3A_84 = tpu.memref_slice %arg9[%add3A_10, %dma_wait3A_83] : memref<10240x128xf32, #tpu.memory_space<vmem_shared>> -> memref<80x128xf32, #tpu.memory_space<vmem_shared>>
      tpu.wait_dma2 semaphore(%run_scoped3A : memref<!tpu.dma_semaphore, #tpu.memory_space<semaphore_mem>>) src(%arg8 : memref<80x128xf32, #tpu.memory_space<vmem>>) dst(%dma_wait3A_84 : memref<80x128xf32, #tpu.memory_space<vmem_shared>>)
      tpu.yield
    }) : () -> ()
    %mul3A_11 = arith.constant 640 : i32
    %mul3A_12 = arith.muli %arg1, %mul3A_11 : i32
    %add3A_13 = arith.constant 80 : i32
    %add3A_14 = arith.addi %mul3A_12, %add3A_13 : i32
    "tpu.region"() ({
      %run_scoped3A = tpu.sem_alloc : memref<!tpu.dma_semaphore, #tpu.memory_space<semaphore_mem>>
      %dma_start3A = arith.constant 0 : i32
      %dma_start3A_79 = tpu.memref_slice %arg9[%add3A_14, %dma_start3A] : memref<10240x128xf32, #tpu.memory_space<vmem_shared>> -> memref<80x128xf32, #tpu.memory_space<vmem_shared>>
      %dma_start3A_80 = arith.constant 0 : i32
      %dma_start3A_81 = tpu.memref_slice %arg9[%add3A_14, %dma_start3A_80] : memref<10240x128xf32, #tpu.memory_space<vmem_shared>> -> memref<80x128xf32, #tpu.memory_space<vmem_shared>>
      tpu.enqueue_dma source(%arg8 : memref<80x128xf32, #tpu.memory_space<vmem>>) target(%dma_start3A_81 : memref<80x128xf32, #tpu.memory_space<vmem_shared>>) target_semaphore(%run_scoped3A : memref<!tpu.dma_semaphore, #tpu.memory_space<semaphore_mem>>)
      %dma_wait3A = arith.constant 0 : i32
      %dma_wait3A_82 = tpu.memref_slice %arg9[%add3A_14, %dma_wait3A] : memref<10240x128xf32, #tpu.memory_space<vmem_shared>> -> memref<80x128xf32, #tpu.memory_space<vmem_shared>>
      %dma_wait3A_83 = arith.constant 0 : i32
      %dma_wait3A_84 = tpu.memref_slice %arg9[%add3A_14, %dma_wait3A_83] : memref<10240x128xf32, #tpu.memory_space<vmem_shared>> -> memref<80x128xf32, #tpu.memory_space<vmem_shared>>
      tpu.wait_dma2 semaphore(%run_scoped3A : memref<!tpu.dma_semaphore, #tpu.memory_space<semaphore_mem>>) src(%arg8 : memref<80x128xf32, #tpu.memory_space<vmem>>) dst(%dma_wait3A_84 : memref<80x128xf32, #tpu.memory_space<vmem_shared>>)
      tpu.yield
    }) : () -> ()
    %mul3A_15 = arith.constant 640 : i32
    %mul3A_16 = arith.muli %arg1, %mul3A_15 : i32
    %add3A_17 = arith.constant 160 : i32
    %add3A_18 = arith.addi %mul3A_16, %add3A_17 : i32
    "tpu.region"() ({
      %run_scoped3A = tpu.sem_alloc : memref<!tpu.dma_semaphore, #tpu.memory_space<semaphore_mem>>
      %dma_start3A = arith.constant 0 : i32
      %dma_start3A_79 = tpu.memref_slice %arg9[%add3A_18, %dma_start3A] : memref<10240x128xf32, #tpu.memory_space<vmem_shared>> -> memref<80x128xf32, #tpu.memory_space<vmem_shared>>
      %dma_start3A_80 = arith.constant 0 : i32
      %dma_start3A_81 = tpu.memref_slice %arg9[%add3A_18, %dma_start3A_80] : memref<10240x128xf32, #tpu.memory_space<vmem_shared>> -> memref<80x128xf32, #tpu.memory_space<vmem_shared>>
      tpu.enqueue_dma source(%arg8 : memref<80x128xf32, #tpu.memory_space<vmem>>) target(%dma_start3A_81 : memref<80x128xf32, #tpu.memory_space<vmem_shared>>) target_semaphore(%run_scoped3A : memref<!tpu.dma_semaphore, #tpu.memory_space<semaphore_mem>>)
      %dma_wait3A = arith.constant 0 : i32
      %dma_wait3A_82 = tpu.memref_slice %arg9[%add3A_18, %dma_wait3A] : memref<10240x128xf32, #tpu.memory_space<vmem_shared>> -> memref<80x128xf32, #tpu.memory_space<vmem_shared>>
      %dma_wait3A_83 = arith.constant 0 : i32
      %dma_wait3A_84 = tpu.memref_slice %arg9[%add3A_18, %dma_wait3A_83] : memref<10240x128xf32, #tpu.memory_space<vmem_shared>> -> memref<80x128xf32, #tpu.memory_space<vmem_shared>>
      tpu.wait_dma2 semaphore(%run_scoped3A : memref<!tpu.dma_semaphore, #tpu.memory_space<semaphore_mem>>) src(%arg8 : memref<80x128xf32, #tpu.memory_space<vmem>>) dst(%dma_wait3A_84 : memref<80x128xf32, #tpu.memory_space<vmem_shared>>)
      tpu.yield
    }) : () -> ()
    %mul3A_19 = arith.constant 640 : i32
    %mul3A_20 = arith.muli %arg1, %mul3A_19 : i32
    %add3A_21 = arith.constant 240 : i32
    %add3A_22 = arith.addi %mul3A_20, %add3A_21 : i32
    "tpu.region"() ({
      %run_scoped3A = tpu.sem_alloc : memref<!tpu.dma_semaphore, #tpu.memory_space<semaphore_mem>>
      %dma_start3A = arith.constant 0 : i32
      %dma_start3A_79 = tpu.memref_slice %arg9[%add3A_22, %dma_start3A] : memref<10240x128xf32, #tpu.memory_space<vmem_shared>> -> memref<80x128xf32, #tpu.memory_space<vmem_shared>>
      %dma_start3A_80 = arith.constant 0 : i32
      %dma_start3A_81 = tpu.memref_slice %arg9[%add3A_22, %dma_start3A_80] : memref<10240x128xf32, #tpu.memory_space<vmem_shared>> -> memref<80x128xf32, #tpu.memory_space<vmem_shared>>
      tpu.enqueue_dma source(%arg8 : memref<80x128xf32, #tpu.memory_space<vmem>>) target(%dma_start3A_81 : memref<80x128xf32, #tpu.memory_space<vmem_shared>>) target_semaphore(%run_scoped3A : memref<!tpu.dma_semaphore, #tpu.memory_space<semaphore_mem>>)
      %dma_wait3A = arith.constant 0 : i32
      %dma_wait3A_82 = tpu.memref_slice %arg9[%add3A_22, %dma_wait3A] : memref<10240x128xf32, #tpu.memory_space<vmem_shared>> -> memref<80x128xf32, #tpu.memory_space<vmem_shared>>
      %dma_wait3A_83 = arith.constant 0 : i32
      %dma_wait3A_84 = tpu.memref_slice %arg9[%add3A_22, %dma_wait3A_83] : memref<10240x128xf32, #tpu.memory_space<vmem_shared>> -> memref<80x128xf32, #tpu.memory_space<vmem_shared>>
      tpu.wait_dma2 semaphore(%run_scoped3A : memref<!tpu.dma_semaphore, #tpu.memory_space<semaphore_mem>>) src(%arg8 : memref<80x128xf32, #tpu.memory_space<vmem>>) dst(%dma_wait3A_84 : memref<80x128xf32, #tpu.memory_space<vmem_shared>>)
      tpu.yield
    }) : () -> ()
    %mul3A_23 = arith.constant 640 : i32
    %mul3A_24 = arith.muli %arg1, %mul3A_23 : i32
    %add3A_25 = arith.constant 320 : i32
    %add3A_26 = arith.addi %mul3A_24, %add3A_25 : i32
    "tpu.region"() ({
      %run_scoped3A = tpu.sem_alloc : memref<!tpu.dma_semaphore, #tpu.memory_space<semaphore_mem>>
      %dma_start3A = arith.constant 0 : i32
      %dma_start3A_79 = tpu.memref_slice %arg9[%add3A_26, %dma_start3A] : memref<10240x128xf32, #tpu.memory_space<vmem_shared>> -> memref<80x128xf32, #tpu.memory_space<vmem_shared>>
      %dma_start3A_80 = arith.constant 0 : i32
      %dma_start3A_81 = tpu.memref_slice %arg9[%add3A_26, %dma_start3A_80] : memref<10240x128xf32, #tpu.memory_space<vmem_shared>> -> memref<80x128xf32, #tpu.memory_space<vmem_shared>>
      tpu.enqueue_dma source(%arg8 : memref<80x128xf32, #tpu.memory_space<vmem>>) target(%dma_start3A_81 : memref<80x128xf32, #tpu.memory_space<vmem_shared>>) target_semaphore(%run_scoped3A : memref<!tpu.dma_semaphore, #tpu.memory_space<semaphore_mem>>)
      %dma_wait3A = arith.constant 0 : i32
      %dma_wait3A_82 = tpu.memref_slice %arg9[%add3A_26, %dma_wait3A] : memref<10240x128xf32, #tpu.memory_space<vmem_shared>> -> memref<80x128xf32, #tpu.memory_space<vmem_shared>>
      %dma_wait3A_83 = arith.constant 0 : i32
      %dma_wait3A_84 = tpu.memref_slice %arg9[%add3A_26, %dma_wait3A_83] : memref<10240x128xf32, #tpu.memory_space<vmem_shared>> -> memref<80x128xf32, #tpu.memory_space<vmem_shared>>
      tpu.wait_dma2 semaphore(%run_scoped3A : memref<!tpu.dma_semaphore, #tpu.memory_space<semaphore_mem>>) src(%arg8 : memref<80x128xf32, #tpu.memory_space<vmem>>) dst(%dma_wait3A_84 : memref<80x128xf32, #tpu.memory_space<vmem_shared>>)
      tpu.yield
    }) : () -> ()
    %mul3A_27 = arith.constant 640 : i32
    %mul3A_28 = arith.muli %arg1, %mul3A_27 : i32
    %add3A_29 = arith.constant 400 : i32
    %add3A_30 = arith.addi %mul3A_28, %add3A_29 : i32
    "tpu.region"() ({
      %run_scoped3A = tpu.sem_alloc : memref<!tpu.dma_semaphore, #tpu.memory_space<semaphore_mem>>
      %dma_start3A = arith.constant 0 : i32
      %dma_start3A_79 = tpu.memref_slice %arg9[%add3A_30, %dma_start3A] : memref<10240x128xf32, #tpu.memory_space<vmem_shared>> -> memref<80x128xf32, #tpu.memory_space<vmem_shared>>
      %dma_start3A_80 = arith.constant 0 : i32
      %dma_start3A_81 = tpu.memref_slice %arg9[%add3A_30, %dma_start3A_80] : memref<10240x128xf32, #tpu.memory_space<vmem_shared>> -> memref<80x128xf32, #tpu.memory_space<vmem_shared>>
      tpu.enqueue_dma source(%arg8 : memref<80x128xf32, #tpu.memory_space<vmem>>) target(%dma_start3A_81 : memref<80x128xf32, #tpu.memory_space<vmem_shared>>) target_semaphore(%run_scoped3A : memref<!tpu.dma_semaphore, #tpu.memory_space<semaphore_mem>>)
      %dma_wait3A = arith.constant 0 : i32
      %dma_wait3A_82 = tpu.memref_slice %arg9[%add3A_30, %dma_wait3A] : memref<10240x128xf32, #tpu.memory_space<vmem_shared>> -> memref<80x128xf32, #tpu.memory_space<vmem_shared>>
      %dma_wait3A_83 = arith.constant 0 : i32
      %dma_wait3A_84 = tpu.memref_slice %arg9[%add3A_30, %dma_wait3A_83] : memref<10240x128xf32, #tpu.memory_space<vmem_shared>> -> memref<80x128xf32, #tpu.memory_space<vmem_shared>>
      tpu.wait_dma2 semaphore(%run_scoped3A : memref<!tpu.dma_semaphore, #tpu.memory_space<semaphore_mem>>) src(%arg8 : memref<80x128xf32, #tpu.memory_space<vmem>>) dst(%dma_wait3A_84 : memref<80x128xf32, #tpu.memory_space<vmem_shared>>)
      tpu.yield
    }) : () -> ()
    %mul3A_31 = arith.constant 640 : i32
    %mul3A_32 = arith.muli %arg1, %mul3A_31 : i32
    %add3A_33 = arith.constant 480 : i32
    %add3A_34 = arith.addi %mul3A_32, %add3A_33 : i32
    "tpu.region"() ({
      %run_scoped3A = tpu.sem_alloc : memref<!tpu.dma_semaphore, #tpu.memory_space<semaphore_mem>>
      %dma_start3A = arith.constant 0 : i32
      %dma_start3A_79 = tpu.memref_slice %arg9[%add3A_34, %dma_start3A] : memref<10240x128xf32, #tpu.memory_space<vmem_shared>> -> memref<80x128xf32, #tpu.memory_space<vmem_shared>>
      %dma_start3A_80 = arith.constant 0 : i32
      %dma_start3A_81 = tpu.memref_slice %arg9[%add3A_34, %dma_start3A_80] : memref<10240x128xf32, #tpu.memory_space<vmem_shared>> -> memref<80x128xf32, #tpu.memory_space<vmem_shared>>
      tpu.enqueue_dma source(%arg8 : memref<80x128xf32, #tpu.memory_space<vmem>>) target(%dma_start3A_81 : memref<80x128xf32, #tpu.memory_space<vmem_shared>>) target_semaphore(%run_scoped3A : memref<!tpu.dma_semaphore, #tpu.memory_space<semaphore_mem>>)
      %dma_wait3A = arith.constant 0 : i32
      %dma_wait3A_82 = tpu.memref_slice %arg9[%add3A_34, %dma_wait3A] : memref<10240x128xf32, #tpu.memory_space<vmem_shared>> -> memref<80x128xf32, #tpu.memory_space<vmem_shared>>
      %dma_wait3A_83 = arith.constant 0 : i32
      %dma_wait3A_84 = tpu.memref_slice %arg9[%add3A_34, %dma_wait3A_83] : memref<10240x128xf32, #tpu.memory_space<vmem_shared>> -> memref<80x128xf32, #tpu.memory_space<vmem_shared>>
      tpu.wait_dma2 semaphore(%run_scoped3A : memref<!tpu.dma_semaphore, #tpu.memory_space<semaphore_mem>>) src(%arg8 : memref<80x128xf32, #tpu.memory_space<vmem>>) dst(%dma_wait3A_84 : memref<80x128xf32, #tpu.memory_space<vmem_shared>>)
      tpu.yield
    }) : () -> ()
    %mul3A_35 = arith.constant 640 : i32
    %mul3A_36 = arith.muli %arg1, %mul3A_35 : i32
    %add3A_37 = arith.constant 560 : i32
    %add3A_38 = arith.addi %mul3A_36, %add3A_37 : i32
    "tpu.region"() ({
      %run_scoped3A = tpu.sem_alloc : memref<!tpu.dma_semaphore, #tpu.memory_space<semaphore_mem>>
      %dma_start3A = arith.constant 0 : i32
      %dma_start3A_79 = tpu.memref_slice %arg9[%add3A_38, %dma_start3A] : memref<10240x128xf32, #tpu.memory_space<vmem_shared>> -> memref<80x128xf32, #tpu.memory_space<vmem_shared>>
      %dma_start3A_80 = arith.constant 0 : i32
      %dma_start3A_81 = tpu.memref_slice %arg9[%add3A_38, %dma_start3A_80] : memref<10240x128xf32, #tpu.memory_space<vmem_shared>> -> memref<80x128xf32, #tpu.memory_space<vmem_shared>>
      tpu.enqueue_dma source(%arg8 : memref<80x128xf32, #tpu.memory_space<vmem>>) target(%dma_start3A_81 : memref<80x128xf32, #tpu.memory_space<vmem_shared>>) target_semaphore(%run_scoped3A : memref<!tpu.dma_semaphore, #tpu.memory_space<semaphore_mem>>)
      %dma_wait3A = arith.constant 0 : i32
      %dma_wait3A_82 = tpu.memref_slice %arg9[%add3A_38, %dma_wait3A] : memref<10240x128xf32, #tpu.memory_space<vmem_shared>> -> memref<80x128xf32, #tpu.memory_space<vmem_shared>>
      %dma_wait3A_83 = arith.constant 0 : i32
      %dma_wait3A_84 = tpu.memref_slice %arg9[%add3A_38, %dma_wait3A_83] : memref<10240x128xf32, #tpu.memory_space<vmem_shared>> -> memref<80x128xf32, #tpu.memory_space<vmem_shared>>
      tpu.wait_dma2 semaphore(%run_scoped3A : memref<!tpu.dma_semaphore, #tpu.memory_space<semaphore_mem>>) src(%arg8 : memref<80x128xf32, #tpu.memory_space<vmem>>) dst(%dma_wait3A_84 : memref<80x128xf32, #tpu.memory_space<vmem_shared>>)
      tpu.yield
    }) : () -> ()
    %barrier3A = arith.constant 0 : index
    tpu.barrier barrier_id(%barrier3A)
    "tpu.region"() ({
      %run_scoped3A = tpu.sem_alloc : memref<!tpu.dma_semaphore, #tpu.memory_space<semaphore_mem>>
      %dma_start3A = arith.constant 0 : i32
      %dma_start3A_79 = arith.constant 0 : i32
      %dma_start3A_80 = tpu.memref_slice %arg3[%add3A, %dma_start3A, %dma_start3A_79] : memref<32x125x80xi32, #tpu.memory_space<hbm>> -> memref<1x125x80xi32, #tpu.memory_space<hbm>>
      %dma_start3A_81 = tpu.memref_squeeze %dma_start3A_80 : memref<1x125x80xi32, #tpu.memory_space<hbm>> -> memref<125x80xi32, #tpu.memory_space<hbm>>
      %dma_start3A_82 = arith.constant 0 : i32
      %dma_start3A_83 = arith.constant 0 : i32
      %dma_start3A_84 = tpu.memref_slice %arg3[%add3A, %dma_start3A_82, %dma_start3A_83] : memref<32x125x80xi32, #tpu.memory_space<hbm>> -> memref<1x125x80xi32, #tpu.memory_space<hbm>>
      %dma_start3A_85 = tpu.memref_squeeze %dma_start3A_84 : memref<1x125x80xi32, #tpu.memory_space<hbm>> -> memref<125x80xi32, #tpu.memory_space<hbm>>
      tpu.enqueue_dma source(%dma_start3A_85 : memref<125x80xi32, #tpu.memory_space<hbm>>) target(%arg6 : memref<125x80xi32, #tpu.memory_space<vmem>>) target_semaphore(%run_scoped3A : memref<!tpu.dma_semaphore, #tpu.memory_space<semaphore_mem>>)
      %dma_wait3A = arith.constant 0 : i32
      %dma_wait3A_86 = arith.constant 0 : i32
      %dma_wait3A_87 = tpu.memref_slice %arg3[%add3A, %dma_wait3A, %dma_wait3A_86] : memref<32x125x80xi32, #tpu.memory_space<hbm>> -> memref<1x125x80xi32, #tpu.memory_space<hbm>>
      %dma_wait3A_88 = tpu.memref_squeeze %dma_wait3A_87 : memref<1x125x80xi32, #tpu.memory_space<hbm>> -> memref<125x80xi32, #tpu.memory_space<hbm>>
      %dma_wait3A_89 = arith.constant 0 : i32
      %dma_wait3A_90 = arith.constant 0 : i32
      %dma_wait3A_91 = tpu.memref_slice %arg3[%add3A, %dma_wait3A_89, %dma_wait3A_90] : memref<32x125x80xi32, #tpu.memory_space<hbm>> -> memref<1x125x80xi32, #tpu.memory_space<hbm>>
      %dma_wait3A_92 = tpu.memref_squeeze %dma_wait3A_91 : memref<1x125x80xi32, #tpu.memory_space<hbm>> -> memref<125x80xi32, #tpu.memory_space<hbm>>
      tpu.wait_dma2 semaphore(%run_scoped3A : memref<!tpu.dma_semaphore, #tpu.memory_space<semaphore_mem>>) src(%dma_wait3A_92 : memref<125x80xi32, #tpu.memory_space<hbm>>) dst(%arg6 : memref<125x80xi32, #tpu.memory_space<vmem>>)
      tpu.yield
    }) : () -> ()
    "tpu.region"() ({
      %run_scoped3A = tpu.sem_alloc : memref<!tpu.dma_semaphore, #tpu.memory_space<semaphore_mem>>
      %dma_start3A = arith.constant 0 : i32
      %dma_start3A_79 = arith.constant 0 : i32
      %dma_start3A_80 = tpu.memref_slice %arg4[%add3A, %dma_start3A, %dma_start3A_79] : memref<32x125x80xi32, #tpu.memory_space<hbm>> -> memref<1x125x80xi32, #tpu.memory_space<hbm>>
      %dma_start3A_81 = tpu.memref_squeeze %dma_start3A_80 : memref<1x125x80xi32, #tpu.memory_space<hbm>> -> memref<125x80xi32, #tpu.memory_space<hbm>>
      %dma_start3A_82 = arith.constant 0 : i32
      %dma_start3A_83 = arith.constant 0 : i32
      %dma_start3A_84 = tpu.memref_slice %arg4[%add3A, %dma_start3A_82, %dma_start3A_83] : memref<32x125x80xi32, #tpu.memory_space<hbm>> -> memref<1x125x80xi32, #tpu.memory_space<hbm>>
      %dma_start3A_85 = tpu.memref_squeeze %dma_start3A_84 : memref<1x125x80xi32, #tpu.memory_space<hbm>> -> memref<125x80xi32, #tpu.memory_space<hbm>>
      tpu.enqueue_dma source(%dma_start3A_85 : memref<125x80xi32, #tpu.memory_space<hbm>>) target(%arg7 : memref<125x80xi32, #tpu.memory_space<vmem>>) target_semaphore(%run_scoped3A : memref<!tpu.dma_semaphore, #tpu.memory_space<semaphore_mem>>)
      %dma_wait3A = arith.constant 0 : i32
      %dma_wait3A_86 = arith.constant 0 : i32
      %dma_wait3A_87 = tpu.memref_slice %arg4[%add3A, %dma_wait3A, %dma_wait3A_86] : memref<32x125x80xi32, #tpu.memory_space<hbm>> -> memref<1x125x80xi32, #tpu.memory_space<hbm>>
      %dma_wait3A_88 = tpu.memref_squeeze %dma_wait3A_87 : memref<1x125x80xi32, #tpu.memory_space<hbm>> -> memref<125x80xi32, #tpu.memory_space<hbm>>
      %dma_wait3A_89 = arith.constant 0 : i32
      %dma_wait3A_90 = arith.constant 0 : i32
      %dma_wait3A_91 = tpu.memref_slice %arg4[%add3A, %dma_wait3A_89, %dma_wait3A_90] : memref<32x125x80xi32, #tpu.memory_space<hbm>> -> memref<1x125x80xi32, #tpu.memory_space<hbm>>
      %dma_wait3A_92 = tpu.memref_squeeze %dma_wait3A_91 : memref<1x125x80xi32, #tpu.memory_space<hbm>> -> memref<125x80xi32, #tpu.memory_space<hbm>>
      tpu.wait_dma2 semaphore(%run_scoped3A : memref<!tpu.dma_semaphore, #tpu.memory_space<semaphore_mem>>) src(%dma_wait3A_92 : memref<125x80xi32, #tpu.memory_space<hbm>>) dst(%arg7 : memref<125x80xi32, #tpu.memory_space<vmem>>)
      tpu.yield
    }) : () -> ()
    %scan3A_39 = arith.constant 0 : i32
    %scan3A_40 = arith.constant 0 : i32
    %scan3A_41 = arith.constant 125 : i32
    %scan3A_42 = arith.addi %scan3A_40, %scan3A_41 : i32
    %scan3A_43 = arith.constant 1 : i32
    %scan3A_44 = scf.for %scan3A_79 = %scan3A_40 to %scan3A_42 step %scan3A_43 iter_args(%scan3A_80 = %scan3A_39) -> (i32)  : i32 {
      %dma_start3A = arith.constant 0 : i32
      %dma_start3A_81 = tpu.memref_slice %arg6[%scan3A_79, %dma_start3A] : memref<125x80xi32, #tpu.memory_space<vmem>> -> memref<1x80xi32, #tpu.memory_space<vmem>>
      %dma_start3A_82 = tpu.memref_squeeze %dma_start3A_81 : memref<1x80xi32, #tpu.memory_space<vmem>> -> memref<80xi32, #tpu.memory_space<vmem>>
      %dma_start3A_83 = arith.constant 0 : i32
      %dma_start3A_84 = arith.constant 0 : i32
      %dma_start3A_85 = tpu.memref_slice %arg2[%dma_start3A_83, %dma_start3A_84] : memref<10000x128xf32, #tpu.memory_space<hbm>> -> memref<10000x128xf32, #tpu.memory_space<hbm>>
      tpu.enqueue_indirect_dma source(%dma_start3A_85 : memref<10000x128xf32, #tpu.memory_space<hbm>>) target(%arg8 : memref<80x128xf32, #tpu.memory_space<vmem>>) offsets(%dma_start3A_82 : memref<80xi32, #tpu.memory_space<vmem>>) semaphore(%arg10 : memref<!tpu.dma_semaphore, #tpu.memory_space<semaphore_mem>>)
      %dma_wait3A = arith.constant 0 : i32
      %dma_wait3A_86 = tpu.memref_slice %arg6[%scan3A_79, %dma_wait3A] : memref<125x80xi32, #tpu.memory_space<vmem>> -> memref<1x80xi32, #tpu.memory_space<vmem>>
      %dma_wait3A_87 = tpu.memref_squeeze %dma_wait3A_86 : memref<1x80xi32, #tpu.memory_space<vmem>> -> memref<80xi32, #tpu.memory_space<vmem>>
      %dma_wait3A_88 = arith.constant 0 : i32
      %dma_wait3A_89 = arith.constant 0 : i32
      %dma_wait3A_90 = tpu.memref_slice %arg2[%dma_wait3A_88, %dma_wait3A_89] : memref<10000x128xf32, #tpu.memory_space<hbm>> -> memref<10000x128xf32, #tpu.memory_space<hbm>>
      tpu.wait_indirect_dma semaphore(%arg10 : memref<!tpu.dma_semaphore, #tpu.memory_space<semaphore_mem>>) src(%dma_wait3A_90 : memref<10000x128xf32, #tpu.memory_space<hbm>>) dst(%arg8 : memref<80x128xf32, #tpu.memory_space<vmem>>)
      "tpu.region"() ({
        %run_scoped3A = tpu.sem_alloc : memref<!tpu.dma_semaphore, #tpu.memory_space<semaphore_mem>>
        %dma_start3A_92 = arith.constant 0 : i32
        %dma_start3A_93 = tpu.memref_slice %arg7[%scan3A_79, %dma_start3A_92] : memref<125x80xi32, #tpu.memory_space<vmem>> -> memref<1x80xi32, #tpu.memory_space<vmem>>
        %dma_start3A_94 = tpu.memref_squeeze %dma_start3A_93 : memref<1x80xi32, #tpu.memory_space<vmem>> -> memref<80xi32, #tpu.memory_space<vmem>>
        %dma_start3A_95 = arith.constant 0 : i32
        %dma_start3A_96 = arith.constant 0 : i32
        %dma_start3A_97 = tpu.memref_slice %arg9[%dma_start3A_95, %dma_start3A_96] : memref<10240x128xf32, #tpu.memory_space<vmem_shared>> -> memref<10240x128xf32, #tpu.memory_space<vmem_shared>>
        tpu.enqueue_indirect_dma source(%arg8 : memref<80x128xf32, #tpu.memory_space<vmem>>) target(%dma_start3A_97 : memref<10240x128xf32, #tpu.memory_space<vmem_shared>>) offsets(%dma_start3A_94 : memref<80xi32, #tpu.memory_space<vmem>>) semaphore(%run_scoped3A : memref<!tpu.dma_semaphore, #tpu.memory_space<semaphore_mem>>) {add = true}
        %dma_wait3A_98 = arith.constant 0 : i32
        %dma_wait3A_99 = tpu.memref_slice %arg7[%scan3A_79, %dma_wait3A_98] : memref<125x80xi32, #tpu.memory_space<vmem>> -> memref<1x80xi32, #tpu.memory_space<vmem>>
        %dma_wait3A_100 = tpu.memref_squeeze %dma_wait3A_99 : memref<1x80xi32, #tpu.memory_space<vmem>> -> memref<80xi32, #tpu.memory_space<vmem>>
        %dma_wait3A_101 = arith.constant 0 : i32
        %dma_wait3A_102 = arith.constant 0 : i32
        %dma_wait3A_103 = tpu.memref_slice %arg9[%dma_wait3A_101, %dma_wait3A_102] : memref<10240x128xf32, #tpu.memory_space<vmem_shared>> -> memref<10240x128xf32, #tpu.memory_space<vmem_shared>>
        tpu.wait_indirect_dma semaphore(%run_scoped3A : memref<!tpu.dma_semaphore, #tpu.memory_space<semaphore_mem>>) src(%arg8 : memref<80x128xf32, #tpu.memory_space<vmem>>) dst(%dma_wait3A_103 : memref<10240x128xf32, #tpu.memory_space<vmem_shared>>)
        tpu.yield
      }) : () -> ()
      %scan3A_91 = arith.constant 0 : i32
      scf.yield %scan3A_91 : i32
    }
    %scan3A_45 = arith.constant 125 : i32
    %barrier3A_46 = arith.constant 0 : index
    tpu.barrier barrier_id(%barrier3A_46)
    %mul3A_47 = arith.constant 640 : i32
    %mul3A_48 = arith.muli %arg1, %mul3A_47 : i32
    %add3A_49 = arith.constant 0 : i32
    %add3A_50 = arith.addi %mul3A_48, %add3A_49 : i32
    "tpu.region"() ({
      %run_scoped3A = tpu.sem_alloc : memref<!tpu.dma_semaphore, #tpu.memory_space<semaphore_mem>>
      %dma_start3A = arith.constant 0 : i32
      %dma_start3A_79 = tpu.memref_slice %arg9[%add3A_50, %dma_start3A] : memref<10240x128xf32, #tpu.memory_space<vmem_shared>> -> memref<80x128xf32, #tpu.memory_space<vmem_shared>>
      %dma_start3A_80 = arith.constant 0 : i32
      %dma_start3A_81 = tpu.memref_slice %arg9[%add3A_50, %dma_start3A_80] : memref<10240x128xf32, #tpu.memory_space<vmem_shared>> -> memref<80x128xf32, #tpu.memory_space<vmem_shared>>
      tpu.enqueue_dma source(%dma_start3A_81 : memref<80x128xf32, #tpu.memory_space<vmem_shared>>) target(%arg8 : memref<80x128xf32, #tpu.memory_space<vmem>>) target_semaphore(%run_scoped3A : memref<!tpu.dma_semaphore, #tpu.memory_space<semaphore_mem>>)
      %dma_wait3A = arith.constant 0 : i32
      %dma_wait3A_82 = tpu.memref_slice %arg9[%add3A_50, %dma_wait3A] : memref<10240x128xf32, #tpu.memory_space<vmem_shared>> -> memref<80x128xf32, #tpu.memory_space<vmem_shared>>
      %dma_wait3A_83 = arith.constant 0 : i32
      %dma_wait3A_84 = tpu.memref_slice %arg9[%add3A_50, %dma_wait3A_83] : memref<10240x128xf32, #tpu.memory_space<vmem_shared>> -> memref<80x128xf32, #tpu.memory_space<vmem_shared>>
      tpu.wait_dma2 semaphore(%run_scoped3A : memref<!tpu.dma_semaphore, #tpu.memory_space<semaphore_mem>>) src(%dma_wait3A_84 : memref<80x128xf32, #tpu.memory_space<vmem_shared>>) dst(%arg8 : memref<80x128xf32, #tpu.memory_space<vmem>>)
      tpu.yield
    }) : () -> ()
    "tpu.region"() ({
      %run_scoped3A = tpu.sem_alloc : memref<!tpu.dma_semaphore, #tpu.memory_space<semaphore_mem>>
      %dma_start3A = arith.constant 0 : i32
      %dma_start3A_79 = tpu.memref_slice %arg5[%arg0, %add3A_50, %dma_start3A] : memref<2x10240x128xf32, #tpu.memory_space<hbm>> -> memref<1x80x128xf32, #tpu.memory_space<hbm>>
      %dma_start3A_80 = tpu.memref_squeeze %dma_start3A_79 : memref<1x80x128xf32, #tpu.memory_space<hbm>> -> memref<80x128xf32, #tpu.memory_space<hbm>>
      %dma_start3A_81 = arith.constant 0 : i32
      %dma_start3A_82 = tpu.memref_slice %arg5[%arg0, %add3A_50, %dma_start3A_81] : memref<2x10240x128xf32, #tpu.memory_space<hbm>> -> memref<1x80x128xf32, #tpu.memory_space<hbm>>
      %dma_start3A_83 = tpu.memref_squeeze %dma_start3A_82 : memref<1x80x128xf32, #tpu.memory_space<hbm>> -> memref<80x128xf32, #tpu.memory_space<hbm>>
      tpu.enqueue_dma source(%arg8 : memref<80x128xf32, #tpu.memory_space<vmem>>) target(%dma_start3A_83 : memref<80x128xf32, #tpu.memory_space<hbm>>) target_semaphore(%run_scoped3A : memref<!tpu.dma_semaphore, #tpu.memory_space<semaphore_mem>>)
      %dma_wait3A = arith.constant 0 : i32
      %dma_wait3A_84 = tpu.memref_slice %arg5[%arg0, %add3A_50, %dma_wait3A] : memref<2x10240x128xf32, #tpu.memory_space<hbm>> -> memref<1x80x128xf32, #tpu.memory_space<hbm>>
      %dma_wait3A_85 = tpu.memref_squeeze %dma_wait3A_84 : memref<1x80x128xf32, #tpu.memory_space<hbm>> -> memref<80x128xf32, #tpu.memory_space<hbm>>
      %dma_wait3A_86 = arith.constant 0 : i32
      %dma_wait3A_87 = tpu.memref_slice %arg5[%arg0, %add3A_50, %dma_wait3A_86] : memref<2x10240x128xf32, #tpu.memory_space<hbm>> -> memref<1x80x128xf32, #tpu.memory_space<hbm>>
      %dma_wait3A_88 = tpu.memref_squeeze %dma_wait3A_87 : memref<1x80x128xf32, #tpu.memory_space<hbm>> -> memref<80x128xf32, #tpu.memory_space<hbm>>
      tpu.wait_dma2 semaphore(%run_scoped3A : memref<!tpu.dma_semaphore, #tpu.memory_space<semaphore_mem>>) src(%arg8 : memref<80x128xf32, #tpu.memory_space<vmem>>) dst(%dma_wait3A_88 : memref<80x128xf32, #tpu.memory_space<hbm>>)
      tpu.yield
    }) : () -> ()
    %mul3A_51 = arith.constant 640 : i32
    %mul3A_52 = arith.muli %arg1, %mul3A_51 : i32
    %add3A_53 = arith.constant 80 : i32
    %add3A_54 = arith.addi %mul3A_52, %add3A_53 : i32
    "tpu.region"() ({
      %run_scoped3A = tpu.sem_alloc : memref<!tpu.dma_semaphore, #tpu.memory_space<semaphore_mem>>
      %dma_start3A = arith.constant 0 : i32
      %dma_start3A_79 = tpu.memref_slice %arg9[%add3A_54, %dma_start3A] : memref<10240x128xf32, #tpu.memory_space<vmem_shared>> -> memref<80x128xf32, #tpu.memory_space<vmem_shared>>
      %dma_start3A_80 = arith.constant 0 : i32
      %dma_start3A_81 = tpu.memref_slice %arg9[%add3A_54, %dma_start3A_80] : memref<10240x128xf32, #tpu.memory_space<vmem_shared>> -> memref<80x128xf32, #tpu.memory_space<vmem_shared>>
      tpu.enqueue_dma source(%dma_start3A_81 : memref<80x128xf32, #tpu.memory_space<vmem_shared>>) target(%arg8 : memref<80x128xf32, #tpu.memory_space<vmem>>) target_semaphore(%run_scoped3A : memref<!tpu.dma_semaphore, #tpu.memory_space<semaphore_mem>>)
      %dma_wait3A = arith.constant 0 : i32
      %dma_wait3A_82 = tpu.memref_slice %arg9[%add3A_54, %dma_wait3A] : memref<10240x128xf32, #tpu.memory_space<vmem_shared>> -> memref<80x128xf32, #tpu.memory_space<vmem_shared>>
      %dma_wait3A_83 = arith.constant 0 : i32
      %dma_wait3A_84 = tpu.memref_slice %arg9[%add3A_54, %dma_wait3A_83] : memref<10240x128xf32, #tpu.memory_space<vmem_shared>> -> memref<80x128xf32, #tpu.memory_space<vmem_shared>>
      tpu.wait_dma2 semaphore(%run_scoped3A : memref<!tpu.dma_semaphore, #tpu.memory_space<semaphore_mem>>) src(%dma_wait3A_84 : memref<80x128xf32, #tpu.memory_space<vmem_shared>>) dst(%arg8 : memref<80x128xf32, #tpu.memory_space<vmem>>)
      tpu.yield
    }) : () -> ()
    "tpu.region"() ({
      %run_scoped3A = tpu.sem_alloc : memref<!tpu.dma_semaphore, #tpu.memory_space<semaphore_mem>>
      %dma_start3A = arith.constant 0 : i32
      %dma_start3A_79 = tpu.memref_slice %arg5[%arg0, %add3A_54, %dma_start3A] : memref<2x10240x128xf32, #tpu.memory_space<hbm>> -> memref<1x80x128xf32, #tpu.memory_space<hbm>>
      %dma_start3A_80 = tpu.memref_squeeze %dma_start3A_79 : memref<1x80x128xf32, #tpu.memory_space<hbm>> -> memref<80x128xf32, #tpu.memory_space<hbm>>
      %dma_start3A_81 = arith.constant 0 : i32
      %dma_start3A_82 = tpu.memref_slice %arg5[%arg0, %add3A_54, %dma_start3A_81] : memref<2x10240x128xf32, #tpu.memory_space<hbm>> -> memref<1x80x128xf32, #tpu.memory_space<hbm>>
      %dma_start3A_83 = tpu.memref_squeeze %dma_start3A_82 : memref<1x80x128xf32, #tpu.memory_space<hbm>> -> memref<80x128xf32, #tpu.memory_space<hbm>>
      tpu.enqueue_dma source(%arg8 : memref<80x128xf32, #tpu.memory_space<vmem>>) target(%dma_start3A_83 : memref<80x128xf32, #tpu.memory_space<hbm>>) target_semaphore(%run_scoped3A : memref<!tpu.dma_semaphore, #tpu.memory_space<semaphore_mem>>)
      %dma_wait3A = arith.constant 0 : i32
      %dma_wait3A_84 = tpu.memref_slice %arg5[%arg0, %add3A_54, %dma_wait3A] : memref<2x10240x128xf32, #tpu.memory_space<hbm>> -> memref<1x80x128xf32, #tpu.memory_space<hbm>>
      %dma_wait3A_85 = tpu.memref_squeeze %dma_wait3A_84 : memref<1x80x128xf32, #tpu.memory_space<hbm>> -> memref<80x128xf32, #tpu.memory_space<hbm>>
      %dma_wait3A_86 = arith.constant 0 : i32
      %dma_wait3A_87 = tpu.memref_slice %arg5[%arg0, %add3A_54, %dma_wait3A_86] : memref<2x10240x128xf32, #tpu.memory_space<hbm>> -> memref<1x80x128xf32, #tpu.memory_space<hbm>>
      %dma_wait3A_88 = tpu.memref_squeeze %dma_wait3A_87 : memref<1x80x128xf32, #tpu.memory_space<hbm>> -> memref<80x128xf32, #tpu.memory_space<hbm>>
      tpu.wait_dma2 semaphore(%run_scoped3A : memref<!tpu.dma_semaphore, #tpu.memory_space<semaphore_mem>>) src(%arg8 : memref<80x128xf32, #tpu.memory_space<vmem>>) dst(%dma_wait3A_88 : memref<80x128xf32, #tpu.memory_space<hbm>>)
      tpu.yield
    }) : () -> ()
    %mul3A_55 = arith.constant 640 : i32
    %mul3A_56 = arith.muli %arg1, %mul3A_55 : i32
    %add3A_57 = arith.constant 160 : i32
    %add3A_58 = arith.addi %mul3A_56, %add3A_57 : i32
    "tpu.region"() ({
      %run_scoped3A = tpu.sem_alloc : memref<!tpu.dma_semaphore, #tpu.memory_space<semaphore_mem>>
      %dma_start3A = arith.constant 0 : i32
      %dma_start3A_79 = tpu.memref_slice %arg9[%add3A_58, %dma_start3A] : memref<10240x128xf32, #tpu.memory_space<vmem_shared>> -> memref<80x128xf32, #tpu.memory_space<vmem_shared>>
      %dma_start3A_80 = arith.constant 0 : i32
      %dma_start3A_81 = tpu.memref_slice %arg9[%add3A_58, %dma_start3A_80] : memref<10240x128xf32, #tpu.memory_space<vmem_shared>> -> memref<80x128xf32, #tpu.memory_space<vmem_shared>>
      tpu.enqueue_dma source(%dma_start3A_81 : memref<80x128xf32, #tpu.memory_space<vmem_shared>>) target(%arg8 : memref<80x128xf32, #tpu.memory_space<vmem>>) target_semaphore(%run_scoped3A : memref<!tpu.dma_semaphore, #tpu.memory_space<semaphore_mem>>)
      %dma_wait3A = arith.constant 0 : i32
      %dma_wait3A_82 = tpu.memref_slice %arg9[%add3A_58, %dma_wait3A] : memref<10240x128xf32, #tpu.memory_space<vmem_shared>> -> memref<80x128xf32, #tpu.memory_space<vmem_shared>>
      %dma_wait3A_83 = arith.constant 0 : i32
      %dma_wait3A_84 = tpu.memref_slice %arg9[%add3A_58, %dma_wait3A_83] : memref<10240x128xf32, #tpu.memory_space<vmem_shared>> -> memref<80x128xf32, #tpu.memory_space<vmem_shared>>
      tpu.wait_dma2 semaphore(%run_scoped3A : memref<!tpu.dma_semaphore, #tpu.memory_space<semaphore_mem>>) src(%dma_wait3A_84 : memref<80x128xf32, #tpu.memory_space<vmem_shared>>) dst(%arg8 : memref<80x128xf32, #tpu.memory_space<vmem>>)
      tpu.yield
    }) : () -> ()
    "tpu.region"() ({
      %run_scoped3A = tpu.sem_alloc : memref<!tpu.dma_semaphore, #tpu.memory_space<semaphore_mem>>
      %dma_start3A = arith.constant 0 : i32
      %dma_start3A_79 = tpu.memref_slice %arg5[%arg0, %add3A_58, %dma_start3A] : memref<2x10240x128xf32, #tpu.memory_space<hbm>> -> memref<1x80x128xf32, #tpu.memory_space<hbm>>
      %dma_start3A_80 = tpu.memref_squeeze %dma_start3A_79 : memref<1x80x128xf32, #tpu.memory_space<hbm>> -> memref<80x128xf32, #tpu.memory_space<hbm>>
      %dma_start3A_81 = arith.constant 0 : i32
      %dma_start3A_82 = tpu.memref_slice %arg5[%arg0, %add3A_58, %dma_start3A_81] : memref<2x10240x128xf32, #tpu.memory_space<hbm>> -> memref<1x80x128xf32, #tpu.memory_space<hbm>>
      %dma_start3A_83 = tpu.memref_squeeze %dma_start3A_82 : memref<1x80x128xf32, #tpu.memory_space<hbm>> -> memref<80x128xf32, #tpu.memory_space<hbm>>
      tpu.enqueue_dma source(%arg8 : memref<80x128xf32, #tpu.memory_space<vmem>>) target(%dma_start3A_83 : memref<80x128xf32, #tpu.memory_space<hbm>>) target_semaphore(%run_scoped3A : memref<!tpu.dma_semaphore, #tpu.memory_space<semaphore_mem>>)
      %dma_wait3A = arith.constant 0 : i32
      %dma_wait3A_84 = tpu.memref_slice %arg5[%arg0, %add3A_58, %dma_wait3A] : memref<2x10240x128xf32, #tpu.memory_space<hbm>> -> memref<1x80x128xf32, #tpu.memory_space<hbm>>
      %dma_wait3A_85 = tpu.memref_squeeze %dma_wait3A_84 : memref<1x80x128xf32, #tpu.memory_space<hbm>> -> memref<80x128xf32, #tpu.memory_space<hbm>>
      %dma_wait3A_86 = arith.constant 0 : i32
      %dma_wait3A_87 = tpu.memref_slice %arg5[%arg0, %add3A_58, %dma_wait3A_86] : memref<2x10240x128xf32, #tpu.memory_space<hbm>> -> memref<1x80x128xf32, #tpu.memory_space<hbm>>
      %dma_wait3A_88 = tpu.memref_squeeze %dma_wait3A_87 : memref<1x80x128xf32, #tpu.memory_space<hbm>> -> memref<80x128xf32, #tpu.memory_space<hbm>>
      tpu.wait_dma2 semaphore(%run_scoped3A : memref<!tpu.dma_semaphore, #tpu.memory_space<semaphore_mem>>) src(%arg8 : memref<80x128xf32, #tpu.memory_space<vmem>>) dst(%dma_wait3A_88 : memref<80x128xf32, #tpu.memory_space<hbm>>)
      tpu.yield
    }) : () -> ()
    %mul3A_59 = arith.constant 640 : i32
    %mul3A_60 = arith.muli %arg1, %mul3A_59 : i32
    %add3A_61 = arith.constant 240 : i32
    %add3A_62 = arith.addi %mul3A_60, %add3A_61 : i32
    "tpu.region"() ({
      %run_scoped3A = tpu.sem_alloc : memref<!tpu.dma_semaphore, #tpu.memory_space<semaphore_mem>>
      %dma_start3A = arith.constant 0 : i32
      %dma_start3A_79 = tpu.memref_slice %arg9[%add3A_62, %dma_start3A] : memref<10240x128xf32, #tpu.memory_space<vmem_shared>> -> memref<80x128xf32, #tpu.memory_space<vmem_shared>>
      %dma_start3A_80 = arith.constant 0 : i32
      %dma_start3A_81 = tpu.memref_slice %arg9[%add3A_62, %dma_start3A_80] : memref<10240x128xf32, #tpu.memory_space<vmem_shared>> -> memref<80x128xf32, #tpu.memory_space<vmem_shared>>
      tpu.enqueue_dma source(%dma_start3A_81 : memref<80x128xf32, #tpu.memory_space<vmem_shared>>) target(%arg8 : memref<80x128xf32, #tpu.memory_space<vmem>>) target_semaphore(%run_scoped3A : memref<!tpu.dma_semaphore, #tpu.memory_space<semaphore_mem>>)
      %dma_wait3A = arith.constant 0 : i32
      %dma_wait3A_82 = tpu.memref_slice %arg9[%add3A_62, %dma_wait3A] : memref<10240x128xf32, #tpu.memory_space<vmem_shared>> -> memref<80x128xf32, #tpu.memory_space<vmem_shared>>
      %dma_wait3A_83 = arith.constant 0 : i32
      %dma_wait3A_84 = tpu.memref_slice %arg9[%add3A_62, %dma_wait3A_83] : memref<10240x128xf32, #tpu.memory_space<vmem_shared>> -> memref<80x128xf32, #tpu.memory_space<vmem_shared>>
      tpu.wait_dma2 semaphore(%run_scoped3A : memref<!tpu.dma_semaphore, #tpu.memory_space<semaphore_mem>>) src(%dma_wait3A_84 : memref<80x128xf32, #tpu.memory_space<vmem_shared>>) dst(%arg8 : memref<80x128xf32, #tpu.memory_space<vmem>>)
      tpu.yield
    }) : () -> ()
    "tpu.region"() ({
      %run_scoped3A = tpu.sem_alloc : memref<!tpu.dma_semaphore, #tpu.memory_space<semaphore_mem>>
      %dma_start3A = arith.constant 0 : i32
      %dma_start3A_79 = tpu.memref_slice %arg5[%arg0, %add3A_62, %dma_start3A] : memref<2x10240x128xf32, #tpu.memory_space<hbm>> -> memref<1x80x128xf32, #tpu.memory_space<hbm>>
      %dma_start3A_80 = tpu.memref_squeeze %dma_start3A_79 : memref<1x80x128xf32, #tpu.memory_space<hbm>> -> memref<80x128xf32, #tpu.memory_space<hbm>>
      %dma_start3A_81 = arith.constant 0 : i32
      %dma_start3A_82 = tpu.memref_slice %arg5[%arg0, %add3A_62, %dma_start3A_81] : memref<2x10240x128xf32, #tpu.memory_space<hbm>> -> memref<1x80x128xf32, #tpu.memory_space<hbm>>
      %dma_start3A_83 = tpu.memref_squeeze %dma_start3A_82 : memref<1x80x128xf32, #tpu.memory_space<hbm>> -> memref<80x128xf32, #tpu.memory_space<hbm>>
      tpu.enqueue_dma source(%arg8 : memref<80x128xf32, #tpu.memory_space<vmem>>) target(%dma_start3A_83 : memref<80x128xf32, #tpu.memory_space<hbm>>) target_semaphore(%run_scoped3A : memref<!tpu.dma_semaphore, #tpu.memory_space<semaphore_mem>>)
      %dma_wait3A = arith.constant 0 : i32
      %dma_wait3A_84 = tpu.memref_slice %arg5[%arg0, %add3A_62, %dma_wait3A] : memref<2x10240x128xf32, #tpu.memory_space<hbm>> -> memref<1x80x128xf32, #tpu.memory_space<hbm>>
      %dma_wait3A_85 = tpu.memref_squeeze %dma_wait3A_84 : memref<1x80x128xf32, #tpu.memory_space<hbm>> -> memref<80x128xf32, #tpu.memory_space<hbm>>
      %dma_wait3A_86 = arith.constant 0 : i32
      %dma_wait3A_87 = tpu.memref_slice %arg5[%arg0, %add3A_62, %dma_wait3A_86] : memref<2x10240x128xf32, #tpu.memory_space<hbm>> -> memref<1x80x128xf32, #tpu.memory_space<hbm>>
      %dma_wait3A_88 = tpu.memref_squeeze %dma_wait3A_87 : memref<1x80x128xf32, #tpu.memory_space<hbm>> -> memref<80x128xf32, #tpu.memory_space<hbm>>
      tpu.wait_dma2 semaphore(%run_scoped3A : memref<!tpu.dma_semaphore, #tpu.memory_space<semaphore_mem>>) src(%arg8 : memref<80x128xf32, #tpu.memory_space<vmem>>) dst(%dma_wait3A_88 : memref<80x128xf32, #tpu.memory_space<hbm>>)
      tpu.yield
    }) : () -> ()
    %mul3A_63 = arith.constant 640 : i32
    %mul3A_64 = arith.muli %arg1, %mul3A_63 : i32
    %add3A_65 = arith.constant 320 : i32
    %add3A_66 = arith.addi %mul3A_64, %add3A_65 : i32
    "tpu.region"() ({
      %run_scoped3A = tpu.sem_alloc : memref<!tpu.dma_semaphore, #tpu.memory_space<semaphore_mem>>
      %dma_start3A = arith.constant 0 : i32
      %dma_start3A_79 = tpu.memref_slice %arg9[%add3A_66, %dma_start3A] : memref<10240x128xf32, #tpu.memory_space<vmem_shared>> -> memref<80x128xf32, #tpu.memory_space<vmem_shared>>
      %dma_start3A_80 = arith.constant 0 : i32
      %dma_start3A_81 = tpu.memref_slice %arg9[%add3A_66, %dma_start3A_80] : memref<10240x128xf32, #tpu.memory_space<vmem_shared>> -> memref<80x128xf32, #tpu.memory_space<vmem_shared>>
      tpu.enqueue_dma source(%dma_start3A_81 : memref<80x128xf32, #tpu.memory_space<vmem_shared>>) target(%arg8 : memref<80x128xf32, #tpu.memory_space<vmem>>) target_semaphore(%run_scoped3A : memref<!tpu.dma_semaphore, #tpu.memory_space<semaphore_mem>>)
      %dma_wait3A = arith.constant 0 : i32
      %dma_wait3A_82 = tpu.memref_slice %arg9[%add3A_66, %dma_wait3A] : memref<10240x128xf32, #tpu.memory_space<vmem_shared>> -> memref<80x128xf32, #tpu.memory_space<vmem_shared>>
      %dma_wait3A_83 = arith.constant 0 : i32
      %dma_wait3A_84 = tpu.memref_slice %arg9[%add3A_66, %dma_wait3A_83] : memref<10240x128xf32, #tpu.memory_space<vmem_shared>> -> memref<80x128xf32, #tpu.memory_space<vmem_shared>>
      tpu.wait_dma2 semaphore(%run_scoped3A : memref<!tpu.dma_semaphore, #tpu.memory_space<semaphore_mem>>) src(%dma_wait3A_84 : memref<80x128xf32, #tpu.memory_space<vmem_shared>>) dst(%arg8 : memref<80x128xf32, #tpu.memory_space<vmem>>)
      tpu.yield
    }) : () -> ()
    "tpu.region"() ({
      %run_scoped3A = tpu.sem_alloc : memref<!tpu.dma_semaphore, #tpu.memory_space<semaphore_mem>>
      %dma_start3A = arith.constant 0 : i32
      %dma_start3A_79 = tpu.memref_slice %arg5[%arg0, %add3A_66, %dma_start3A] : memref<2x10240x128xf32, #tpu.memory_space<hbm>> -> memref<1x80x128xf32, #tpu.memory_space<hbm>>
      %dma_start3A_80 = tpu.memref_squeeze %dma_start3A_79 : memref<1x80x128xf32, #tpu.memory_space<hbm>> -> memref<80x128xf32, #tpu.memory_space<hbm>>
      %dma_start3A_81 = arith.constant 0 : i32
      %dma_start3A_82 = tpu.memref_slice %arg5[%arg0, %add3A_66, %dma_start3A_81] : memref<2x10240x128xf32, #tpu.memory_space<hbm>> -> memref<1x80x128xf32, #tpu.memory_space<hbm>>
      %dma_start3A_83 = tpu.memref_squeeze %dma_start3A_82 : memref<1x80x128xf32, #tpu.memory_space<hbm>> -> memref<80x128xf32, #tpu.memory_space<hbm>>
      tpu.enqueue_dma source(%arg8 : memref<80x128xf32, #tpu.memory_space<vmem>>) target(%dma_start3A_83 : memref<80x128xf32, #tpu.memory_space<hbm>>) target_semaphore(%run_scoped3A : memref<!tpu.dma_semaphore, #tpu.memory_space<semaphore_mem>>)
      %dma_wait3A = arith.constant 0 : i32
      %dma_wait3A_84 = tpu.memref_slice %arg5[%arg0, %add3A_66, %dma_wait3A] : memref<2x10240x128xf32, #tpu.memory_space<hbm>> -> memref<1x80x128xf32, #tpu.memory_space<hbm>>
      %dma_wait3A_85 = tpu.memref_squeeze %dma_wait3A_84 : memref<1x80x128xf32, #tpu.memory_space<hbm>> -> memref<80x128xf32, #tpu.memory_space<hbm>>
      %dma_wait3A_86 = arith.constant 0 : i32
      %dma_wait3A_87 = tpu.memref_slice %arg5[%arg0, %add3A_66, %dma_wait3A_86] : memref<2x10240x128xf32, #tpu.memory_space<hbm>> -> memref<1x80x128xf32, #tpu.memory_space<hbm>>
      %dma_wait3A_88 = tpu.memref_squeeze %dma_wait3A_87 : memref<1x80x128xf32, #tpu.memory_space<hbm>> -> memref<80x128xf32, #tpu.memory_space<hbm>>
      tpu.wait_dma2 semaphore(%run_scoped3A : memref<!tpu.dma_semaphore, #tpu.memory_space<semaphore_mem>>) src(%arg8 : memref<80x128xf32, #tpu.memory_space<vmem>>) dst(%dma_wait3A_88 : memref<80x128xf32, #tpu.memory_space<hbm>>)
      tpu.yield
    }) : () -> ()
    %mul3A_67 = arith.constant 640 : i32
    %mul3A_68 = arith.muli %arg1, %mul3A_67 : i32
    %add3A_69 = arith.constant 400 : i32
    %add3A_70 = arith.addi %mul3A_68, %add3A_69 : i32
    "tpu.region"() ({
      %run_scoped3A = tpu.sem_alloc : memref<!tpu.dma_semaphore, #tpu.memory_space<semaphore_mem>>
      %dma_start3A = arith.constant 0 : i32
      %dma_start3A_79 = tpu.memref_slice %arg9[%add3A_70, %dma_start3A] : memref<10240x128xf32, #tpu.memory_space<vmem_shared>> -> memref<80x128xf32, #tpu.memory_space<vmem_shared>>
      %dma_start3A_80 = arith.constant 0 : i32
      %dma_start3A_81 = tpu.memref_slice %arg9[%add3A_70, %dma_start3A_80] : memref<10240x128xf32, #tpu.memory_space<vmem_shared>> -> memref<80x128xf32, #tpu.memory_space<vmem_shared>>
      tpu.enqueue_dma source(%dma_start3A_81 : memref<80x128xf32, #tpu.memory_space<vmem_shared>>) target(%arg8 : memref<80x128xf32, #tpu.memory_space<vmem>>) target_semaphore(%run_scoped3A : memref<!tpu.dma_semaphore, #tpu.memory_space<semaphore_mem>>)
      %dma_wait3A = arith.constant 0 : i32
      %dma_wait3A_82 = tpu.memref_slice %arg9[%add3A_70, %dma_wait3A] : memref<10240x128xf32, #tpu.memory_space<vmem_shared>> -> memref<80x128xf32, #tpu.memory_space<vmem_shared>>
      %dma_wait3A_83 = arith.constant 0 : i32
      %dma_wait3A_84 = tpu.memref_slice %arg9[%add3A_70, %dma_wait3A_83] : memref<10240x128xf32, #tpu.memory_space<vmem_shared>> -> memref<80x128xf32, #tpu.memory_space<vmem_shared>>
      tpu.wait_dma2 semaphore(%run_scoped3A : memref<!tpu.dma_semaphore, #tpu.memory_space<semaphore_mem>>) src(%dma_wait3A_84 : memref<80x128xf32, #tpu.memory_space<vmem_shared>>) dst(%arg8 : memref<80x128xf32, #tpu.memory_space<vmem>>)
      tpu.yield
    }) : () -> ()
    "tpu.region"() ({
      %run_scoped3A = tpu.sem_alloc : memref<!tpu.dma_semaphore, #tpu.memory_space<semaphore_mem>>
      %dma_start3A = arith.constant 0 : i32
      %dma_start3A_79 = tpu.memref_slice %arg5[%arg0, %add3A_70, %dma_start3A] : memref<2x10240x128xf32, #tpu.memory_space<hbm>> -> memref<1x80x128xf32, #tpu.memory_space<hbm>>
      %dma_start3A_80 = tpu.memref_squeeze %dma_start3A_79 : memref<1x80x128xf32, #tpu.memory_space<hbm>> -> memref<80x128xf32, #tpu.memory_space<hbm>>
      %dma_start3A_81 = arith.constant 0 : i32
      %dma_start3A_82 = tpu.memref_slice %arg5[%arg0, %add3A_70, %dma_start3A_81] : memref<2x10240x128xf32, #tpu.memory_space<hbm>> -> memref<1x80x128xf32, #tpu.memory_space<hbm>>
      %dma_start3A_83 = tpu.memref_squeeze %dma_start3A_82 : memref<1x80x128xf32, #tpu.memory_space<hbm>> -> memref<80x128xf32, #tpu.memory_space<hbm>>
      tpu.enqueue_dma source(%arg8 : memref<80x128xf32, #tpu.memory_space<vmem>>) target(%dma_start3A_83 : memref<80x128xf32, #tpu.memory_space<hbm>>) target_semaphore(%run_scoped3A : memref<!tpu.dma_semaphore, #tpu.memory_space<semaphore_mem>>)
      %dma_wait3A = arith.constant 0 : i32
      %dma_wait3A_84 = tpu.memref_slice %arg5[%arg0, %add3A_70, %dma_wait3A] : memref<2x10240x128xf32, #tpu.memory_space<hbm>> -> memref<1x80x128xf32, #tpu.memory_space<hbm>>
      %dma_wait3A_85 = tpu.memref_squeeze %dma_wait3A_84 : memref<1x80x128xf32, #tpu.memory_space<hbm>> -> memref<80x128xf32, #tpu.memory_space<hbm>>
      %dma_wait3A_86 = arith.constant 0 : i32
      %dma_wait3A_87 = tpu.memref_slice %arg5[%arg0, %add3A_70, %dma_wait3A_86] : memref<2x10240x128xf32, #tpu.memory_space<hbm>> -> memref<1x80x128xf32, #tpu.memory_space<hbm>>
      %dma_wait3A_88 = tpu.memref_squeeze %dma_wait3A_87 : memref<1x80x128xf32, #tpu.memory_space<hbm>> -> memref<80x128xf32, #tpu.memory_space<hbm>>
      tpu.wait_dma2 semaphore(%run_scoped3A : memref<!tpu.dma_semaphore, #tpu.memory_space<semaphore_mem>>) src(%arg8 : memref<80x128xf32, #tpu.memory_space<vmem>>) dst(%dma_wait3A_88 : memref<80x128xf32, #tpu.memory_space<hbm>>)
      tpu.yield
    }) : () -> ()
    %mul3A_71 = arith.constant 640 : i32
    %mul3A_72 = arith.muli %arg1, %mul3A_71 : i32
    %add3A_73 = arith.constant 480 : i32
    %add3A_74 = arith.addi %mul3A_72, %add3A_73 : i32
    "tpu.region"() ({
      %run_scoped3A = tpu.sem_alloc : memref<!tpu.dma_semaphore, #tpu.memory_space<semaphore_mem>>
      %dma_start3A = arith.constant 0 : i32
      %dma_start3A_79 = tpu.memref_slice %arg9[%add3A_74, %dma_start3A] : memref<10240x128xf32, #tpu.memory_space<vmem_shared>> -> memref<80x128xf32, #tpu.memory_space<vmem_shared>>
      %dma_start3A_80 = arith.constant 0 : i32
      %dma_start3A_81 = tpu.memref_slice %arg9[%add3A_74, %dma_start3A_80] : memref<10240x128xf32, #tpu.memory_space<vmem_shared>> -> memref<80x128xf32, #tpu.memory_space<vmem_shared>>
      tpu.enqueue_dma source(%dma_start3A_81 : memref<80x128xf32, #tpu.memory_space<vmem_shared>>) target(%arg8 : memref<80x128xf32, #tpu.memory_space<vmem>>) target_semaphore(%run_scoped3A : memref<!tpu.dma_semaphore, #tpu.memory_space<semaphore_mem>>)
      %dma_wait3A = arith.constant 0 : i32
      %dma_wait3A_82 = tpu.memref_slice %arg9[%add3A_74, %dma_wait3A] : memref<10240x128xf32, #tpu.memory_space<vmem_shared>> -> memref<80x128xf32, #tpu.memory_space<vmem_shared>>
      %dma_wait3A_83 = arith.constant 0 : i32
      %dma_wait3A_84 = tpu.memref_slice %arg9[%add3A_74, %dma_wait3A_83] : memref<10240x128xf32, #tpu.memory_space<vmem_shared>> -> memref<80x128xf32, #tpu.memory_space<vmem_shared>>
      tpu.wait_dma2 semaphore(%run_scoped3A : memref<!tpu.dma_semaphore, #tpu.memory_space<semaphore_mem>>) src(%dma_wait3A_84 : memref<80x128xf32, #tpu.memory_space<vmem_shared>>) dst(%arg8 : memref<80x128xf32, #tpu.memory_space<vmem>>)
      tpu.yield
    }) : () -> ()
    "tpu.region"() ({
      %run_scoped3A = tpu.sem_alloc : memref<!tpu.dma_semaphore, #tpu.memory_space<semaphore_mem>>
      %dma_start3A = arith.constant 0 : i32
      %dma_start3A_79 = tpu.memref_slice %arg5[%arg0, %add3A_74, %dma_start3A] : memref<2x10240x128xf32, #tpu.memory_space<hbm>> -> memref<1x80x128xf32, #tpu.memory_space<hbm>>
      %dma_start3A_80 = tpu.memref_squeeze %dma_start3A_79 : memref<1x80x128xf32, #tpu.memory_space<hbm>> -> memref<80x128xf32, #tpu.memory_space<hbm>>
      %dma_start3A_81 = arith.constant 0 : i32
      %dma_start3A_82 = tpu.memref_slice %arg5[%arg0, %add3A_74, %dma_start3A_81] : memref<2x10240x128xf32, #tpu.memory_space<hbm>> -> memref<1x80x128xf32, #tpu.memory_space<hbm>>
      %dma_start3A_83 = tpu.memref_squeeze %dma_start3A_82 : memref<1x80x128xf32, #tpu.memory_space<hbm>> -> memref<80x128xf32, #tpu.memory_space<hbm>>
      tpu.enqueue_dma source(%arg8 : memref<80x128xf32, #tpu.memory_space<vmem>>) target(%dma_start3A_83 : memref<80x128xf32, #tpu.memory_space<hbm>>) target_semaphore(%run_scoped3A : memref<!tpu.dma_semaphore, #tpu.memory_space<semaphore_mem>>)
      %dma_wait3A = arith.constant 0 : i32
      %dma_wait3A_84 = tpu.memref_slice %arg5[%arg0, %add3A_74, %dma_wait3A] : memref<2x10240x128xf32, #tpu.memory_space<hbm>> -> memref<1x80x128xf32, #tpu.memory_space<hbm>>
      %dma_wait3A_85 = tpu.memref_squeeze %dma_wait3A_84 : memref<1x80x128xf32, #tpu.memory_space<hbm>> -> memref<80x128xf32, #tpu.memory_space<hbm>>
      %dma_wait3A_86 = arith.constant 0 : i32
      %dma_wait3A_87 = tpu.memref_slice %arg5[%arg0, %add3A_74, %dma_wait3A_86] : memref<2x10240x128xf32, #tpu.memory_space<hbm>> -> memref<1x80x128xf32, #tpu.memory_space<hbm>>
      %dma_wait3A_88 = tpu.memref_squeeze %dma_wait3A_87 : memref<1x80x128xf32, #tpu.memory_space<hbm>> -> memref<80x128xf32, #tpu.memory_space<hbm>>
      tpu.wait_dma2 semaphore(%run_scoped3A : memref<!tpu.dma_semaphore, #tpu.memory_space<semaphore_mem>>) src(%arg8 : memref<80x128xf32, #tpu.memory_space<vmem>>) dst(%dma_wait3A_88 : memref<80x128xf32, #tpu.memory_space<hbm>>)
      tpu.yield
    }) : () -> ()
    %mul3A_75 = arith.constant 640 : i32
    %mul3A_76 = arith.muli %arg1, %mul3A_75 : i32
    %add3A_77 = arith.constant 560 : i32
    %add3A_78 = arith.addi %mul3A_76, %add3A_77 : i32
    "tpu.region"() ({
      %run_scoped3A = tpu.sem_alloc : memref<!tpu.dma_semaphore, #tpu.memory_space<semaphore_mem>>
      %dma_start3A = arith.constant 0 : i32
      %dma_start3A_79 = tpu.memref_slice %arg9[%add3A_78, %dma_start3A] : memref<10240x128xf32, #tpu.memory_space<vmem_shared>> -> memref<80x128xf32, #tpu.memory_space<vmem_shared>>
      %dma_start3A_80 = arith.constant 0 : i32
      %dma_start3A_81 = tpu.memref_slice %arg9[%add3A_78, %dma_start3A_80] : memref<10240x128xf32, #tpu.memory_space<vmem_shared>> -> memref<80x128xf32, #tpu.memory_space<vmem_shared>>
      tpu.enqueue_dma source(%dma_start3A_81 : memref<80x128xf32, #tpu.memory_space<vmem_shared>>) target(%arg8 : memref<80x128xf32, #tpu.memory_space<vmem>>) target_semaphore(%run_scoped3A : memref<!tpu.dma_semaphore, #tpu.memory_space<semaphore_mem>>)
      %dma_wait3A = arith.constant 0 : i32
      %dma_wait3A_82 = tpu.memref_slice %arg9[%add3A_78, %dma_wait3A] : memref<10240x128xf32, #tpu.memory_space<vmem_shared>> -> memref<80x128xf32, #tpu.memory_space<vmem_shared>>
      %dma_wait3A_83 = arith.constant 0 : i32
      %dma_wait3A_84 = tpu.memref_slice %arg9[%add3A_78, %dma_wait3A_83] : memref<10240x128xf32, #tpu.memory_space<vmem_shared>> -> memref<80x128xf32, #tpu.memory_space<vmem_shared>>
      tpu.wait_dma2 semaphore(%run_scoped3A : memref<!tpu.dma_semaphore, #tpu.memory_space<semaphore_mem>>) src(%dma_wait3A_84 : memref<80x128xf32, #tpu.memory_space<vmem_shared>>) dst(%arg8 : memref<80x128xf32, #tpu.memory_space<vmem>>)
      tpu.yield
    }) : () -> ()
    "tpu.region"() ({
      %run_scoped3A = tpu.sem_alloc : memref<!tpu.dma_semaphore, #tpu.memory_space<semaphore_mem>>
      %dma_start3A = arith.constant 0 : i32
      %dma_start3A_79 = tpu.memref_slice %arg5[%arg0, %add3A_78, %dma_start3A] : memref<2x10240x128xf32, #tpu.memory_space<hbm>> -> memref<1x80x128xf32, #tpu.memory_space<hbm>>
      %dma_start3A_80 = tpu.memref_squeeze %dma_start3A_79 : memref<1x80x128xf32, #tpu.memory_space<hbm>> -> memref<80x128xf32, #tpu.memory_space<hbm>>
      %dma_start3A_81 = arith.constant 0 : i32
      %dma_start3A_82 = tpu.memref_slice %arg5[%arg0, %add3A_78, %dma_start3A_81] : memref<2x10240x128xf32, #tpu.memory_space<hbm>> -> memref<1x80x128xf32, #tpu.memory_space<hbm>>
      %dma_start3A_83 = tpu.memref_squeeze %dma_start3A_82 : memref<1x80x128xf32, #tpu.memory_space<hbm>> -> memref<80x128xf32, #tpu.memory_space<hbm>>
      tpu.enqueue_dma source(%arg8 : memref<80x128xf32, #tpu.memory_space<vmem>>) target(%dma_start3A_83 : memref<80x128xf32, #tpu.memory_space<hbm>>) target_semaphore(%run_scoped3A : memref<!tpu.dma_semaphore, #tpu.memory_space<semaphore_mem>>)
      %dma_wait3A = arith.constant 0 : i32
      %dma_wait3A_84 = tpu.memref_slice %arg5[%arg0, %add3A_78, %dma_wait3A] : memref<2x10240x128xf32, #tpu.memory_space<hbm>> -> memref<1x80x128xf32, #tpu.memory_space<hbm>>
      %dma_wait3A_85 = tpu.memref_squeeze %dma_wait3A_84 : memref<1x80x128xf32, #tpu.memory_space<hbm>> -> memref<80x128xf32, #tpu.memory_space<hbm>>
      %dma_wait3A_86 = arith.constant 0 : i32
      %dma_wait3A_87 = tpu.memref_slice %arg5[%arg0, %add3A_78, %dma_wait3A_86] : memref<2x10240x128xf32, #tpu.memory_space<hbm>> -> memref<1x80x128xf32, #tpu.memory_space<hbm>>
      %dma_wait3A_88 = tpu.memref_squeeze %dma_wait3A_87 : memref<1x80x128xf32, #tpu.memory_space<hbm>> -> memref<80x128xf32, #tpu.memory_space<hbm>>
      tpu.wait_dma2 semaphore(%run_scoped3A : memref<!tpu.dma_semaphore, #tpu.memory_space<semaphore_mem>>) src(%arg8 : memref<80x128xf32, #tpu.memory_space<vmem>>) dst(%dma_wait3A_88 : memref<80x128xf32, #tpu.memory_space<hbm>>)
      tpu.yield
    }) : () -> ()
    return
  }
}

module attributes {stable_mosaic.version = 14 : i64} {
  func.func @_tc_layer1_body(%arg0: i32, %arg1: memref<2x400x128xf32, #tpu.memory_space<vmem>>, %arg2: memref<400x128xf32, #tpu.memory_space<vmem>>, %arg3: memref<400x1xf32, #tpu.memory_space<vmem>>, %arg4: memref<128x256xf32, #tpu.memory_space<vmem>>, %arg5: memref<1x256xf32, #tpu.memory_space<vmem>>, %arg6: memref<400x256xf32, #tpu.memory_space<vmem>>) attributes {dimension_semantics = [#tpu.dimension_semantics<arbitrary>], iteration_bounds = array<i64: 25>, scalar_prefetch = 0 : i64, scratch_operands = 0 : i64, tpu.core_type = #tpu.core_type<tc>, window_params = [{transform_indices = @transform_0, window_bounds = array<i64: 2, 400, 128>}, {transform_indices = @transform_1, window_bounds = array<i64: 400, 128>}, {transform_indices = @transform_2, window_bounds = array<i64: 400, 1>}, {pipeline_mode = #tpu.pipeline_mode<synchronous>, transform_indices = @transform_3, window_bounds = array<i64: 128, 256>}, {pipeline_mode = #tpu.pipeline_mode<synchronous>, transform_indices = @transform_4, window_bounds = array<i64: 1, 256>}, {transform_indices = @transform_5, window_bounds = array<i64: 400, 256>}]} {
    %get3A = arith.constant 0 : index
    %get3A_0 = arith.constant 0 : index
    %get3A_1 = vector.load %arg3[%get3A, %get3A_0] : memref<400x1xf32, #tpu.memory_space<vmem>>, vector<400x1xf32>
    %get3A_2 = arith.constant 0 : index
    %get3A_3 = arith.constant 0 : index
    %get3A_4 = arith.constant 0 : index
    %get3A_5 = vector.load %arg1[%get3A_2, %get3A_3, %get3A_4] : memref<2x400x128xf32, #tpu.memory_space<vmem>>, vector<1x400x128xf32>
    %get3A_6 = vector.shape_cast %get3A_5 : vector<1x400x128xf32> to vector<400x128xf32>
    %get3A_7 = arith.constant 1 : index
    %get3A_8 = arith.constant 0 : index
    %get3A_9 = arith.constant 0 : index
    %get3A_10 = vector.load %arg1[%get3A_7, %get3A_8, %get3A_9] : memref<2x400x128xf32, #tpu.memory_space<vmem>>, vector<1x400x128xf32>
    %get3A_11 = vector.shape_cast %get3A_10 : vector<1x400x128xf32> to vector<400x128xf32>
    %add3A = arith.addf %get3A_6, %get3A_11 : vector<400x128xf32>
    %get3A_12 = arith.constant 0 : index
    %get3A_13 = arith.constant 0 : index
    %get3A_14 = vector.load %arg2[%get3A_12, %get3A_13] : memref<400x128xf32, #tpu.memory_space<vmem>>, vector<400x128xf32>
    %add3A_15 = arith.addf %add3A, %get3A_14 : vector<400x128xf32>
    %mul3A = vector.broadcast %get3A_1 : vector<400x1xf32> to vector<400x128xf32>
    %mul3A_16 = arith.mulf %mul3A, %add3A_15 : vector<400x128xf32>
    %get3A_17 = arith.constant 0 : index
    %get3A_18 = arith.constant 0 : index
    %get3A_19 = vector.load %arg4[%get3A_17, %get3A_18] : memref<128x256xf32, #tpu.memory_space<vmem>>, vector<128x256xf32>
    %dot_general3A = arith.constant dense<0.000000e+00> : vector<400x256xf32>
    %dot_general3A_20 = tpu.matmul %mul3A_16, %get3A_19, %dot_general3A {dimension_numbers = #tpu.dot_dimension_numbers<[1], [0], [0], [1], [0, 0, 1, 1], [], []>, transpose_lhs_hint = false} : vector<400x128xf32>, vector<128x256xf32>, vector<400x256xf32> -> vector<400x256xf32>
    %get3A_21 = arith.constant 0 : index
    %get3A_22 = arith.constant 0 : index
    %get3A_23 = vector.load %arg5[%get3A_21, %get3A_22] : memref<1x256xf32, #tpu.memory_space<vmem>>, vector<1x256xf32>
    %add3A_24 = vector.broadcast %get3A_23 : vector<1x256xf32> to vector<400x256xf32>
    %add3A_25 = arith.addf %dot_general3A_20, %add3A_24 : vector<400x256xf32>
    %max3A = arith.constant 0.000000e+00 : f32
    %max3A_26 = vector.broadcast %max3A : f32 to vector<400x256xf32>
    %max3A_27 = arith.maximumf %add3A_25, %max3A_26 : vector<400x256xf32>
    %mul3A_28 = vector.broadcast %get3A_1 : vector<400x1xf32> to vector<400x256xf32>
    %mul3A_29 = arith.mulf %mul3A_28, %max3A_27 : vector<400x256xf32>
    %swap3A = arith.constant 0 : index
    %swap3A_30 = arith.constant 0 : index
    %swap3A_31 = vector.load %arg6[%swap3A, %swap3A_30] : memref<400x256xf32, #tpu.memory_space<vmem>>, vector<400x256xf32>
    tpu.vector_store %arg6[%swap3A, %swap3A_30], %mul3A_29 {strides = array<i32>} : memref<400x256xf32, #tpu.memory_space<vmem>>, vector<400x256xf32>,
    return
  }
  func.func @transform_0(%arg0: i32) -> (i32, i32, i32) {
    %c0_i32 = arith.constant 0 : i32
    %c0_i32_0 = arith.constant 0 : i32
    %c0_i32_1 = arith.constant 0 : i32
    return %c0_i32, %arg0, %c0_i32_0 : i32, i32, i32
  }
  func.func @transform_1(%arg0: i32) -> (i32, i32) {
    %c0_i32 = arith.constant 0 : i32
    %c0_i32_0 = arith.constant 0 : i32
    return %arg0, %c0_i32 : i32, i32
  }
  func.func @transform_2(%arg0: i32) -> (i32, i32) {
    %c0_i32 = arith.constant 0 : i32
    %c0_i32_0 = arith.constant 0 : i32
    return %arg0, %c0_i32 : i32, i32
  }
  func.func @transform_3(%arg0: i32) -> (i32, i32) {
    %c0_i32 = arith.constant 0 : i32
    %c0_i32_0 = arith.constant 0 : i32
    %c0_i32_1 = arith.constant 0 : i32
    return %c0_i32, %c0_i32_0 : i32, i32
  }
  func.func @transform_4(%arg0: i32) -> (i32, i32) {
    %c0_i32 = arith.constant 0 : i32
    %c0_i32_0 = arith.constant 0 : i32
    %c0_i32_1 = arith.constant 0 : i32
    return %c0_i32, %c0_i32_0 : i32, i32
  }
  func.func @transform_5(%arg0: i32) -> (i32, i32) {
    %c0_i32 = arith.constant 0 : i32
    %c0_i32_0 = arith.constant 0 : i32
    return %arg0, %c0_i32 : i32, i32
  }
}

module attributes {stable_mosaic.version = 14 : i64} {
  func.func @_tc_pre_body(%arg0: i32, %arg1: memref<2x400x128xf32, #tpu.memory_space<vmem>>, %arg2: memref<400x128xf32, #tpu.memory_space<vmem>>, %arg3: memref<400x1xf32, #tpu.memory_space<vmem>>, %arg4: memref<400x128xf32, #tpu.memory_space<vmem>>) attributes {dimension_semantics = [#tpu.dimension_semantics<arbitrary>], iteration_bounds = array<i64: 25>, scalar_prefetch = 0 : i64, scratch_operands = 0 : i64, tpu.core_type = #tpu.core_type<tc>, window_params = [{transform_indices = @transform_0, window_bounds = array<i64: 2, 400, 128>}, {transform_indices = @transform_1, window_bounds = array<i64: 400, 128>}, {transform_indices = @transform_2, window_bounds = array<i64: 400, 1>}, {transform_indices = @transform_3, window_bounds = array<i64: 400, 128>}]} {
    %get3A = arith.constant 0 : index
    %get3A_0 = arith.constant 0 : index
    %get3A_1 = arith.constant 0 : index
    %get3A_2 = vector.load %arg1[%get3A, %get3A_0, %get3A_1] : memref<2x400x128xf32, #tpu.memory_space<vmem>>, vector<1x400x1xf32>
    %get3A_3 = vector.shape_cast %get3A_2 : vector<1x400x1xf32> to vector<400x1xf32>
    %get3A_4 = arith.constant 1 : index
    %get3A_5 = arith.constant 0 : index
    %get3A_6 = arith.constant 0 : index
    %get3A_7 = vector.load %arg1[%get3A_4, %get3A_5, %get3A_6] : memref<2x400x128xf32, #tpu.memory_space<vmem>>, vector<1x400x1xf32>
    %get3A_8 = vector.shape_cast %get3A_7 : vector<1x400x1xf32> to vector<400x1xf32>
    %add3A = arith.addf %get3A_3, %get3A_8 : vector<400x1xf32>
    %add3A_9 = arith.constant 1.000000e+00 : f32
    %add3A_10 = vector.broadcast %add3A_9 : f32 to vector<400x1xf32>
    %add3A_11 = arith.addf %add3A, %add3A_10 : vector<400x1xf32>
    %rsqrt3A = math.rsqrt %add3A_11 : vector<400x1xf32>
    %swap3A = arith.constant 0 : index
    %swap3A_12 = arith.constant 0 : index
    %swap3A_13 = vector.load %arg3[%swap3A, %swap3A_12] : memref<400x1xf32, #tpu.memory_space<vmem>>, vector<400x1xf32>
    tpu.vector_store %arg3[%swap3A, %swap3A_12], %rsqrt3A {strides = array<i32>} : memref<400x1xf32, #tpu.memory_space<vmem>>, vector<400x1xf32>,
    %get3A_14 = arith.constant 0 : index
    %get3A_15 = arith.constant 0 : index
    %get3A_16 = vector.load %arg2[%get3A_14, %get3A_15] : memref<400x128xf32, #tpu.memory_space<vmem>>, vector<400x128xf32>
    %mul3A = vector.broadcast %rsqrt3A : vector<400x1xf32> to vector<400x128xf32>
    %mul3A_17 = arith.mulf %get3A_16, %mul3A : vector<400x128xf32>
    %swap3A_18 = arith.constant 0 : index
    %swap3A_19 = arith.constant 0 : index
    %swap3A_20 = vector.load %arg4[%swap3A_18, %swap3A_19] : memref<400x128xf32, #tpu.memory_space<vmem>>, vector<400x128xf32>
    tpu.vector_store %arg4[%swap3A_18, %swap3A_19], %mul3A_17 {strides = array<i32>} : memref<400x128xf32, #tpu.memory_space<vmem>>, vector<400x128xf32>,
    return
  }
  func.func @transform_0(%arg0: i32) -> (i32, i32, i32) {
    %c0_i32 = arith.constant 0 : i32
    %c0_i32_0 = arith.constant 0 : i32
    %c0_i32_1 = arith.constant 0 : i32
    return %c0_i32, %arg0, %c0_i32_0 : i32, i32, i32
  }
  func.func @transform_1(%arg0: i32) -> (i32, i32) {
    %c0_i32 = arith.constant 0 : i32
    %c0_i32_0 = arith.constant 0 : i32
    return %arg0, %c0_i32 : i32, i32
  }
  func.func @transform_2(%arg0: i32) -> (i32, i32) {
    %c0_i32 = arith.constant 0 : i32
    %c0_i32_0 = arith.constant 0 : i32
    return %arg0, %c0_i32 : i32, i32
  }
  func.func @transform_3(%arg0: i32) -> (i32, i32) {
    %c0_i32 = arith.constant 0 : i32
    %c0_i32_0 = arith.constant 0 : i32
    return %arg0, %c0_i32 : i32, i32
  }
}

module attributes {stable_mosaic.version = 14 : i64} {
  func.func @_tc_layer2_body(%arg0: i32, %arg1: memref<2x400x128xf32, #tpu.memory_space<vmem>>, %arg2: memref<2x400x128xf32, #tpu.memory_space<vmem>>, %arg3: memref<400x256xf32, #tpu.memory_space<vmem>>, %arg4: memref<400x1xf32, #tpu.memory_space<vmem>>, %arg5: memref<256x256xf32, #tpu.memory_space<vmem>>, %arg6: memref<1x256xf32, #tpu.memory_space<vmem>>, %arg7: memref<256x128xf32, #tpu.memory_space<vmem>>, %arg8: memref<400x128xf32, #tpu.memory_space<vmem>>) attributes {dimension_semantics = [#tpu.dimension_semantics<arbitrary>], iteration_bounds = array<i64: 25>, scalar_prefetch = 0 : i64, scratch_operands = 0 : i64, tpu.core_type = #tpu.core_type<tc>, window_params = [{transform_indices = @transform_0, window_bounds = array<i64: 2, 400, 128>}, {transform_indices = @transform_1, window_bounds = array<i64: 2, 400, 128>}, {transform_indices = @transform_2, window_bounds = array<i64: 400, 256>}, {transform_indices = @transform_3, window_bounds = array<i64: 400, 1>}, {pipeline_mode = #tpu.pipeline_mode<synchronous>, transform_indices = @transform_4, window_bounds = array<i64: 256, 256>}, {pipeline_mode = #tpu.pipeline_mode<synchronous>, transform_indices = @transform_5, window_bounds = array<i64: 1, 256>}, {pipeline_mode = #tpu.pipeline_mode<synchronous>, transform_indices = @transform_6, window_bounds = array<i64: 256, 128>}, {transform_indices = @transform_7, window_bounds = array<i64: 400, 128>}]} {
    %get3A = arith.constant 0 : index
    %get3A_0 = arith.constant 0 : index
    %get3A_1 = vector.load %arg4[%get3A, %get3A_0] : memref<400x1xf32, #tpu.memory_space<vmem>>, vector<400x1xf32>
    %get3A_2 = arith.constant 0 : index
    %get3A_3 = arith.constant 0 : index
    %get3A_4 = vector.load %arg3[%get3A_2, %get3A_3] : memref<400x256xf32, #tpu.memory_space<vmem>>, vector<400x256xf32>
    %get3A_5 = arith.constant 0 : index
    %get3A_6 = arith.constant 0 : index
    %get3A_7 = arith.constant 0 : index
    %get3A_8 = vector.load %arg1[%get3A_5, %get3A_6, %get3A_7] : memref<2x400x128xf32, #tpu.memory_space<vmem>>, vector<1x400x128xf32>
    %get3A_9 = vector.shape_cast %get3A_8 : vector<1x400x128xf32> to vector<400x128xf32>
    %get3A_10 = arith.constant 1 : index
    %get3A_11 = arith.constant 0 : index
    %get3A_12 = arith.constant 0 : index
    %get3A_13 = vector.load %arg1[%get3A_10, %get3A_11, %get3A_12] : memref<2x400x128xf32, #tpu.memory_space<vmem>>, vector<1x400x128xf32>
    %get3A_14 = vector.shape_cast %get3A_13 : vector<1x400x128xf32> to vector<400x128xf32>
    %add3A = arith.addf %get3A_9, %get3A_14 : vector<400x128xf32>
    %slice3A = vector.extract_strided_slice %get3A_4 {offsets = [0, 0], sizes = [400, 128], strides = [1, 1]} : vector<400x256xf32> to vector<400x128xf32>
    %add3A_15 = arith.addf %add3A, %slice3A : vector<400x128xf32>
    %mul3A = vector.broadcast %get3A_1 : vector<400x1xf32> to vector<400x128xf32>
    %mul3A_16 = arith.mulf %mul3A, %add3A_15 : vector<400x128xf32>
    %get3A_17 = arith.constant 0 : index
    %get3A_18 = arith.constant 0 : index
    %get3A_19 = arith.constant 0 : index
    %get3A_20 = vector.load %arg2[%get3A_17, %get3A_18, %get3A_19] : memref<2x400x128xf32, #tpu.memory_space<vmem>>, vector<1x400x128xf32>
    %get3A_21 = vector.shape_cast %get3A_20 : vector<1x400x128xf32> to vector<400x128xf32>
    %get3A_22 = arith.constant 1 : index
    %get3A_23 = arith.constant 0 : index
    %get3A_24 = arith.constant 0 : index
    %get3A_25 = vector.load %arg2[%get3A_22, %get3A_23, %get3A_24] : memref<2x400x128xf32, #tpu.memory_space<vmem>>, vector<1x400x128xf32>
    %get3A_26 = vector.shape_cast %get3A_25 : vector<1x400x128xf32> to vector<400x128xf32>
    %add3A_27 = arith.addf %get3A_21, %get3A_26 : vector<400x128xf32>
    %slice3A_28 = vector.extract_strided_slice %get3A_4 {offsets = [0, 128], sizes = [400, 128], strides = [1, 1]} : vector<400x256xf32> to vector<400x128xf32>
    %add3A_29 = arith.addf %add3A_27, %slice3A_28 : vector<400x128xf32>
    %mul3A_30 = vector.broadcast %get3A_1 : vector<400x1xf32> to vector<400x128xf32>
    %mul3A_31 = arith.mulf %mul3A_30, %add3A_29 : vector<400x128xf32>
    %concatenate3A = tpu.concatenate %mul3A_16, %mul3A_31 in 1 : vector<400x128xf32>, vector<400x128xf32> -> vector<400x256xf32>
    %get3A_32 = arith.constant 0 : index
    %get3A_33 = arith.constant 0 : index
    %get3A_34 = vector.load %arg5[%get3A_32, %get3A_33] : memref<256x256xf32, #tpu.memory_space<vmem>>, vector<256x256xf32>
    %dot_general3A = arith.constant dense<0.000000e+00> : vector<400x256xf32>
    %dot_general3A_35 = tpu.matmul %concatenate3A, %get3A_34, %dot_general3A {dimension_numbers = #tpu.dot_dimension_numbers<[1], [0], [0], [1], [0, 0, 1, 1], [], []>, transpose_lhs_hint = false} : vector<400x256xf32>, vector<256x256xf32>, vector<400x256xf32> -> vector<400x256xf32>
    %get3A_36 = arith.constant 0 : index
    %get3A_37 = arith.constant 0 : index
    %get3A_38 = vector.load %arg6[%get3A_36, %get3A_37] : memref<1x256xf32, #tpu.memory_space<vmem>>, vector<1x256xf32>
    %add3A_39 = vector.broadcast %get3A_38 : vector<1x256xf32> to vector<400x256xf32>
    %add3A_40 = arith.addf %dot_general3A_35, %add3A_39 : vector<400x256xf32>
    %max3A = arith.constant 0.000000e+00 : f32
    %max3A_41 = vector.broadcast %max3A : f32 to vector<400x256xf32>
    %max3A_42 = arith.maximumf %add3A_40, %max3A_41 : vector<400x256xf32>
    %get3A_43 = arith.constant 0 : index
    %get3A_44 = arith.constant 0 : index
    %get3A_45 = vector.load %arg7[%get3A_43, %get3A_44] : memref<256x128xf32, #tpu.memory_space<vmem>>, vector<256x128xf32>
    %dot_general3A_46 = arith.constant dense<0.000000e+00> : vector<400x128xf32>
    %dot_general3A_47 = tpu.matmul %max3A_42, %get3A_45, %dot_general3A_46 {dimension_numbers = #tpu.dot_dimension_numbers<[1], [0], [0], [1], [0, 0, 1, 1], [], []>, transpose_lhs_hint = false} : vector<400x256xf32>, vector<256x128xf32>, vector<400x128xf32> -> vector<400x128xf32>
    %mul3A_48 = vector.broadcast %get3A_1 : vector<400x1xf32> to vector<400x128xf32>
    %mul3A_49 = arith.mulf %mul3A_48, %dot_general3A_47 : vector<400x128xf32>
    %swap3A = arith.constant 0 : index
    %swap3A_50 = arith.constant 0 : index
    %swap3A_51 = vector.load %arg8[%swap3A, %swap3A_50] : memref<400x128xf32, #tpu.memory_space<vmem>>, vector<400x128xf32>
    tpu.vector_store %arg8[%swap3A, %swap3A_50], %mul3A_49 {strides = array<i32>} : memref<400x128xf32, #tpu.memory_space<vmem>>, vector<400x128xf32>,
    return
  }
  func.func @transform_0(%arg0: i32) -> (i32, i32, i32) {
    %c0_i32 = arith.constant 0 : i32
    %c0_i32_0 = arith.constant 0 : i32
    %c0_i32_1 = arith.constant 0 : i32
    return %c0_i32, %arg0, %c0_i32_0 : i32, i32, i32
  }
  func.func @transform_1(%arg0: i32) -> (i32, i32, i32) {
    %c0_i32 = arith.constant 0 : i32
    %c0_i32_0 = arith.constant 0 : i32
    %c0_i32_1 = arith.constant 0 : i32
    return %c0_i32, %arg0, %c0_i32_0 : i32, i32, i32
  }
  func.func @transform_2(%arg0: i32) -> (i32, i32) {
    %c0_i32 = arith.constant 0 : i32
    %c0_i32_0 = arith.constant 0 : i32
    return %arg0, %c0_i32 : i32, i32
  }
  func.func @transform_3(%arg0: i32) -> (i32, i32) {
    %c0_i32 = arith.constant 0 : i32
    %c0_i32_0 = arith.constant 0 : i32
    return %arg0, %c0_i32 : i32, i32
  }
  func.func @transform_4(%arg0: i32) -> (i32, i32) {
    %c0_i32 = arith.constant 0 : i32
    %c0_i32_0 = arith.constant 0 : i32
    %c0_i32_1 = arith.constant 0 : i32
    return %c0_i32, %c0_i32_0 : i32, i32
  }
  func.func @transform_5(%arg0: i32) -> (i32, i32) {
    %c0_i32 = arith.constant 0 : i32
    %c0_i32_0 = arith.constant 0 : i32
    %c0_i32_1 = arith.constant 0 : i32
    return %c0_i32, %c0_i32_0 : i32, i32
  }
  func.func @transform_6(%arg0: i32) -> (i32, i32) {
    %c0_i32 = arith.constant 0 : i32
    %c0_i32_0 = arith.constant 0 : i32
    %c0_i32_1 = arith.constant 0 : i32
    return %c0_i32, %c0_i32_0 : i32, i32
  }
  func.func @transform_7(%arg0: i32) -> (i32, i32) {
    %c0_i32 = arith.constant 0 : i32
    %c0_i32_0 = arith.constant 0 : i32
    return %arg0, %c0_i32 : i32, i32
  }
}

module attributes {stable_mosaic.version = 14 : i64} {
  func.func @_tc_final_body(%arg0: i32, %arg1: memref<2x400x128xf32, #tpu.memory_space<vmem>>, %arg2: memref<400x128xf32, #tpu.memory_space<vmem>>, %arg3: memref<400x1xf32, #tpu.memory_space<vmem>>, %arg4: memref<1x128xf32, #tpu.memory_space<vmem>>, %arg5: memref<400x128xf32, #tpu.memory_space<vmem>>) attributes {dimension_semantics = [#tpu.dimension_semantics<arbitrary>], iteration_bounds = array<i64: 25>, scalar_prefetch = 0 : i64, scratch_operands = 0 : i64, tpu.core_type = #tpu.core_type<tc>, window_params = [{transform_indices = @transform_0, window_bounds = array<i64: 2, 400, 128>}, {transform_indices = @transform_1, window_bounds = array<i64: 400, 128>}, {transform_indices = @transform_2, window_bounds = array<i64: 400, 1>}, {pipeline_mode = #tpu.pipeline_mode<synchronous>, transform_indices = @transform_3, window_bounds = array<i64: 1, 128>}, {transform_indices = @transform_4, window_bounds = array<i64: 400, 128>}]} {
    %get3A = arith.constant 0 : index
    %get3A_0 = arith.constant 0 : index
    %get3A_1 = vector.load %arg3[%get3A, %get3A_0] : memref<400x1xf32, #tpu.memory_space<vmem>>, vector<400x1xf32>
    %get3A_2 = arith.constant 0 : index
    %get3A_3 = arith.constant 0 : index
    %get3A_4 = arith.constant 0 : index
    %get3A_5 = vector.load %arg1[%get3A_2, %get3A_3, %get3A_4] : memref<2x400x128xf32, #tpu.memory_space<vmem>>, vector<1x400x128xf32>
    %get3A_6 = vector.shape_cast %get3A_5 : vector<1x400x128xf32> to vector<400x128xf32>
    %get3A_7 = arith.constant 1 : index
    %get3A_8 = arith.constant 0 : index
    %get3A_9 = arith.constant 0 : index
    %get3A_10 = vector.load %arg1[%get3A_7, %get3A_8, %get3A_9] : memref<2x400x128xf32, #tpu.memory_space<vmem>>, vector<1x400x128xf32>
    %get3A_11 = vector.shape_cast %get3A_10 : vector<1x400x128xf32> to vector<400x128xf32>
    %add3A = arith.addf %get3A_6, %get3A_11 : vector<400x128xf32>
    %get3A_12 = arith.constant 0 : index
    %get3A_13 = arith.constant 0 : index
    %get3A_14 = vector.load %arg2[%get3A_12, %get3A_13] : memref<400x128xf32, #tpu.memory_space<vmem>>, vector<400x128xf32>
    %add3A_15 = arith.addf %add3A, %get3A_14 : vector<400x128xf32>
    %mul3A = vector.broadcast %get3A_1 : vector<400x1xf32> to vector<400x128xf32>
    %mul3A_16 = arith.mulf %mul3A, %add3A_15 : vector<400x128xf32>
    %get3A_17 = arith.constant 0 : index
    %get3A_18 = arith.constant 0 : index
    %get3A_19 = vector.load %arg4[%get3A_17, %get3A_18] : memref<1x128xf32, #tpu.memory_space<vmem>>, vector<1x128xf32>
    %add3A_20 = vector.broadcast %get3A_19 : vector<1x128xf32> to vector<400x128xf32>
    %add3A_21 = arith.addf %mul3A_16, %add3A_20 : vector<400x128xf32>
    %swap3A = arith.constant 0 : index
    %swap3A_22 = arith.constant 0 : index
    %swap3A_23 = vector.load %arg5[%swap3A, %swap3A_22] : memref<400x128xf32, #tpu.memory_space<vmem>>, vector<400x128xf32>
    tpu.vector_store %arg5[%swap3A, %swap3A_22], %add3A_21 {strides = array<i32>} : memref<400x128xf32, #tpu.memory_space<vmem>>, vector<400x128xf32>,
    return
  }
  func.func @transform_0(%arg0: i32) -> (i32, i32, i32) {
    %c0_i32 = arith.constant 0 : i32
    %c0_i32_0 = arith.constant 0 : i32
    %c0_i32_1 = arith.constant 0 : i32
    return %c0_i32, %arg0, %c0_i32_0 : i32, i32, i32
  }
  func.func @transform_1(%arg0: i32) -> (i32, i32) {
    %c0_i32 = arith.constant 0 : i32
    %c0_i32_0 = arith.constant 0 : i32
    return %arg0, %c0_i32 : i32, i32
  }
  func.func @transform_2(%arg0: i32) -> (i32, i32) {
    %c0_i32 = arith.constant 0 : i32
    %c0_i32_0 = arith.constant 0 : i32
    return %arg0, %c0_i32 : i32, i32
  }
  func.func @transform_3(%arg0: i32) -> (i32, i32) {
    %c0_i32 = arith.constant 0 : i32
    %c0_i32_0 = arith.constant 0 : i32
    %c0_i32_1 = arith.constant 0 : i32
    return %c0_i32, %c0_i32_0 : i32, i32
  }
  func.func @transform_4(%arg0: i32) -> (i32, i32) {
    %c0_i32 = arith.constant 0 : i32
    %c0_i32_0 = arith.constant 0 : i32
    return %arg0, %c0_i32 : i32, i32
  }
}

</mosaic_0001>

<sc_bundles>
// kernel: kernel.11.cloned.1.call-start
scs
__scs_entry_jumppad:
0x0: {  	(pc) =	sbr.rel $0x88, $3  }
0x1: {  	(tag) =	ssettag $0x0;
	lr =	simm.s32 $0x1  }
0x2: {  	[smem:$0x3F99] =	sst lr;
	_ =	strace $0xD0000000  }
0x3: {  	_ = 	snop  }
0x4: {  	_ = 	snop  }
0x5: {  	_ = 	snop  }
0x6: {  	_ = 	snop  }
0x7: {  	_ = 	snop  }
__scs_overlays_trampoline_lowered:
0x8: {  	[smem:$0x3FA8] =	sst s0  }
0x9: {  	[smem:$0x3FA9] =	sst s1  }
0xa: {  	[smem:$0x3FAA] =	sst s2  }
0xb: {  	[smem:$0x3FAB] =	sst s3  }
0xc: {  	[smem:$0x3FAC] =	sst s4  }
0xd: {  	[smem:$0x3FAD] =	sst s5  }
0xe: {  	[smem:$0x3FAE] =	sst s6  }
0xf: {  	[smem:$0x3FAF] =	sst s7  }
0x10: {  	[smem:$0x3FB0] =	sst s8  }
0x11: {  	[smem:$0x3FB1] =	sst s9;
	s0 =	simm.s32 @!p0 $0x0  }
0x12: {  	s1 =	sld [smem:$0x3F97];
	s0 =	simm.s32 @p0 $0x1  }
0x13: {  	[smem:$0x3FB2] =	sst s0;
	s0 =	simm.s32 @!p1 $0x0  }
0x14: {  	s2 =	sld [smem:$0x3F96];
	s0 =	simm.s32 @p1 $0x1  }
0x15: {  	[smem:$0x3FB3] =	sst s0;
	s0 =	simm.s32 @!p2 $0x0  }
0x16: {  	s3 =	sld [smem:$0x3FDB];
	s0 =	simm.s32 @p2 $0x1  }
0x17: {  	s4 =	simm.s32 $0x1BF5;
	[smem:$0x3FB5] =	sst s0  }
0x18: {  	s0 =	sld [smem:$0x3F98];
	_ =	swait.ge [sflag:s4], $0x0  }
0x19: {  	s7 =	sld [smem:$0x3F99]  }
0x1a: {  	s8 =	sadd.s32 $0xFFFFE003, lr  }
0x1b: {  	s9 =	sadd.s32 $0xFFFFFEF7, lr;
	s5 =	simm.s32 $0xFFFFFFFF;
	p2 =	slt.u32 s8, $0xFFFFF086  }
0x1c: {  	p1 =	slt.u32 s9, $0xF7A;
	s5 =	simm.s32 @!p2 $0x0  }
0x1d: {  	s5 =	simm.s32 @p1 $0x1;
	p0 =	seq.s32 s7, s2  }
0x1e: {  	s7 =	smul.u32 @!p0 $0xF7A, s2;
	p2 =	seq.s32 @!p0 s5, $0x0  }
0x1f: {  	s9 =	smul.u32 $0xF7A, s1;
	s8 =	simm.s32 @!p0 $0x1BF5;
	p2 =	por !p2, p0  }
0x20: {  	[sflag:s8] =	ssyncset.s32 @!p0 $0xFFFFF086;
	s6 =	sadd.s32 @!p0 s3, s7;
	s7 =	simm.s32 @!p0 $0x108  }
0x21: {  	s3 =	sadd.s32 s3, s9;
	s6 =	sadd.s32 @!p0 $0x88, s6;
	s7 =	simm.s32 @p2 $0x1082  }
0x22: {  	[simem:s7], [sflag:s8] =	dma.local @!p0 [hbm:s6], $0xF7A  }
0x23: {  	s9 =	sor.u32 $0xD0000000, s2;
	s6 =	simm.s32 $0x108;
	_ =	swait.ge @!p0 [sflag:s8], $0x0  }
0x24: {  	s3 =	sadd.s32 $0x88, s3;
	s6 =	simm.s32 @!p1 $0x1082;
	[sflag:s4] =	ssyncset.s32 $0xFFFFF086  }
0x25: {  	[simem:s6], [sflag:s4] =	dma.local [hbm:s3], $0xF7A  }
0x26: {  	[smem:$0x3F99] =	sst s1;
	(tag) =	ssettag s2;
	_ =	strace s9  }
0x27: {  	s1 =	sld [smem:$0x3FA9]  }
0x28: {  	s2 =	sld [smem:$0x3FAA]  }
0x29: {  	s4 =	sld [smem:$0x3FAC]  }
0x2a: {  	p0 =	seq.s32 s5, $0x0;
	s5 =	sld [smem:$0x3FAD]  }
0x2b: {  	s6 =	sld [smem:$0x3FAE]  }
0x2c: {  	s7 =	sld [smem:$0x3FAF]  }
0x2d: {  	s3 =	simm.s32 $0x108;
	s8 =	sld [smem:$0x3FB0]  }
0x2e: {  	s3 =	simm.s32 @!p0 $0x1082;
	s9 =	sld [smem:$0x3FB1]  }
0x2f: {  	lr =	sadd.s32 s0, s3;
	s0 =	sld [smem:$0x3FA8]  }
0x30: {  	s3 =	sld [smem:$0x3FAB]  }
0x31: {  	[smem:$0x3FB4] =	sst s10  }
0x32: {  	s10 =	sld [smem:$0x3FB2];
	_ =	sdelay $0x3  }
0x33: {  	p0 =	seq.s32 s10, $0x1;
	s10 =	sld [smem:$0x3FB4];
	_ =	sdelay $0x3  }
0x34: {  	[smem:$0x3FB4] =	sst s10  }
0x35: {  	s10 =	sld [smem:$0x3FB3];
	_ =	sdelay $0x3  }
0x36: {  	p1 =	seq.s32 s10, $0x1;
	s10 =	sld [smem:$0x3FB4];
	_ =	sdelay $0x3  }
0x37: {  	[smem:$0x3FB4] =	sst s10  }
0x38: {  	s10 =	sld [smem:$0x3FB5]  }
0x39: {  	_ = 	snop;
	(pc) =	sbr.ind lr, $3  }
0x3a: {  	_ = 	snop  }
0x3b: {  	_ = 	snop  }
0x3c: {  	p2 =	seq.s32 s10, $0x1;
	s10 =	sld [smem:$0x3FB4]  }
0x3d: {  	_ =	shalt  }
0x3e: {  	_ =	shalt  }
0x3f: {  	_ =	shalt  }
0x40: {  	_ =	shalt  }
0x41: {  	_ =	shalt  }
0x42: {  	_ =	shalt  }
0x43: {  	_ =	shalt  }
0x44: {  	_ =	shalt  }
0x45: {  	_ =	shalt  }
0x46: {  	_ =	shalt  }
0x47: {  	_ =	shalt  }
0x48: {  	_ =	shalt  }
0x49: {  	_ =	shalt  }
0x4a: {  	_ =	shalt  }
0x4b: {  	_ =	shalt  }
0x4c: {  	_ =	shalt  }
0x4d: {  	_ =	shalt  }
0x4e: {  	_ =	shalt  }
0x4f: {  	_ =	shalt  }
0x50: {  	_ =	shalt  }
0x51: {  	_ =	shalt  }
0x52: {  	_ =	shalt  }
0x53: {  	_ =	shalt  }
0x54: {  	_ =	shalt  }
0x55: {  	_ =	shalt  }
0x56: {  	_ =	shalt  }
0x57: {  	_ =	shalt  }
0x58: {  	_ =	shalt  }
0x59: {  	_ =	shalt  }
0x5a: {  	_ =	shalt  }
0x5b: {  	_ =	shalt  }
0x5c: {  	_ =	shalt  }
0x5d: {  	_ =	shalt  }
0x5e: {  	_ =	shalt  }
0x5f: {  	_ =	shalt  }
0x60: {  	_ =	shalt  }
0x61: {  	_ =	shalt  }
0x62: {  	_ =	shalt  }
0x63: {  	_ =	shalt  }
0x64: {  	_ =	shalt  }
0x65: {  	_ =	shalt  }
0x66: {  	_ =	shalt  }
0x67: {  	_ =	shalt  }
0x68: {  	_ =	shalt  }
0x69: {  	_ =	shalt  }
0x6a: {  	_ =	shalt  }
0x6b: {  	_ =	shalt  }
0x6c: {  	_ =	shalt  }
0x6d: {  	_ =	shalt  }
0x6e: {  	_ =	shalt  }
0x6f: {  	_ =	shalt  }
0x70: {  	_ =	shalt  }
0x71: {  	_ =	shalt  }
0x72: {  	_ =	shalt  }
0x73: {  	_ =	shalt  }
0x74: {  	_ =	shalt  }
0x75: {  	_ =	shalt  }
0x76: {  	_ =	shalt  }
0x77: {  	_ =	shalt  }
0x78: {  	_ =	shalt  }
0x79: {  	_ =	shalt  }
0x7a: {  	_ =	shalt  }
0x7b: {  	_ =	shalt  }
0x7c: {  	_ =	shalt  }
0x7d: {  	_ =	shalt  }
0x7e: {  	_ =	shalt  }
0x7f: {  	_ =	shalt  }
0x80: {  	_ =	shalt  }
0x81: {  	_ =	shalt  }
0x82: {  	_ =	shalt  }
0x83: {  	_ =	shalt  }
0x84: {  	_ =	shalt  }
0x85: {  	_ =	shalt  }
0x86: {  	_ =	shalt  }
0x87: {  	_ =	shalt  }
.Lfunc_end0:
.L_simem_size_0:
called_computation_lowered:
.L_overlay_start_0:
0x88: {  	s2 =	sld [smem:$0x3FD9]  }
0x89: {  	s3 =	sld [smem:$0x3FFE];
	_ =	sdelay $0x1  }
0x8a: {  	s1 =	srdreg.scid  }
0x8b: {  	s0 =	sand.u32 $0x1, s1  }
0x8c: {  	s16 =	sshll.u32 s0, $0xA;
	s2 =	sadd.s32 s3, s2  }
0x8d: {  	s2 =	sadd.s32 s2, s16  }
0x8e: {  	[smem:$0x3FC0] =	sst s2  }
0x8f: {  	_ = 	snop  }
0x90: {  	(tm) =	ssettm $0x1  }
0x91: {  	s17 =	sld [smem:$0x3FFB];
	_ =	sdelay $0x3  }
0x92: {  	_ =	strace s17  }
0x93: {  	s2 =	sld [smem:$0x3FFC];
	_ =	sdelay $0x3  }
0x94: {  	_ =	strace s2  }
0x95: {  	s2 =	sld [smem:$0x3FFD];
	_ =	sdelay $0x3  }
0x96: {  	_ =	strace s2  }
0x97: {  	_ =	strace $0x8FFFFFFF  }
0x98: {  	s18 =	sld [smem:$0x3FDB];
	_ =	sdelay $0x1  }
0x99: {  	s19 =	simm.s32 $_scs_section_size  }
0x9a: {  	s4 =	simm.s32 $_size__tile_overlayer_lowered;
	s5 =	simm.s32 $_tile_overlayer_lowered  }
0x9b: {  	s22 =	simm.s32 $0x1BFF;
	s21 =	sshll.u32 s5, $0x1;
	s2 =	sadd.s32 s19, s18  }
0x9c: {  	s6 =	simm.s32 $0x0;
	s20 =	sshll.u32 s4, $0x1;
	s4 =	sadd.s32 s21, s2  }
0x9d: {  	[timem:s6], [sflag:s22] =	dma.local [hbm:s4], s20  }
0x9e: {  	_ =	swait.ge [sflag:s22], s20  }
0x9f: {  	s3 =	ssub.s32 $0x0, s20;
	[sflag:s22] =	ssyncset.done $0x0  }
0xa0: {  	[sflag:s22] =	ssyncadd.s32 s3;
	_ =	sdelay $0x1  }
0xa1: {  	s23 =	simm.s32 $0x1B8B  }
0xa2: {  	_ =	swait.ge [sflag:s23], $0x1  }
0xa3: {  	[sflag:s23] =	ssyncset.done $0x0  }
0xa4: {  	s25 =	simm.s32 $0x1B8E;
	s24 =	sld [smem:$0x3FFE];
	[sflag:s23] =	ssyncadd.s32 $0xFFFFFFFF  }
0xa5: {  	s26 =	simm.s32 $execute0_lowered;
	[smem:$0x3FD2] =	sst s25  }
0xa6: {  	s4 =	sshll.u32 s26, $0x1;
	_ =	strace $0x80000046;
	[dreg:$0x1] =	wrdreg $0xFFFFFFFF  }
0xa7: {  	s28 =	simm.s32 $_size_execute0_lowered;
	s2 =	sadd.s32 s2, s4;
	[dreg:$0x0] =	wrdreg $0x0  }
0xa8: {  	s4 =	sshll.u32 s28, $0x1;
	[dreg:$0x2] =	wrdreg s2  }
0xa9: {  	[dreg:$0x3] =	wrdreg s4  }
0xaa: {  	[dreg:$0x4] =	wrdreg $0xC0  }
0xab: {  	_ =	task [dreg:s6], $0x5FFFF  }
0xac: {  	[dreg:$0x1] =	wrdreg $0xFFFFFFFF  }
0xad: {  	[dreg:$0x0] =	wrdreg $0x60  }
0xae: {  	[dreg:$0x2] =	wrdreg s24  }
0xaf: {  	[dreg:$0x3] =	wrdreg $0x68000  }
0xb0: {  	[dreg:$0x4] =	wrdreg $0x9  }
0xb1: {  	_ =	task.clear_ibuf [dreg:s6], $0x5FFFF;
	_ =	strace $0x90000046  }
0xb2: {  	s29 =	simm.s32 $0x9;
	_ =	strace $0x80000048  }
0xb3: {  	_ =	swait.ge [sflag:s29], $0x1  }
0xb4: {  	[sflag:s29] =	ssyncadd.s32 $0xFFFFFFFF  }
0xb5: {  	_ =	strace $0x90000048  }
0xb6: {  	_ =	sfence  }
0xb7: {  	s30 =	sld [smem:$0x0];
	_ =	sdelay $0x2  }
0xb8: {  	s31 =	sshll.u32 s1, $0xD;
	s1 =	sshrl.u32 s1, $0x2  }
0xb9: {  	s3 =	sand.u32 $0x4000, s31;
	s1 =	sadd.s32 s1, s30  }
0xba: {  	s0 =	sor.u32 s3, s0;
	s1 =	sshll.u32 s1, $0x11  }
0xbb: {  	s0 =	sor.u32 s1, s0  }
0xbc: {  	s0 =	sadd.s32 $0x8F2B, s0  }
0xbd: {  	[sflag:s0] =	ssyncadd.remote.s32 $0x1  }
0xbe: {  	_ =	sfence.sel $0xFFFF  }
0xbf: {  	[dreg:$0x0] =	wrdreg $0xFFFFFFFF;
	(pc) =	sbr.abs _section_cstart, $3  }
0xc0: {  	[dreg:$0x1] =	wrdreg $0xFFFFFFFF  }
0xc1: {  	_ =	task.clear_ibuf [dreg:s6], $0x2FFFF;
	_ =	strace $0x9FFFFFFF  }
0xc2: {  	(tm) =	ssettm $0x7FFFFFFF  }
0xc3: {  	_ =	shalt  }
tec
execute0_lowered:
.L_overlay_start_1:
0x0: {  	(tag) =	ssettag $0x1  }
0x1: {  	s4 =	rddreg [dreg:$0x0]  }
0x2: {  	s2 =	rddreg [dreg:$0x1]  }
0x3: {  	s0 =	rddreg [dreg:$0x2]  }
0x4: {  	s3 =	simm.s32 $0x0;
	s5 =	srdreg.scid;
	s1 =	stileid.u32  }
0x5: {  	s25 =	simm.s32 $0x0;
	[smem:$0x7FF] =	sst s3;
	s28 =	smul.u32 $0x50000, s1  }
0x6: {  	s9 =	sand.u32 $0x1, s5;
	s12 =	smul.u32 $0x14000, s1;
	s20 =	sadd.s32 $0x13200, s4  }
0x7: {  	s24 =	sshll.u32 s1, $0xC;
	_ =	strace $0x80000047;
	s6 =	sshll.u32 s9, $0xB  }
0x8: {  	s29 =	ssub.s32 $0x2, s9;
	s22 =	smul.u32 $0x140000, s9;
	s13 =	sadd.s32 s6, s4  }
0x9: {  	s30 =	sshrl.u32 s29, $0x1;
	s5 =	sshrl.u32 s28, $0x2;
	s14 =	sor.u32 $0x2800, s12  }
0xa: {  	s15 =	sadd.s32 $0x5000, s12;
	s16 =	sadd.s32 $0x7800, s12;
	s17 =	sadd.s32 $0xA000, s12  }
0xb: {  	s18 =	sadd.s32 $0xC800, s12;
	s19 =	sadd.s32 $0xF000, s12;
	s23 =	sadd.s32 $0x11800, s12  }
0xc: {  	s21 =	ssub.s32 s29, s30;
	s4 =	sadd.s32 s5, s2;
	s5 =	sadd.s32 s14, s2  }
0xd: {  	s6 =	sadd.s32 s15, s2;
	s7 =	sadd.s32 s16, s2;
	s8 =	sadd.s32 s17, s2  }
0xe: {  	s9 =	sadd.s32 s18, s2;
	s10 =	sadd.s32 s19, s2;
	s11 =	sadd.s32 s23, s2  }
0xf: {  	s12 =	sadd.s32 s12, s22;
	s13 =	sadd.s32 s24, s13;
	s14 =	sadd.s32 s22, s14  }
0x10: {  	s15 =	sadd.s32 s22, s15;
	s16 =	sadd.s32 s22, s16;
	s17 =	sadd.s32 s22, s17  }
0x11: {  	s18 =	sadd.s32 s22, s18;
	s19 =	sadd.s32 s22, s19;
	s22 =	sadd.s32 s22, s23  }
0x12: {  	s23 =	simm.s32 $0x1;
	s24 =	simm.s32 $0x50;
	s31 =	sshrl.u32 s12, $0x3  }
0x13: {  	s12 =	sadd.s32 $0x3200, s13;
	s14 =	sshrl.u32 s14, $0x3;
	s15 =	sshrl.u32 s15, $0x3  }
0x14: {  	s16 =	sshrl.u32 s16, $0x3;
	s17 =	sshrl.u32 s17, $0x3;
	s18 =	sshrl.u32 s18, $0x3  }
0x15: {  	s19 =	sshrl.u32 s19, $0x3;
	s22 =	sshrl.u32 s22, $0x3;
	s21 =	smax.u32 s21, $0x1  }
0x16: {  	s13 =	sadd.s32 s20, s31;
	s14 =	sadd.s32 s20, s14;
	s15 =	sadd.s32 s20, s15  }
0x17: {  	s16 =	sadd.s32 s20, s16;
	s17 =	sadd.s32 s20, s17;
	s18 =	sadd.s32 s20, s18  }
0x18: {  	v0 =	vimm.f32 $0.0e+00;
	v1 =	vimm.f32 $1.000000000e+00;
	s19 =	sadd.s32 s20, s19;
	s20 =	sadd.s32 s20, s22;
	s22 =	simm.s32 $0x4000  }
.LBB2_1:
0x19: {  	s26 =	simm.s32 $0x0;
	s28 =	simm.s32 $0x200  }
.LBB2_2:
0x1a: {  	p0 =	sne.s32 s28, $0x9E00;
	[tilespmem:s26+$0x4070] =	vst v0  }
0x1b: {  	[tilespmem:s26+$0x4000] =	vst v0  }
0x1c: {  	[tilespmem:s26+$0x4010] =	vst v0  }
.Ltmp0:
0x1d: {  	[tilespmem:s26+$0x4020] =	vst v0;
	(pc) =	sbr.rel @p0 .LBB2_2-.Ltmp0, $4  }
0x1e: {  	[tilespmem:s26+$0x4030] =	vst v0  }
0x1f: {  	[tilespmem:s26+$0x4040] =	vst v0  }
0x20: {  	[tilespmem:s26+$0x4050] =	vst v0  }
0x21: {  	[tilespmem:s26+$0x4060] =	vst v0;
	s26 =	sshra.s32 s28, $0x2;
	s28 =	sadd.s32 $0x200, s28  }
0x22: {  	[tilespmem:s26+$0x4070] =	vst v0  }
0x23: {  	[tilespmem:s26+$0x4000] =	vst v0  }
0x24: {  	[tilespmem:s26+$0x4010] =	vst v0  }
0x25: {  	[tilespmem:s26+$0x4020] =	vst v0  }
0x26: {  	[tilespmem:s26+$0x4030] =	vst v0  }
0x27: {  	[tilespmem:s26+$0x4040] =	vst v0  }
0x28: {  	[tilespmem:s26+$0x4050] =	vst v0  }
0x29: {  	[tilespmem:s26+$0x4060] =	vst v0  }
0x2a: {  	[spmem:s4] =	stream.linear.scatter [tilespmem:s22], [sflag:$0x1], $0x2800, $0x38;
	[tilespmem:$0x1A800] =	vst v63  }
0x2b: {  	_ =	swait.ge [sflag:s23], $0x2800  }
0x2c: {  	[sflag:s23] =	ssyncset.done $0x0  }
0x2d: {  	[sflag:s23] =	ssyncadd.s32 $0xFFFFD800  }
0x2e: {  	[spmem:s5] =	stream.linear.scatter [tilespmem:s22], [sflag:$0x1], $0x2800, $0x38;
	[tilespmem:$0x1A800] =	vst v63  }
0x2f: {  	_ =	swait.ge [sflag:s23], $0x2800  }
0x30: {  	[sflag:s23] =	ssyncset.done $0x0  }
0x31: {  	[sflag:s23] =	ssyncadd.s32 $0xFFFFD800  }
0x32: {  	[spmem:s6] =	stream.linear.scatter [tilespmem:s22], [sflag:$0x1], $0x2800, $0x38;
	[tilespmem:$0x1A800] =	vst v63  }
0x33: {  	_ =	swait.ge [sflag:s23], $0x2800  }
0x34: {  	[sflag:s23] =	ssyncset.done $0x0  }
0x35: {  	[sflag:s23] =	ssyncadd.s32 $0xFFFFD800  }
0x36: {  	[spmem:s7] =	stream.linear.scatter [tilespmem:s22], [sflag:$0x1], $0x2800, $0x38;
	[tilespmem:$0x1A800] =	vst v63  }
0x37: {  	_ =	swait.ge [sflag:s23], $0x2800  }
0x38: {  	[sflag:s23] =	ssyncset.done $0x0  }
0x39: {  	[sflag:s23] =	ssyncadd.s32 $0xFFFFD800  }
0x3a: {  	[spmem:s8] =	stream.linear.scatter [tilespmem:s22], [sflag:$0x1], $0x2800, $0x38;
	[tilespmem:$0x1A800] =	vst v63  }
0x3b: {  	_ =	swait.ge [sflag:s23], $0x2800  }
0x3c: {  	[sflag:s23] =	ssyncset.done $0x0  }
0x3d: {  	[sflag:s23] =	ssyncadd.s32 $0xFFFFD800  }
0x3e: {  	[spmem:s9] =	stream.linear.scatter [tilespmem:s22], [sflag:$0x1], $0x2800, $0x38;
	[tilespmem:$0x1A800] =	vst v63  }
0x3f: {  	_ =	swait.ge [sflag:s23], $0x2800  }
0x40: {  	[sflag:s23] =	ssyncset.done $0x0  }
0x41: {  	[sflag:s23] =	ssyncadd.s32 $0xFFFFD800  }
0x42: {  	[spmem:s10] =	stream.linear.scatter [tilespmem:s22], [sflag:$0x1], $0x2800, $0x38;
	[tilespmem:$0x1A800] =	vst v63  }
0x43: {  	_ =	swait.ge [sflag:s23], $0x2800  }
0x44: {  	[sflag:s23] =	ssyncset.done $0x0  }
0x45: {  	[sflag:s23] =	ssyncadd.s32 $0xFFFFD800  }
0x46: {  	[spmem:s11] =	stream.linear.scatter [tilespmem:s22], [sflag:$0x1], $0x2800, $0x38;
	[tilespmem:$0x1A800] =	vst v63  }
0x47: {  	_ =	swait.ge [sflag:s23], $0x2800  }
0x48: {  	[sflag:s23] =	ssyncset.done $0x0  }
0x49: {  	[sflag:s23] =	ssyncadd.s32 $0xFFFFD800  }
0x4a: {  	s26 =	simm.s32 $0x0;
	s28 =	simm.s32 $0x200;
	[bflag:$0x0] =	sbarrier.arrive $0xFFFF  }
.LBB2_4:
0x4b: {  	p0 =	sne.s32 s28, $0x9E00;
	[tilespmem:s26+$0x4070] =	vst v1  }
0x4c: {  	[tilespmem:s26+$0x4000] =	vst v1  }
0x4d: {  	[tilespmem:s26+$0x4010] =	vst v1  }
.Ltmp1:
0x4e: {  	[tilespmem:s26+$0x4020] =	vst v1;
	(pc) =	sbr.rel @p0 .LBB2_4-.Ltmp1, $4  }
0x4f: {  	[tilespmem:s26+$0x4030] =	vst v1  }
0x50: {  	[tilespmem:s26+$0x4040] =	vst v1  }
0x51: {  	[tilespmem:s26+$0x4050] =	vst v1  }
0x52: {  	[tilespmem:s26+$0x4060] =	vst v1;
	s26 =	sshra.s32 s28, $0x2;
	s28 =	sadd.s32 $0x200, s28  }
0x53: {  	[tilespmem:s26+$0x4070] =	vst v1  }
0x54: {  	[tilespmem:s26+$0x4000] =	vst v1  }
0x55: {  	[tilespmem:s26+$0x4010] =	vst v1  }
0x56: {  	[tilespmem:s26+$0x4020] =	vst v1  }
0x57: {  	[tilespmem:s26+$0x4030] =	vst v1  }
0x58: {  	[tilespmem:s26+$0x4040] =	vst v1  }
0x59: {  	[tilespmem:s26+$0x4050] =	vst v1  }
0x5a: {  	[tilespmem:s26+$0x4060] =	vst v1;
	s30 =	simm.s32 $0x0  }
0x5b: {  	[tilespmem:s30], [sflag:$0x1] =	stream.linear.gather [hbm4b:s12+s30], $0x3E80, $0x38;
	[tilespmem:$0x1A800] =	vst v63  }
0x5c: {  	_ =	swait.ge [sflag:s23], $0x3E80  }
0x5d: {  	[sflag:s23] =	ssyncset.done $0x0  }
0x5e: {  	s31 =	simm.s32 $0x0;
	[sflag:s23] =	ssyncadd.s32 $0xFFFFC180  }
0x5f: {  	[spmem:s2] =	stream.indirect.scatter.add.f32 [tilespmem:s22], [sflag:$0x1], $0x80, s31, s24, $0xb8;
	[tilespmem:$0x1A800] =	vst v63  }
0x60: {  	_ =	swait.ge [sflag:s23], $0x2800  }
0x61: {  	s26 =	simm.s32 $0x200;
	[sflag:s23] =	ssyncset.done $0x0  }
.LBB2_6:
0x62: {  	s28 =	sshra.s32 s26, $0x2;
	[sflag:s23] =	ssyncadd.s32 $0xFFFFD800;
	p0 =	sne.s32 s26, $0xF800  }
0x63: {  	[spmem:s2] =	stream.indirect.scatter.add.f32 [tilespmem:s22], [sflag:$0x1], $0x80, s28, s24, $0xb8;
	[tilespmem:$0x1A800] =	vst v63  }
.Ltmp2:
0x64: {  	_ = 	snop;
	(pc) =	sbr.rel @p0 .LBB2_6-.Ltmp2, $4  }
0x65: {  	_ = 	snop  }
0x66: {  	s26 =	sadd.s32 $0x200, s26  }
0x67: {  	_ =	swait.ge [sflag:s23], $0x2800  }
0x68: {  	[sflag:s23] =	ssyncset.done $0x0  }
0x69: {  	[sflag:s23] =	ssyncadd.s32 $0xFFFFD800  }
0x6a: {  	[bflag:$0x0] =	sbarrier.arrive $0xFFFF  }
0x6b: {  	[tilespmem:s22], [sflag:$0x1] =	stream.linear.gather [spmem:s4], $0x2800, $0x38;
	[tilespmem:$0x1A800] =	vst v63  }
0x6c: {  	_ =	swait.ge [sflag:s23], $0x2800  }
0x6d: {  	[sflag:s23] =	ssyncset.done $0x0  }
0x6e: {  	[sflag:s23] =	ssyncadd.s32 $0xFFFFD800  }
0x6f: {  	[hbm4b:s13+s3] =	stream.linear.scatter [tilespmem:s22], [sflag:$0x1], $0x2800, $0x38;
	[tilespmem:$0x1A800] =	vst v63  }
0x70: {  	_ =	swait.ge [sflag:s23], $0x2800  }
0x71: {  	[sflag:s23] =	ssyncset.done $0x0  }
0x72: {  	[sflag:s23] =	ssyncadd.s32 $0xFFFFD800  }
0x73: {  	[tilespmem:s22], [sflag:$0x1] =	stream.linear.gather [spmem:s5], $0x2800, $0x38;
	[tilespmem:$0x1A800] =	vst v63  }
0x74: {  	_ =	swait.ge [sflag:s23], $0x2800  }
0x75: {  	[sflag:s23] =	ssyncset.done $0x0  }
0x76: {  	[sflag:s23] =	ssyncadd.s32 $0xFFFFD800  }
0x77: {  	[hbm4b:s14+s3] =	stream.linear.scatter [tilespmem:s22], [sflag:$0x1], $0x2800, $0x38;
	[tilespmem:$0x1A800] =	vst v63  }
0x78: {  	_ =	swait.ge [sflag:s23], $0x2800  }
0x79: {  	[sflag:s23] =	ssyncset.done $0x0  }
0x7a: {  	[sflag:s23] =	ssyncadd.s32 $0xFFFFD800  }
0x7b: {  	[tilespmem:s22], [sflag:$0x1] =	stream.linear.gather [spmem:s6], $0x2800, $0x38;
	[tilespmem:$0x1A800] =	vst v63  }
0x7c: {  	_ =	swait.ge [sflag:s23], $0x2800  }
0x7d: {  	[sflag:s23] =	ssyncset.done $0x0  }
0x7e: {  	[sflag:s23] =	ssyncadd.s32 $0xFFFFD800  }
0x7f: {  	[hbm4b:s15+s3] =	stream.linear.scatter [tilespmem:s22], [sflag:$0x1], $0x2800, $0x38;
	[tilespmem:$0x1A800] =	vst v63  }
0x80: {  	_ =	swait.ge [sflag:s23], $0x2800  }
0x81: {  	[sflag:s23] =	ssyncset.done $0x0  }
0x82: {  	[sflag:s23] =	ssyncadd.s32 $0xFFFFD800  }
0x83: {  	[tilespmem:s22], [sflag:$0x1] =	stream.linear.gather [spmem:s7], $0x2800, $0x38;
	[tilespmem:$0x1A800] =	vst v63  }
0x84: {  	_ =	swait.ge [sflag:s23], $0x2800  }
0x85: {  	[sflag:s23] =	ssyncset.done $0x0  }
0x86: {  	[sflag:s23] =	ssyncadd.s32 $0xFFFFD800  }
0x87: {  	[hbm4b:s16+s3] =	stream.linear.scatter [tilespmem:s22], [sflag:$0x1], $0x2800, $0x38;
	[tilespmem:$0x1A800] =	vst v63  }
0x88: {  	_ =	swait.ge [sflag:s23], $0x2800  }
0x89: {  	[sflag:s23] =	ssyncset.done $0x0  }
0x8a: {  	[sflag:s23] =	ssyncadd.s32 $0xFFFFD800  }
0x8b: {  	[tilespmem:s22], [sflag:$0x1] =	stream.linear.gather [spmem:s8], $0x2800, $0x38;
	[tilespmem:$0x1A800] =	vst v63  }
0x8c: {  	_ =	swait.ge [sflag:s23], $0x2800  }
0x8d: {  	[sflag:s23] =	ssyncset.done $0x0  }
0x8e: {  	[sflag:s23] =	ssyncadd.s32 $0xFFFFD800  }
0x8f: {  	[hbm4b:s17+s3] =	stream.linear.scatter [tilespmem:s22], [sflag:$0x1], $0x2800, $0x38;
	[tilespmem:$0x1A800] =	vst v63  }
0x90: {  	_ =	swait.ge [sflag:s23], $0x2800  }
0x91: {  	[sflag:s23] =	ssyncset.done $0x0  }
0x92: {  	[sflag:s23] =	ssyncadd.s32 $0xFFFFD800  }
0x93: {  	[tilespmem:s22], [sflag:$0x1] =	stream.linear.gather [spmem:s9], $0x2800, $0x38;
	[tilespmem:$0x1A800] =	vst v63  }
0x94: {  	_ =	swait.ge [sflag:s23], $0x2800  }
0x95: {  	[sflag:s23] =	ssyncset.done $0x0  }
0x96: {  	[sflag:s23] =	ssyncadd.s32 $0xFFFFD800  }
0x97: {  	[hbm4b:s18+s3] =	stream.linear.scatter [tilespmem:s22], [sflag:$0x1], $0x2800, $0x38;
	[tilespmem:$0x1A800] =	vst v63  }
0x98: {  	_ =	swait.ge [sflag:s23], $0x2800  }
0x99: {  	[sflag:s23] =	ssyncset.done $0x0  }
0x9a: {  	[sflag:s23] =	ssyncadd.s32 $0xFFFFD800  }
0x9b: {  	[tilespmem:s22], [sflag:$0x1] =	stream.linear.gather [spmem:s10], $0x2800, $0x38;
	[tilespmem:$0x1A800] =	vst v63  }
0x9c: {  	_ =	swait.ge [sflag:s23], $0x2800  }
0x9d: {  	[sflag:s23] =	ssyncset.done $0x0  }
0x9e: {  	[sflag:s23] =	ssyncadd.s32 $0xFFFFD800  }
0x9f: {  	[hbm4b:s19+s3] =	stream.linear.scatter [tilespmem:s22], [sflag:$0x1], $0x2800, $0x38;
	[tilespmem:$0x1A800] =	vst v63  }
0xa0: {  	_ =	swait.ge [sflag:s23], $0x2800  }
0xa1: {  	[sflag:s23] =	ssyncset.done $0x0  }
0xa2: {  	[sflag:s23] =	ssyncadd.s32 $0xFFFFD800  }
0xa3: {  	[tilespmem:s22], [sflag:$0x1] =	stream.linear.gather [spmem:s11], $0x2800, $0x38;
	[tilespmem:$0x1A800] =	vst v63  }
0xa4: {  	s25 =	sadd.s32 $0x1, s25;
	_ =	swait.ge [sflag:s23], $0x2800  }
0xa5: {  	p0 =	sne.s32 s25, s21;
	[sflag:s23] =	ssyncset.done $0x0  }
.Ltmp3:
0xa6: {  	[sflag:s23] =	ssyncadd.s32 $0xFFFFD800;
	(pc) =	sbr.rel @p0 .LBB2_1-.Ltmp3, $4  }
0xa7: {  	[hbm4b:s20+s3] =	stream.linear.scatter [tilespmem:s22], [sflag:$0x1], $0x2800, $0x38;
	[tilespmem:$0x1A800] =	vst v63  }
0xa8: {  	_ =	swait.ge [sflag:s23], $0x2800  }
0xa9: {  	[sflag:s23] =	ssyncset.done $0x0  }
0xaa: {  	[sflag:s23] =	ssyncadd.s32 $0xFFFFD800  }
0xab: {  	_ =	sfence.sel $0x180000  }
0xac: {  	[bflag:$0x0] =	sbarrier.arrive $0xFFFF  }
0xad: {  	p0 =	sne.s32 s1, $0x0;
	_ =	strace $0x90000047  }
0xae: {  	s0 =	sadd.s32 @!p0 $0x100000, s0;
	[bflag:$0x2] =	sbarrier.arrive $0xFFFF  }
0xaf: {  	[sflag:s0] =	ssyncadd.tile.s32 @!p0 $0x1;
	_ =	shalt  }
.Lfunc_end2:
_tile_overlayer_lowered:
.L_overlay_start_2:
0xb0: {  	(tag) =	ssettag $0x2  }
0xb1: {  	s0 =	rddreg [dreg:$0x0];
	s2 =	stileid.u32  }
0xb2: {  	s1 =	rddreg [dreg:$0x1];
	p0 =	sne.s32 s2, $0x0  }
0xb3: {  	s3 =	rddreg [dreg:$0x2];
	[bflag:$0x3] =	sbarrier.arrive $0xFFFF;
	s2 =	simm.s32 @!p0 $0x1C01  }
0xb4: {  	[timem:s3], [sflag:s2] =	dma.local @!p0 [hbm:s0], s1  }
0xb5: {  	s0 =	simm.s32 @!p0 $0x1  }
0xb6: {  	_ =	swait.ge @!p0 [sflag:s0], s1  }
0xb7: {  	s1 =	ssub.s32 @!p0 $0x0, s1;
	[sflag:s0] =	ssyncset.done @!p0 $0x0  }
0xb8: {  	[sflag:s0] =	ssyncadd.s32 @!p0 s1  }
0xb9: {  	[bflag:$0x3] =	sbarrier.arrive $0xFFFF  }
0xba: {  	_ =	shalt  }

// kernel: kernel.14.cloned.1.call-start
scs
__scs_entry_jumppad:
0x0: {  	(pc) =	sbr.rel $0x88, $3  }
0x1: {  	(tag) =	ssettag $0x0;
	lr =	simm.s32 $0x1  }
0x2: {  	[smem:$0x3F99] =	sst lr;
	_ =	strace $0xD0000000  }
0x3: {  	_ = 	snop  }
0x4: {  	_ = 	snop  }
0x5: {  	_ = 	snop  }
0x6: {  	_ = 	snop  }
0x7: {  	_ = 	snop  }
__scs_overlays_trampoline_lowered:
0x8: {  	[smem:$0x3FA8] =	sst s0  }
0x9: {  	[smem:$0x3FA9] =	sst s1  }
0xa: {  	[smem:$0x3FAA] =	sst s2  }
0xb: {  	[smem:$0x3FAB] =	sst s3  }
0xc: {  	[smem:$0x3FAC] =	sst s4  }
0xd: {  	[smem:$0x3FAD] =	sst s5  }
0xe: {  	[smem:$0x3FAE] =	sst s6  }
0xf: {  	[smem:$0x3FAF] =	sst s7  }
0x10: {  	[smem:$0x3FB0] =	sst s8  }
0x11: {  	[smem:$0x3FB1] =	sst s9;
	s0 =	simm.s32 @!p0 $0x0  }
0x12: {  	s1 =	sld [smem:$0x3F97];
	s0 =	simm.s32 @p0 $0x1  }
0x13: {  	[smem:$0x3FB2] =	sst s0;
	s0 =	simm.s32 @!p1 $0x0  }
0x14: {  	s2 =	sld [smem:$0x3F96];
	s0 =	simm.s32 @p1 $0x1  }
0x15: {  	[smem:$0x3FB3] =	sst s0;
	s0 =	simm.s32 @!p2 $0x0  }
0x16: {  	s3 =	sld [smem:$0x3FDB];
	s0 =	simm.s32 @p2 $0x1  }
0x17: {  	s4 =	simm.s32 $0x1BF5;
	[smem:$0x3FB5] =	sst s0  }
0x18: {  	s0 =	sld [smem:$0x3F98];
	_ =	swait.ge [sflag:s4], $0x0  }
0x19: {  	s7 =	sld [smem:$0x3F99]  }
0x1a: {  	s8 =	sadd.s32 $0xFFFFE003, lr  }
0x1b: {  	s9 =	sadd.s32 $0xFFFFFEF7, lr;
	s5 =	simm.s32 $0xFFFFFFFF;
	p2 =	slt.u32 s8, $0xFFFFF086  }
0x1c: {  	p1 =	slt.u32 s9, $0xF7A;
	s5 =	simm.s32 @!p2 $0x0  }
0x1d: {  	s5 =	simm.s32 @p1 $0x1;
	p0 =	seq.s32 s7, s2  }
0x1e: {  	s7 =	smul.u32 @!p0 $0xF7A, s2;
	p2 =	seq.s32 @!p0 s5, $0x0  }
0x1f: {  	s9 =	smul.u32 $0xF7A, s1;
	s8 =	simm.s32 @!p0 $0x1BF5;
	p2 =	por !p2, p0  }
0x20: {  	[sflag:s8] =	ssyncset.s32 @!p0 $0xFFFFF086;
	s6 =	sadd.s32 @!p0 s3, s7;
	s7 =	simm.s32 @!p0 $0x108  }
0x21: {  	s3 =	sadd.s32 s3, s9;
	s6 =	sadd.s32 @!p0 $0x88, s6;
	s7 =	simm.s32 @p2 $0x1082  }
0x22: {  	[simem:s7], [sflag:s8] =	dma.local @!p0 [hbm:s6], $0xF7A  }
0x23: {  	s9 =	sor.u32 $0xD0000000, s2;
	s6 =	simm.s32 $0x108;
	_ =	swait.ge @!p0 [sflag:s8], $0x0  }
0x24: {  	s3 =	sadd.s32 $0x88, s3;
	s6 =	simm.s32 @!p1 $0x1082;
	[sflag:s4] =	ssyncset.s32 $0xFFFFF086  }
0x25: {  	[simem:s6], [sflag:s4] =	dma.local [hbm:s3], $0xF7A  }
0x26: {  	[smem:$0x3F99] =	sst s1;
	(tag) =	ssettag s2;
	_ =	strace s9  }
0x27: {  	s1 =	sld [smem:$0x3FA9]  }
0x28: {  	s2 =	sld [smem:$0x3FAA]  }
0x29: {  	s4 =	sld [smem:$0x3FAC]  }
0x2a: {  	p0 =	seq.s32 s5, $0x0;
	s5 =	sld [smem:$0x3FAD]  }
0x2b: {  	s6 =	sld [smem:$0x3FAE]  }
0x2c: {  	s7 =	sld [smem:$0x3FAF]  }
0x2d: {  	s3 =	simm.s32 $0x108;
	s8 =	sld [smem:$0x3FB0]  }
0x2e: {  	s3 =	simm.s32 @!p0 $0x1082;
	s9 =	sld [smem:$0x3FB1]  }
0x2f: {  	lr =	sadd.s32 s0, s3;
	s0 =	sld [smem:$0x3FA8]  }
0x30: {  	s3 =	sld [smem:$0x3FAB]  }
0x31: {  	[smem:$0x3FB4] =	sst s10  }
0x32: {  	s10 =	sld [smem:$0x3FB2];
	_ =	sdelay $0x3  }
0x33: {  	p0 =	seq.s32 s10, $0x1;
	s10 =	sld [smem:$0x3FB4];
	_ =	sdelay $0x3  }
0x34: {  	[smem:$0x3FB4] =	sst s10  }
0x35: {  	s10 =	sld [smem:$0x3FB3];
	_ =	sdelay $0x3  }
0x36: {  	p1 =	seq.s32 s10, $0x1;
	s10 =	sld [smem:$0x3FB4];
	_ =	sdelay $0x3  }
0x37: {  	[smem:$0x3FB4] =	sst s10  }
0x38: {  	s10 =	sld [smem:$0x3FB5]  }
0x39: {  	_ = 	snop;
	(pc) =	sbr.ind lr, $3  }
0x3a: {  	_ = 	snop  }
0x3b: {  	_ = 	snop  }
0x3c: {  	p2 =	seq.s32 s10, $0x1;
	s10 =	sld [smem:$0x3FB4]  }
0x3d: {  	_ =	shalt  }
0x3e: {  	_ =	shalt  }
0x3f: {  	_ =	shalt  }
0x40: {  	_ =	shalt  }
0x41: {  	_ =	shalt  }
0x42: {  	_ =	shalt  }
0x43: {  	_ =	shalt  }
0x44: {  	_ =	shalt  }
0x45: {  	_ =	shalt  }
0x46: {  	_ =	shalt  }
0x47: {  	_ =	shalt  }
0x48: {  	_ =	shalt  }
0x49: {  	_ =	shalt  }
0x4a: {  	_ =	shalt  }
0x4b: {  	_ =	shalt  }
0x4c: {  	_ =	shalt  }
0x4d: {  	_ =	shalt  }
0x4e: {  	_ =	shalt  }
0x4f: {  	_ =	shalt  }
0x50: {  	_ =	shalt  }
0x51: {  	_ =	shalt  }
0x52: {  	_ =	shalt  }
0x53: {  	_ =	shalt  }
0x54: {  	_ =	shalt  }
0x55: {  	_ =	shalt  }
0x56: {  	_ =	shalt  }
0x57: {  	_ =	shalt  }
0x58: {  	_ =	shalt  }
0x59: {  	_ =	shalt  }
0x5a: {  	_ =	shalt  }
0x5b: {  	_ =	shalt  }
0x5c: {  	_ =	shalt  }
0x5d: {  	_ =	shalt  }
0x5e: {  	_ =	shalt  }
0x5f: {  	_ =	shalt  }
0x60: {  	_ =	shalt  }
0x61: {  	_ =	shalt  }
0x62: {  	_ =	shalt  }
0x63: {  	_ =	shalt  }
0x64: {  	_ =	shalt  }
0x65: {  	_ =	shalt  }
0x66: {  	_ =	shalt  }
0x67: {  	_ =	shalt  }
0x68: {  	_ =	shalt  }
0x69: {  	_ =	shalt  }
0x6a: {  	_ =	shalt  }
0x6b: {  	_ =	shalt  }
0x6c: {  	_ =	shalt  }
0x6d: {  	_ =	shalt  }
0x6e: {  	_ =	shalt  }
0x6f: {  	_ =	shalt  }
0x70: {  	_ =	shalt  }
0x71: {  	_ =	shalt  }
0x72: {  	_ =	shalt  }
0x73: {  	_ =	shalt  }
0x74: {  	_ =	shalt  }
0x75: {  	_ =	shalt  }
0x76: {  	_ =	shalt  }
0x77: {  	_ =	shalt  }
0x78: {  	_ =	shalt  }
0x79: {  	_ =	shalt  }
0x7a: {  	_ =	shalt  }
0x7b: {  	_ =	shalt  }
0x7c: {  	_ =	shalt  }
0x7d: {  	_ =	shalt  }
0x7e: {  	_ =	shalt  }
0x7f: {  	_ =	shalt  }
0x80: {  	_ =	shalt  }
0x81: {  	_ =	shalt  }
0x82: {  	_ =	shalt  }
0x83: {  	_ =	shalt  }
0x84: {  	_ =	shalt  }
0x85: {  	_ =	shalt  }
0x86: {  	_ =	shalt  }
0x87: {  	_ =	shalt  }
.Lfunc_end0:
.L_simem_size_0:
called_computation.1_lowered:
.L_overlay_start_0:
0x88: {  	s2 =	sld [smem:$0x3FD9]  }
0x89: {  	s3 =	sld [smem:$0x3FFE];
	_ =	sdelay $0x1  }
0x8a: {  	s1 =	srdreg.scid  }
0x8b: {  	s0 =	sand.u32 $0x1, s1  }
0x8c: {  	s17 =	sshll.u32 s0, $0xA;
	s2 =	sadd.s32 s3, s2  }
0x8d: {  	s2 =	sadd.s32 s2, s17  }
0x8e: {  	[smem:$0x3FC0] =	sst s2  }
0x8f: {  	_ = 	snop  }
0x90: {  	s2 =	sld [smem:$0x3FD0];
	(tm) =	ssettm $0x1  }
0x91: {  	s18 =	sld [smem:$0x3FFB];
	_ =	sdelay $0x3  }
0x92: {  	_ =	strace s18  }
0x93: {  	s3 =	sld [smem:$0x3FFC];
	_ =	sdelay $0x3  }
0x94: {  	_ =	strace s3  }
0x95: {  	s3 =	sld [smem:$0x3FFD];
	_ =	sdelay $0x3  }
0x96: {  	_ =	strace s3  }
0x97: {  	_ =	strace $0x8FFFFFFF  }
0x98: {  	s19 =	sld [smem:$0x3FDB];
	_ =	sdelay $0x1  }
0x99: {  	s4 =	simm.s32 $_scs_section_size  }
0x9a: {  	s5 =	simm.s32 $_size__tile_overlayer_lowered;
	s6 =	simm.s32 $_tile_overlayer_lowered  }
0x9b: {  	s22 =	simm.s32 $0x1BFF;
	s21 =	sshll.u32 s6, $0x1;
	s3 =	sadd.s32 s4, s19  }
0x9c: {  	s7 =	simm.s32 $0x0;
	s20 =	sshll.u32 s5, $0x1;
	s5 =	sadd.s32 s21, s3  }
0x9d: {  	[timem:s7], [sflag:s22] =	dma.local [hbm:s5], s20  }
0x9e: {  	_ =	swait.ge [sflag:s22], s20  }
0x9f: {  	s4 =	ssub.s32 $0x0, s20;
	[sflag:s22] =	ssyncset.done $0x0  }
0xa0: {  	[sflag:s22] =	ssyncadd.s32 s4;
	_ =	sdelay $0x1  }
0xa1: {  	s23 =	simm.s32 $0x1B8B  }
0xa2: {  	_ =	swait.ge [sflag:s23], $0x1  }
0xa3: {  	[sflag:s23] =	ssyncset.done $0x0  }
0xa4: {  	s25 =	simm.s32 $0x1B8E;
	s24 =	sld [smem:$0x3FFE];
	[sflag:s23] =	ssyncadd.s32 $0xFFFFFFFF  }
0xa5: {  	s26 =	simm.s32 $execute0_lowered;
	[smem:$0x3FD2] =	sst s25  }
0xa6: {  	s5 =	sshll.u32 s26, $0x1;
	_ =	strace $0x80000049;
	[dreg:$0x1] =	wrdreg $0xFFFFFFFF  }
0xa7: {  	s28 =	simm.s32 $_size_execute0_lowered;
	s3 =	sadd.s32 s3, s5;
	[dreg:$0x0] =	wrdreg $0x0  }
0xa8: {  	s5 =	sshll.u32 s28, $0x1;
	[dreg:$0x2] =	wrdreg s3  }
0xa9: {  	[dreg:$0x3] =	wrdreg s5  }
0xaa: {  	[dreg:$0x4] =	wrdreg $0xC0  }
0xab: {  	_ =	task [dreg:s7], $0x5FFFF  }
0xac: {  	[dreg:$0x1] =	wrdreg $0xFFFFFFFF  }
0xad: {  	[dreg:$0x0] =	wrdreg $0x60  }
0xae: {  	[dreg:$0x2] =	wrdreg s2  }
0xaf: {  	[dreg:$0x3] =	wrdreg s24  }
0xb0: {  	[dreg:$0x4] =	wrdreg $0xA8000  }
0xb1: {  	[dreg:$0x5] =	wrdreg $0x9  }
0xb2: {  	_ =	task.clear_ibuf [dreg:s7], $0x6FFFF;
	_ =	strace $0x90000049  }
0xb3: {  	s29 =	simm.s32 $0x9;
	_ =	strace $0x8000004B  }
0xb4: {  	_ =	swait.ge [sflag:s29], $0x1  }
0xb5: {  	[sflag:s29] =	ssyncadd.s32 $0xFFFFFFFF  }
0xb6: {  	_ =	strace $0x9000004B  }
0xb7: {  	_ =	sfence  }
0xb8: {  	s30 =	sld [smem:$0x0];
	_ =	sdelay $0x2  }
0xb9: {  	s31 =	sshll.u32 s1, $0xD;
	s1 =	sshrl.u32 s1, $0x2  }
0xba: {  	s3 =	sand.u32 $0x4000, s31;
	s1 =	sadd.s32 s1, s30  }
0xbb: {  	s0 =	sor.u32 s3, s0;
	s1 =	sshll.u32 s1, $0x11  }
0xbc: {  	s0 =	sor.u32 s1, s0  }
0xbd: {  	s0 =	sadd.s32 $0x8F2B, s0  }
0xbe: {  	[sflag:s0] =	ssyncadd.remote.s32 $0x1  }
0xbf: {  	_ =	sfence.sel $0xFFFF  }
0xc0: {  	[dreg:$0x0] =	wrdreg $0xFFFFFFFF;
	(pc) =	sbr.abs _section_cstart, $3  }
0xc1: {  	[dreg:$0x1] =	wrdreg $0xFFFFFFFF  }
0xc2: {  	_ =	task.clear_ibuf [dreg:s7], $0x2FFFF;
	_ =	strace $0x9FFFFFFF  }
0xc3: {  	(tm) =	ssettm $0x7FFFFFFF  }
tec
execute0_lowered:
.L_overlay_start_1:
0x0: {  	(tag) =	ssettag $0x1  }
0x1: {  	s1 =	rddreg [dreg:$0x0]  }
0x2: {  	s0 =	rddreg [dreg:$0x1]  }
0x3: {  	s2 =	rddreg [dreg:$0x2];
	s4 =	simm.s32 $0x0;
	s5 =	srdreg.scid  }
0x4: {  	s3 =	stileid.u32;
	s28 =	simm.s32 $0x50;
	s29 =	simm.s32 $0x1  }
0x5: {  	s30 =	simm.s32 $0x0;
	[smem:$0x7FF] =	sst s4;
	s7 =	smul.u32 $0x50000, s3  }
0x6: {  	s10 =	sand.u32 $0x1, s5;
	s23 =	sshll.u32 s3, $0xC;
	s14 =	smul.u32 $0x14000, s3  }
0x7: {  	_ =	strace $0x8000004A;
	s6 =	sshll.u32 s10, $0xB;
	s24 =	ssub.s32 $0x2, s10  }
0x8: {  	s5 =	sor.u32 s6, s23;
	s25 =	sshrl.u32 s24, $0x1;
	s26 =	sshrl.u32 s7, $0x2  }
0x9: {  	s16 =	sor.u32 $0x2800, s14;
	s17 =	sadd.s32 $0x5000, s14;
	s18 =	sadd.s32 $0x7800, s14  }
0xa: {  	s19 =	sadd.s32 $0xA000, s14;
	s20 =	sadd.s32 $0xC800, s14;
	s21 =	sadd.s32 $0xF000, s14  }
0xb: {  	s22 =	sadd.s32 $0x11800, s14;
	s15 =	sadd.s32 s5, s0;
	s0 =	sadd.s32 $0x73200, s0  }
0xc: {  	s23 =	ssub.s32 s24, s25;
	s5 =	sadd.s32 s26, s2;
	s6 =	sadd.s32 s16, s2  }
0xd: {  	s7 =	sadd.s32 s17, s2;
	s8 =	sadd.s32 s18, s2;
	s9 =	sadd.s32 s19, s2  }
0xe: {  	s24 =	smul.u32 $0x140000, s10;
	s10 =	sadd.s32 s20, s2;
	s11 =	sadd.s32 s21, s2  }
0xf: {  	s12 =	sadd.s32 s22, s2;
	s13 =	sadd.s32 $0x63200, s15;
	s23 =	smax.u32 s23, $0x1  }
0x10: {  	s25 =	sadd.s32 s14, s24;
	s16 =	sadd.s32 s24, s16;
	s14 =	sadd.s32 $0x3200, s15  }
0x11: {  	s17 =	sadd.s32 s24, s17;
	s18 =	sadd.s32 s24, s18;
	s19 =	sadd.s32 s24, s19  }
0x12: {  	s20 =	sadd.s32 s24, s20;
	s21 =	sadd.s32 s24, s21;
	s22 =	sadd.s32 s24, s22  }
0x13: {  	s24 =	simm.s32 $0x8000;
	s31 =	sshrl.u32 s25, $0x3;
	s16 =	sshrl.u32 s16, $0x3  }
0x14: {  	s17 =	sshrl.u32 s17, $0x3;
	s18 =	sshrl.u32 s18, $0x3;
	s19 =	sshrl.u32 s19, $0x3  }
0x15: {  	s20 =	sshrl.u32 s20, $0x3;
	s21 =	sshrl.u32 s21, $0x3;
	s22 =	sshrl.u32 s22, $0x3  }
0x16: {  	s25 =	simm.s32 $0x2;
	s15 =	sadd.s32 s0, s31;
	s16 =	sadd.s32 s0, s16  }
0x17: {  	s17 =	sadd.s32 s0, s17;
	s18 =	sadd.s32 s0, s18;
	s19 =	sadd.s32 s0, s19  }
0x18: {  	v0 =	vimm.f32 $0.0e+00;
	s20 =	sadd.s32 s0, s20;
	s21 =	sadd.s32 s0, s21;
	s22 =	sadd.s32 s0, s22  }
.LBB2_1:
0x19: {  	s31 =	simm.s32 $0x0;
	s0 =	simm.s32 $0x200  }
.LBB2_2:
0x1a: {  	p0 =	sne.s32 s0, $0x9E00;
	[tilespmem:s31+$0x8070] =	vst v0  }
0x1b: {  	[tilespmem:s31+$0x8000] =	vst v0  }
0x1c: {  	[tilespmem:s31+$0x8010] =	vst v0  }
.Ltmp0:
0x1d: {  	[tilespmem:s31+$0x8020] =	vst v0;
	(pc) =	sbr.rel @p0 .LBB2_2-.Ltmp0, $4  }
0x1e: {  	[tilespmem:s31+$0x8030] =	vst v0  }
0x1f: {  	[tilespmem:s31+$0x8040] =	vst v0  }
0x20: {  	[tilespmem:s31+$0x8050] =	vst v0  }
0x21: {  	[tilespmem:s31+$0x8060] =	vst v0;
	s31 =	sshra.s32 s0, $0x2;
	s0 =	sadd.s32 $0x200, s0  }
0x22: {  	[tilespmem:s31+$0x8070] =	vst v0  }
0x23: {  	[tilespmem:s31+$0x8000] =	vst v0  }
0x24: {  	[tilespmem:s31+$0x8010] =	vst v0  }
0x25: {  	[tilespmem:s31+$0x8020] =	vst v0  }
0x26: {  	[tilespmem:s31+$0x8030] =	vst v0  }
0x27: {  	[tilespmem:s31+$0x8040] =	vst v0  }
0x28: {  	[tilespmem:s31+$0x8050] =	vst v0  }
0x29: {  	[tilespmem:s31+$0x8060] =	vst v0  }
0x2a: {  	[spmem:s5] =	stream.linear.scatter [tilespmem:s24], [sflag:$0x2], $0x2800, $0x38;
	[tilespmem:$0x1E800] =	vst v63  }
0x2b: {  	_ =	swait.ge [sflag:s25], $0x2800  }
0x2c: {  	[sflag:s25] =	ssyncset.done $0x0  }
0x2d: {  	[sflag:s25] =	ssyncadd.s32 $0xFFFFD800  }
0x2e: {  	[spmem:s6] =	stream.linear.scatter [tilespmem:s24], [sflag:$0x2], $0x2800, $0x38;
	[tilespmem:$0x1E800] =	vst v63  }
0x2f: {  	_ =	swait.ge [sflag:s25], $0x2800  }
0x30: {  	[sflag:s25] =	ssyncset.done $0x0  }
0x31: {  	[sflag:s25] =	ssyncadd.s32 $0xFFFFD800  }
0x32: {  	[spmem:s7] =	stream.linear.scatter [tilespmem:s24], [sflag:$0x2], $0x2800, $0x38;
	[tilespmem:$0x1E800] =	vst v63  }
0x33: {  	_ =	swait.ge [sflag:s25], $0x2800  }
0x34: {  	[sflag:s25] =	ssyncset.done $0x0  }
0x35: {  	[sflag:s25] =	ssyncadd.s32 $0xFFFFD800  }
0x36: {  	[spmem:s8] =	stream.linear.scatter [tilespmem:s24], [sflag:$0x2], $0x2800, $0x38;
	[tilespmem:$0x1E800] =	vst v63  }
0x37: {  	_ =	swait.ge [sflag:s25], $0x2800  }
0x38: {  	[sflag:s25] =	ssyncset.done $0x0  }
0x39: {  	[sflag:s25] =	ssyncadd.s32 $0xFFFFD800  }
0x3a: {  	[spmem:s9] =	stream.linear.scatter [tilespmem:s24], [sflag:$0x2], $0x2800, $0x38;
	[tilespmem:$0x1E800] =	vst v63  }
0x3b: {  	_ =	swait.ge [sflag:s25], $0x2800  }
0x3c: {  	[sflag:s25] =	ssyncset.done $0x0  }
0x3d: {  	[sflag:s25] =	ssyncadd.s32 $0xFFFFD800  }
0x3e: {  	[spmem:s10] =	stream.linear.scatter [tilespmem:s24], [sflag:$0x2], $0x2800, $0x38;
	[tilespmem:$0x1E800] =	vst v63  }
0x3f: {  	_ =	swait.ge [sflag:s25], $0x2800  }
0x40: {  	[sflag:s25] =	ssyncset.done $0x0  }
0x41: {  	[sflag:s25] =	ssyncadd.s32 $0xFFFFD800  }
0x42: {  	[spmem:s11] =	stream.linear.scatter [tilespmem:s24], [sflag:$0x2], $0x2800, $0x38;
	[tilespmem:$0x1E800] =	vst v63  }
0x43: {  	_ =	swait.ge [sflag:s25], $0x2800  }
0x44: {  	[sflag:s25] =	ssyncset.done $0x0  }
0x45: {  	[sflag:s25] =	ssyncadd.s32 $0xFFFFD800  }
0x46: {  	[spmem:s12] =	stream.linear.scatter [tilespmem:s24], [sflag:$0x2], $0x2800, $0x38;
	[tilespmem:$0x1E800] =	vst v63  }
0x47: {  	_ =	swait.ge [sflag:s25], $0x2800  }
0x48: {  	[sflag:s25] =	ssyncset.done $0x0  }
0x49: {  	[sflag:s25] =	ssyncadd.s32 $0xFFFFD800  }
0x4a: {  	s0 =	simm.s32 $0x0;
	[bflag:$0x0] =	sbarrier.arrive $0xFFFF  }
0x4b: {  	[tilespmem:s0], [sflag:$0x2] =	stream.linear.gather [hbm4b:s13+s0], $0x3E80, $0x38;
	[tilespmem:$0x1E800] =	vst v63  }
0x4c: {  	_ =	swait.ge [sflag:s25], $0x3E80  }
0x4d: {  	[sflag:s25] =	ssyncset.done $0x0  }
0x4e: {  	s3 =	simm.s32 $0x4000;
	[sflag:s25] =	ssyncadd.s32 $0xFFFFC180  }
0x4f: {  	[tilespmem:s3], [sflag:$0x2] =	stream.linear.gather [hbm4b:s14+s0], $0x3E80, $0x38;
	[tilespmem:$0x1E800] =	vst v63  }
0x50: {  	_ =	swait.ge [sflag:s25], $0x3E80  }
0x51: {  	[sflag:s25] =	ssyncset.done $0x0  }
0x52: {  	s3 =	simm.s32 $0x0;
	[sflag:s25] =	ssyncadd.s32 $0xFFFFC180  }
0x53: {  	[tilespmem:s24], [sflag:$0x1] =	stream.indirect.gather [hbm4b:s1+s28], $0x80, s3, s28, $0xb8;
	[tilespmem:$0x1E800] =	vst v63  }
0x54: {  	_ =	swait.ge [sflag:s29], $0x2800  }
0x55: {  	[sflag:s29] =	ssyncset.done $0x0  }
0x56: {  	s26 =	simm.s32 $0x4000;
	[sflag:s29] =	ssyncadd.s32 $0xFFFFD800  }
0x57: {  	[spmem:s2] =	stream.indirect.scatter.add.f32 [tilespmem:s24], [sflag:$0x2], $0x80, s26, s28, $0xb8;
	[tilespmem:$0x1E800] =	vst v63  }
0x58: {  	_ =	swait.ge [sflag:s25], $0x2800  }
0x59: {  	s31 =	simm.s32 $0x200;
	s0 =	simm.s32 $0x400;
	[sflag:s25] =	ssyncset.done $0x0  }
.LBB2_4:
0x5a: {  	s3 =	sshra.s32 s31, $0x2  }
0x5b: {  	[sflag:s25] =	ssyncadd.s32 $0xFFFFD800;
	s31 =	smov.u32 s0;
	s26 =	sadd.s32 $0x200, s0  }
0x5c: {  	[tilespmem:s24], [sflag:$0x1] =	stream.indirect.gather [hbm4b:s1+s28], $0x80, s3, s28, $0xb8;
	[tilespmem:$0x1E800] =	vst v63  }
0x5d: {  	p0 =	sne.s32 s0, $0xF800;
	_ =	swait.ge [sflag:s29], $0x2800  }
.Ltmp1:
0x5e: {  	[sflag:s29] =	ssyncset.done $0x0;
	(pc) =	sbr.rel @p0 .LBB2_4-.Ltmp1, $4  }
0x5f: {  	s0 =	sadd.s32 $0x4000, s3;
	[sflag:s29] =	ssyncadd.s32 $0xFFFFD800  }
0x60: {  	[spmem:s2] =	stream.indirect.scatter.add.f32 [tilespmem:s24], [sflag:$0x2], $0x80, s0, s28, $0xb8;
	[tilespmem:$0x1E800] =	vst v63  }
0x61: {  	_ =	swait.ge [sflag:s25], $0x2800  }
0x62: {  	s0 =	smov.u32 s26;
	[sflag:s25] =	ssyncset.done $0x0  }
0x63: {  	s0 =	sshra.s32 s31, $0x2;
	[sflag:s25] =	ssyncadd.s32 $0xFFFFD800  }
0x64: {  	[tilespmem:s24], [sflag:$0x1] =	stream.indirect.gather [hbm4b:s1+s28], $0x80, s0, s28, $0xb8;
	[tilespmem:$0x1E800] =	vst v63  }
0x65: {  	_ =	swait.ge [sflag:s29], $0x2800  }
0x66: {  	[sflag:s29] =	ssyncset.done $0x0  }
0x67: {  	s0 =	sadd.s32 $0x4000, s0;
	[sflag:s29] =	ssyncadd.s32 $0xFFFFD800  }
0x68: {  	[spmem:s2] =	stream.indirect.scatter.add.f32 [tilespmem:s24], [sflag:$0x2], $0x80, s0, s28, $0xb8;
	[tilespmem:$0x1E800] =	vst v63  }
0x69: {  	_ =	swait.ge [sflag:s25], $0x2800  }
0x6a: {  	[sflag:s25] =	ssyncset.done $0x0  }
0x6b: {  	[sflag:s25] =	ssyncadd.s32 $0xFFFFD800  }
0x6c: {  	[bflag:$0x0] =	sbarrier.arrive $0xFFFF  }
0x6d: {  	[tilespmem:s24], [sflag:$0x2] =	stream.linear.gather [spmem:s5], $0x2800, $0x38;
	[tilespmem:$0x1E800] =	vst v63  }
0x6e: {  	_ =	swait.ge [sflag:s25], $0x2800  }
0x6f: {  	[sflag:s25] =	ssyncset.done $0x0  }
0x70: {  	[sflag:s25] =	ssyncadd.s32 $0xFFFFD800  }
0x71: {  	[hbm4b:s15+s4] =	stream.linear.scatter [tilespmem:s24], [sflag:$0x2], $0x2800, $0x38;
	[tilespmem:$0x1E800] =	vst v63  }
0x72: {  	_ =	swait.ge [sflag:s25], $0x2800  }
0x73: {  	[sflag:s25] =	ssyncset.done $0x0  }
0x74: {  	[sflag:s25] =	ssyncadd.s32 $0xFFFFD800  }
0x75: {  	[tilespmem:s24], [sflag:$0x2] =	stream.linear.gather [spmem:s6], $0x2800, $0x38;
	[tilespmem:$0x1E800] =	vst v63  }
0x76: {  	_ =	swait.ge [sflag:s25], $0x2800  }
0x77: {  	[sflag:s25] =	ssyncset.done $0x0  }
0x78: {  	[sflag:s25] =	ssyncadd.s32 $0xFFFFD800  }
0x79: {  	[hbm4b:s16+s4] =	stream.linear.scatter [tilespmem:s24], [sflag:$0x2], $0x2800, $0x38;
	[tilespmem:$0x1E800] =	vst v63  }
0x7a: {  	_ =	swait.ge [sflag:s25], $0x2800  }
0x7b: {  	[sflag:s25] =	ssyncset.done $0x0  }
0x7c: {  	[sflag:s25] =	ssyncadd.s32 $0xFFFFD800  }
0x7d: {  	[tilespmem:s24], [sflag:$0x2] =	stream.linear.gather [spmem:s7], $0x2800, $0x38;
	[tilespmem:$0x1E800] =	vst v63  }
0x7e: {  	_ =	swait.ge [sflag:s25], $0x2800  }
0x7f: {  	[sflag:s25] =	ssyncset.done $0x0  }
0x80: {  	[sflag:s25] =	ssyncadd.s32 $0xFFFFD800  }
0x81: {  	[hbm4b:s17+s4] =	stream.linear.scatter [tilespmem:s24], [sflag:$0x2], $0x2800, $0x38;
	[tilespmem:$0x1E800] =	vst v63  }
0x82: {  	_ =	swait.ge [sflag:s25], $0x2800  }
0x83: {  	[sflag:s25] =	ssyncset.done $0x0  }
0x84: {  	[sflag:s25] =	ssyncadd.s32 $0xFFFFD800  }
0x85: {  	[tilespmem:s24], [sflag:$0x2] =	stream.linear.gather [spmem:s8], $0x2800, $0x38;
	[tilespmem:$0x1E800] =	vst v63  }
0x86: {  	_ =	swait.ge [sflag:s25], $0x2800  }
0x87: {  	[sflag:s25] =	ssyncset.done $0x0  }
0x88: {  	[sflag:s25] =	ssyncadd.s32 $0xFFFFD800  }
0x89: {  	[hbm4b:s18+s4] =	stream.linear.scatter [tilespmem:s24], [sflag:$0x2], $0x2800, $0x38;
	[tilespmem:$0x1E800] =	vst v63  }
0x8a: {  	_ =	swait.ge [sflag:s25], $0x2800  }
0x8b: {  	[sflag:s25] =	ssyncset.done $0x0  }
0x8c: {  	[sflag:s25] =	ssyncadd.s32 $0xFFFFD800  }
0x8d: {  	[tilespmem:s24], [sflag:$0x2] =	stream.linear.gather [spmem:s9], $0x2800, $0x38;
	[tilespmem:$0x1E800] =	vst v63  }
0x8e: {  	_ =	swait.ge [sflag:s25], $0x2800  }
0x8f: {  	[sflag:s25] =	ssyncset.done $0x0  }
0x90: {  	[sflag:s25] =	ssyncadd.s32 $0xFFFFD800  }
0x91: {  	[hbm4b:s19+s4] =	stream.linear.scatter [tilespmem:s24], [sflag:$0x2], $0x2800, $0x38;
	[tilespmem:$0x1E800] =	vst v63  }
0x92: {  	_ =	swait.ge [sflag:s25], $0x2800  }
0x93: {  	[sflag:s25] =	ssyncset.done $0x0  }
0x94: {  	[sflag:s25] =	ssyncadd.s32 $0xFFFFD800  }
0x95: {  	[tilespmem:s24], [sflag:$0x2] =	stream.linear.gather [spmem:s10], $0x2800, $0x38;
	[tilespmem:$0x1E800] =	vst v63  }
0x96: {  	_ =	swait.ge [sflag:s25], $0x2800  }
0x97: {  	[sflag:s25] =	ssyncset.done $0x0  }
0x98: {  	[sflag:s25] =	ssyncadd.s32 $0xFFFFD800  }
0x99: {  	[hbm4b:s20+s4] =	stream.linear.scatter [tilespmem:s24], [sflag:$0x2], $0x2800, $0x38;
	[tilespmem:$0x1E800] =	vst v63  }
0x9a: {  	_ =	swait.ge [sflag:s25], $0x2800  }
0x9b: {  	[sflag:s25] =	ssyncset.done $0x0  }
0x9c: {  	[sflag:s25] =	ssyncadd.s32 $0xFFFFD800  }
0x9d: {  	[tilespmem:s24], [sflag:$0x2] =	stream.linear.gather [spmem:s11], $0x2800, $0x38;
	[tilespmem:$0x1E800] =	vst v63  }
0x9e: {  	_ =	swait.ge [sflag:s25], $0x2800  }
0x9f: {  	[sflag:s25] =	ssyncset.done $0x0  }
0xa0: {  	[sflag:s25] =	ssyncadd.s32 $0xFFFFD800  }
0xa1: {  	[hbm4b:s21+s4] =	stream.linear.scatter [tilespmem:s24], [sflag:$0x2], $0x2800, $0x38;
	[tilespmem:$0x1E800] =	vst v63  }
0xa2: {  	_ =	swait.ge [sflag:s25], $0x2800  }
0xa3: {  	[sflag:s25] =	ssyncset.done $0x0  }
0xa4: {  	[sflag:s25] =	ssyncadd.s32 $0xFFFFD800  }
0xa5: {  	[tilespmem:s24], [sflag:$0x2] =	stream.linear.gather [spmem:s12], $0x2800, $0x38;
	[tilespmem:$0x1E800] =	vst v63  }
0xa6: {  	s30 =	sadd.s32 $0x1, s30;
	_ =	swait.ge [sflag:s25], $0x2800  }
0xa7: {  	p0 =	sne.s32 s30, s23;
	[sflag:s25] =	ssyncset.done $0x0  }
.Ltmp2:
0xa8: {  	[sflag:s25] =	ssyncadd.s32 $0xFFFFD800;
	(pc) =	sbr.rel @p0 .LBB2_1-.Ltmp2, $4  }
0xa9: {  	[hbm4b:s22+s4] =	stream.linear.scatter [tilespmem:s24], [sflag:$0x2], $0x2800, $0x38;
	[tilespmem:$0x1E800] =	vst v63  }
0xaa: {  	_ =	swait.ge [sflag:s25], $0x2800  }
0xab: {  	[sflag:s25] =	ssyncset.done $0x0  }
0xac: {  	[sflag:s25] =	ssyncadd.s32 $0xFFFFD800  }
0xad: {  	_ =	sfence.sel $0x180000  }
0xae: {  	[bflag:$0x0] =	sbarrier.arrive $0xFFFF  }
0xaf: {  	_ =	strace $0x9000004A  }
0xb0: {  	s0 =	stileid.u32;
	[bflag:$0x2] =	sbarrier.arrive $0xFFFF  }
0xb1: {  	p0 =	sne.s32 s0, $0x0;
	s0 =	rddreg [dreg:$0x3]  }
0xb2: {  	s0 =	sadd.s32 @!p0 $0x100000, s0  }
0xb3: {  	[sflag:s0] =	ssyncadd.tile.s32 @!p0 $0x1;
	_ =	shalt  }
.Lfunc_end2:
_tile_overlayer_lowered:
.L_overlay_start_2:
0xb4: {  	(tag) =	ssettag $0x2  }
0xb5: {  	s0 =	rddreg [dreg:$0x0];
	s2 =	stileid.u32  }
0xb6: {  	s1 =	rddreg [dreg:$0x1];
	p0 =	sne.s32 s2, $0x0  }
0xb7: {  	s3 =	rddreg [dreg:$0x2];
	[bflag:$0x3] =	sbarrier.arrive $0xFFFF;
	s2 =	simm.s32 @!p0 $0x1C02  }
0xb8: {  	[timem:s3], [sflag:s2] =	dma.local @!p0 [hbm:s0], s1  }
0xb9: {  	s0 =	simm.s32 @!p0 $0x2  }
0xba: {  	_ =	swait.ge @!p0 [sflag:s0], s1  }
0xbb: {  	s1 =	ssub.s32 @!p0 $0x0, s1;
	[sflag:s0] =	ssyncset.done @!p0 $0x0  }
0xbc: {  	[sflag:s0] =	ssyncadd.s32 @!p0 s1  }
0xbd: {  	[bflag:$0x3] =	sbarrier.arrive $0xFFFF  }
0xbe: {  	_ =	shalt  }

// kernel: kernel.17.cloned.1.call-start
scs
__scs_entry_jumppad:
0x0: {  	(pc) =	sbr.rel $0x88, $3  }
0x1: {  	(tag) =	ssettag $0x0;
	lr =	simm.s32 $0x1  }
0x2: {  	[smem:$0x3F99] =	sst lr;
	_ =	strace $0xD0000000  }
0x3: {  	_ = 	snop  }
0x4: {  	_ = 	snop  }
0x5: {  	_ = 	snop  }
0x6: {  	_ = 	snop  }
0x7: {  	_ = 	snop  }
__scs_overlays_trampoline_lowered:
0x8: {  	[smem:$0x3FA8] =	sst s0  }
0x9: {  	[smem:$0x3FA9] =	sst s1  }
0xa: {  	[smem:$0x3FAA] =	sst s2  }
0xb: {  	[smem:$0x3FAB] =	sst s3  }
0xc: {  	[smem:$0x3FAC] =	sst s4  }
0xd: {  	[smem:$0x3FAD] =	sst s5  }
0xe: {  	[smem:$0x3FAE] =	sst s6  }
0xf: {  	[smem:$0x3FAF] =	sst s7  }
0x10: {  	[smem:$0x3FB0] =	sst s8  }
0x11: {  	[smem:$0x3FB1] =	sst s9;
	s0 =	simm.s32 @!p0 $0x0  }
0x12: {  	s1 =	sld [smem:$0x3F97];
	s0 =	simm.s32 @p0 $0x1  }
0x13: {  	[smem:$0x3FB2] =	sst s0;
	s0 =	simm.s32 @!p1 $0x0  }
0x14: {  	s2 =	sld [smem:$0x3F96];
	s0 =	simm.s32 @p1 $0x1  }
0x15: {  	[smem:$0x3FB3] =	sst s0;
	s0 =	simm.s32 @!p2 $0x0  }
0x16: {  	s3 =	sld [smem:$0x3FDB];
	s0 =	simm.s32 @p2 $0x1  }
0x17: {  	s4 =	simm.s32 $0x1BF5;
	[smem:$0x3FB5] =	sst s0  }
0x18: {  	s0 =	sld [smem:$0x3F98];
	_ =	swait.ge [sflag:s4], $0x0  }
0x19: {  	s7 =	sld [smem:$0x3F99]  }
0x1a: {  	s8 =	sadd.s32 $0xFFFFE003, lr  }
0x1b: {  	s9 =	sadd.s32 $0xFFFFFEF7, lr;
	s5 =	simm.s32 $0xFFFFFFFF;
	p2 =	slt.u32 s8, $0xFFFFF086  }
0x1c: {  	p1 =	slt.u32 s9, $0xF7A;
	s5 =	simm.s32 @!p2 $0x0  }
0x1d: {  	s5 =	simm.s32 @p1 $0x1;
	p0 =	seq.s32 s7, s2  }
0x1e: {  	s7 =	smul.u32 @!p0 $0xF7A, s2;
	p2 =	seq.s32 @!p0 s5, $0x0  }
0x1f: {  	s9 =	smul.u32 $0xF7A, s1;
	s8 =	simm.s32 @!p0 $0x1BF5;
	p2 =	por !p2, p0  }
0x20: {  	[sflag:s8] =	ssyncset.s32 @!p0 $0xFFFFF086;
	s6 =	sadd.s32 @!p0 s3, s7;
	s7 =	simm.s32 @!p0 $0x108  }
0x21: {  	s3 =	sadd.s32 s3, s9;
	s6 =	sadd.s32 @!p0 $0x88, s6;
	s7 =	simm.s32 @p2 $0x1082  }
0x22: {  	[simem:s7], [sflag:s8] =	dma.local @!p0 [hbm:s6], $0xF7A  }
0x23: {  	s9 =	sor.u32 $0xD0000000, s2;
	s6 =	simm.s32 $0x108;
	_ =	swait.ge @!p0 [sflag:s8], $0x0  }
0x24: {  	s3 =	sadd.s32 $0x88, s3;
	s6 =	simm.s32 @!p1 $0x1082;
	[sflag:s4] =	ssyncset.s32 $0xFFFFF086  }
0x25: {  	[simem:s6], [sflag:s4] =	dma.local [hbm:s3], $0xF7A  }
0x26: {  	[smem:$0x3F99] =	sst s1;
	(tag) =	ssettag s2;
	_ =	strace s9  }
0x27: {  	s1 =	sld [smem:$0x3FA9]  }
0x28: {  	s2 =	sld [smem:$0x3FAA]  }
0x29: {  	s4 =	sld [smem:$0x3FAC]  }
0x2a: {  	p0 =	seq.s32 s5, $0x0;
	s5 =	sld [smem:$0x3FAD]  }
0x2b: {  	s6 =	sld [smem:$0x3FAE]  }
0x2c: {  	s7 =	sld [smem:$0x3FAF]  }
0x2d: {  	s3 =	simm.s32 $0x108;
	s8 =	sld [smem:$0x3FB0]  }
0x2e: {  	s3 =	simm.s32 @!p0 $0x1082;
	s9 =	sld [smem:$0x3FB1]  }
0x2f: {  	lr =	sadd.s32 s0, s3;
	s0 =	sld [smem:$0x3FA8]  }
0x30: {  	s3 =	sld [smem:$0x3FAB]  }
0x31: {  	[smem:$0x3FB4] =	sst s10  }
0x32: {  	s10 =	sld [smem:$0x3FB2];
	_ =	sdelay $0x3  }
0x33: {  	p0 =	seq.s32 s10, $0x1;
	s10 =	sld [smem:$0x3FB4];
	_ =	sdelay $0x3  }
0x34: {  	[smem:$0x3FB4] =	sst s10  }
0x35: {  	s10 =	sld [smem:$0x3FB3];
	_ =	sdelay $0x3  }
0x36: {  	p1 =	seq.s32 s10, $0x1;
	s10 =	sld [smem:$0x3FB4];
	_ =	sdelay $0x3  }
0x37: {  	[smem:$0x3FB4] =	sst s10  }
0x38: {  	s10 =	sld [smem:$0x3FB5]  }
0x39: {  	_ = 	snop;
	(pc) =	sbr.ind lr, $3  }
0x3a: {  	_ = 	snop  }
0x3b: {  	_ = 	snop  }
0x3c: {  	p2 =	seq.s32 s10, $0x1;
	s10 =	sld [smem:$0x3FB4]  }
0x3d: {  	_ =	shalt  }
0x3e: {  	_ =	shalt  }
0x3f: {  	_ =	shalt  }
0x40: {  	_ =	shalt  }
0x41: {  	_ =	shalt  }
0x42: {  	_ =	shalt  }
0x43: {  	_ =	shalt  }
0x44: {  	_ =	shalt  }
0x45: {  	_ =	shalt  }
0x46: {  	_ =	shalt  }
0x47: {  	_ =	shalt  }
0x48: {  	_ =	shalt  }
0x49: {  	_ =	shalt  }
0x4a: {  	_ =	shalt  }
0x4b: {  	_ =	shalt  }
0x4c: {  	_ =	shalt  }
0x4d: {  	_ =	shalt  }
0x4e: {  	_ =	shalt  }
0x4f: {  	_ =	shalt  }
0x50: {  	_ =	shalt  }
0x51: {  	_ =	shalt  }
0x52: {  	_ =	shalt  }
0x53: {  	_ =	shalt  }
0x54: {  	_ =	shalt  }
0x55: {  	_ =	shalt  }
0x56: {  	_ =	shalt  }
0x57: {  	_ =	shalt  }
0x58: {  	_ =	shalt  }
0x59: {  	_ =	shalt  }
0x5a: {  	_ =	shalt  }
0x5b: {  	_ =	shalt  }
0x5c: {  	_ =	shalt  }
0x5d: {  	_ =	shalt  }
0x5e: {  	_ =	shalt  }
0x5f: {  	_ =	shalt  }
0x60: {  	_ =	shalt  }
0x61: {  	_ =	shalt  }
0x62: {  	_ =	shalt  }
0x63: {  	_ =	shalt  }
0x64: {  	_ =	shalt  }
0x65: {  	_ =	shalt  }
0x66: {  	_ =	shalt  }
0x67: {  	_ =	shalt  }
0x68: {  	_ =	shalt  }
0x69: {  	_ =	shalt  }
0x6a: {  	_ =	shalt  }
0x6b: {  	_ =	shalt  }
0x6c: {  	_ =	shalt  }
0x6d: {  	_ =	shalt  }
0x6e: {  	_ =	shalt  }
0x6f: {  	_ =	shalt  }
0x70: {  	_ =	shalt  }
0x71: {  	_ =	shalt  }
0x72: {  	_ =	shalt  }
0x73: {  	_ =	shalt  }
0x74: {  	_ =	shalt  }
0x75: {  	_ =	shalt  }
0x76: {  	_ =	shalt  }
0x77: {  	_ =	shalt  }
0x78: {  	_ =	shalt  }
0x79: {  	_ =	shalt  }
0x7a: {  	_ =	shalt  }
0x7b: {  	_ =	shalt  }
0x7c: {  	_ =	shalt  }
0x7d: {  	_ =	shalt  }
0x7e: {  	_ =	shalt  }
0x7f: {  	_ =	shalt  }
0x80: {  	_ =	shalt  }
0x81: {  	_ =	shalt  }
0x82: {  	_ =	shalt  }
0x83: {  	_ =	shalt  }
0x84: {  	_ =	shalt  }
0x85: {  	_ =	shalt  }
0x86: {  	_ =	shalt  }
0x87: {  	_ =	shalt  }
.Lfunc_end0:
.L_simem_size_0:
called_computation.2_lowered:
.L_overlay_start_0:
0x88: {  	s2 =	sld [smem:$0x3FD9]  }
0x89: {  	s3 =	sld [smem:$0x3FFE];
	_ =	sdelay $0x1  }
0x8a: {  	s1 =	srdreg.scid  }
0x8b: {  	s0 =	sand.u32 $0x1, s1  }
0x8c: {  	s17 =	sshll.u32 s0, $0xA;
	s2 =	sadd.s32 s3, s2  }
0x8d: {  	s2 =	sadd.s32 s2, s17  }
0x8e: {  	[smem:$0x3FC0] =	sst s2  }
0x8f: {  	_ = 	snop  }
0x90: {  	(tm) =	ssettm $0x1  }
0x91: {  	s18 =	sld [smem:$0x3FFB];
	_ =	sdelay $0x3  }
0x92: {  	_ =	strace s18  }
0x93: {  	s2 =	sld [smem:$0x3FFC];
	_ =	sdelay $0x3  }
0x94: {  	_ =	strace s2  }
0x95: {  	s2 =	sld [smem:$0x3FFD];
	_ =	sdelay $0x3  }
0x96: {  	_ =	strace s2  }
0x97: {  	_ =	strace $0x8FFFFFFF  }
0x98: {  	s19 =	sld [smem:$0x3FDB];
	_ =	sdelay $0x1  }
0x99: {  	s20 =	simm.s32 $_scs_section_size  }
0x9a: {  	s4 =	simm.s32 $_size__tile_overlayer_lowered;
	s5 =	simm.s32 $_tile_overlayer_lowered  }
0x9b: {  	s6 =	simm.s32 $0x1BFF;
	s21 =	sshll.u32 s5, $0x1;
	s3 =	sadd.s32 s20, s19  }
0x9c: {  	s22 =	simm.s32 $0x0;
	s4 =	sshll.u32 s4, $0x1;
	s5 =	sadd.s32 s21, s3  }
0x9d: {  	[timem:s22], [sflag:s6] =	dma.local [hbm:s5], s4  }
0x9e: {  	_ =	swait.ge [sflag:s6], s4  }
0x9f: {  	s4 =	ssub.s32 $0x0, s4;
	[sflag:s6] =	ssyncset.done $0x0  }
0xa0: {  	[sflag:s6] =	ssyncadd.s32 s4;
	_ =	sdelay $0x1  }
0xa1: {  	s23 =	simm.s32 $0x1B8B  }
0xa2: {  	_ =	swait.ge [sflag:s23], $0x1  }
0xa3: {  	[sflag:s23] =	ssyncset.done $0x0  }
0xa4: {  	[sflag:s23] =	ssyncadd.s32 $0xFFFFFFFF  }
0xa5: {  	s4 =	sld [smem:$0x0]  }
0xa6: {  	s5 =	sand.u32 $0xFFFFFFFE, s1  }
0xa7: {  	p0 =	sne.s32 s1, s5  }
0xa8: {  	s5 =	sshll.u32 @p0 s5, $0xE  }
0xa9: {  	s5 =	sadd.s32 @p0 $0x11B8D, s5;
	s6 =	sshll.u32 @p0 s4, $0x11  }
0xaa: {  	s5 =	sor.u32 @p0 s6, s5  }
0xab: {  	[sflag:s5] =	ssyncadd.remote.s32 @p0 $0x1;
	_ =	sdelay $0x1  }
0xac: {  	s5 =	simm.s32 @p0 $0x1B8D  }
0xad: {  	_ =	swait.eq @p0 [sflag:s5], $0x1  }
0xae: {  	[sflag:s5] =	ssyncadd.s32 @p0 $0xFFFFFFFF  }
0xaf: {  	s6 =	sshll.u32 @!p0 s1, $0xE  }
0xb0: {  	s6 =	sor.u32 @!p0 $0x4000, s6;
	s5 =	simm.s32 @!p0 $0x1B8D  }
0xb1: {  	s4 =	sshll.u32 @!p0 s4, $0x11;
	s6 =	sadd.s32 @!p0 $0x11B8D, s6;
	_ =	swait.eq @!p0 [sflag:s5], $0x1  }
0xb2: {  	s4 =	sor.u32 @!p0 s4, s6;
	[sflag:s5] =	ssyncadd.s32 @!p0 $0xFFFFFFFF  }
0xb3: {  	s25 =	simm.s32 $0x1B8E;
	s24 =	sld [smem:$0x3FFE];
	[sflag:s4] =	ssyncadd.remote.s32 @!p0 $0x1  }
0xb4: {  	s26 =	simm.s32 $execute0_lowered;
	[smem:$0x3FD2] =	sst s25  }
0xb5: {  	s5 =	sshll.u32 s26, $0x1;
	_ =	strace $0x8000004F;
	[dreg:$0x1] =	wrdreg $0xFFFFFFFF  }
0xb6: {  	s28 =	simm.s32 $_size_execute0_lowered;
	s3 =	sadd.s32 s3, s5;
	[dreg:$0x0] =	wrdreg $0x0  }
0xb7: {  	s5 =	sshll.u32 s28, $0x1;
	[dreg:$0x2] =	wrdreg s3  }
0xb8: {  	[dreg:$0x3] =	wrdreg s5  }
0xb9: {  	[dreg:$0x4] =	wrdreg $0xC0  }
0xba: {  	_ =	task [dreg:s22], $0x5FFFF  }
0xbb: {  	[dreg:$0x1] =	wrdreg $0xFFFFFFFF  }
0xbc: {  	[dreg:$0x0] =	wrdreg $0x60  }
0xbd: {  	[dreg:$0x2] =	wrdreg s24  }
0xbe: {  	[dreg:$0x3] =	wrdreg $0xA8000  }
0xbf: {  	[dreg:$0x4] =	wrdreg $0x9  }
0xc0: {  	_ =	task.clear_ibuf [dreg:s22], $0x5FFFF;
	_ =	strace $0x9000004F  }
0xc1: {  	s29 =	simm.s32 $0x9;
	_ =	strace $0x80000051  }
0xc2: {  	_ =	swait.ge [sflag:s29], $0x1  }
0xc3: {  	[sflag:s29] =	ssyncadd.s32 $0xFFFFFFFF  }
0xc4: {  	_ =	strace $0x90000051  }
0xc5: {  	_ =	sfence  }
0xc6: {  	s30 =	sld [smem:$0x0];
	_ =	sdelay $0x2  }
0xc7: {  	s31 =	sshll.u32 s1, $0xD;
	s1 =	sshrl.u32 s1, $0x2  }
0xc8: {  	s4 =	sand.u32 $0x4000, s31;
	s1 =	sadd.s32 s1, s30  }
0xc9: {  	s0 =	sor.u32 s4, s0;
	s1 =	sshll.u32 s1, $0x11  }
0xca: {  	s0 =	sor.u32 s1, s0  }
0xcb: {  	s0 =	sadd.s32 $0x8F2B, s0  }
0xcc: {  	[sflag:s0] =	ssyncadd.remote.s32 $0x1  }
0xcd: {  	_ =	sfence.sel $0xFFFF  }
0xce: {  	[dreg:$0x0] =	wrdreg $0xFFFFFFFF;
	(pc) =	sbr.abs _section_cstart, $3  }
0xcf: {  	[dreg:$0x1] =	wrdreg $0xFFFFFFFF  }
0xd0: {  	_ =	task.clear_ibuf [dreg:s22], $0x2FFFF;
	_ =	strace $0x9FFFFFFF  }
0xd1: {  	(tm) =	ssettm $0x7FFFFFFF  }
tec
execute0_lowered:
.L_overlay_start_1:
0x0: {  	(tag) =	ssettag $0x1  }
0x1: {  	s0 =	rddreg [dreg:$0x0]  }
0x2: {  	s1 =	rddreg [dreg:$0x1]  }
0x3: {  	s2 =	simm.s32 $0x0;
	s5 =	srdreg.scid;
	s3 =	stileid.u32  }
0x4: {  	s28 =	simm.s32 $0x50;
	s29 =	simm.s32 $0x1;
	s30 =	simm.s32 $0x0  }
0x5: {  	[smem:$0x7FF] =	sst s2;
	s4 =	sadd.s32 $0x3A400, s0;
	s7 =	smul.u32 $0x50000, s3  }
0x6: {  	s10 =	sand.u32 $0x1, s5;
	s23 =	sshll.u32 s3, $0xC;
	s14 =	smul.u32 $0x14000, s3  }
0x7: {  	_ =	strace $0x80000050;
	s6 =	sshll.u32 s10, $0xB;
	s24 =	ssub.s32 $0x2, s10  }
0x8: {  	s5 =	sor.u32 s6, s23;
	s25 =	sshrl.u32 s24, $0x1;
	s26 =	sshrl.u32 s7, $0x2  }
0x9: {  	s16 =	sor.u32 $0x2800, s14;
	s17 =	sadd.s32 $0x5000, s14;
	s18 =	sadd.s32 $0x7800, s14  }
0xa: {  	s19 =	sadd.s32 $0xA000, s14;
	s20 =	sadd.s32 $0xC800, s14;
	s21 =	sadd.s32 $0xF000, s14  }
0xb: {  	s22 =	sadd.s32 $0x11800, s14;
	s15 =	sadd.s32 s5, s0;
	s0 =	sadd.s32 $0xC3200, s0  }
0xc: {  	s23 =	ssub.s32 s24, s25;
	s5 =	sadd.s32 s26, s1;
	s6 =	sadd.s32 s16, s1  }
0xd: {  	s7 =	sadd.s32 s17, s1;
	s8 =	sadd.s32 s18, s1;
	s9 =	sadd.s32 s19, s1  }
0xe: {  	s24 =	smul.u32 $0x140000, s10;
	s10 =	sadd.s32 s20, s1;
	s11 =	sadd.s32 s21, s1  }
0xf: {  	s12 =	sadd.s32 s22, s1;
	s13 =	sadd.s32 $0x63200, s15;
	s23 =	smax.u32 s23, $0x1  }
0x10: {  	s25 =	sadd.s32 s14, s24;
	s16 =	sadd.s32 s24, s16;
	s14 =	sadd.s32 $0x3200, s15  }
0x11: {  	s17 =	sadd.s32 s24, s17;
	s18 =	sadd.s32 s24, s18;
	s19 =	sadd.s32 s24, s19  }
0x12: {  	s20 =	sadd.s32 s24, s20;
	s21 =	sadd.s32 s24, s21;
	s22 =	sadd.s32 s24, s22  }
0x13: {  	s24 =	simm.s32 $0x8000;
	s31 =	sshrl.u32 s25, $0x3;
	s16 =	sshrl.u32 s16, $0x3  }
0x14: {  	s17 =	sshrl.u32 s17, $0x3;
	s18 =	sshrl.u32 s18, $0x3;
	s19 =	sshrl.u32 s19, $0x3  }
0x15: {  	s20 =	sshrl.u32 s20, $0x3;
	s21 =	sshrl.u32 s21, $0x3;
	s22 =	sshrl.u32 s22, $0x3  }
0x16: {  	s25 =	simm.s32 $0x2;
	s15 =	sadd.s32 s0, s31;
	s16 =	sadd.s32 s0, s16  }
0x17: {  	s17 =	sadd.s32 s0, s17;
	s18 =	sadd.s32 s0, s18;
	s19 =	sadd.s32 s0, s19  }
0x18: {  	v0 =	vimm.f32 $0.0e+00;
	s20 =	sadd.s32 s0, s20;
	s21 =	sadd.s32 s0, s21;
	s22 =	sadd.s32 s0, s22  }
.LBB2_1:
0x19: {  	s31 =	simm.s32 $0x0;
	s0 =	simm.s32 $0x200  }
.LBB2_2:
0x1a: {  	p0 =	sne.s32 s0, $0x9E00;
	[tilespmem:s31+$0x8070] =	vst v0  }
0x1b: {  	[tilespmem:s31+$0x8000] =	vst v0  }
0x1c: {  	[tilespmem:s31+$0x8010] =	vst v0  }
.Ltmp0:
0x1d: {  	[tilespmem:s31+$0x8020] =	vst v0;
	(pc) =	sbr.rel @p0 .LBB2_2-.Ltmp0, $4  }
0x1e: {  	[tilespmem:s31+$0x8030] =	vst v0  }
0x1f: {  	[tilespmem:s31+$0x8040] =	vst v0  }
0x20: {  	[tilespmem:s31+$0x8050] =	vst v0  }
0x21: {  	[tilespmem:s31+$0x8060] =	vst v0;
	s31 =	sshra.s32 s0, $0x2;
	s0 =	sadd.s32 $0x200, s0  }
0x22: {  	[tilespmem:s31+$0x8070] =	vst v0  }
0x23: {  	[tilespmem:s31+$0x8000] =	vst v0  }
0x24: {  	[tilespmem:s31+$0x8010] =	vst v0  }
0x25: {  	[tilespmem:s31+$0x8020] =	vst v0  }
0x26: {  	[tilespmem:s31+$0x8030] =	vst v0  }
0x27: {  	[tilespmem:s31+$0x8040] =	vst v0  }
0x28: {  	[tilespmem:s31+$0x8050] =	vst v0  }
0x29: {  	[tilespmem:s31+$0x8060] =	vst v0  }
0x2a: {  	[spmem:s5] =	stream.linear.scatter [tilespmem:s24], [sflag:$0x2], $0x2800, $0x38;
	[tilespmem:$0x1E800] =	vst v63  }
0x2b: {  	_ =	swait.ge [sflag:s25], $0x2800  }
0x2c: {  	[sflag:s25] =	ssyncset.done $0x0  }
0x2d: {  	[sflag:s25] =	ssyncadd.s32 $0xFFFFD800  }
0x2e: {  	[spmem:s6] =	stream.linear.scatter [tilespmem:s24], [sflag:$0x2], $0x2800, $0x38;
	[tilespmem:$0x1E800] =	vst v63  }
0x2f: {  	_ =	swait.ge [sflag:s25], $0x2800  }
0x30: {  	[sflag:s25] =	ssyncset.done $0x0  }
0x31: {  	[sflag:s25] =	ssyncadd.s32 $0xFFFFD800  }
0x32: {  	[spmem:s7] =	stream.linear.scatter [tilespmem:s24], [sflag:$0x2], $0x2800, $0x38;
	[tilespmem:$0x1E800] =	vst v63  }
0x33: {  	_ =	swait.ge [sflag:s25], $0x2800  }
0x34: {  	[sflag:s25] =	ssyncset.done $0x0  }
0x35: {  	[sflag:s25] =	ssyncadd.s32 $0xFFFFD800  }
0x36: {  	[spmem:s8] =	stream.linear.scatter [tilespmem:s24], [sflag:$0x2], $0x2800, $0x38;
	[tilespmem:$0x1E800] =	vst v63  }
0x37: {  	_ =	swait.ge [sflag:s25], $0x2800  }
0x38: {  	[sflag:s25] =	ssyncset.done $0x0  }
0x39: {  	[sflag:s25] =	ssyncadd.s32 $0xFFFFD800  }
0x3a: {  	[spmem:s9] =	stream.linear.scatter [tilespmem:s24], [sflag:$0x2], $0x2800, $0x38;
	[tilespmem:$0x1E800] =	vst v63  }
0x3b: {  	_ =	swait.ge [sflag:s25], $0x2800  }
0x3c: {  	[sflag:s25] =	ssyncset.done $0x0  }
0x3d: {  	[sflag:s25] =	ssyncadd.s32 $0xFFFFD800  }
0x3e: {  	[spmem:s10] =	stream.linear.scatter [tilespmem:s24], [sflag:$0x2], $0x2800, $0x38;
	[tilespmem:$0x1E800] =	vst v63  }
0x3f: {  	_ =	swait.ge [sflag:s25], $0x2800  }
0x40: {  	[sflag:s25] =	ssyncset.done $0x0  }
0x41: {  	[sflag:s25] =	ssyncadd.s32 $0xFFFFD800  }
0x42: {  	[spmem:s11] =	stream.linear.scatter [tilespmem:s24], [sflag:$0x2], $0x2800, $0x38;
	[tilespmem:$0x1E800] =	vst v63  }
0x43: {  	_ =	swait.ge [sflag:s25], $0x2800  }
0x44: {  	[sflag:s25] =	ssyncset.done $0x0  }
0x45: {  	[sflag:s25] =	ssyncadd.s32 $0xFFFFD800  }
0x46: {  	[spmem:s12] =	stream.linear.scatter [tilespmem:s24], [sflag:$0x2], $0x2800, $0x38;
	[tilespmem:$0x1E800] =	vst v63  }
0x47: {  	_ =	swait.ge [sflag:s25], $0x2800  }
0x48: {  	[sflag:s25] =	ssyncset.done $0x0  }
0x49: {  	[sflag:s25] =	ssyncadd.s32 $0xFFFFD800  }
0x4a: {  	s0 =	simm.s32 $0x0;
	[bflag:$0x0] =	sbarrier.arrive $0xFFFF  }
0x4b: {  	[tilespmem:s0], [sflag:$0x2] =	stream.linear.gather [hbm4b:s13+s0], $0x3E80, $0x38;
	[tilespmem:$0x1E800] =	vst v63  }
0x4c: {  	_ =	swait.ge [sflag:s25], $0x3E80  }
0x4d: {  	[sflag:s25] =	ssyncset.done $0x0  }
0x4e: {  	s3 =	simm.s32 $0x4000;
	[sflag:s25] =	ssyncadd.s32 $0xFFFFC180  }
0x4f: {  	[tilespmem:s3], [sflag:$0x2] =	stream.linear.gather [hbm4b:s14+s0], $0x3E80, $0x38;
	[tilespmem:$0x1E800] =	vst v63  }
0x50: {  	_ =	swait.ge [sflag:s25], $0x3E80  }
0x51: {  	[sflag:s25] =	ssyncset.done $0x0  }
0x52: {  	s3 =	simm.s32 $0x0;
	[sflag:s25] =	ssyncadd.s32 $0xFFFFC180  }
0x53: {  	[tilespmem:s24], [sflag:$0x1] =	stream.indirect.gather [hbm4b:s4+s28], $0x80, s3, s28, $0xb8;
	[tilespmem:$0x1E800] =	vst v63  }
0x54: {  	_ =	swait.ge [sflag:s29], $0x2800  }
0x55: {  	[sflag:s29] =	ssyncset.done $0x0  }
0x56: {  	s26 =	simm.s32 $0x4000;
	[sflag:s29] =	ssyncadd.s32 $0xFFFFD800  }
0x57: {  	[spmem:s1] =	stream.indirect.scatter.add.f32 [tilespmem:s24], [sflag:$0x2], $0x80, s26, s28, $0xb8;
	[tilespmem:$0x1E800] =	vst v63  }
0x58: {  	_ =	swait.ge [sflag:s25], $0x2800  }
0x59: {  	s31 =	simm.s32 $0x200;
	s0 =	simm.s32 $0x400;
	[sflag:s25] =	ssyncset.done $0x0  }
.LBB2_4:
0x5a: {  	s3 =	sshra.s32 s31, $0x2  }
0x5b: {  	[sflag:s25] =	ssyncadd.s32 $0xFFFFD800;
	s31 =	smov.u32 s0;
	s26 =	sadd.s32 $0x200, s0  }
0x5c: {  	[tilespmem:s24], [sflag:$0x1] =	stream.indirect.gather [hbm4b:s4+s28], $0x80, s3, s28, $0xb8;
	[tilespmem:$0x1E800] =	vst v63  }
0x5d: {  	p0 =	sne.s32 s0, $0xF800;
	_ =	swait.ge [sflag:s29], $0x2800  }
.Ltmp1:
0x5e: {  	[sflag:s29] =	ssyncset.done $0x0;
	(pc) =	sbr.rel @p0 .LBB2_4-.Ltmp1, $4  }
0x5f: {  	s0 =	sadd.s32 $0x4000, s3;
	[sflag:s29] =	ssyncadd.s32 $0xFFFFD800  }
0x60: {  	[spmem:s1] =	stream.indirect.scatter.add.f32 [tilespmem:s24], [sflag:$0x2], $0x80, s0, s28, $0xb8;
	[tilespmem:$0x1E800] =	vst v63  }
0x61: {  	_ =	swait.ge [sflag:s25], $0x2800  }
0x62: {  	s0 =	smov.u32 s26;
	[sflag:s25] =	ssyncset.done $0x0  }
0x63: {  	s0 =	sshra.s32 s31, $0x2;
	[sflag:s25] =	ssyncadd.s32 $0xFFFFD800  }
0x64: {  	[tilespmem:s24], [sflag:$0x1] =	stream.indirect.gather [hbm4b:s4+s28], $0x80, s0, s28, $0xb8;
	[tilespmem:$0x1E800] =	vst v63  }
0x65: {  	_ =	swait.ge [sflag:s29], $0x2800  }
0x66: {  	[sflag:s29] =	ssyncset.done $0x0  }
0x67: {  	s0 =	sadd.s32 $0x4000, s0;
	[sflag:s29] =	ssyncadd.s32 $0xFFFFD800  }
0x68: {  	[spmem:s1] =	stream.indirect.scatter.add.f32 [tilespmem:s24], [sflag:$0x2], $0x80, s0, s28, $0xb8;
	[tilespmem:$0x1E800] =	vst v63  }
0x69: {  	_ =	swait.ge [sflag:s25], $0x2800  }
0x6a: {  	[sflag:s25] =	ssyncset.done $0x0  }
0x6b: {  	[sflag:s25] =	ssyncadd.s32 $0xFFFFD800  }
0x6c: {  	[bflag:$0x0] =	sbarrier.arrive $0xFFFF  }
0x6d: {  	[tilespmem:s24], [sflag:$0x2] =	stream.linear.gather [spmem:s5], $0x2800, $0x38;
	[tilespmem:$0x1E800] =	vst v63  }
0x6e: {  	_ =	swait.ge [sflag:s25], $0x2800  }
0x6f: {  	[sflag:s25] =	ssyncset.done $0x0  }
0x70: {  	[sflag:s25] =	ssyncadd.s32 $0xFFFFD800  }
0x71: {  	[hbm4b:s15+s2] =	stream.linear.scatter [tilespmem:s24], [sflag:$0x2], $0x2800, $0x38;
	[tilespmem:$0x1E800] =	vst v63  }
0x72: {  	_ =	swait.ge [sflag:s25], $0x2800  }
0x73: {  	[sflag:s25] =	ssyncset.done $0x0  }
0x74: {  	[sflag:s25] =	ssyncadd.s32 $0xFFFFD800  }
0x75: {  	[tilespmem:s24], [sflag:$0x2] =	stream.linear.gather [spmem:s6], $0x2800, $0x38;
	[tilespmem:$0x1E800] =	vst v63  }
0x76: {  	_ =	swait.ge [sflag:s25], $0x2800  }
0x77: {  	[sflag:s25] =	ssyncset.done $0x0  }
0x78: {  	[sflag:s25] =	ssyncadd.s32 $0xFFFFD800  }
0x79: {  	[hbm4b:s16+s2] =	stream.linear.scatter [tilespmem:s24], [sflag:$0x2], $0x2800, $0x38;
	[tilespmem:$0x1E800] =	vst v63  }
0x7a: {  	_ =	swait.ge [sflag:s25], $0x2800  }
0x7b: {  	[sflag:s25] =	ssyncset.done $0x0  }
0x7c: {  	[sflag:s25] =	ssyncadd.s32 $0xFFFFD800  }
0x7d: {  	[tilespmem:s24], [sflag:$0x2] =	stream.linear.gather [spmem:s7], $0x2800, $0x38;
	[tilespmem:$0x1E800] =	vst v63  }
0x7e: {  	_ =	swait.ge [sflag:s25], $0x2800  }
0x7f: {  	[sflag:s25] =	ssyncset.done $0x0  }
0x80: {  	[sflag:s25] =	ssyncadd.s32 $0xFFFFD800  }
0x81: {  	[hbm4b:s17+s2] =	stream.linear.scatter [tilespmem:s24], [sflag:$0x2], $0x2800, $0x38;
	[tilespmem:$0x1E800] =	vst v63  }
0x82: {  	_ =	swait.ge [sflag:s25], $0x2800  }
0x83: {  	[sflag:s25] =	ssyncset.done $0x0  }
0x84: {  	[sflag:s25] =	ssyncadd.s32 $0xFFFFD800  }
0x85: {  	[tilespmem:s24], [sflag:$0x2] =	stream.linear.gather [spmem:s8], $0x2800, $0x38;
	[tilespmem:$0x1E800] =	vst v63  }
0x86: {  	_ =	swait.ge [sflag:s25], $0x2800  }
0x87: {  	[sflag:s25] =	ssyncset.done $0x0  }
0x88: {  	[sflag:s25] =	ssyncadd.s32 $0xFFFFD800  }
0x89: {  	[hbm4b:s18+s2] =	stream.linear.scatter [tilespmem:s24], [sflag:$0x2], $0x2800, $0x38;
	[tilespmem:$0x1E800] =	vst v63  }
0x8a: {  	_ =	swait.ge [sflag:s25], $0x2800  }
0x8b: {  	[sflag:s25] =	ssyncset.done $0x0  }
0x8c: {  	[sflag:s25] =	ssyncadd.s32 $0xFFFFD800  }
0x8d: {  	[tilespmem:s24], [sflag:$0x2] =	stream.linear.gather [spmem:s9], $0x2800, $0x38;
	[tilespmem:$0x1E800] =	vst v63  }
0x8e: {  	_ =	swait.ge [sflag:s25], $0x2800  }
0x8f: {  	[sflag:s25] =	ssyncset.done $0x0  }
0x90: {  	[sflag:s25] =	ssyncadd.s32 $0xFFFFD800  }
0x91: {  	[hbm4b:s19+s2] =	stream.linear.scatter [tilespmem:s24], [sflag:$0x2], $0x2800, $0x38;
	[tilespmem:$0x1E800] =	vst v63  }
0x92: {  	_ =	swait.ge [sflag:s25], $0x2800  }
0x93: {  	[sflag:s25] =	ssyncset.done $0x0  }
0x94: {  	[sflag:s25] =	ssyncadd.s32 $0xFFFFD800  }
0x95: {  	[tilespmem:s24], [sflag:$0x2] =	stream.linear.gather [spmem:s10], $0x2800, $0x38;
	[tilespmem:$0x1E800] =	vst v63  }
0x96: {  	_ =	swait.ge [sflag:s25], $0x2800  }
0x97: {  	[sflag:s25] =	ssyncset.done $0x0  }
0x98: {  	[sflag:s25] =	ssyncadd.s32 $0xFFFFD800  }
0x99: {  	[hbm4b:s20+s2] =	stream.linear.scatter [tilespmem:s24], [sflag:$0x2], $0x2800, $0x38;
	[tilespmem:$0x1E800] =	vst v63  }
0x9a: {  	_ =	swait.ge [sflag:s25], $0x2800  }
0x9b: {  	[sflag:s25] =	ssyncset.done $0x0  }
0x9c: {  	[sflag:s25] =	ssyncadd.s32 $0xFFFFD800  }
0x9d: {  	[tilespmem:s24], [sflag:$0x2] =	stream.linear.gather [spmem:s11], $0x2800, $0x38;
	[tilespmem:$0x1E800] =	vst v63  }
0x9e: {  	_ =	swait.ge [sflag:s25], $0x2800  }
0x9f: {  	[sflag:s25] =	ssyncset.done $0x0  }
0xa0: {  	[sflag:s25] =	ssyncadd.s32 $0xFFFFD800  }
0xa1: {  	[hbm4b:s21+s2] =	stream.linear.scatter [tilespmem:s24], [sflag:$0x2], $0x2800, $0x38;
	[tilespmem:$0x1E800] =	vst v63  }
0xa2: {  	_ =	swait.ge [sflag:s25], $0x2800  }
0xa3: {  	[sflag:s25] =	ssyncset.done $0x0  }
0xa4: {  	[sflag:s25] =	ssyncadd.s32 $0xFFFFD800  }
0xa5: {  	[tilespmem:s24], [sflag:$0x2] =	stream.linear.gather [spmem:s12], $0x2800, $0x38;
	[tilespmem:$0x1E800] =	vst v63  }
0xa6: {  	s30 =	sadd.s32 $0x1, s30;
	_ =	swait.ge [sflag:s25], $0x2800  }
0xa7: {  	p0 =	sne.s32 s30, s23;
	[sflag:s25] =	ssyncset.done $0x0  }
.Ltmp2:
0xa8: {  	[sflag:s25] =	ssyncadd.s32 $0xFFFFD800;
	(pc) =	sbr.rel @p0 .LBB2_1-.Ltmp2, $4  }
0xa9: {  	[hbm4b:s22+s2] =	stream.linear.scatter [tilespmem:s24], [sflag:$0x2], $0x2800, $0x38;
	[tilespmem:$0x1E800] =	vst v63  }
0xaa: {  	_ =	swait.ge [sflag:s25], $0x2800  }
0xab: {  	[sflag:s25] =	ssyncset.done $0x0  }
0xac: {  	[sflag:s25] =	ssyncadd.s32 $0xFFFFD800  }
0xad: {  	_ =	sfence.sel $0x180000  }
0xae: {  	[bflag:$0x0] =	sbarrier.arrive $0xFFFF  }
0xaf: {  	_ =	strace $0x90000050  }
0xb0: {  	s0 =	stileid.u32;
	[bflag:$0x2] =	sbarrier.arrive $0xFFFF  }
0xb1: {  	p0 =	sne.s32 s0, $0x0;
	s0 =	rddreg [dreg:$0x2]  }
0xb2: {  	s0 =	sadd.s32 @!p0 $0x100000, s0  }
0xb3: {  	[sflag:s0] =	ssyncadd.tile.s32 @!p0 $0x1;
	_ =	shalt  }
.Lfunc_end2:
_tile_overlayer_lowered:
.L_overlay_start_2:
0xb4: {  	(tag) =	ssettag $0x2  }
0xb5: {  	s0 =	rddreg [dreg:$0x0];
	s2 =	stileid.u32  }
0xb6: {  	s1 =	rddreg [dreg:$0x1];
	p0 =	sne.s32 s2, $0x0  }
0xb7: {  	s3 =	rddreg [dreg:$0x2];
	[bflag:$0x3] =	sbarrier.arrive $0xFFFF;
	s2 =	simm.s32 @!p0 $0x1C02  }
0xb8: {  	[timem:s3], [sflag:s2] =	dma.local @!p0 [hbm:s0], s1  }
0xb9: {  	s0 =	simm.s32 @!p0 $0x2  }
0xba: {  	_ =	swait.ge @!p0 [sflag:s0], s1  }
0xbb: {  	s1 =	ssub.s32 @!p0 $0x0, s1;
	[sflag:s0] =	ssyncset.done @!p0 $0x0  }
0xbc: {  	[sflag:s0] =	ssyncadd.s32 @!p0 s1  }
0xbd: {  	[bflag:$0x3] =	sbarrier.arrive $0xFFFF  }
0xbe: {  	_ =	shalt  }

// kernel: kernel.20.cloned.1.call-start
scs
__scs_entry_jumppad:
0x0: {  	(pc) =	sbr.rel $0x88, $3  }
0x1: {  	(tag) =	ssettag $0x0;
	lr =	simm.s32 $0x1  }
0x2: {  	[smem:$0x3F99] =	sst lr;
	_ =	strace $0xD0000000  }
0x3: {  	_ = 	snop  }
0x4: {  	_ = 	snop  }
0x5: {  	_ = 	snop  }
0x6: {  	_ = 	snop  }
0x7: {  	_ = 	snop  }
__scs_overlays_trampoline_lowered:
0x8: {  	[smem:$0x3FA8] =	sst s0  }
0x9: {  	[smem:$0x3FA9] =	sst s1  }
0xa: {  	[smem:$0x3FAA] =	sst s2  }
0xb: {  	[smem:$0x3FAB] =	sst s3  }
0xc: {  	[smem:$0x3FAC] =	sst s4  }
0xd: {  	[smem:$0x3FAD] =	sst s5  }
0xe: {  	[smem:$0x3FAE] =	sst s6  }
0xf: {  	[smem:$0x3FAF] =	sst s7  }
0x10: {  	[smem:$0x3FB0] =	sst s8  }
0x11: {  	[smem:$0x3FB1] =	sst s9;
	s0 =	simm.s32 @!p0 $0x0  }
0x12: {  	s1 =	sld [smem:$0x3F97];
	s0 =	simm.s32 @p0 $0x1  }
0x13: {  	[smem:$0x3FB2] =	sst s0;
	s0 =	simm.s32 @!p1 $0x0  }
0x14: {  	s2 =	sld [smem:$0x3F96];
	s0 =	simm.s32 @p1 $0x1  }
0x15: {  	[smem:$0x3FB3] =	sst s0;
	s0 =	simm.s32 @!p2 $0x0  }
0x16: {  	s3 =	sld [smem:$0x3FDB];
	s0 =	simm.s32 @p2 $0x1  }
0x17: {  	s4 =	simm.s32 $0x1BF5;
	[smem:$0x3FB5] =	sst s0  }
0x18: {  	s0 =	sld [smem:$0x3F98];
	_ =	swait.ge [sflag:s4], $0x0  }
0x19: {  	s7 =	sld [smem:$0x3F99]  }
0x1a: {  	s8 =	sadd.s32 $0xFFFFE003, lr  }
0x1b: {  	s9 =	sadd.s32 $0xFFFFFEF7, lr;
	s5 =	simm.s32 $0xFFFFFFFF;
	p2 =	slt.u32 s8, $0xFFFFF086  }
0x1c: {  	p1 =	slt.u32 s9, $0xF7A;
	s5 =	simm.s32 @!p2 $0x0  }
0x1d: {  	s5 =	simm.s32 @p1 $0x1;
	p0 =	seq.s32 s7, s2  }
0x1e: {  	s7 =	smul.u32 @!p0 $0xF7A, s2;
	p2 =	seq.s32 @!p0 s5, $0x0  }
0x1f: {  	s9 =	smul.u32 $0xF7A, s1;
	s8 =	simm.s32 @!p0 $0x1BF5;
	p2 =	por !p2, p0  }
0x20: {  	[sflag:s8] =	ssyncset.s32 @!p0 $0xFFFFF086;
	s6 =	sadd.s32 @!p0 s3, s7;
	s7 =	simm.s32 @!p0 $0x108  }
0x21: {  	s3 =	sadd.s32 s3, s9;
	s6 =	sadd.s32 @!p0 $0x88, s6;
	s7 =	simm.s32 @p2 $0x1082  }
0x22: {  	[simem:s7], [sflag:s8] =	dma.local @!p0 [hbm:s6], $0xF7A  }
0x23: {  	s9 =	sor.u32 $0xD0000000, s2;
	s6 =	simm.s32 $0x108;
	_ =	swait.ge @!p0 [sflag:s8], $0x0  }
0x24: {  	s3 =	sadd.s32 $0x88, s3;
	s6 =	simm.s32 @!p1 $0x1082;
	[sflag:s4] =	ssyncset.s32 $0xFFFFF086  }
0x25: {  	[simem:s6], [sflag:s4] =	dma.local [hbm:s3], $0xF7A  }
0x26: {  	[smem:$0x3F99] =	sst s1;
	(tag) =	ssettag s2;
	_ =	strace s9  }
0x27: {  	s1 =	sld [smem:$0x3FA9]  }
0x28: {  	s2 =	sld [smem:$0x3FAA]  }
0x29: {  	s4 =	sld [smem:$0x3FAC]  }
0x2a: {  	p0 =	seq.s32 s5, $0x0;
	s5 =	sld [smem:$0x3FAD]  }
0x2b: {  	s6 =	sld [smem:$0x3FAE]  }
0x2c: {  	s7 =	sld [smem:$0x3FAF]  }
0x2d: {  	s3 =	simm.s32 $0x108;
	s8 =	sld [smem:$0x3FB0]  }
0x2e: {  	s3 =	simm.s32 @!p0 $0x1082;
	s9 =	sld [smem:$0x3FB1]  }
0x2f: {  	lr =	sadd.s32 s0, s3;
	s0 =	sld [smem:$0x3FA8]  }
0x30: {  	s3 =	sld [smem:$0x3FAB]  }
0x31: {  	[smem:$0x3FB4] =	sst s10  }
0x32: {  	s10 =	sld [smem:$0x3FB2];
	_ =	sdelay $0x3  }
0x33: {  	p0 =	seq.s32 s10, $0x1;
	s10 =	sld [smem:$0x3FB4];
	_ =	sdelay $0x3  }
0x34: {  	[smem:$0x3FB4] =	sst s10  }
0x35: {  	s10 =	sld [smem:$0x3FB3];
	_ =	sdelay $0x3  }
0x36: {  	p1 =	seq.s32 s10, $0x1;
	s10 =	sld [smem:$0x3FB4];
	_ =	sdelay $0x3  }
0x37: {  	[smem:$0x3FB4] =	sst s10  }
0x38: {  	s10 =	sld [smem:$0x3FB5]  }
0x39: {  	_ = 	snop;
	(pc) =	sbr.ind lr, $3  }
0x3a: {  	_ = 	snop  }
0x3b: {  	_ = 	snop  }
0x3c: {  	p2 =	seq.s32 s10, $0x1;
	s10 =	sld [smem:$0x3FB4]  }
0x3d: {  	_ =	shalt  }
0x3e: {  	_ =	shalt  }
0x3f: {  	_ =	shalt  }
0x40: {  	_ =	shalt  }
0x41: {  	_ =	shalt  }
0x42: {  	_ =	shalt  }
0x43: {  	_ =	shalt  }
0x44: {  	_ =	shalt  }
0x45: {  	_ =	shalt  }
0x46: {  	_ =	shalt  }
0x47: {  	_ =	shalt  }
0x48: {  	_ =	shalt  }
0x49: {  	_ =	shalt  }
0x4a: {  	_ =	shalt  }
0x4b: {  	_ =	shalt  }
0x4c: {  	_ =	shalt  }
0x4d: {  	_ =	shalt  }
0x4e: {  	_ =	shalt  }
0x4f: {  	_ =	shalt  }
0x50: {  	_ =	shalt  }
0x51: {  	_ =	shalt  }
0x52: {  	_ =	shalt  }
0x53: {  	_ =	shalt  }
0x54: {  	_ =	shalt  }
0x55: {  	_ =	shalt  }
0x56: {  	_ =	shalt  }
0x57: {  	_ =	shalt  }
0x58: {  	_ =	shalt  }
0x59: {  	_ =	shalt  }
0x5a: {  	_ =	shalt  }
0x5b: {  	_ =	shalt  }
0x5c: {  	_ =	shalt  }
0x5d: {  	_ =	shalt  }
0x5e: {  	_ =	shalt  }
0x5f: {  	_ =	shalt  }
0x60: {  	_ =	shalt  }
0x61: {  	_ =	shalt  }
0x62: {  	_ =	shalt  }
0x63: {  	_ =	shalt  }
0x64: {  	_ =	shalt  }
0x65: {  	_ =	shalt  }
0x66: {  	_ =	shalt  }
0x67: {  	_ =	shalt  }
0x68: {  	_ =	shalt  }
0x69: {  	_ =	shalt  }
0x6a: {  	_ =	shalt  }
0x6b: {  	_ =	shalt  }
0x6c: {  	_ =	shalt  }
0x6d: {  	_ =	shalt  }
0x6e: {  	_ =	shalt  }
0x6f: {  	_ =	shalt  }
0x70: {  	_ =	shalt  }
0x71: {  	_ =	shalt  }
0x72: {  	_ =	shalt  }
0x73: {  	_ =	shalt  }
0x74: {  	_ =	shalt  }
0x75: {  	_ =	shalt  }
0x76: {  	_ =	shalt  }
0x77: {  	_ =	shalt  }
0x78: {  	_ =	shalt  }
0x79: {  	_ =	shalt  }
0x7a: {  	_ =	shalt  }
0x7b: {  	_ =	shalt  }
0x7c: {  	_ =	shalt  }
0x7d: {  	_ =	shalt  }
0x7e: {  	_ =	shalt  }
0x7f: {  	_ =	shalt  }
0x80: {  	_ =	shalt  }
0x81: {  	_ =	shalt  }
0x82: {  	_ =	shalt  }
0x83: {  	_ =	shalt  }
0x84: {  	_ =	shalt  }
0x85: {  	_ =	shalt  }
0x86: {  	_ =	shalt  }
0x87: {  	_ =	shalt  }
.Lfunc_end0:
.L_simem_size_0:
called_computation.3_lowered:
.L_overlay_start_0:
0x88: {  	s2 =	sld [smem:$0x3FD9]  }
0x89: {  	s3 =	sld [smem:$0x3FFE];
	_ =	sdelay $0x1  }
0x8a: {  	s1 =	srdreg.scid  }
0x8b: {  	s0 =	sand.u32 $0x1, s1  }
0x8c: {  	s17 =	sshll.u32 s0, $0xA;
	s2 =	sadd.s32 s3, s2  }
0x8d: {  	s2 =	sadd.s32 s2, s17  }
0x8e: {  	[smem:$0x3FC0] =	sst s2  }
0x8f: {  	_ = 	snop  }
0x90: {  	s2 =	sld [smem:$0x3FD0];
	(tm) =	ssettm $0x1  }
0x91: {  	s18 =	sld [smem:$0x3FFB];
	_ =	sdelay $0x3  }
0x92: {  	_ =	strace s18  }
0x93: {  	s3 =	sld [smem:$0x3FFC];
	_ =	sdelay $0x3  }
0x94: {  	_ =	strace s3  }
0x95: {  	s3 =	sld [smem:$0x3FFD];
	_ =	sdelay $0x3  }
0x96: {  	_ =	strace s3  }
0x97: {  	_ =	strace $0x8FFFFFFF  }
0x98: {  	s19 =	sld [smem:$0x3FDB];
	_ =	sdelay $0x1  }
0x99: {  	s4 =	simm.s32 $_scs_section_size  }
0x9a: {  	s5 =	simm.s32 $_size__tile_overlayer_lowered;
	s6 =	simm.s32 $_tile_overlayer_lowered  }
0x9b: {  	s22 =	simm.s32 $0x1BFF;
	s21 =	sshll.u32 s6, $0x1;
	s3 =	sadd.s32 s4, s19  }
0x9c: {  	s7 =	simm.s32 $0x0;
	s20 =	sshll.u32 s5, $0x1;
	s5 =	sadd.s32 s21, s3  }
0x9d: {  	[timem:s7], [sflag:s22] =	dma.local [hbm:s5], s20  }
0x9e: {  	_ =	swait.ge [sflag:s22], s20  }
0x9f: {  	s4 =	ssub.s32 $0x0, s20;
	[sflag:s22] =	ssyncset.done $0x0  }
0xa0: {  	[sflag:s22] =	ssyncadd.s32 s4;
	_ =	sdelay $0x1  }
0xa1: {  	s23 =	simm.s32 $0x1B8B  }
0xa2: {  	_ =	swait.ge [sflag:s23], $0x1  }
0xa3: {  	[sflag:s23] =	ssyncset.done $0x0  }
0xa4: {  	s25 =	simm.s32 $0x1B8E;
	s24 =	sld [smem:$0x3FFE];
	[sflag:s23] =	ssyncadd.s32 $0xFFFFFFFF  }
0xa5: {  	s26 =	simm.s32 $execute0_lowered;
	[smem:$0x3FD2] =	sst s25  }
0xa6: {  	s5 =	sshll.u32 s26, $0x1;
	_ =	strace $0x8000004C;
	[dreg:$0x1] =	wrdreg $0xFFFFFFFF  }
0xa7: {  	s28 =	simm.s32 $_size_execute0_lowered;
	s3 =	sadd.s32 s3, s5;
	[dreg:$0x0] =	wrdreg $0x0  }
0xa8: {  	s5 =	sshll.u32 s28, $0x1;
	[dreg:$0x2] =	wrdreg s3  }
0xa9: {  	[dreg:$0x3] =	wrdreg s5  }
0xaa: {  	[dreg:$0x4] =	wrdreg $0xC0  }
0xab: {  	_ =	task [dreg:s7], $0x5FFFF  }
0xac: {  	[dreg:$0x1] =	wrdreg $0xFFFFFFFF  }
0xad: {  	[dreg:$0x0] =	wrdreg $0x60  }
0xae: {  	[dreg:$0x2] =	wrdreg s2  }
0xaf: {  	[dreg:$0x3] =	wrdreg s24  }
0xb0: {  	[dreg:$0x4] =	wrdreg $0xA8000  }
0xb1: {  	[dreg:$0x5] =	wrdreg $0xA  }
0xb2: {  	_ =	task.clear_ibuf [dreg:s7], $0x6FFFF;
	_ =	strace $0x9000004C  }
0xb3: {  	s29 =	simm.s32 $0xA;
	_ =	strace $0x8000004E  }
0xb4: {  	_ =	swait.ge [sflag:s29], $0x1  }
0xb5: {  	[sflag:s29] =	ssyncadd.s32 $0xFFFFFFFF  }
0xb6: {  	_ =	strace $0x9000004E  }
0xb7: {  	_ =	sfence  }
0xb8: {  	s30 =	sld [smem:$0x0];
	_ =	sdelay $0x2  }
0xb9: {  	s31 =	sshll.u32 s1, $0xD;
	s1 =	sshrl.u32 s1, $0x2  }
0xba: {  	s3 =	sand.u32 $0x4000, s31;
	s1 =	sadd.s32 s1, s30  }
0xbb: {  	s0 =	sor.u32 s3, s0;
	s1 =	sshll.u32 s1, $0x11  }
0xbc: {  	s0 =	sor.u32 s1, s0  }
0xbd: {  	s0 =	sadd.s32 $0x8F2B, s0  }
0xbe: {  	[sflag:s0] =	ssyncadd.remote.s32 $0x1  }
0xbf: {  	_ =	sfence.sel $0xFFFF  }
0xc0: {  	[dreg:$0x0] =	wrdreg $0xFFFFFFFF;
	(pc) =	sbr.abs _section_cstart, $3  }
0xc1: {  	[dreg:$0x1] =	wrdreg $0xFFFFFFFF  }
0xc2: {  	_ =	task.clear_ibuf [dreg:s7], $0x2FFFF;
	_ =	strace $0x9FFFFFFF  }
0xc3: {  	(tm) =	ssettm $0x7FFFFFFF  }
tec
execute0_lowered:
.L_overlay_start_1:
0x0: {  	(tag) =	ssettag $0x1  }
0x1: {  	s1 =	rddreg [dreg:$0x0]  }
0x2: {  	s0 =	rddreg [dreg:$0x1]  }
0x3: {  	s2 =	rddreg [dreg:$0x2];
	s4 =	simm.s32 $0x0;
	s5 =	srdreg.scid  }
0x4: {  	s3 =	stileid.u32;
	s28 =	simm.s32 $0x50;
	s29 =	simm.s32 $0x1  }
0x5: {  	s30 =	simm.s32 $0x0;
	[smem:$0x7FF] =	sst s4;
	s7 =	smul.u32 $0x50000, s3  }
0x6: {  	s10 =	sand.u32 $0x1, s5;
	s23 =	sshll.u32 s3, $0xC;
	s14 =	smul.u32 $0x14000, s3  }
0x7: {  	_ =	strace $0x8000004D;
	s6 =	sshll.u32 s10, $0xB;
	s24 =	ssub.s32 $0x2, s10  }
0x8: {  	s5 =	sor.u32 s6, s23;
	s25 =	sshrl.u32 s24, $0x1;
	s26 =	sshrl.u32 s7, $0x2  }
0x9: {  	s16 =	sor.u32 $0x2800, s14;
	s17 =	sadd.s32 $0x5000, s14;
	s18 =	sadd.s32 $0x7800, s14  }
0xa: {  	s19 =	sadd.s32 $0xA000, s14;
	s20 =	sadd.s32 $0xC800, s14;
	s21 =	sadd.s32 $0xF000, s14  }
0xb: {  	s22 =	sadd.s32 $0x11800, s14;
	s15 =	sadd.s32 s5, s0;
	s0 =	sadd.s32 $0x73200, s0  }
0xc: {  	s23 =	ssub.s32 s24, s25;
	s5 =	sadd.s32 s26, s2;
	s6 =	sadd.s32 s16, s2  }
0xd: {  	s7 =	sadd.s32 s17, s2;
	s8 =	sadd.s32 s18, s2;
	s9 =	sadd.s32 s19, s2  }
0xe: {  	s24 =	smul.u32 $0x140000, s10;
	s10 =	sadd.s32 s20, s2;
	s11 =	sadd.s32 s21, s2  }
0xf: {  	s12 =	sadd.s32 s22, s2;
	s13 =	sadd.s32 $0x63200, s15;
	s23 =	smax.u32 s23, $0x1  }
0x10: {  	s25 =	sadd.s32 s14, s24;
	s16 =	sadd.s32 s24, s16;
	s14 =	sadd.s32 $0x3200, s15  }
0x11: {  	s17 =	sadd.s32 s24, s17;
	s18 =	sadd.s32 s24, s18;
	s19 =	sadd.s32 s24, s19  }
0x12: {  	s20 =	sadd.s32 s24, s20;
	s21 =	sadd.s32 s24, s21;
	s22 =	sadd.s32 s24, s22  }
0x13: {  	s24 =	simm.s32 $0x8000;
	s31 =	sshrl.u32 s25, $0x3;
	s16 =	sshrl.u32 s16, $0x3  }
0x14: {  	s17 =	sshrl.u32 s17, $0x3;
	s18 =	sshrl.u32 s18, $0x3;
	s19 =	sshrl.u32 s19, $0x3  }
0x15: {  	s20 =	sshrl.u32 s20, $0x3;
	s21 =	sshrl.u32 s21, $0x3;
	s22 =	sshrl.u32 s22, $0x3  }
0x16: {  	s25 =	simm.s32 $0x2;
	s15 =	sadd.s32 s0, s31;
	s16 =	sadd.s32 s0, s16  }
0x17: {  	s17 =	sadd.s32 s0, s17;
	s18 =	sadd.s32 s0, s18;
	s19 =	sadd.s32 s0, s19  }
0x18: {  	v0 =	vimm.f32 $0.0e+00;
	s20 =	sadd.s32 s0, s20;
	s21 =	sadd.s32 s0, s21;
	s22 =	sadd.s32 s0, s22  }
.LBB2_1:
0x19: {  	s31 =	simm.s32 $0x0;
	s0 =	simm.s32 $0x200  }
.LBB2_2:
0x1a: {  	p0 =	sne.s32 s0, $0x9E00;
	[tilespmem:s31+$0x8070] =	vst v0  }
0x1b: {  	[tilespmem:s31+$0x8000] =	vst v0  }
0x1c: {  	[tilespmem:s31+$0x8010] =	vst v0  }
.Ltmp0:
0x1d: {  	[tilespmem:s31+$0x8020] =	vst v0;
	(pc) =	sbr.rel @p0 .LBB2_2-.Ltmp0, $4  }
0x1e: {  	[tilespmem:s31+$0x8030] =	vst v0  }
0x1f: {  	[tilespmem:s31+$0x8040] =	vst v0  }
0x20: {  	[tilespmem:s31+$0x8050] =	vst v0  }
0x21: {  	[tilespmem:s31+$0x8060] =	vst v0;
	s31 =	sshra.s32 s0, $0x2;
	s0 =	sadd.s32 $0x200, s0  }
0x22: {  	[tilespmem:s31+$0x8070] =	vst v0  }
0x23: {  	[tilespmem:s31+$0x8000] =	vst v0  }
0x24: {  	[tilespmem:s31+$0x8010] =	vst v0  }
0x25: {  	[tilespmem:s31+$0x8020] =	vst v0  }
0x26: {  	[tilespmem:s31+$0x8030] =	vst v0  }
0x27: {  	[tilespmem:s31+$0x8040] =	vst v0  }
0x28: {  	[tilespmem:s31+$0x8050] =	vst v0  }
0x29: {  	[tilespmem:s31+$0x8060] =	vst v0  }
0x2a: {  	[spmem:s5] =	stream.linear.scatter [tilespmem:s24], [sflag:$0x2], $0x2800, $0x38;
	[tilespmem:$0x1E800] =	vst v63  }
0x2b: {  	_ =	swait.ge [sflag:s25], $0x2800  }
0x2c: {  	[sflag:s25] =	ssyncset.done $0x0  }
0x2d: {  	[sflag:s25] =	ssyncadd.s32 $0xFFFFD800  }
0x2e: {  	[spmem:s6] =	stream.linear.scatter [tilespmem:s24], [sflag:$0x2], $0x2800, $0x38;
	[tilespmem:$0x1E800] =	vst v63  }
0x2f: {  	_ =	swait.ge [sflag:s25], $0x2800  }
0x30: {  	[sflag:s25] =	ssyncset.done $0x0  }
0x31: {  	[sflag:s25] =	ssyncadd.s32 $0xFFFFD800  }
0x32: {  	[spmem:s7] =	stream.linear.scatter [tilespmem:s24], [sflag:$0x2], $0x2800, $0x38;
	[tilespmem:$0x1E800] =	vst v63  }
0x33: {  	_ =	swait.ge [sflag:s25], $0x2800  }
0x34: {  	[sflag:s25] =	ssyncset.done $0x0  }
0x35: {  	[sflag:s25] =	ssyncadd.s32 $0xFFFFD800  }
0x36: {  	[spmem:s8] =	stream.linear.scatter [tilespmem:s24], [sflag:$0x2], $0x2800, $0x38;
	[tilespmem:$0x1E800] =	vst v63  }
0x37: {  	_ =	swait.ge [sflag:s25], $0x2800  }
0x38: {  	[sflag:s25] =	ssyncset.done $0x0  }
0x39: {  	[sflag:s25] =	ssyncadd.s32 $0xFFFFD800  }
0x3a: {  	[spmem:s9] =	stream.linear.scatter [tilespmem:s24], [sflag:$0x2], $0x2800, $0x38;
	[tilespmem:$0x1E800] =	vst v63  }
0x3b: {  	_ =	swait.ge [sflag:s25], $0x2800  }
0x3c: {  	[sflag:s25] =	ssyncset.done $0x0  }
0x3d: {  	[sflag:s25] =	ssyncadd.s32 $0xFFFFD800  }
0x3e: {  	[spmem:s10] =	stream.linear.scatter [tilespmem:s24], [sflag:$0x2], $0x2800, $0x38;
	[tilespmem:$0x1E800] =	vst v63  }
0x3f: {  	_ =	swait.ge [sflag:s25], $0x2800  }
0x40: {  	[sflag:s25] =	ssyncset.done $0x0  }
0x41: {  	[sflag:s25] =	ssyncadd.s32 $0xFFFFD800  }
0x42: {  	[spmem:s11] =	stream.linear.scatter [tilespmem:s24], [sflag:$0x2], $0x2800, $0x38;
	[tilespmem:$0x1E800] =	vst v63  }
0x43: {  	_ =	swait.ge [sflag:s25], $0x2800  }
0x44: {  	[sflag:s25] =	ssyncset.done $0x0  }
0x45: {  	[sflag:s25] =	ssyncadd.s32 $0xFFFFD800  }
0x46: {  	[spmem:s12] =	stream.linear.scatter [tilespmem:s24], [sflag:$0x2], $0x2800, $0x38;
	[tilespmem:$0x1E800] =	vst v63  }
0x47: {  	_ =	swait.ge [sflag:s25], $0x2800  }
0x48: {  	[sflag:s25] =	ssyncset.done $0x0  }
0x49: {  	[sflag:s25] =	ssyncadd.s32 $0xFFFFD800  }
0x4a: {  	s0 =	simm.s32 $0x0;
	[bflag:$0x0] =	sbarrier.arrive $0xFFFF  }
0x4b: {  	[tilespmem:s0], [sflag:$0x2] =	stream.linear.gather [hbm4b:s13+s0], $0x3E80, $0x38;
	[tilespmem:$0x1E800] =	vst v63  }
0x4c: {  	_ =	swait.ge [sflag:s25], $0x3E80  }
0x4d: {  	[sflag:s25] =	ssyncset.done $0x0  }
0x4e: {  	s3 =	simm.s32 $0x4000;
	[sflag:s25] =	ssyncadd.s32 $0xFFFFC180  }
0x4f: {  	[tilespmem:s3], [sflag:$0x2] =	stream.linear.gather [hbm4b:s14+s0], $0x3E80, $0x38;
	[tilespmem:$0x1E800] =	vst v63  }
0x50: {  	_ =	swait.ge [sflag:s25], $0x3E80  }
0x51: {  	[sflag:s25] =	ssyncset.done $0x0  }
0x52: {  	s3 =	simm.s32 $0x0;
	[sflag:s25] =	ssyncadd.s32 $0xFFFFC180  }
0x53: {  	[tilespmem:s24], [sflag:$0x1] =	stream.indirect.gather [hbm4b:s1+s28], $0x80, s3, s28, $0xb8;
	[tilespmem:$0x1E800] =	vst v63  }
0x54: {  	_ =	swait.ge [sflag:s29], $0x2800  }
0x55: {  	[sflag:s29] =	ssyncset.done $0x0  }
0x56: {  	s26 =	simm.s32 $0x4000;
	[sflag:s29] =	ssyncadd.s32 $0xFFFFD800  }
0x57: {  	[spmem:s2] =	stream.indirect.scatter.add.f32 [tilespmem:s24], [sflag:$0x2], $0x80, s26, s28, $0xb8;
	[tilespmem:$0x1E800] =	vst v63  }
0x58: {  	_ =	swait.ge [sflag:s25], $0x2800  }
0x59: {  	s31 =	simm.s32 $0x200;
	s0 =	simm.s32 $0x400;
	[sflag:s25] =	ssyncset.done $0x0  }
.LBB2_4:
0x5a: {  	s3 =	sshra.s32 s31, $0x2  }
0x5b: {  	[sflag:s25] =	ssyncadd.s32 $0xFFFFD800;
	s31 =	smov.u32 s0;
	s26 =	sadd.s32 $0x200, s0  }
0x5c: {  	[tilespmem:s24], [sflag:$0x1] =	stream.indirect.gather [hbm4b:s1+s28], $0x80, s3, s28, $0xb8;
	[tilespmem:$0x1E800] =	vst v63  }
0x5d: {  	p0 =	sne.s32 s0, $0xF800;
	_ =	swait.ge [sflag:s29], $0x2800  }
.Ltmp1:
0x5e: {  	[sflag:s29] =	ssyncset.done $0x0;
	(pc) =	sbr.rel @p0 .LBB2_4-.Ltmp1, $4  }
0x5f: {  	s0 =	sadd.s32 $0x4000, s3;
	[sflag:s29] =	ssyncadd.s32 $0xFFFFD800  }
0x60: {  	[spmem:s2] =	stream.indirect.scatter.add.f32 [tilespmem:s24], [sflag:$0x2], $0x80, s0, s28, $0xb8;
	[tilespmem:$0x1E800] =	vst v63  }
0x61: {  	_ =	swait.ge [sflag:s25], $0x2800  }
0x62: {  	s0 =	smov.u32 s26;
	[sflag:s25] =	ssyncset.done $0x0  }
0x63: {  	s0 =	sshra.s32 s31, $0x2;
	[sflag:s25] =	ssyncadd.s32 $0xFFFFD800  }
0x64: {  	[tilespmem:s24], [sflag:$0x1] =	stream.indirect.gather [hbm4b:s1+s28], $0x80, s0, s28, $0xb8;
	[tilespmem:$0x1E800] =	vst v63  }
0x65: {  	_ =	swait.ge [sflag:s29], $0x2800  }
0x66: {  	[sflag:s29] =	ssyncset.done $0x0  }
0x67: {  	s0 =	sadd.s32 $0x4000, s0;
	[sflag:s29] =	ssyncadd.s32 $0xFFFFD800  }
0x68: {  	[spmem:s2] =	stream.indirect.scatter.add.f32 [tilespmem:s24], [sflag:$0x2], $0x80, s0, s28, $0xb8;
	[tilespmem:$0x1E800] =	vst v63  }
0x69: {  	_ =	swait.ge [sflag:s25], $0x2800  }
0x6a: {  	[sflag:s25] =	ssyncset.done $0x0  }
0x6b: {  	[sflag:s25] =	ssyncadd.s32 $0xFFFFD800  }
0x6c: {  	[bflag:$0x0] =	sbarrier.arrive $0xFFFF  }
0x6d: {  	[tilespmem:s24], [sflag:$0x2] =	stream.linear.gather [spmem:s5], $0x2800, $0x38;
	[tilespmem:$0x1E800] =	vst v63  }
0x6e: {  	_ =	swait.ge [sflag:s25], $0x2800  }
0x6f: {  	[sflag:s25] =	ssyncset.done $0x0  }
0x70: {  	[sflag:s25] =	ssyncadd.s32 $0xFFFFD800  }
0x71: {  	[hbm4b:s15+s4] =	stream.linear.scatter [tilespmem:s24], [sflag:$0x2], $0x2800, $0x38;
	[tilespmem:$0x1E800] =	vst v63  }
0x72: {  	_ =	swait.ge [sflag:s25], $0x2800  }
0x73: {  	[sflag:s25] =	ssyncset.done $0x0  }
0x74: {  	[sflag:s25] =	ssyncadd.s32 $0xFFFFD800  }
0x75: {  	[tilespmem:s24], [sflag:$0x2] =	stream.linear.gather [spmem:s6], $0x2800, $0x38;
	[tilespmem:$0x1E800] =	vst v63  }
0x76: {  	_ =	swait.ge [sflag:s25], $0x2800  }
0x77: {  	[sflag:s25] =	ssyncset.done $0x0  }
0x78: {  	[sflag:s25] =	ssyncadd.s32 $0xFFFFD800  }
0x79: {  	[hbm4b:s16+s4] =	stream.linear.scatter [tilespmem:s24], [sflag:$0x2], $0x2800, $0x38;
	[tilespmem:$0x1E800] =	vst v63  }
0x7a: {  	_ =	swait.ge [sflag:s25], $0x2800  }
0x7b: {  	[sflag:s25] =	ssyncset.done $0x0  }
0x7c: {  	[sflag:s25] =	ssyncadd.s32 $0xFFFFD800  }
0x7d: {  	[tilespmem:s24], [sflag:$0x2] =	stream.linear.gather [spmem:s7], $0x2800, $0x38;
	[tilespmem:$0x1E800] =	vst v63  }
0x7e: {  	_ =	swait.ge [sflag:s25], $0x2800  }
0x7f: {  	[sflag:s25] =	ssyncset.done $0x0  }
0x80: {  	[sflag:s25] =	ssyncadd.s32 $0xFFFFD800  }
0x81: {  	[hbm4b:s17+s4] =	stream.linear.scatter [tilespmem:s24], [sflag:$0x2], $0x2800, $0x38;
	[tilespmem:$0x1E800] =	vst v63  }
0x82: {  	_ =	swait.ge [sflag:s25], $0x2800  }
0x83: {  	[sflag:s25] =	ssyncset.done $0x0  }
0x84: {  	[sflag:s25] =	ssyncadd.s32 $0xFFFFD800  }
0x85: {  	[tilespmem:s24], [sflag:$0x2] =	stream.linear.gather [spmem:s8], $0x2800, $0x38;
	[tilespmem:$0x1E800] =	vst v63  }
0x86: {  	_ =	swait.ge [sflag:s25], $0x2800  }
0x87: {  	[sflag:s25] =	ssyncset.done $0x0  }
0x88: {  	[sflag:s25] =	ssyncadd.s32 $0xFFFFD800  }
0x89: {  	[hbm4b:s18+s4] =	stream.linear.scatter [tilespmem:s24], [sflag:$0x2], $0x2800, $0x38;
	[tilespmem:$0x1E800] =	vst v63  }
0x8a: {  	_ =	swait.ge [sflag:s25], $0x2800  }
0x8b: {  	[sflag:s25] =	ssyncset.done $0x0  }
0x8c: {  	[sflag:s25] =	ssyncadd.s32 $0xFFFFD800  }
0x8d: {  	[tilespmem:s24], [sflag:$0x2] =	stream.linear.gather [spmem:s9], $0x2800, $0x38;
	[tilespmem:$0x1E800] =	vst v63  }
0x8e: {  	_ =	swait.ge [sflag:s25], $0x2800  }
0x8f: {  	[sflag:s25] =	ssyncset.done $0x0  }
0x90: {  	[sflag:s25] =	ssyncadd.s32 $0xFFFFD800  }
0x91: {  	[hbm4b:s19+s4] =	stream.linear.scatter [tilespmem:s24], [sflag:$0x2], $0x2800, $0x38;
	[tilespmem:$0x1E800] =	vst v63  }
0x92: {  	_ =	swait.ge [sflag:s25], $0x2800  }
0x93: {  	[sflag:s25] =	ssyncset.done $0x0  }
0x94: {  	[sflag:s25] =	ssyncadd.s32 $0xFFFFD800  }
0x95: {  	[tilespmem:s24], [sflag:$0x2] =	stream.linear.gather [spmem:s10], $0x2800, $0x38;
	[tilespmem:$0x1E800] =	vst v63  }
0x96: {  	_ =	swait.ge [sflag:s25], $0x2800  }
0x97: {  	[sflag:s25] =	ssyncset.done $0x0  }
0x98: {  	[sflag:s25] =	ssyncadd.s32 $0xFFFFD800  }
0x99: {  	[hbm4b:s20+s4] =	stream.linear.scatter [tilespmem:s24], [sflag:$0x2], $0x2800, $0x38;
	[tilespmem:$0x1E800] =	vst v63  }
0x9a: {  	_ =	swait.ge [sflag:s25], $0x2800  }
0x9b: {  	[sflag:s25] =	ssyncset.done $0x0  }
0x9c: {  	[sflag:s25] =	ssyncadd.s32 $0xFFFFD800  }
0x9d: {  	[tilespmem:s24], [sflag:$0x2] =	stream.linear.gather [spmem:s11], $0x2800, $0x38;
	[tilespmem:$0x1E800] =	vst v63  }
0x9e: {  	_ =	swait.ge [sflag:s25], $0x2800  }
0x9f: {  	[sflag:s25] =	ssyncset.done $0x0  }
0xa0: {  	[sflag:s25] =	ssyncadd.s32 $0xFFFFD800  }
0xa1: {  	[hbm4b:s21+s4] =	stream.linear.scatter [tilespmem:s24], [sflag:$0x2], $0x2800, $0x38;
	[tilespmem:$0x1E800] =	vst v63  }
0xa2: {  	_ =	swait.ge [sflag:s25], $0x2800  }
0xa3: {  	[sflag:s25] =	ssyncset.done $0x0  }
0xa4: {  	[sflag:s25] =	ssyncadd.s32 $0xFFFFD800  }
0xa5: {  	[tilespmem:s24], [sflag:$0x2] =	stream.linear.gather [spmem:s12], $0x2800, $0x38;
	[tilespmem:$0x1E800] =	vst v63  }
0xa6: {  	s30 =	sadd.s32 $0x1, s30;
	_ =	swait.ge [sflag:s25], $0x2800  }
0xa7: {  	p0 =	sne.s32 s30, s23;
	[sflag:s25] =	ssyncset.done $0x0  }
.Ltmp2:
0xa8: {  	[sflag:s25] =	ssyncadd.s32 $0xFFFFD800;
	(pc) =	sbr.rel @p0 .LBB2_1-.Ltmp2, $4  }
0xa9: {  	[hbm4b:s22+s4] =	stream.linear.scatter [tilespmem:s24], [sflag:$0x2], $0x2800, $0x38;
	[tilespmem:$0x1E800] =	vst v63  }
0xaa: {  	_ =	swait.ge [sflag:s25], $0x2800  }
0xab: {  	[sflag:s25] =	ssyncset.done $0x0  }
0xac: {  	[sflag:s25] =	ssyncadd.s32 $0xFFFFD800  }
0xad: {  	_ =	sfence.sel $0x180000  }
0xae: {  	[bflag:$0x0] =	sbarrier.arrive $0xFFFF  }
0xaf: {  	_ =	strace $0x9000004D  }
0xb0: {  	s0 =	stileid.u32;
	[bflag:$0x2] =	sbarrier.arrive $0xFFFF  }
0xb1: {  	p0 =	sne.s32 s0, $0x0;
	s0 =	rddreg [dreg:$0x3]  }
0xb2: {  	s0 =	sadd.s32 @!p0 $0x100000, s0  }
0xb3: {  	[sflag:s0] =	ssyncadd.tile.s32 @!p0 $0x1;
	_ =	shalt  }
.Lfunc_end2:
_tile_overlayer_lowered:
.L_overlay_start_2:
0xb4: {  	(tag) =	ssettag $0x2  }
0xb5: {  	s0 =	rddreg [dreg:$0x0];
	s2 =	stileid.u32  }
0xb6: {  	s1 =	rddreg [dreg:$0x1];
	p0 =	sne.s32 s2, $0x0  }
0xb7: {  	s3 =	rddreg [dreg:$0x2];
	[bflag:$0x3] =	sbarrier.arrive $0xFFFF;
	s2 =	simm.s32 @!p0 $0x1C02  }
0xb8: {  	[timem:s3], [sflag:s2] =	dma.local @!p0 [hbm:s0], s1  }
0xb9: {  	s0 =	simm.s32 @!p0 $0x2  }
0xba: {  	_ =	swait.ge @!p0 [sflag:s0], s1  }
0xbb: {  	s1 =	ssub.s32 @!p0 $0x0, s1;
	[sflag:s0] =	ssyncset.done @!p0 $0x0  }
0xbc: {  	[sflag:s0] =	ssyncadd.s32 @!p0 s1  }
0xbd: {  	[bflag:$0x3] =	sbarrier.arrive $0xFFFF  }
0xbe: {  	_ =	shalt  }

// kernel: kernel.23.cloned.1.call-start
scs
__scs_entry_jumppad:
0x0: {  	(pc) =	sbr.rel $0x88, $3  }
0x1: {  	(tag) =	ssettag $0x0;
	lr =	simm.s32 $0x1  }
0x2: {  	[smem:$0x3F99] =	sst lr;
	_ =	strace $0xD0000000  }
0x3: {  	_ = 	snop  }
0x4: {  	_ = 	snop  }
0x5: {  	_ = 	snop  }
0x6: {  	_ = 	snop  }
0x7: {  	_ = 	snop  }
__scs_overlays_trampoline_lowered:
0x8: {  	[smem:$0x3FA8] =	sst s0  }
0x9: {  	[smem:$0x3FA9] =	sst s1  }
0xa: {  	[smem:$0x3FAA] =	sst s2  }
0xb: {  	[smem:$0x3FAB] =	sst s3  }
0xc: {  	[smem:$0x3FAC] =	sst s4  }
0xd: {  	[smem:$0x3FAD] =	sst s5  }
0xe: {  	[smem:$0x3FAE] =	sst s6  }
0xf: {  	[smem:$0x3FAF] =	sst s7  }
0x10: {  	[smem:$0x3FB0] =	sst s8  }
0x11: {  	[smem:$0x3FB1] =	sst s9;
	s0 =	simm.s32 @!p0 $0x0  }
0x12: {  	s1 =	sld [smem:$0x3F97];
	s0 =	simm.s32 @p0 $0x1  }
0x13: {  	[smem:$0x3FB2] =	sst s0;
	s0 =	simm.s32 @!p1 $0x0  }
0x14: {  	s2 =	sld [smem:$0x3F96];
	s0 =	simm.s32 @p1 $0x1  }
0x15: {  	[smem:$0x3FB3] =	sst s0;
	s0 =	simm.s32 @!p2 $0x0  }
0x16: {  	s3 =	sld [smem:$0x3FDB];
	s0 =	simm.s32 @p2 $0x1  }
0x17: {  	s4 =	simm.s32 $0x1BF5;
	[smem:$0x3FB5] =	sst s0  }
0x18: {  	s0 =	sld [smem:$0x3F98];
	_ =	swait.ge [sflag:s4], $0x0  }
0x19: {  	s7 =	sld [smem:$0x3F99]  }
0x1a: {  	s8 =	sadd.s32 $0xFFFFE003, lr  }
0x1b: {  	s9 =	sadd.s32 $0xFFFFFEF7, lr;
	s5 =	simm.s32 $0xFFFFFFFF;
	p2 =	slt.u32 s8, $0xFFFFF086  }
0x1c: {  	p1 =	slt.u32 s9, $0xF7A;
	s5 =	simm.s32 @!p2 $0x0  }
0x1d: {  	s5 =	simm.s32 @p1 $0x1;
	p0 =	seq.s32 s7, s2  }
0x1e: {  	s7 =	smul.u32 @!p0 $0xF7A, s2;
	p2 =	seq.s32 @!p0 s5, $0x0  }
0x1f: {  	s9 =	smul.u32 $0xF7A, s1;
	s8 =	simm.s32 @!p0 $0x1BF5;
	p2 =	por !p2, p0  }
0x20: {  	[sflag:s8] =	ssyncset.s32 @!p0 $0xFFFFF086;
	s6 =	sadd.s32 @!p0 s3, s7;
	s7 =	simm.s32 @!p0 $0x108  }
0x21: {  	s3 =	sadd.s32 s3, s9;
	s6 =	sadd.s32 @!p0 $0x88, s6;
	s7 =	simm.s32 @p2 $0x1082  }
0x22: {  	[simem:s7], [sflag:s8] =	dma.local @!p0 [hbm:s6], $0xF7A  }
0x23: {  	s9 =	sor.u32 $0xD0000000, s2;
	s6 =	simm.s32 $0x108;
	_ =	swait.ge @!p0 [sflag:s8], $0x0  }
0x24: {  	s3 =	sadd.s32 $0x88, s3;
	s6 =	simm.s32 @!p1 $0x1082;
	[sflag:s4] =	ssyncset.s32 $0xFFFFF086  }
0x25: {  	[simem:s6], [sflag:s4] =	dma.local [hbm:s3], $0xF7A  }
0x26: {  	[smem:$0x3F99] =	sst s1;
	(tag) =	ssettag s2;
	_ =	strace s9  }
0x27: {  	s1 =	sld [smem:$0x3FA9]  }
0x28: {  	s2 =	sld [smem:$0x3FAA]  }
0x29: {  	s4 =	sld [smem:$0x3FAC]  }
0x2a: {  	p0 =	seq.s32 s5, $0x0;
	s5 =	sld [smem:$0x3FAD]  }
0x2b: {  	s6 =	sld [smem:$0x3FAE]  }
0x2c: {  	s7 =	sld [smem:$0x3FAF]  }
0x2d: {  	s3 =	simm.s32 $0x108;
	s8 =	sld [smem:$0x3FB0]  }
0x2e: {  	s3 =	simm.s32 @!p0 $0x1082;
	s9 =	sld [smem:$0x3FB1]  }
0x2f: {  	lr =	sadd.s32 s0, s3;
	s0 =	sld [smem:$0x3FA8]  }
0x30: {  	s3 =	sld [smem:$0x3FAB]  }
0x31: {  	[smem:$0x3FB4] =	sst s10  }
0x32: {  	s10 =	sld [smem:$0x3FB2];
	_ =	sdelay $0x3  }
0x33: {  	p0 =	seq.s32 s10, $0x1;
	s10 =	sld [smem:$0x3FB4];
	_ =	sdelay $0x3  }
0x34: {  	[smem:$0x3FB4] =	sst s10  }
0x35: {  	s10 =	sld [smem:$0x3FB3];
	_ =	sdelay $0x3  }
0x36: {  	p1 =	seq.s32 s10, $0x1;
	s10 =	sld [smem:$0x3FB4];
	_ =	sdelay $0x3  }
0x37: {  	[smem:$0x3FB4] =	sst s10  }
0x38: {  	s10 =	sld [smem:$0x3FB5]  }
0x39: {  	_ = 	snop;
	(pc) =	sbr.ind lr, $3  }
0x3a: {  	_ = 	snop  }
0x3b: {  	_ = 	snop  }
0x3c: {  	p2 =	seq.s32 s10, $0x1;
	s10 =	sld [smem:$0x3FB4]  }
0x3d: {  	_ =	shalt  }
0x3e: {  	_ =	shalt  }
0x3f: {  	_ =	shalt  }
0x40: {  	_ =	shalt  }
0x41: {  	_ =	shalt  }
0x42: {  	_ =	shalt  }
0x43: {  	_ =	shalt  }
0x44: {  	_ =	shalt  }
0x45: {  	_ =	shalt  }
0x46: {  	_ =	shalt  }
0x47: {  	_ =	shalt  }
0x48: {  	_ =	shalt  }
0x49: {  	_ =	shalt  }
0x4a: {  	_ =	shalt  }
0x4b: {  	_ =	shalt  }
0x4c: {  	_ =	shalt  }
0x4d: {  	_ =	shalt  }
0x4e: {  	_ =	shalt  }
0x4f: {  	_ =	shalt  }
0x50: {  	_ =	shalt  }
0x51: {  	_ =	shalt  }
0x52: {  	_ =	shalt  }
0x53: {  	_ =	shalt  }
0x54: {  	_ =	shalt  }
0x55: {  	_ =	shalt  }
0x56: {  	_ =	shalt  }
0x57: {  	_ =	shalt  }
0x58: {  	_ =	shalt  }
0x59: {  	_ =	shalt  }
0x5a: {  	_ =	shalt  }
0x5b: {  	_ =	shalt  }
0x5c: {  	_ =	shalt  }
0x5d: {  	_ =	shalt  }
0x5e: {  	_ =	shalt  }
0x5f: {  	_ =	shalt  }
0x60: {  	_ =	shalt  }
0x61: {  	_ =	shalt  }
0x62: {  	_ =	shalt  }
0x63: {  	_ =	shalt  }
0x64: {  	_ =	shalt  }
0x65: {  	_ =	shalt  }
0x66: {  	_ =	shalt  }
0x67: {  	_ =	shalt  }
0x68: {  	_ =	shalt  }
0x69: {  	_ =	shalt  }
0x6a: {  	_ =	shalt  }
0x6b: {  	_ =	shalt  }
0x6c: {  	_ =	shalt  }
0x6d: {  	_ =	shalt  }
0x6e: {  	_ =	shalt  }
0x6f: {  	_ =	shalt  }
0x70: {  	_ =	shalt  }
0x71: {  	_ =	shalt  }
0x72: {  	_ =	shalt  }
0x73: {  	_ =	shalt  }
0x74: {  	_ =	shalt  }
0x75: {  	_ =	shalt  }
0x76: {  	_ =	shalt  }
0x77: {  	_ =	shalt  }
0x78: {  	_ =	shalt  }
0x79: {  	_ =	shalt  }
0x7a: {  	_ =	shalt  }
0x7b: {  	_ =	shalt  }
0x7c: {  	_ =	shalt  }
0x7d: {  	_ =	shalt  }
0x7e: {  	_ =	shalt  }
0x7f: {  	_ =	shalt  }
0x80: {  	_ =	shalt  }
0x81: {  	_ =	shalt  }
0x82: {  	_ =	shalt  }
0x83: {  	_ =	shalt  }
0x84: {  	_ =	shalt  }
0x85: {  	_ =	shalt  }
0x86: {  	_ =	shalt  }
0x87: {  	_ =	shalt  }
.Lfunc_end0:
.L_simem_size_0:
called_computation.4_lowered:
.L_overlay_start_0:
0x88: {  	s2 =	sld [smem:$0x3FD9]  }
0x89: {  	s3 =	sld [smem:$0x3FFE];
	_ =	sdelay $0x1  }
0x8a: {  	s1 =	srdreg.scid  }
0x8b: {  	s0 =	sand.u32 $0x1, s1  }
0x8c: {  	s17 =	sshll.u32 s0, $0xA;
	s2 =	sadd.s32 s3, s2  }
0x8d: {  	s2 =	sadd.s32 s2, s17  }
0x8e: {  	[smem:$0x3FC0] =	sst s2  }
0x8f: {  	_ = 	snop  }
0x90: {  	s2 =	sld [smem:$0x3FD0];
	(tm) =	ssettm $0x1  }
0x91: {  	s18 =	sld [smem:$0x3FFB];
	_ =	sdelay $0x3  }
0x92: {  	_ =	strace s18  }
0x93: {  	s3 =	sld [smem:$0x3FFC];
	_ =	sdelay $0x3  }
0x94: {  	_ =	strace s3  }
0x95: {  	s3 =	sld [smem:$0x3FFD];
	_ =	sdelay $0x3  }
0x96: {  	_ =	strace s3  }
0x97: {  	_ =	strace $0x8FFFFFFF  }
0x98: {  	s19 =	sld [smem:$0x3FDB];
	_ =	sdelay $0x1  }
0x99: {  	s4 =	simm.s32 $_scs_section_size  }
0x9a: {  	s5 =	simm.s32 $_size__tile_overlayer_lowered;
	s6 =	simm.s32 $_tile_overlayer_lowered  }
0x9b: {  	s22 =	simm.s32 $0x1BFF;
	s21 =	sshll.u32 s6, $0x1;
	s3 =	sadd.s32 s4, s19  }
0x9c: {  	s7 =	simm.s32 $0x0;
	s20 =	sshll.u32 s5, $0x1;
	s5 =	sadd.s32 s21, s3  }
0x9d: {  	[timem:s7], [sflag:s22] =	dma.local [hbm:s5], s20  }
0x9e: {  	_ =	swait.ge [sflag:s22], s20  }
0x9f: {  	s4 =	ssub.s32 $0x0, s20;
	[sflag:s22] =	ssyncset.done $0x0  }
0xa0: {  	[sflag:s22] =	ssyncadd.s32 s4;
	_ =	sdelay $0x1  }
0xa1: {  	s23 =	simm.s32 $0x1B8B  }
0xa2: {  	_ =	swait.ge [sflag:s23], $0x1  }
0xa3: {  	[sflag:s23] =	ssyncset.done $0x0  }
0xa4: {  	s25 =	simm.s32 $0x1B8E;
	s24 =	sld [smem:$0x3FFE];
	[sflag:s23] =	ssyncadd.s32 $0xFFFFFFFF  }
0xa5: {  	s26 =	simm.s32 $execute0_lowered;
	[smem:$0x3FD2] =	sst s25  }
0xa6: {  	s5 =	sshll.u32 s26, $0x1;
	_ =	strace $0x80000052;
	[dreg:$0x1] =	wrdreg $0xFFFFFFFF  }
0xa7: {  	s28 =	simm.s32 $_size_execute0_lowered;
	s3 =	sadd.s32 s3, s5;
	[dreg:$0x0] =	wrdreg $0x0  }
0xa8: {  	s5 =	sshll.u32 s28, $0x1;
	[dreg:$0x2] =	wrdreg s3  }
0xa9: {  	[dreg:$0x3] =	wrdreg s5  }
0xaa: {  	[dreg:$0x4] =	wrdreg $0xC0  }
0xab: {  	_ =	task [dreg:s7], $0x5FFFF  }
0xac: {  	[dreg:$0x1] =	wrdreg $0xFFFFFFFF  }
0xad: {  	[dreg:$0x0] =	wrdreg $0x60  }
0xae: {  	[dreg:$0x2] =	wrdreg s2  }
0xaf: {  	[dreg:$0x3] =	wrdreg s24  }
0xb0: {  	[dreg:$0x4] =	wrdreg $0xA8000  }
0xb1: {  	[dreg:$0x5] =	wrdreg $0x9  }
0xb2: {  	_ =	task.clear_ibuf [dreg:s7], $0x6FFFF;
	_ =	strace $0x90000052  }
0xb3: {  	s29 =	simm.s32 $0x9;
	_ =	strace $0x80000054  }
0xb4: {  	_ =	swait.ge [sflag:s29], $0x1  }
0xb5: {  	[sflag:s29] =	ssyncadd.s32 $0xFFFFFFFF  }
0xb6: {  	_ =	strace $0x90000054  }
0xb7: {  	_ =	sfence  }
0xb8: {  	s30 =	sld [smem:$0x0];
	_ =	sdelay $0x2  }
0xb9: {  	s31 =	sshll.u32 s1, $0xD;
	s1 =	sshrl.u32 s1, $0x2  }
0xba: {  	s3 =	sand.u32 $0x4000, s31;
	s1 =	sadd.s32 s1, s30  }
0xbb: {  	s0 =	sor.u32 s3, s0;
	s1 =	sshll.u32 s1, $0x11  }
0xbc: {  	s0 =	sor.u32 s1, s0  }
0xbd: {  	s0 =	sadd.s32 $0x8F2B, s0  }
0xbe: {  	[sflag:s0] =	ssyncadd.remote.s32 $0x1  }
0xbf: {  	_ =	sfence.sel $0xFFFF  }
0xc0: {  	[dreg:$0x0] =	wrdreg $0xFFFFFFFF;
	(pc) =	sbr.abs _section_cstart, $3  }
0xc1: {  	[dreg:$0x1] =	wrdreg $0xFFFFFFFF  }
0xc2: {  	_ =	task.clear_ibuf [dreg:s7], $0x2FFFF;
	_ =	strace $0x9FFFFFFF  }
0xc3: {  	(tm) =	ssettm $0x7FFFFFFF  }
tec
execute0_lowered:
.L_overlay_start_1:
0x0: {  	(tag) =	ssettag $0x1  }
0x1: {  	s1 =	rddreg [dreg:$0x0]  }
0x2: {  	s0 =	rddreg [dreg:$0x1]  }
0x3: {  	s2 =	rddreg [dreg:$0x2];
	s4 =	simm.s32 $0x0;
	s5 =	srdreg.scid  }
0x4: {  	s3 =	stileid.u32;
	s28 =	simm.s32 $0x50;
	s29 =	simm.s32 $0x1  }
0x5: {  	s30 =	simm.s32 $0x0;
	[smem:$0x7FF] =	sst s4;
	s7 =	smul.u32 $0x50000, s3  }
0x6: {  	s10 =	sand.u32 $0x1, s5;
	s23 =	sshll.u32 s3, $0xC;
	s14 =	smul.u32 $0x14000, s3  }
0x7: {  	_ =	strace $0x80000053;
	s6 =	sshll.u32 s10, $0xB;
	s24 =	ssub.s32 $0x2, s10  }
0x8: {  	s5 =	sor.u32 s6, s23;
	s25 =	sshrl.u32 s24, $0x1;
	s26 =	sshrl.u32 s7, $0x2  }
0x9: {  	s16 =	sor.u32 $0x2800, s14;
	s17 =	sadd.s32 $0x5000, s14;
	s18 =	sadd.s32 $0x7800, s14  }
0xa: {  	s19 =	sadd.s32 $0xA000, s14;
	s20 =	sadd.s32 $0xC800, s14;
	s21 =	sadd.s32 $0xF000, s14  }
0xb: {  	s22 =	sadd.s32 $0x11800, s14;
	s15 =	sadd.s32 s5, s0;
	s0 =	sadd.s32 $0x73200, s0  }
0xc: {  	s23 =	ssub.s32 s24, s25;
	s5 =	sadd.s32 s26, s2;
	s6 =	sadd.s32 s16, s2  }
0xd: {  	s7 =	sadd.s32 s17, s2;
	s8 =	sadd.s32 s18, s2;
	s9 =	sadd.s32 s19, s2  }
0xe: {  	s24 =	smul.u32 $0x140000, s10;
	s10 =	sadd.s32 s20, s2;
	s11 =	sadd.s32 s21, s2  }
0xf: {  	s12 =	sadd.s32 s22, s2;
	s13 =	sadd.s32 $0x63200, s15;
	s23 =	smax.u32 s23, $0x1  }
0x10: {  	s25 =	sadd.s32 s14, s24;
	s16 =	sadd.s32 s24, s16;
	s14 =	sadd.s32 $0x3200, s15  }
0x11: {  	s17 =	sadd.s32 s24, s17;
	s18 =	sadd.s32 s24, s18;
	s19 =	sadd.s32 s24, s19  }
0x12: {  	s20 =	sadd.s32 s24, s20;
	s21 =	sadd.s32 s24, s21;
	s22 =	sadd.s32 s24, s22  }
0x13: {  	s24 =	simm.s32 $0x8000;
	s31 =	sshrl.u32 s25, $0x3;
	s16 =	sshrl.u32 s16, $0x3  }
0x14: {  	s17 =	sshrl.u32 s17, $0x3;
	s18 =	sshrl.u32 s18, $0x3;
	s19 =	sshrl.u32 s19, $0x3  }
0x15: {  	s20 =	sshrl.u32 s20, $0x3;
	s21 =	sshrl.u32 s21, $0x3;
	s22 =	sshrl.u32 s22, $0x3  }
0x16: {  	s25 =	simm.s32 $0x2;
	s15 =	sadd.s32 s0, s31;
	s16 =	sadd.s32 s0, s16  }
0x17: {  	s17 =	sadd.s32 s0, s17;
	s18 =	sadd.s32 s0, s18;
	s19 =	sadd.s32 s0, s19  }
0x18: {  	v0 =	vimm.f32 $0.0e+00;
	s20 =	sadd.s32 s0, s20;
	s21 =	sadd.s32 s0, s21;
	s22 =	sadd.s32 s0, s22  }
.LBB2_1:
0x19: {  	s31 =	simm.s32 $0x0;
	s0 =	simm.s32 $0x200  }
.LBB2_2:
0x1a: {  	p0 =	sne.s32 s0, $0x9E00;
	[tilespmem:s31+$0x8070] =	vst v0  }
0x1b: {  	[tilespmem:s31+$0x8000] =	vst v0  }
0x1c: {  	[tilespmem:s31+$0x8010] =	vst v0  }
.Ltmp0:
0x1d: {  	[tilespmem:s31+$0x8020] =	vst v0;
	(pc) =	sbr.rel @p0 .LBB2_2-.Ltmp0, $4  }
0x1e: {  	[tilespmem:s31+$0x8030] =	vst v0  }
0x1f: {  	[tilespmem:s31+$0x8040] =	vst v0  }
0x20: {  	[tilespmem:s31+$0x8050] =	vst v0  }
0x21: {  	[tilespmem:s31+$0x8060] =	vst v0;
	s31 =	sshra.s32 s0, $0x2;
	s0 =	sadd.s32 $0x200, s0  }
0x22: {  	[tilespmem:s31+$0x8070] =	vst v0  }
0x23: {  	[tilespmem:s31+$0x8000] =	vst v0  }
0x24: {  	[tilespmem:s31+$0x8010] =	vst v0  }
0x25: {  	[tilespmem:s31+$0x8020] =	vst v0  }
0x26: {  	[tilespmem:s31+$0x8030] =	vst v0  }
0x27: {  	[tilespmem:s31+$0x8040] =	vst v0  }
0x28: {  	[tilespmem:s31+$0x8050] =	vst v0  }
0x29: {  	[tilespmem:s31+$0x8060] =	vst v0  }
0x2a: {  	[spmem:s5] =	stream.linear.scatter [tilespmem:s24], [sflag:$0x2], $0x2800, $0x38;
	[tilespmem:$0x1E800] =	vst v63  }
0x2b: {  	_ =	swait.ge [sflag:s25], $0x2800  }
0x2c: {  	[sflag:s25] =	ssyncset.done $0x0  }
0x2d: {  	[sflag:s25] =	ssyncadd.s32 $0xFFFFD800  }
0x2e: {  	[spmem:s6] =	stream.linear.scatter [tilespmem:s24], [sflag:$0x2], $0x2800, $0x38;
	[tilespmem:$0x1E800] =	vst v63  }
0x2f: {  	_ =	swait.ge [sflag:s25], $0x2800  }
0x30: {  	[sflag:s25] =	ssyncset.done $0x0  }
0x31: {  	[sflag:s25] =	ssyncadd.s32 $0xFFFFD800  }
0x32: {  	[spmem:s7] =	stream.linear.scatter [tilespmem:s24], [sflag:$0x2], $0x2800, $0x38;
	[tilespmem:$0x1E800] =	vst v63  }
0x33: {  	_ =	swait.ge [sflag:s25], $0x2800  }
0x34: {  	[sflag:s25] =	ssyncset.done $0x0  }
0x35: {  	[sflag:s25] =	ssyncadd.s32 $0xFFFFD800  }
0x36: {  	[spmem:s8] =	stream.linear.scatter [tilespmem:s24], [sflag:$0x2], $0x2800, $0x38;
	[tilespmem:$0x1E800] =	vst v63  }
0x37: {  	_ =	swait.ge [sflag:s25], $0x2800  }
0x38: {  	[sflag:s25] =	ssyncset.done $0x0  }
0x39: {  	[sflag:s25] =	ssyncadd.s32 $0xFFFFD800  }
0x3a: {  	[spmem:s9] =	stream.linear.scatter [tilespmem:s24], [sflag:$0x2], $0x2800, $0x38;
	[tilespmem:$0x1E800] =	vst v63  }
0x3b: {  	_ =	swait.ge [sflag:s25], $0x2800  }
0x3c: {  	[sflag:s25] =	ssyncset.done $0x0  }
0x3d: {  	[sflag:s25] =	ssyncadd.s32 $0xFFFFD800  }
0x3e: {  	[spmem:s10] =	stream.linear.scatter [tilespmem:s24], [sflag:$0x2], $0x2800, $0x38;
	[tilespmem:$0x1E800] =	vst v63  }
0x3f: {  	_ =	swait.ge [sflag:s25], $0x2800  }
0x40: {  	[sflag:s25] =	ssyncset.done $0x0  }
0x41: {  	[sflag:s25] =	ssyncadd.s32 $0xFFFFD800  }
0x42: {  	[spmem:s11] =	stream.linear.scatter [tilespmem:s24], [sflag:$0x2], $0x2800, $0x38;
	[tilespmem:$0x1E800] =	vst v63  }
0x43: {  	_ =	swait.ge [sflag:s25], $0x2800  }
0x44: {  	[sflag:s25] =	ssyncset.done $0x0  }
0x45: {  	[sflag:s25] =	ssyncadd.s32 $0xFFFFD800  }
0x46: {  	[spmem:s12] =	stream.linear.scatter [tilespmem:s24], [sflag:$0x2], $0x2800, $0x38;
	[tilespmem:$0x1E800] =	vst v63  }
0x47: {  	_ =	swait.ge [sflag:s25], $0x2800  }
0x48: {  	[sflag:s25] =	ssyncset.done $0x0  }
0x49: {  	[sflag:s25] =	ssyncadd.s32 $0xFFFFD800  }
0x4a: {  	s0 =	simm.s32 $0x0;
	[bflag:$0x0] =	sbarrier.arrive $0xFFFF  }
0x4b: {  	[tilespmem:s0], [sflag:$0x2] =	stream.linear.gather [hbm4b:s13+s0], $0x3E80, $0x38;
	[tilespmem:$0x1E800] =	vst v63  }
0x4c: {  	_ =	swait.ge [sflag:s25], $0x3E80  }
0x4d: {  	[sflag:s25] =	ssyncset.done $0x0  }
0x4e: {  	s3 =	simm.s32 $0x4000;
	[sflag:s25] =	ssyncadd.s32 $0xFFFFC180  }
0x4f: {  	[tilespmem:s3], [sflag:$0x2] =	stream.linear.gather [hbm4b:s14+s0], $0x3E80, $0x38;
	[tilespmem:$0x1E800] =	vst v63  }
0x50: {  	_ =	swait.ge [sflag:s25], $0x3E80  }
0x51: {  	[sflag:s25] =	ssyncset.done $0x0  }
0x52: {  	s3 =	simm.s32 $0x0;
	[sflag:s25] =	ssyncadd.s32 $0xFFFFC180  }
0x53: {  	[tilespmem:s24], [sflag:$0x1] =	stream.indirect.gather [hbm4b:s1+s28], $0x80, s3, s28, $0xb8;
	[tilespmem:$0x1E800] =	vst v63  }
0x54: {  	_ =	swait.ge [sflag:s29], $0x2800  }
0x55: {  	[sflag:s29] =	ssyncset.done $0x0  }
0x56: {  	s26 =	simm.s32 $0x4000;
	[sflag:s29] =	ssyncadd.s32 $0xFFFFD800  }
0x57: {  	[spmem:s2] =	stream.indirect.scatter.add.f32 [tilespmem:s24], [sflag:$0x2], $0x80, s26, s28, $0xb8;
	[tilespmem:$0x1E800] =	vst v63  }
0x58: {  	_ =	swait.ge [sflag:s25], $0x2800  }
0x59: {  	s31 =	simm.s32 $0x200;
	s0 =	simm.s32 $0x400;
	[sflag:s25] =	ssyncset.done $0x0  }
.LBB2_4:
0x5a: {  	s3 =	sshra.s32 s31, $0x2  }
0x5b: {  	[sflag:s25] =	ssyncadd.s32 $0xFFFFD800;
	s31 =	smov.u32 s0;
	s26 =	sadd.s32 $0x200, s0  }
0x5c: {  	[tilespmem:s24], [sflag:$0x1] =	stream.indirect.gather [hbm4b:s1+s28], $0x80, s3, s28, $0xb8;
	[tilespmem:$0x1E800] =	vst v63  }
0x5d: {  	p0 =	sne.s32 s0, $0xF800;
	_ =	swait.ge [sflag:s29], $0x2800  }
.Ltmp1:
0x5e: {  	[sflag:s29] =	ssyncset.done $0x0;
	(pc) =	sbr.rel @p0 .LBB2_4-.Ltmp1, $4  }
0x5f: {  	s0 =	sadd.s32 $0x4000, s3;
	[sflag:s29] =	ssyncadd.s32 $0xFFFFD800  }
0x60: {  	[spmem:s2] =	stream.indirect.scatter.add.f32 [tilespmem:s24], [sflag:$0x2], $0x80, s0, s28, $0xb8;
	[tilespmem:$0x1E800] =	vst v63  }
0x61: {  	_ =	swait.ge [sflag:s25], $0x2800  }
0x62: {  	s0 =	smov.u32 s26;
	[sflag:s25] =	ssyncset.done $0x0  }
0x63: {  	s0 =	sshra.s32 s31, $0x2;
	[sflag:s25] =	ssyncadd.s32 $0xFFFFD800  }
0x64: {  	[tilespmem:s24], [sflag:$0x1] =	stream.indirect.gather [hbm4b:s1+s28], $0x80, s0, s28, $0xb8;
	[tilespmem:$0x1E800] =	vst v63  }
0x65: {  	_ =	swait.ge [sflag:s29], $0x2800  }
0x66: {  	[sflag:s29] =	ssyncset.done $0x0  }
0x67: {  	s0 =	sadd.s32 $0x4000, s0;
	[sflag:s29] =	ssyncadd.s32 $0xFFFFD800  }
0x68: {  	[spmem:s2] =	stream.indirect.scatter.add.f32 [tilespmem:s24], [sflag:$0x2], $0x80, s0, s28, $0xb8;
	[tilespmem:$0x1E800] =	vst v63  }
0x69: {  	_ =	swait.ge [sflag:s25], $0x2800  }
0x6a: {  	[sflag:s25] =	ssyncset.done $0x0  }
0x6b: {  	[sflag:s25] =	ssyncadd.s32 $0xFFFFD800  }
0x6c: {  	[bflag:$0x0] =	sbarrier.arrive $0xFFFF  }
0x6d: {  	[tilespmem:s24], [sflag:$0x2] =	stream.linear.gather [spmem:s5], $0x2800, $0x38;
	[tilespmem:$0x1E800] =	vst v63  }
0x6e: {  	_ =	swait.ge [sflag:s25], $0x2800  }
0x6f: {  	[sflag:s25] =	ssyncset.done $0x0  }
0x70: {  	[sflag:s25] =	ssyncadd.s32 $0xFFFFD800  }
0x71: {  	[hbm4b:s15+s4] =	stream.linear.scatter [tilespmem:s24], [sflag:$0x2], $0x2800, $0x38;
	[tilespmem:$0x1E800] =	vst v63  }
0x72: {  	_ =	swait.ge [sflag:s25], $0x2800  }
0x73: {  	[sflag:s25] =	ssyncset.done $0x0  }
0x74: {  	[sflag:s25] =	ssyncadd.s32 $0xFFFFD800  }
0x75: {  	[tilespmem:s24], [sflag:$0x2] =	stream.linear.gather [spmem:s6], $0x2800, $0x38;
	[tilespmem:$0x1E800] =	vst v63  }
0x76: {  	_ =	swait.ge [sflag:s25], $0x2800  }
0x77: {  	[sflag:s25] =	ssyncset.done $0x0  }
0x78: {  	[sflag:s25] =	ssyncadd.s32 $0xFFFFD800  }
0x79: {  	[hbm4b:s16+s4] =	stream.linear.scatter [tilespmem:s24], [sflag:$0x2], $0x2800, $0x38;
	[tilespmem:$0x1E800] =	vst v63  }
0x7a: {  	_ =	swait.ge [sflag:s25], $0x2800  }
0x7b: {  	[sflag:s25] =	ssyncset.done $0x0  }
0x7c: {  	[sflag:s25] =	ssyncadd.s32 $0xFFFFD800  }
0x7d: {  	[tilespmem:s24], [sflag:$0x2] =	stream.linear.gather [spmem:s7], $0x2800, $0x38;
	[tilespmem:$0x1E800] =	vst v63  }
0x7e: {  	_ =	swait.ge [sflag:s25], $0x2800  }
0x7f: {  	[sflag:s25] =	ssyncset.done $0x0  }
0x80: {  	[sflag:s25] =	ssyncadd.s32 $0xFFFFD800  }
0x81: {  	[hbm4b:s17+s4] =	stream.linear.scatter [tilespmem:s24], [sflag:$0x2], $0x2800, $0x38;
	[tilespmem:$0x1E800] =	vst v63  }
0x82: {  	_ =	swait.ge [sflag:s25], $0x2800  }
0x83: {  	[sflag:s25] =	ssyncset.done $0x0  }
0x84: {  	[sflag:s25] =	ssyncadd.s32 $0xFFFFD800  }
0x85: {  	[tilespmem:s24], [sflag:$0x2] =	stream.linear.gather [spmem:s8], $0x2800, $0x38;
	[tilespmem:$0x1E800] =	vst v63  }
0x86: {  	_ =	swait.ge [sflag:s25], $0x2800  }
0x87: {  	[sflag:s25] =	ssyncset.done $0x0  }
0x88: {  	[sflag:s25] =	ssyncadd.s32 $0xFFFFD800  }
0x89: {  	[hbm4b:s18+s4] =	stream.linear.scatter [tilespmem:s24], [sflag:$0x2], $0x2800, $0x38;
	[tilespmem:$0x1E800] =	vst v63  }
0x8a: {  	_ =	swait.ge [sflag:s25], $0x2800  }
0x8b: {  	[sflag:s25] =	ssyncset.done $0x0  }
0x8c: {  	[sflag:s25] =	ssyncadd.s32 $0xFFFFD800  }
0x8d: {  	[tilespmem:s24], [sflag:$0x2] =	stream.linear.gather [spmem:s9], $0x2800, $0x38;
	[tilespmem:$0x1E800] =	vst v63  }
0x8e: {  	_ =	swait.ge [sflag:s25], $0x2800  }
0x8f: {  	[sflag:s25] =	ssyncset.done $0x0  }
0x90: {  	[sflag:s25] =	ssyncadd.s32 $0xFFFFD800  }
0x91: {  	[hbm4b:s19+s4] =	stream.linear.scatter [tilespmem:s24], [sflag:$0x2], $0x2800, $0x38;
	[tilespmem:$0x1E800] =	vst v63  }
0x92: {  	_ =	swait.ge [sflag:s25], $0x2800  }
0x93: {  	[sflag:s25] =	ssyncset.done $0x0  }
0x94: {  	[sflag:s25] =	ssyncadd.s32 $0xFFFFD800  }
0x95: {  	[tilespmem:s24], [sflag:$0x2] =	stream.linear.gather [spmem:s10], $0x2800, $0x38;
	[tilespmem:$0x1E800] =	vst v63  }
0x96: {  	_ =	swait.ge [sflag:s25], $0x2800  }
0x97: {  	[sflag:s25] =	ssyncset.done $0x0  }
0x98: {  	[sflag:s25] =	ssyncadd.s32 $0xFFFFD800  }
0x99: {  	[hbm4b:s20+s4] =	stream.linear.scatter [tilespmem:s24], [sflag:$0x2], $0x2800, $0x38;
	[tilespmem:$0x1E800] =	vst v63  }
0x9a: {  	_ =	swait.ge [sflag:s25], $0x2800  }
0x9b: {  	[sflag:s25] =	ssyncset.done $0x0  }
0x9c: {  	[sflag:s25] =	ssyncadd.s32 $0xFFFFD800  }
0x9d: {  	[tilespmem:s24], [sflag:$0x2] =	stream.linear.gather [spmem:s11], $0x2800, $0x38;
	[tilespmem:$0x1E800] =	vst v63  }
0x9e: {  	_ =	swait.ge [sflag:s25], $0x2800  }
0x9f: {  	[sflag:s25] =	ssyncset.done $0x0  }
0xa0: {  	[sflag:s25] =	ssyncadd.s32 $0xFFFFD800  }
0xa1: {  	[hbm4b:s21+s4] =	stream.linear.scatter [tilespmem:s24], [sflag:$0x2], $0x2800, $0x38;
	[tilespmem:$0x1E800] =	vst v63  }
0xa2: {  	_ =	swait.ge [sflag:s25], $0x2800  }
0xa3: {  	[sflag:s25] =	ssyncset.done $0x0  }
0xa4: {  	[sflag:s25] =	ssyncadd.s32 $0xFFFFD800  }
0xa5: {  	[tilespmem:s24], [sflag:$0x2] =	stream.linear.gather [spmem:s12], $0x2800, $0x38;
	[tilespmem:$0x1E800] =	vst v63  }
0xa6: {  	s30 =	sadd.s32 $0x1, s30;
	_ =	swait.ge [sflag:s25], $0x2800  }
0xa7: {  	p0 =	sne.s32 s30, s23;
	[sflag:s25] =	ssyncset.done $0x0  }
.Ltmp2:
0xa8: {  	[sflag:s25] =	ssyncadd.s32 $0xFFFFD800;
	(pc) =	sbr.rel @p0 .LBB2_1-.Ltmp2, $4  }
0xa9: {  	[hbm4b:s22+s4] =	stream.linear.scatter [tilespmem:s24], [sflag:$0x2], $0x2800, $0x38;
	[tilespmem:$0x1E800] =	vst v63  }
0xaa: {  	_ =	swait.ge [sflag:s25], $0x2800  }
0xab: {  	[sflag:s25] =	ssyncset.done $0x0  }
0xac: {  	[sflag:s25] =	ssyncadd.s32 $0xFFFFD800  }
0xad: {  	_ =	sfence.sel $0x180000  }
0xae: {  	[bflag:$0x0] =	sbarrier.arrive $0xFFFF  }
0xaf: {  	_ =	strace $0x90000053  }
0xb0: {  	s0 =	stileid.u32;
	[bflag:$0x2] =	sbarrier.arrive $0xFFFF  }
0xb1: {  	p0 =	sne.s32 s0, $0x0;
	s0 =	rddreg [dreg:$0x3]  }
0xb2: {  	s0 =	sadd.s32 @!p0 $0x100000, s0  }
0xb3: {  	[sflag:s0] =	ssyncadd.tile.s32 @!p0 $0x1;
	_ =	shalt  }
.Lfunc_end2:
_tile_overlayer_lowered:
.L_overlay_start_2:
0xb4: {  	(tag) =	ssettag $0x2  }
0xb5: {  	s0 =	rddreg [dreg:$0x0];
	s2 =	stileid.u32  }
0xb6: {  	s1 =	rddreg [dreg:$0x1];
	p0 =	sne.s32 s2, $0x0  }
0xb7: {  	s3 =	rddreg [dreg:$0x2];
	[bflag:$0x3] =	sbarrier.arrive $0xFFFF;
	s2 =	simm.s32 @!p0 $0x1C02  }
0xb8: {  	[timem:s3], [sflag:s2] =	dma.local @!p0 [hbm:s0], s1  }
0xb9: {  	s0 =	simm.s32 @!p0 $0x2  }
0xba: {  	_ =	swait.ge @!p0 [sflag:s0], s1  }
0xbb: {  	s1 =	ssub.s32 @!p0 $0x0, s1;
	[sflag:s0] =	ssyncset.done @!p0 $0x0  }
0xbc: {  	[sflag:s0] =	ssyncadd.s32 @!p0 s1  }
0xbd: {  	[bflag:$0x3] =	sbarrier.arrive $0xFFFF  }
0xbe: {  	_ =	shalt  }

</sc_bundles>
